<compile_context>
chip_gen: v7x
topology: tpu7x:2x2x1
jax: 0.10.2.dev20260603
libtpu: 0.0.44.dev20260713+nightly
codegen_flags: <defaults>
</compile_context>

<pallas_src>
import functools

import jax
import jax.numpy as jnp
from jax import lax
from jax.experimental import pallas as pl
from jax.experimental.pallas import tpu as pltpu
from jax.experimental.pallas import tpu_sc as plsc

_NC = 2
_NS = 16
_LANES = 16
_TILE = 128
_NBUF = 4


def kernel(x, token_table, pos_table):
    B, S = x.shape
    V, D = token_table.shape
    NW = _NC * _NS
    per_w = (B * S) // NW
    n_tiles = per_w // _TILE

    x_flat = x.reshape(B * S).astype(jnp.int32)

    mesh = plsc.VectorSubcoreMesh(core_axis_name="c", subcore_axis_name="s")

    @functools.partial(
        pl.kernel,
        mesh=mesh,
        compiler_params=pltpu.CompilerParams(use_tc_tiling_on_sc=False),
        out_type=jax.ShapeDtypeStruct((B * S, D), jnp.float32),
        scratch_types=(
            [pltpu.VMEM((per_w,), jnp.int32)]
            + [pltpu.VMEM((_TILE, D), jnp.float32)] * _NBUF
            + [pltpu.VMEM((2 * S, D), jnp.float32)]
            + [pltpu.SemaphoreType.DMA] * (2 * _NBUF)
        ),
    )
    def emb_kernel(x_hbm, tok_hbm, pos_hbm, out_hbm, idx_v, *rest):
        rows = rest[:_NBUF]
        pos2x = rest[_NBUF]
        g_sems = rest[_NBUF + 1:2 * _NBUF + 1]
        o_sems = rest[2 * _NBUF + 1:]

        wid = lax.axis_index("s") * _NC + lax.axis_index("c")
        base = wid * per_w

        pltpu.sync_copy(x_hbm.at[pl.ds(base, per_w)], idx_v)
        pltpu.sync_copy(pos_hbm.at[pl.ds(0, S)], pos2x.at[pl.ds(0, S)])
        pltpu.sync_copy(pos_hbm.at[pl.ds(0, S)], pos2x.at[pl.ds(S, S)])

        def gather_tile(t, b):
            pltpu.async_copy(
                tok_hbm.at[idx_v.at[pl.ds(t * _TILE, _TILE)]],
                rows[b], g_sems[b])

        for b in range(_NBUF - 1):
            gather_tile(b, b)

        def outer(i0, carry):
            for b in range(_NBUF):
                t = i0 * _NBUF + b
                b3 = (b + _NBUF - 1) % _NBUF

                pltpu.make_async_copy(
                    out_hbm.at[pl.ds(0, _TILE)], rows[b], g_sems[b]).wait()

                s0 = lax.rem(t * _TILE, S)

                def add_body(j, c, _b=b, _s0=s0):
                    for cc in range(D // _LANES):
                        sl = pl.ds(cc * _LANES, _LANES)
                        plsc.addupdate(rows[_b].at[j, sl], pos2x[_s0 + j, sl])
                    return c

                lax.fori_loop(0, _TILE, add_body, 0, unroll=16)

                def drain_prev(_b3=b3):
                    pltpu.make_async_copy(
                        rows[_b3], out_hbm.at[pl.ds(0, _TILE)],
                        o_sems[_b3]).wait()

                def issue_next(_t=t, _b3=b3):
                    gather_tile(_t + _NBUF - 1, _b3)

                if b == 0:
                    pl.when(i0 >= 1)(drain_prev)
                    issue_next()
                else:
                    drain_prev()
                    last_issue_i0 = (n_tiles - _NBUF - b) // _NBUF
                    pl.when(i0 <= last_issue_i0)(issue_next)

                pltpu.async_copy(
                    rows[b], out_hbm.at[pl.ds(base + t * _TILE, _TILE)],
                    o_sems[b])
            return carry

        lax.fori_loop(0, n_tiles // _NBUF, outer, 0)

        pltpu.make_async_copy(
            rows[_NBUF - 1], out_hbm.at[pl.ds(0, _TILE)],
            o_sems[_NBUF - 1]).wait()

    out = emb_kernel(x_flat, token_table, pos_table)
    return out.reshape(B, S, D)

# --- scband reference (transcript-rebuilt; emitter-appended) ---
"""Pipeline reference for scband-token-and-position-embedding-15324443312850 (READ-ONLY COPY).

The authoritative reference and input builder live on the scoring server;
editing this copy changes nothing except your own understanding.
"""

import jax, jax.numpy as jnp
import numpy as np

VOCAB = 1000000
MAXLEN = 200
EMBED_DIM = 64
BATCH = 4096
SEQ = 200

def setup_inputs(seed: int = 0) -> dict:
    key = jax.random.key(seed)
    k1, k2, k3 = jax.random.split(key, 3)
    x = jax.random.randint(k1, (BATCH, SEQ), 0, VOCAB, dtype=jnp.int64 if jax.config.jax_enable_x64 else jnp.int32)
    token_table = jax.random.normal(k2, (VOCAB, EMBED_DIM), dtype=jnp.float32) * 0.05
    pos_table = jax.random.normal(k3, (MAXLEN, EMBED_DIM), dtype=jnp.float32) * 0.05
    return {"x": x, "token_table": token_table, "pos_table": pos_table}

def reference(x, token_table, pos_table):
    # maxlen = tf.shape(x)[-1]; positions = range(maxlen); pos_emb(positions)
    seq_len = x.shape[-1]
    positions = jnp.arange(seq_len)
    pos = jnp.take(pos_table, positions, axis=0)            # [seq, d]
    tok = jnp.take(token_table, x, axis=0)                   # [B, seq, d]
    return tok + pos[None, :, :]

if __name__ == "__main__":
    import jax
    _d = setup_inputs()
    print(jax.jit(kernel)(*tuple(_d.values())))

</pallas_src>

<mosaic_0001>
#map = affine_map<(d0, d1) -> (0)>
#map1 = affine_map<(d0, d1) -> (0, 0)>
module attributes {stable_mosaic.version = 14 : i64} {
  func.func @emb_kernel(%arg0: i32, %arg1: i32, %arg2: memref<819200xi32, #tpu.memory_space<hbm>>, %arg3: memref<1000000x64xf32, #tpu.memory_space<hbm>>, %arg4: memref<200x64xf32, #tpu.memory_space<hbm>>, %arg5: memref<819200x64xf32, #tpu.memory_space<hbm>>, %arg6: memref<25600xi32, #tpu.memory_space<vmem>>, %arg7: memref<128x64xf32, #tpu.memory_space<vmem>>, %arg8: memref<128x64xf32, #tpu.memory_space<vmem>>, %arg9: memref<128x64xf32, #tpu.memory_space<vmem>>, %arg10: memref<128x64xf32, #tpu.memory_space<vmem>>, %arg11: memref<400x64xf32, #tpu.memory_space<vmem>>, %arg12: memref<!tpu.dma_semaphore, #tpu.memory_space<semaphore_mem>>, %arg13: memref<!tpu.dma_semaphore, #tpu.memory_space<semaphore_mem>>, %arg14: memref<!tpu.dma_semaphore, #tpu.memory_space<semaphore_mem>>, %arg15: memref<!tpu.dma_semaphore, #tpu.memory_space<semaphore_mem>>, %arg16: memref<!tpu.dma_semaphore, #tpu.memory_space<semaphore_mem>>, %arg17: memref<!tpu.dma_semaphore, #tpu.memory_space<semaphore_mem>>, %arg18: memref<!tpu.dma_semaphore, #tpu.memory_space<semaphore_mem>>, %arg19: memref<!tpu.dma_semaphore, #tpu.memory_space<semaphore_mem>>) attributes {dimension_semantics = [#tpu.dimension_semantics<core_parallel>, #tpu.dimension_semantics<subcore_parallel>], iteration_bounds = array<i64: 2, 16>, scalar_prefetch = 0 : i64, scratch_operands = 14 : i64, tpu.core_type = #tpu.core_type<sc_vector_subcore>, window_params = [{transform_indices = #map}, {transform_indices = #map1}, {transform_indices = #map1}, {transform_indices = #map1}]} {
    %mul3A = arith.constant 2 : i32
    %mul3A_0 = arith.muli %arg1, %mul3A : i32
    %add3A = arith.addi %mul3A_0, %arg0 : i32
    %mul3A_1 = arith.constant 25600 : i32
    %mul3A_2 = arith.muli %add3A, %mul3A_1 : i32
    "tpu.region"() ({
      %run_scoped3A = tpu.sem_alloc : memref<!tpu.dma_semaphore, #tpu.memory_space<semaphore_mem>>
      %dma_start3A_27 = tpu.memref_slice %arg2[%mul3A_2] : memref<819200xi32, #tpu.memory_space<hbm>> -> memref<25600xi32, #tpu.memory_space<hbm>>
      %dma_start3A_28 = tpu.memref_slice %arg2[%mul3A_2] : memref<819200xi32, #tpu.memory_space<hbm>> -> memref<25600xi32, #tpu.memory_space<hbm>>
      tpu.enqueue_dma source(%dma_start3A_28 : memref<25600xi32, #tpu.memory_space<hbm>>) target(%arg6 : memref<25600xi32, #tpu.memory_space<vmem>>) target_semaphore(%run_scoped3A : memref<!tpu.dma_semaphore, #tpu.memory_space<semaphore_mem>>)
      %dma_wait3A_29 = tpu.memref_slice %arg2[%mul3A_2] : memref<819200xi32, #tpu.memory_space<hbm>> -> memref<25600xi32, #tpu.memory_space<hbm>>
      %dma_wait3A_30 = tpu.memref_slice %arg2[%mul3A_2] : memref<819200xi32, #tpu.memory_space<hbm>> -> memref<25600xi32, #tpu.memory_space<hbm>>
      tpu.wait_dma2 semaphore(%run_scoped3A : memref<!tpu.dma_semaphore, #tpu.memory_space<semaphore_mem>>) src(%dma_wait3A_30 : memref<25600xi32, #tpu.memory_space<hbm>>) dst(%arg6 : memref<25600xi32, #tpu.memory_space<vmem>>)
      tpu.yield
    }) : () -> ()
    "tpu.region"() ({
      %run_scoped3A = tpu.sem_alloc : memref<!tpu.dma_semaphore, #tpu.memory_space<semaphore_mem>>
      %dma_start3A_27 = arith.constant 0 : i32
      %dma_start3A_28 = arith.constant 0 : i32
      %dma_start3A_29 = tpu.memref_slice %arg11[%dma_start3A_27, %dma_start3A_28] : memref<400x64xf32, #tpu.memory_space<vmem>> -> memref<200x64xf32, #tpu.memory_space<vmem>>
      %dma_start3A_30 = arith.constant 0 : i32
      %dma_start3A_31 = arith.constant 0 : i32
      %dma_start3A_32 = tpu.memref_slice %arg4[%dma_start3A_30, %dma_start3A_31] : memref<200x64xf32, #tpu.memory_space<hbm>> -> memref<200x64xf32, #tpu.memory_space<hbm>>
      %dma_start3A_33 = arith.constant 0 : i32
      %dma_start3A_34 = arith.constant 0 : i32
      %dma_start3A_35 = tpu.memref_slice %arg11[%dma_start3A_33, %dma_start3A_34] : memref<400x64xf32, #tpu.memory_space<vmem>> -> memref<200x64xf32, #tpu.memory_space<vmem>>
      %dma_start3A_36 = arith.constant 0 : i32
      %dma_start3A_37 = arith.constant 0 : i32
      %dma_start3A_38 = tpu.memref_slice %arg4[%dma_start3A_36, %dma_start3A_37] : memref<200x64xf32, #tpu.memory_space<hbm>> -> memref<200x64xf32, #tpu.memory_space<hbm>>
      tpu.enqueue_dma source(%dma_start3A_38 : memref<200x64xf32, #tpu.memory_space<hbm>>) target(%dma_start3A_35 : memref<200x64xf32, #tpu.memory_space<vmem>>) target_semaphore(%run_scoped3A : memref<!tpu.dma_semaphore, #tpu.memory_space<semaphore_mem>>)
      %dma_wait3A_39 = arith.constant 0 : i32
      %dma_wait3A_40 = arith.constant 0 : i32
      %dma_wait3A_41 = tpu.memref_slice %arg11[%dma_wait3A_39, %dma_wait3A_40] : memref<400x64xf32, #tpu.memory_space<vmem>> -> memref<200x64xf32, #tpu.memory_space<vmem>>
      %dma_wait3A_42 = arith.constant 0 : i32
      %dma_wait3A_43 = arith.constant 0 : i32
      %dma_wait3A_44 = tpu.memref_slice %arg4[%dma_wait3A_42, %dma_wait3A_43] : memref<200x64xf32, #tpu.memory_space<hbm>> -> memref<200x64xf32, #tpu.memory_space<hbm>>
      %dma_wait3A_45 = arith.constant 0 : i32
      %dma_wait3A_46 = arith.constant 0 : i32
      %dma_wait3A_47 = tpu.memref_slice %arg11[%dma_wait3A_45, %dma_wait3A_46] : memref<400x64xf32, #tpu.memory_space<vmem>> -> memref<200x64xf32, #tpu.memory_space<vmem>>
      %dma_wait3A_48 = arith.constant 0 : i32
      %dma_wait3A_49 = arith.constant 0 : i32
      %dma_wait3A_50 = tpu.memref_slice %arg4[%dma_wait3A_48, %dma_wait3A_49] : memref<200x64xf32, #tpu.memory_space<hbm>> -> memref<200x64xf32, #tpu.memory_space<hbm>>
      tpu.wait_dma2 semaphore(%run_scoped3A : memref<!tpu.dma_semaphore, #tpu.memory_space<semaphore_mem>>) src(%dma_wait3A_50 : memref<200x64xf32, #tpu.memory_space<hbm>>) dst(%dma_wait3A_47 : memref<200x64xf32, #tpu.memory_space<vmem>>)
      tpu.yield
    }) : () -> ()
    "tpu.region"() ({
      %run_scoped3A = tpu.sem_alloc : memref<!tpu.dma_semaphore, #tpu.memory_space<semaphore_mem>>
      %dma_start3A_27 = arith.constant 200 : i32
      %dma_start3A_28 = arith.constant 0 : i32
      %dma_start3A_29 = tpu.memref_slice %arg11[%dma_start3A_27, %dma_start3A_28] : memref<400x64xf32, #tpu.memory_space<vmem>> -> memref<200x64xf32, #tpu.memory_space<vmem>>
      %dma_start3A_30 = arith.constant 0 : i32
      %dma_start3A_31 = arith.constant 0 : i32
      %dma_start3A_32 = tpu.memref_slice %arg4[%dma_start3A_30, %dma_start3A_31] : memref<200x64xf32, #tpu.memory_space<hbm>> -> memref<200x64xf32, #tpu.memory_space<hbm>>
      %dma_start3A_33 = arith.constant 200 : i32
      %dma_start3A_34 = arith.constant 0 : i32
      %dma_start3A_35 = tpu.memref_slice %arg11[%dma_start3A_33, %dma_start3A_34] : memref<400x64xf32, #tpu.memory_space<vmem>> -> memref<200x64xf32, #tpu.memory_space<vmem>>
      %dma_start3A_36 = arith.constant 0 : i32
      %dma_start3A_37 = arith.constant 0 : i32
      %dma_start3A_38 = tpu.memref_slice %arg4[%dma_start3A_36, %dma_start3A_37] : memref<200x64xf32, #tpu.memory_space<hbm>> -> memref<200x64xf32, #tpu.memory_space<hbm>>
      tpu.enqueue_dma source(%dma_start3A_38 : memref<200x64xf32, #tpu.memory_space<hbm>>) target(%dma_start3A_35 : memref<200x64xf32, #tpu.memory_space<vmem>>) target_semaphore(%run_scoped3A : memref<!tpu.dma_semaphore, #tpu.memory_space<semaphore_mem>>)
      %dma_wait3A_39 = arith.constant 200 : i32
      %dma_wait3A_40 = arith.constant 0 : i32
      %dma_wait3A_41 = tpu.memref_slice %arg11[%dma_wait3A_39, %dma_wait3A_40] : memref<400x64xf32, #tpu.memory_space<vmem>> -> memref<200x64xf32, #tpu.memory_space<vmem>>
      %dma_wait3A_42 = arith.constant 0 : i32
      %dma_wait3A_43 = arith.constant 0 : i32
      %dma_wait3A_44 = tpu.memref_slice %arg4[%dma_wait3A_42, %dma_wait3A_43] : memref<200x64xf32, #tpu.memory_space<hbm>> -> memref<200x64xf32, #tpu.memory_space<hbm>>
      %dma_wait3A_45 = arith.constant 200 : i32
      %dma_wait3A_46 = arith.constant 0 : i32
      %dma_wait3A_47 = tpu.memref_slice %arg11[%dma_wait3A_45, %dma_wait3A_46] : memref<400x64xf32, #tpu.memory_space<vmem>> -> memref<200x64xf32, #tpu.memory_space<vmem>>
      %dma_wait3A_48 = arith.constant 0 : i32
      %dma_wait3A_49 = arith.constant 0 : i32
      %dma_wait3A_50 = tpu.memref_slice %arg4[%dma_wait3A_48, %dma_wait3A_49] : memref<200x64xf32, #tpu.memory_space<hbm>> -> memref<200x64xf32, #tpu.memory_space<hbm>>
      tpu.wait_dma2 semaphore(%run_scoped3A : memref<!tpu.dma_semaphore, #tpu.memory_space<semaphore_mem>>) src(%dma_wait3A_50 : memref<200x64xf32, #tpu.memory_space<hbm>>) dst(%dma_wait3A_47 : memref<200x64xf32, #tpu.memory_space<vmem>>)
      tpu.yield
    }) : () -> ()
    %dma_start3A = arith.constant 0 : i32
    %dma_start3A_3 = tpu.memref_slice %arg6[%dma_start3A] : memref<25600xi32, #tpu.memory_space<vmem>> -> memref<128xi32, #tpu.memory_space<vmem>>
    %dma_start3A_4 = arith.constant 0 : i32
    %dma_start3A_5 = arith.constant 0 : i32
    %dma_start3A_6 = tpu.memref_slice %arg3[%dma_start3A_4, %dma_start3A_5] : memref<1000000x64xf32, #tpu.memory_space<hbm>> -> memref<1000000x64xf32, #tpu.memory_space<hbm>>
    tpu.enqueue_indirect_dma source(%dma_start3A_6 : memref<1000000x64xf32, #tpu.memory_space<hbm>>) target(%arg7 : memref<128x64xf32, #tpu.memory_space<vmem>>) offsets(%dma_start3A_3 : memref<128xi32, #tpu.memory_space<vmem>>) semaphore(%arg12 : memref<!tpu.dma_semaphore, #tpu.memory_space<semaphore_mem>>)
    %dma_start3A_7 = arith.constant 128 : i32
    %dma_start3A_8 = tpu.memref_slice %arg6[%dma_start3A_7] : memref<25600xi32, #tpu.memory_space<vmem>> -> memref<128xi32, #tpu.memory_space<vmem>>
    %dma_start3A_9 = arith.constant 0 : i32
    %dma_start3A_10 = arith.constant 0 : i32
    %dma_start3A_11 = tpu.memref_slice %arg3[%dma_start3A_9, %dma_start3A_10] : memref<1000000x64xf32, #tpu.memory_space<hbm>> -> memref<1000000x64xf32, #tpu.memory_space<hbm>>
    tpu.enqueue_indirect_dma source(%dma_start3A_11 : memref<1000000x64xf32, #tpu.memory_space<hbm>>) target(%arg8 : memref<128x64xf32, #tpu.memory_space<vmem>>) offsets(%dma_start3A_8 : memref<128xi32, #tpu.memory_space<vmem>>) semaphore(%arg13 : memref<!tpu.dma_semaphore, #tpu.memory_space<semaphore_mem>>)
    %dma_start3A_12 = arith.constant 256 : i32
    %dma_start3A_13 = tpu.memref_slice %arg6[%dma_start3A_12] : memref<25600xi32, #tpu.memory_space<vmem>> -> memref<128xi32, #tpu.memory_space<vmem>>
    %dma_start3A_14 = arith.constant 0 : i32
    %dma_start3A_15 = arith.constant 0 : i32
    %dma_start3A_16 = tpu.memref_slice %arg3[%dma_start3A_14, %dma_start3A_15] : memref<1000000x64xf32, #tpu.memory_space<hbm>> -> memref<1000000x64xf32, #tpu.memory_space<hbm>>
    tpu.enqueue_indirect_dma source(%dma_start3A_16 : memref<1000000x64xf32, #tpu.memory_space<hbm>>) target(%arg9 : memref<128x64xf32, #tpu.memory_space<vmem>>) offsets(%dma_start3A_13 : memref<128xi32, #tpu.memory_space<vmem>>) semaphore(%arg14 : memref<!tpu.dma_semaphore, #tpu.memory_space<semaphore_mem>>)
    %scan3A = arith.constant 0 : i32
    %scan3A_17 = arith.constant 0 : i32
    %scan3A_18 = arith.constant 50 : i32
    %scan3A_19 = arith.addi %scan3A_17, %scan3A_18 : i32
    %scan3A_20 = arith.constant 1 : i32
    scf.for %scan3A_27 = %scan3A_17 to %scan3A_19 step %scan3A_20  : i32 {
      %mul3A_28 = arith.constant 4 : i32
      %mul3A_29 = arith.muli %scan3A_27, %mul3A_28 : i32
      %add3A_30 = arith.constant 0 : i32
      %add3A_31 = arith.addi %mul3A_29, %add3A_30 : i32
      %dma_wait3A_32 = arith.constant 0 : i32
      %dma_wait3A_33 = arith.constant 0 : i32
      %dma_wait3A_34 = tpu.memref_slice %arg5[%dma_wait3A_32, %dma_wait3A_33] : memref<819200x64xf32, #tpu.memory_space<hbm>> -> memref<128x64xf32, #tpu.memory_space<hbm>>
      %dma_wait3A_35 = arith.constant 0 : i32
      %dma_wait3A_36 = arith.constant 0 : i32
      %dma_wait3A_37 = tpu.memref_slice %arg5[%dma_wait3A_35, %dma_wait3A_36] : memref<819200x64xf32, #tpu.memory_space<hbm>> -> memref<128x64xf32, #tpu.memory_space<hbm>>
      tpu.wait_dma2 semaphore(%arg12 : memref<!tpu.dma_semaphore, #tpu.memory_space<semaphore_mem>>) src(%dma_wait3A_37 : memref<128x64xf32, #tpu.memory_space<hbm>>) dst(%arg7 : memref<128x64xf32, #tpu.memory_space<vmem>>)
      %mul3A_38 = arith.constant 128 : i32
      %mul3A_39 = arith.muli %add3A_31, %mul3A_38 : i32
      %rem3A = arith.constant 200 : i32
      %rem3A_40 = arith.remsi %mul3A_39, %rem3A : i32
      %scan3A_41 = arith.constant 0 : i32
      %scan3A_42 = arith.constant 0 : i32
      %scan3A_43 = arith.constant 128 : i32
      %scan3A_44 = arith.addi %scan3A_42, %scan3A_43 : i32
      %scan3A_45 = arith.constant 16 : i32
      scf.for %scan3A_178 = %scan3A_42 to %scan3A_44 step %scan3A_45  : i32 {
        %add3A_179 = arith.addi %rem3A_40, %scan3A_178 : i32
        %get3A = arith.index_cast %add3A_179 : i32 to index
        %get3A_180 = arith.constant 0 : index
        %get3A_181 = tpu.vector_load %arg11[%get3A, %get3A_180] {strides = array<i32>} : memref<400x64xf32, #tpu.memory_space<vmem>>, vector<1x16xf32>,
        %get3A_182 = vector.shape_cast %get3A_181 : vector<1x16xf32> to vector<16xf32>
        %swap3A = arith.index_cast %scan3A_178 : i32 to index
        %swap3A_183 = arith.constant 0 : index
        %swap3A_184 = tpu.vector_load %arg7[%swap3A, %swap3A_183] {strides = array<i32>} : memref<128x64xf32, #tpu.memory_space<vmem>>, vector<1x16xf32>,
        %swap3A_185 = vector.shape_cast %swap3A_184 : vector<1x16xf32> to vector<16xf32>
        %swap3A_186 = vector.shape_cast %get3A_182 : vector<16xf32> to vector<1x16xf32>
        tpu.vector_store %arg7[%swap3A, %swap3A_183], %swap3A_186 {add = true, strides = array<i32>} : memref<128x64xf32, #tpu.memory_space<vmem>>, vector<1x16xf32>,
        %add3A_187 = arith.addi %rem3A_40, %scan3A_178 : i32
        %get3A_188 = arith.index_cast %add3A_187 : i32 to index
        %get3A_189 = arith.constant 16 : index
        %get3A_190 = tpu.vector_load %arg11[%get3A_188, %get3A_189] {strides = array<i32>} : memref<400x64xf32, #tpu.memory_space<vmem>>, vector<1x16xf32>,
        %get3A_191 = vector.shape_cast %get3A_190 : vector<1x16xf32> to vector<16xf32>
        %swap3A_192 = arith.index_cast %scan3A_178 : i32 to index
        %swap3A_193 = arith.constant 16 : index
        %swap3A_194 = tpu.vector_load %arg7[%swap3A_192, %swap3A_193] {strides = array<i32>} : memref<128x64xf32, #tpu.memory_space<vmem>>, vector<1x16xf32>,
        %swap3A_195 = vector.shape_cast %swap3A_194 : vector<1x16xf32> to vector<16xf32>
        %swap3A_196 = vector.shape_cast %get3A_191 : vector<16xf32> to vector<1x16xf32>
        tpu.vector_store %arg7[%swap3A_192, %swap3A_193], %swap3A_196 {add = true, strides = array<i32>} : memref<128x64xf32, #tpu.memory_space<vmem>>, vector<1x16xf32>,
        %add3A_197 = arith.addi %rem3A_40, %scan3A_178 : i32
        %get3A_198 = arith.index_cast %add3A_197 : i32 to index
        %get3A_199 = arith.constant 32 : index
        %get3A_200 = tpu.vector_load %arg11[%get3A_198, %get3A_199] {strides = array<i32>} : memref<400x64xf32, #tpu.memory_space<vmem>>, vector<1x16xf32>,
        %get3A_201 = vector.shape_cast %get3A_200 : vector<1x16xf32> to vector<16xf32>
        %swap3A_202 = arith.index_cast %scan3A_178 : i32 to index
        %swap3A_203 = arith.constant 32 : index
        %swap3A_204 = tpu.vector_load %arg7[%swap3A_202, %swap3A_203] {strides = array<i32>} : memref<128x64xf32, #tpu.memory_space<vmem>>, vector<1x16xf32>,
        %swap3A_205 = vector.shape_cast %swap3A_204 : vector<1x16xf32> to vector<16xf32>
        %swap3A_206 = vector.shape_cast %get3A_201 : vector<16xf32> to vector<1x16xf32>
        tpu.vector_store %arg7[%swap3A_202, %swap3A_203], %swap3A_206 {add = true, strides = array<i32>} : memref<128x64xf32, #tpu.memory_space<vmem>>, vector<1x16xf32>,
        %add3A_207 = arith.addi %rem3A_40, %scan3A_178 : i32
        %get3A_208 = arith.index_cast %add3A_207 : i32 to index
        %get3A_209 = arith.constant 48 : index
        %get3A_210 = tpu.vector_load %arg11[%get3A_208, %get3A_209] {strides = array<i32>} : memref<400x64xf32, #tpu.memory_space<vmem>>, vector<1x16xf32>,
        %get3A_211 = vector.shape_cast %get3A_210 : vector<1x16xf32> to vector<16xf32>
        %swap3A_212 = arith.index_cast %scan3A_178 : i32 to index
        %swap3A_213 = arith.constant 48 : index
        %swap3A_214 = tpu.vector_load %arg7[%swap3A_212, %swap3A_213] {strides = array<i32>} : memref<128x64xf32, #tpu.memory_space<vmem>>, vector<1x16xf32>,
        %swap3A_215 = vector.shape_cast %swap3A_214 : vector<1x16xf32> to vector<16xf32>
        %swap3A_216 = vector.shape_cast %get3A_211 : vector<16xf32> to vector<1x16xf32>
        tpu.vector_store %arg7[%swap3A_212, %swap3A_213], %swap3A_216 {add = true, strides = array<i32>} : memref<128x64xf32, #tpu.memory_space<vmem>>, vector<1x16xf32>,
        %scan3A_217 = arith.constant 1 : i32
        %scan3A_218 = arith.addi %scan3A_178, %scan3A_217 : i32
        %add3A_219 = arith.addi %rem3A_40, %scan3A_218 : i32
        %get3A_220 = arith.index_cast %add3A_219 : i32 to index
        %get3A_221 = arith.constant 0 : index
        %get3A_222 = tpu.vector_load %arg11[%get3A_220, %get3A_221] {strides = array<i32>} : memref<400x64xf32, #tpu.memory_space<vmem>>, vector<1x16xf32>,
        %get3A_223 = vector.shape_cast %get3A_222 : vector<1x16xf32> to vector<16xf32>
        %swap3A_224 = arith.index_cast %scan3A_218 : i32 to index
        %swap3A_225 = arith.constant 0 : index
        %swap3A_226 = tpu.vector_load %arg7[%swap3A_224, %swap3A_225] {strides = array<i32>} : memref<128x64xf32, #tpu.memory_space<vmem>>, vector<1x16xf32>,
        %swap3A_227 = vector.shape_cast %swap3A_226 : vector<1x16xf32> to vector<16xf32>
        %swap3A_228 = vector.shape_cast %get3A_223 : vector<16xf32> to vector<1x16xf32>
        tpu.vector_store %arg7[%swap3A_224, %swap3A_225], %swap3A_228 {add = true, strides = array<i32>} : memref<128x64xf32, #tpu.memory_space<vmem>>, vector<1x16xf32>,
        %add3A_229 = arith.addi %rem3A_40, %scan3A_218 : i32
        %get3A_230 = arith.index_cast %add3A_229 : i32 to index
        %get3A_231 = arith.constant 16 : index
        %get3A_232 = tpu.vector_load %arg11[%get3A_230, %get3A_231] {strides = array<i32>} : memref<400x64xf32, #tpu.memory_space<vmem>>, vector<1x16xf32>,
        %get3A_233 = vector.shape_cast %get3A_232 : vector<1x16xf32> to vector<16xf32>
        %swap3A_234 = arith.index_cast %scan3A_218 : i32 to index
        %swap3A_235 = arith.constant 16 : index
        %swap3A_236 = tpu.vector_load %arg7[%swap3A_234, %swap3A_235] {strides = array<i32>} : memref<128x64xf32, #tpu.memory_space<vmem>>, vector<1x16xf32>,
        %swap3A_237 = vector.shape_cast %swap3A_236 : vector<1x16xf32> to vector<16xf32>
        %swap3A_238 = vector.shape_cast %get3A_233 : vector<16xf32> to vector<1x16xf32>
        tpu.vector_store %arg7[%swap3A_234, %swap3A_235], %swap3A_238 {add = true, strides = array<i32>} : memref<128x64xf32, #tpu.memory_space<vmem>>, vector<1x16xf32>,
        %add3A_239 = arith.addi %rem3A_40, %scan3A_218 : i32
        %get3A_240 = arith.index_cast %add3A_239 : i32 to index
        %get3A_241 = arith.constant 32 : index
        %get3A_242 = tpu.vector_load %arg11[%get3A_240, %get3A_241] {strides = array<i32>} : memref<400x64xf32, #tpu.memory_space<vmem>>, vector<1x16xf32>,
        %get3A_243 = vector.shape_cast %get3A_242 : vector<1x16xf32> to vector<16xf32>
        %swap3A_244 = arith.index_cast %scan3A_218 : i32 to index
        %swap3A_245 = arith.constant 32 : index
        %swap3A_246 = tpu.vector_load %arg7[%swap3A_244, %swap3A_245] {strides = array<i32>} : memref<128x64xf32, #tpu.memory_space<vmem>>, vector<1x16xf32>,
        %swap3A_247 = vector.shape_cast %swap3A_246 : vector<1x16xf32> to vector<16xf32>
        %swap3A_248 = vector.shape_cast %get3A_243 : vector<16xf32> to vector<1x16xf32>
        tpu.vector_store %arg7[%swap3A_244, %swap3A_245], %swap3A_248 {add = true, strides = array<i32>} : memref<128x64xf32, #tpu.memory_space<vmem>>, vector<1x16xf32>,
        %add3A_249 = arith.addi %rem3A_40, %scan3A_218 : i32
        %get3A_250 = arith.index_cast %add3A_249 : i32 to index
        %get3A_251 = arith.constant 48 : index
        %get3A_252 = tpu.vector_load %arg11[%get3A_250, %get3A_251] {strides = array<i32>} : memref<400x64xf32, #tpu.memory_space<vmem>>, vector<1x16xf32>,
        %get3A_253 = vector.shape_cast %get3A_252 : vector<1x16xf32> to vector<16xf32>
        %swap3A_254 = arith.index_cast %scan3A_218 : i32 to index
        %swap3A_255 = arith.constant 48 : index
        %swap3A_256 = tpu.vector_load %arg7[%swap3A_254, %swap3A_255] {strides = array<i32>} : memref<128x64xf32, #tpu.memory_space<vmem>>, vector<1x16xf32>,
        %swap3A_257 = vector.shape_cast %swap3A_256 : vector<1x16xf32> to vector<16xf32>
        %swap3A_258 = vector.shape_cast %get3A_253 : vector<16xf32> to vector<1x16xf32>
        tpu.vector_store %arg7[%swap3A_254, %swap3A_255], %swap3A_258 {add = true, strides = array<i32>} : memref<128x64xf32, #tpu.memory_space<vmem>>, vector<1x16xf32>,
        %scan3A_259 = arith.constant 2 : i32
        %scan3A_260 = arith.addi %scan3A_178, %scan3A_259 : i32
        %add3A_261 = arith.addi %rem3A_40, %scan3A_260 : i32
        %get3A_262 = arith.index_cast %add3A_261 : i32 to index
        %get3A_263 = arith.constant 0 : index
        %get3A_264 = tpu.vector_load %arg11[%get3A_262, %get3A_263] {strides = array<i32>} : memref<400x64xf32, #tpu.memory_space<vmem>>, vector<1x16xf32>,
        %get3A_265 = vector.shape_cast %get3A_264 : vector<1x16xf32> to vector<16xf32>
        %swap3A_266 = arith.index_cast %scan3A_260 : i32 to index
        %swap3A_267 = arith.constant 0 : index
        %swap3A_268 = tpu.vector_load %arg7[%swap3A_266, %swap3A_267] {strides = array<i32>} : memref<128x64xf32, #tpu.memory_space<vmem>>, vector<1x16xf32>,
        %swap3A_269 = vector.shape_cast %swap3A_268 : vector<1x16xf32> to vector<16xf32>
        %swap3A_270 = vector.shape_cast %get3A_265 : vector<16xf32> to vector<1x16xf32>
        tpu.vector_store %arg7[%swap3A_266, %swap3A_267], %swap3A_270 {add = true, strides = array<i32>} : memref<128x64xf32, #tpu.memory_space<vmem>>, vector<1x16xf32>,
        %add3A_271 = arith.addi %rem3A_40, %scan3A_260 : i32
        %get3A_272 = arith.index_cast %add3A_271 : i32 to index
        %get3A_273 = arith.constant 16 : index
        %get3A_274 = tpu.vector_load %arg11[%get3A_272, %get3A_273] {strides = array<i32>} : memref<400x64xf32, #tpu.memory_space<vmem>>, vector<1x16xf32>,
        %get3A_275 = vector.shape_cast %get3A_274 : vector<1x16xf32> to vector<16xf32>
        %swap3A_276 = arith.index_cast %scan3A_260 : i32 to index
        %swap3A_277 = arith.constant 16 : index
        %swap3A_278 = tpu.vector_load %arg7[%swap3A_276, %swap3A_277] {strides = array<i32>} : memref<128x64xf32, #tpu.memory_space<vmem>>, vector<1x16xf32>,
        %swap3A_279 = vector.shape_cast %swap3A_278 : vector<1x16xf32> to vector<16xf32>
        %swap3A_280 = vector.shape_cast %get3A_275 : vector<16xf32> to vector<1x16xf32>
        tpu.vector_store %arg7[%swap3A_276, %swap3A_277], %swap3A_280 {add = true, strides = array<i32>} : memref<128x64xf32, #tpu.memory_space<vmem>>, vector<1x16xf32>,
        %add3A_281 = arith.addi %rem3A_40, %scan3A_260 : i32
        %get3A_282 = arith.index_cast %add3A_281 : i32 to index
        %get3A_283 = arith.constant 32 : index
        %get3A_284 = tpu.vector_load %arg11[%get3A_282, %get3A_283] {strides = array<i32>} : memref<400x64xf32, #tpu.memory_space<vmem>>, vector<1x16xf32>,
        %get3A_285 = vector.shape_cast %get3A_284 : vector<1x16xf32> to vector<16xf32>
        %swap3A_286 = arith.index_cast %scan3A_260 : i32 to index
        %swap3A_287 = arith.constant 32 : index
        %swap3A_288 = tpu.vector_load %arg7[%swap3A_286, %swap3A_287] {strides = array<i32>} : memref<128x64xf32, #tpu.memory_space<vmem>>, vector<1x16xf32>,
        %swap3A_289 = vector.shape_cast %swap3A_288 : vector<1x16xf32> to vector<16xf32>
        %swap3A_290 = vector.shape_cast %get3A_285 : vector<16xf32> to vector<1x16xf32>
        tpu.vector_store %arg7[%swap3A_286, %swap3A_287], %swap3A_290 {add = true, strides = array<i32>} : memref<128x64xf32, #tpu.memory_space<vmem>>, vector<1x16xf32>,
        %add3A_291 = arith.addi %rem3A_40, %scan3A_260 : i32
        %get3A_292 = arith.index_cast %add3A_291 : i32 to index
        %get3A_293 = arith.constant 48 : index
        %get3A_294 = tpu.vector_load %arg11[%get3A_292, %get3A_293] {strides = array<i32>} : memref<400x64xf32, #tpu.memory_space<vmem>>, vector<1x16xf32>,
        %get3A_295 = vector.shape_cast %get3A_294 : vector<1x16xf32> to vector<16xf32>
        %swap3A_296 = arith.index_cast %scan3A_260 : i32 to index
        %swap3A_297 = arith.constant 48 : index
        %swap3A_298 = tpu.vector_load %arg7[%swap3A_296, %swap3A_297] {strides = array<i32>} : memref<128x64xf32, #tpu.memory_space<vmem>>, vector<1x16xf32>,
        %swap3A_299 = vector.shape_cast %swap3A_298 : vector<1x16xf32> to vector<16xf32>
        %swap3A_300 = vector.shape_cast %get3A_295 : vector<16xf32> to vector<1x16xf32>
        tpu.vector_store %arg7[%swap3A_296, %swap3A_297], %swap3A_300 {add = true, strides = array<i32>} : memref<128x64xf32, #tpu.memory_space<vmem>>, vector<1x16xf32>,
        %scan3A_301 = arith.constant 3 : i32
        %scan3A_302 = arith.addi %scan3A_178, %scan3A_301 : i32
        %add3A_303 = arith.addi %rem3A_40, %scan3A_302 : i32
        %get3A_304 = arith.index_cast %add3A_303 : i32 to index
        %get3A_305 = arith.constant 0 : index
        %get3A_306 = tpu.vector_load %arg11[%get3A_304, %get3A_305] {strides = array<i32>} : memref<400x64xf32, #tpu.memory_space<vmem>>, vector<1x16xf32>,
        %get3A_307 = vector.shape_cast %get3A_306 : vector<1x16xf32> to vector<16xf32>
        %swap3A_308 = arith.index_cast %scan3A_302 : i32 to index
        %swap3A_309 = arith.constant 0 : index
        %swap3A_310 = tpu.vector_load %arg7[%swap3A_308, %swap3A_309] {strides = array<i32>} : memref<128x64xf32, #tpu.memory_space<vmem>>, vector<1x16xf32>,
        %swap3A_311 = vector.shape_cast %swap3A_310 : vector<1x16xf32> to vector<16xf32>
        %swap3A_312 = vector.shape_cast %get3A_307 : vector<16xf32> to vector<1x16xf32>
        tpu.vector_store %arg7[%swap3A_308, %swap3A_309], %swap3A_312 {add = true, strides = array<i32>} : memref<128x64xf32, #tpu.memory_space<vmem>>, vector<1x16xf32>,
        %add3A_313 = arith.addi %rem3A_40, %scan3A_302 : i32
        %get3A_314 = arith.index_cast %add3A_313 : i32 to index
        %get3A_315 = arith.constant 16 : index
        %get3A_316 = tpu.vector_load %arg11[%get3A_314, %get3A_315] {strides = array<i32>} : memref<400x64xf32, #tpu.memory_space<vmem>>, vector<1x16xf32>,
        %get3A_317 = vector.shape_cast %get3A_316 : vector<1x16xf32> to vector<16xf32>
        %swap3A_318 = arith.index_cast %scan3A_302 : i32 to index
        %swap3A_319 = arith.constant 16 : index
        %swap3A_320 = tpu.vector_load %arg7[%swap3A_318, %swap3A_319] {strides = array<i32>} : memref<128x64xf32, #tpu.memory_space<vmem>>, vector<1x16xf32>,
        %swap3A_321 = vector.shape_cast %swap3A_320 : vector<1x16xf32> to vector<16xf32>
        %swap3A_322 = vector.shape_cast %get3A_317 : vector<16xf32> to vector<1x16xf32>
        tpu.vector_store %arg7[%swap3A_318, %swap3A_319], %swap3A_322 {add = true, strides = array<i32>} : memref<128x64xf32, #tpu.memory_space<vmem>>, vector<1x16xf32>,
        %add3A_323 = arith.addi %rem3A_40, %scan3A_302 : i32
        %get3A_324 = arith.index_cast %add3A_323 : i32 to index
        %get3A_325 = arith.constant 32 : index
        %get3A_326 = tpu.vector_load %arg11[%get3A_324, %get3A_325] {strides = array<i32>} : memref<400x64xf32, #tpu.memory_space<vmem>>, vector<1x16xf32>,
        %get3A_327 = vector.shape_cast %get3A_326 : vector<1x16xf32> to vector<16xf32>
        %swap3A_328 = arith.index_cast %scan3A_302 : i32 to index
        %swap3A_329 = arith.constant 32 : index
        %swap3A_330 = tpu.vector_load %arg7[%swap3A_328, %swap3A_329] {strides = array<i32>} : memref<128x64xf32, #tpu.memory_space<vmem>>, vector<1x16xf32>,
        %swap3A_331 = vector.shape_cast %swap3A_330 : vector<1x16xf32> to vector<16xf32>
        %swap3A_332 = vector.shape_cast %get3A_327 : vector<16xf32> to vector<1x16xf32>
        tpu.vector_store %arg7[%swap3A_328, %swap3A_329], %swap3A_332 {add = true, strides = array<i32>} : memref<128x64xf32, #tpu.memory_space<vmem>>, vector<1x16xf32>,
        %add3A_333 = arith.addi %rem3A_40, %scan3A_302 : i32
        %get3A_334 = arith.index_cast %add3A_333 : i32 to index
        %get3A_335 = arith.constant 48 : index
        %get3A_336 = tpu.vector_load %arg11[%get3A_334, %get3A_335] {strides = array<i32>} : memref<400x64xf32, #tpu.memory_space<vmem>>, vector<1x16xf32>,
        %get3A_337 = vector.shape_cast %get3A_336 : vector<1x16xf32> to vector<16xf32>
        %swap3A_338 = arith.index_cast %scan3A_302 : i32 to index
        %swap3A_339 = arith.constant 48 : index
        %swap3A_340 = tpu.vector_load %arg7[%swap3A_338, %swap3A_339] {strides = array<i32>} : memref<128x64xf32, #tpu.memory_space<vmem>>, vector<1x16xf32>,
        %swap3A_341 = vector.shape_cast %swap3A_340 : vector<1x16xf32> to vector<16xf32>
        %swap3A_342 = vector.shape_cast %get3A_337 : vector<16xf32> to vector<1x16xf32>
        tpu.vector_store %arg7[%swap3A_338, %swap3A_339], %swap3A_342 {add = true, strides = array<i32>} : memref<128x64xf32, #tpu.memory_space<vmem>>, vector<1x16xf32>,
        %scan3A_343 = arith.constant 4 : i32
        %scan3A_344 = arith.addi %scan3A_178, %scan3A_343 : i32
        %add3A_345 = arith.addi %rem3A_40, %scan3A_344 : i32
        %get3A_346 = arith.index_cast %add3A_345 : i32 to index
        %get3A_347 = arith.constant 0 : index
        %get3A_348 = tpu.vector_load %arg11[%get3A_346, %get3A_347] {strides = array<i32>} : memref<400x64xf32, #tpu.memory_space<vmem>>, vector<1x16xf32>,
        %get3A_349 = vector.shape_cast %get3A_348 : vector<1x16xf32> to vector<16xf32>
        %swap3A_350 = arith.index_cast %scan3A_344 : i32 to index
        %swap3A_351 = arith.constant 0 : index
        %swap3A_352 = tpu.vector_load %arg7[%swap3A_350, %swap3A_351] {strides = array<i32>} : memref<128x64xf32, #tpu.memory_space<vmem>>, vector<1x16xf32>,
        %swap3A_353 = vector.shape_cast %swap3A_352 : vector<1x16xf32> to vector<16xf32>
        %swap3A_354 = vector.shape_cast %get3A_349 : vector<16xf32> to vector<1x16xf32>
        tpu.vector_store %arg7[%swap3A_350, %swap3A_351], %swap3A_354 {add = true, strides = array<i32>} : memref<128x64xf32, #tpu.memory_space<vmem>>, vector<1x16xf32>,
        %add3A_355 = arith.addi %rem3A_40, %scan3A_344 : i32
        %get3A_356 = arith.index_cast %add3A_355 : i32 to index
        %get3A_357 = arith.constant 16 : index
        %get3A_358 = tpu.vector_load %arg11[%get3A_356, %get3A_357] {strides = array<i32>} : memref<400x64xf32, #tpu.memory_space<vmem>>, vector<1x16xf32>,
        %get3A_359 = vector.shape_cast %get3A_358 : vector<1x16xf32> to vector<16xf32>
        %swap3A_360 = arith.index_cast %scan3A_344 : i32 to index
        %swap3A_361 = arith.constant 16 : index
        %swap3A_362 = tpu.vector_load %arg7[%swap3A_360, %swap3A_361] {strides = array<i32>} : memref<128x64xf32, #tpu.memory_space<vmem>>, vector<1x16xf32>,
        %swap3A_363 = vector.shape_cast %swap3A_362 : vector<1x16xf32> to vector<16xf32>
        %swap3A_364 = vector.shape_cast %get3A_359 : vector<16xf32> to vector<1x16xf32>
        tpu.vector_store %arg7[%swap3A_360, %swap3A_361], %swap3A_364 {add = true, strides = array<i32>} : memref<128x64xf32, #tpu.memory_space<vmem>>, vector<1x16xf32>,
        %add3A_365 = arith.addi %rem3A_40, %scan3A_344 : i32
        %get3A_366 = arith.index_cast %add3A_365 : i32 to index
        %get3A_367 = arith.constant 32 : index
        %get3A_368 = tpu.vector_load %arg11[%get3A_366, %get3A_367] {strides = array<i32>} : memref<400x64xf32, #tpu.memory_space<vmem>>, vector<1x16xf32>,
        %get3A_369 = vector.shape_cast %get3A_368 : vector<1x16xf32> to vector<16xf32>
        %swap3A_370 = arith.index_cast %scan3A_344 : i32 to index
        %swap3A_371 = arith.constant 32 : index
        %swap3A_372 = tpu.vector_load %arg7[%swap3A_370, %swap3A_371] {strides = array<i32>} : memref<128x64xf32, #tpu.memory_space<vmem>>, vector<1x16xf32>,
        %swap3A_373 = vector.shape_cast %swap3A_372 : vector<1x16xf32> to vector<16xf32>
        %swap3A_374 = vector.shape_cast %get3A_369 : vector<16xf32> to vector<1x16xf32>
        tpu.vector_store %arg7[%swap3A_370, %swap3A_371], %swap3A_374 {add = true, strides = array<i32>} : memref<128x64xf32, #tpu.memory_space<vmem>>, vector<1x16xf32>,
        %add3A_375 = arith.addi %rem3A_40, %scan3A_344 : i32
        %get3A_376 = arith.index_cast %add3A_375 : i32 to index
        %get3A_377 = arith.constant 48 : index
        %get3A_378 = tpu.vector_load %arg11[%get3A_376, %get3A_377] {strides = array<i32>} : memref<400x64xf32, #tpu.memory_space<vmem>>, vector<1x16xf32>,
        %get3A_379 = vector.shape_cast %get3A_378 : vector<1x16xf32> to vector<16xf32>
        %swap3A_380 = arith.index_cast %scan3A_344 : i32 to index
        %swap3A_381 = arith.constant 48 : index
        %swap3A_382 = tpu.vector_load %arg7[%swap3A_380, %swap3A_381] {strides = array<i32>} : memref<128x64xf32, #tpu.memory_space<vmem>>, vector<1x16xf32>,
        %swap3A_383 = vector.shape_cast %swap3A_382 : vector<1x16xf32> to vector<16xf32>
        %swap3A_384 = vector.shape_cast %get3A_379 : vector<16xf32> to vector<1x16xf32>
        tpu.vector_store %arg7[%swap3A_380, %swap3A_381], %swap3A_384 {add = true, strides = array<i32>} : memref<128x64xf32, #tpu.memory_space<vmem>>, vector<1x16xf32>,
        %scan3A_385 = arith.constant 5 : i32
        %scan3A_386 = arith.addi %scan3A_178, %scan3A_385 : i32
        %add3A_387 = arith.addi %rem3A_40, %scan3A_386 : i32
        %get3A_388 = arith.index_cast %add3A_387 : i32 to index
        %get3A_389 = arith.constant 0 : index
        %get3A_390 = tpu.vector_load %arg11[%get3A_388, %get3A_389] {strides = array<i32>} : memref<400x64xf32, #tpu.memory_space<vmem>>, vector<1x16xf32>,
        %get3A_391 = vector.shape_cast %get3A_390 : vector<1x16xf32> to vector<16xf32>
        %swap3A_392 = arith.index_cast %scan3A_386 : i32 to index
        %swap3A_393 = arith.constant 0 : index
        %swap3A_394 = tpu.vector_load %arg7[%swap3A_392, %swap3A_393] {strides = array<i32>} : memref<128x64xf32, #tpu.memory_space<vmem>>, vector<1x16xf32>,
        %swap3A_395 = vector.shape_cast %swap3A_394 : vector<1x16xf32> to vector<16xf32>
        %swap3A_396 = vector.shape_cast %get3A_391 : vector<16xf32> to vector<1x16xf32>
        tpu.vector_store %arg7[%swap3A_392, %swap3A_393], %swap3A_396 {add = true, strides = array<i32>} : memref<128x64xf32, #tpu.memory_space<vmem>>, vector<1x16xf32>,
        %add3A_397 = arith.addi %rem3A_40, %scan3A_386 : i32
        %get3A_398 = arith.index_cast %add3A_397 : i32 to index
        %get3A_399 = arith.constant 16 : index
        %get3A_400 = tpu.vector_load %arg11[%get3A_398, %get3A_399] {strides = array<i32>} : memref<400x64xf32, #tpu.memory_space<vmem>>, vector<1x16xf32>,
        %get3A_401 = vector.shape_cast %get3A_400 : vector<1x16xf32> to vector<16xf32>
        %swap3A_402 = arith.index_cast %scan3A_386 : i32 to index
        %swap3A_403 = arith.constant 16 : index
        %swap3A_404 = tpu.vector_load %arg7[%swap3A_402, %swap3A_403] {strides = array<i32>} : memref<128x64xf32, #tpu.memory_space<vmem>>, vector<1x16xf32>,
        %swap3A_405 = vector.shape_cast %swap3A_404 : vector<1x16xf32> to vector<16xf32>
        %swap3A_406 = vector.shape_cast %get3A_401 : vector<16xf32> to vector<1x16xf32>
        tpu.vector_store %arg7[%swap3A_402, %swap3A_403], %swap3A_406 {add = true, strides = array<i32>} : memref<128x64xf32, #tpu.memory_space<vmem>>, vector<1x16xf32>,
        %add3A_407 = arith.addi %rem3A_40, %scan3A_386 : i32
        %get3A_408 = arith.index_cast %add3A_407 : i32 to index
        %get3A_409 = arith.constant 32 : index
        %get3A_410 = tpu.vector_load %arg11[%get3A_408, %get3A_409] {strides = array<i32>} : memref<400x64xf32, #tpu.memory_space<vmem>>, vector<1x16xf32>,
        %get3A_411 = vector.shape_cast %get3A_410 : vector<1x16xf32> to vector<16xf32>
        %swap3A_412 = arith.index_cast %scan3A_386 : i32 to index
        %swap3A_413 = arith.constant 32 : index
        %swap3A_414 = tpu.vector_load %arg7[%swap3A_412, %swap3A_413] {strides = array<i32>} : memref<128x64xf32, #tpu.memory_space<vmem>>, vector<1x16xf32>,
        %swap3A_415 = vector.shape_cast %swap3A_414 : vector<1x16xf32> to vector<16xf32>
        %swap3A_416 = vector.shape_cast %get3A_411 : vector<16xf32> to vector<1x16xf32>
        tpu.vector_store %arg7[%swap3A_412, %swap3A_413], %swap3A_416 {add = true, strides = array<i32>} : memref<128x64xf32, #tpu.memory_space<vmem>>, vector<1x16xf32>,
        %add3A_417 = arith.addi %rem3A_40, %scan3A_386 : i32
        %get3A_418 = arith.index_cast %add3A_417 : i32 to index
        %get3A_419 = arith.constant 48 : index
        %get3A_420 = tpu.vector_load %arg11[%get3A_418, %get3A_419] {strides = array<i32>} : memref<400x64xf32, #tpu.memory_space<vmem>>, vector<1x16xf32>,
        %get3A_421 = vector.shape_cast %get3A_420 : vector<1x16xf32> to vector<16xf32>
        %swap3A_422 = arith.index_cast %scan3A_386 : i32 to index
        %swap3A_423 = arith.constant 48 : index
        %swap3A_424 = tpu.vector_load %arg7[%swap3A_422, %swap3A_423] {strides = array<i32>} : memref<128x64xf32, #tpu.memory_space<vmem>>, vector<1x16xf32>,
        %swap3A_425 = vector.shape_cast %swap3A_424 : vector<1x16xf32> to vector<16xf32>
        %swap3A_426 = vector.shape_cast %get3A_421 : vector<16xf32> to vector<1x16xf32>
        tpu.vector_store %arg7[%swap3A_422, %swap3A_423], %swap3A_426 {add = true, strides = array<i32>} : memref<128x64xf32, #tpu.memory_space<vmem>>, vector<1x16xf32>,
        %scan3A_427 = arith.constant 6 : i32
        %scan3A_428 = arith.addi %scan3A_178, %scan3A_427 : i32
        %add3A_429 = arith.addi %rem3A_40, %scan3A_428 : i32
        %get3A_430 = arith.index_cast %add3A_429 : i32 to index
        %get3A_431 = arith.constant 0 : index
        %get3A_432 = tpu.vector_load %arg11[%get3A_430, %get3A_431] {strides = array<i32>} : memref<400x64xf32, #tpu.memory_space<vmem>>, vector<1x16xf32>,
        %get3A_433 = vector.shape_cast %get3A_432 : vector<1x16xf32> to vector<16xf32>
        %swap3A_434 = arith.index_cast %scan3A_428 : i32 to index
        %swap3A_435 = arith.constant 0 : index
        %swap3A_436 = tpu.vector_load %arg7[%swap3A_434, %swap3A_435] {strides = array<i32>} : memref<128x64xf32, #tpu.memory_space<vmem>>, vector<1x16xf32>,
        %swap3A_437 = vector.shape_cast %swap3A_436 : vector<1x16xf32> to vector<16xf32>
        %swap3A_438 = vector.shape_cast %get3A_433 : vector<16xf32> to vector<1x16xf32>
        tpu.vector_store %arg7[%swap3A_434, %swap3A_435], %swap3A_438 {add = true, strides = array<i32>} : memref<128x64xf32, #tpu.memory_space<vmem>>, vector<1x16xf32>,
        %add3A_439 = arith.addi %rem3A_40, %scan3A_428 : i32
        %get3A_440 = arith.index_cast %add3A_439 : i32 to index
        %get3A_441 = arith.constant 16 : index
        %get3A_442 = tpu.vector_load %arg11[%get3A_440, %get3A_441] {strides = array<i32>} : memref<400x64xf32, #tpu.memory_space<vmem>>, vector<1x16xf32>,
        %get3A_443 = vector.shape_cast %get3A_442 : vector<1x16xf32> to vector<16xf32>
        %swap3A_444 = arith.index_cast %scan3A_428 : i32 to index
        %swap3A_445 = arith.constant 16 : index
        %swap3A_446 = tpu.vector_load %arg7[%swap3A_444, %swap3A_445] {strides = array<i32>} : memref<128x64xf32, #tpu.memory_space<vmem>>, vector<1x16xf32>,
        %swap3A_447 = vector.shape_cast %swap3A_446 : vector<1x16xf32> to vector<16xf32>
        %swap3A_448 = vector.shape_cast %get3A_443 : vector<16xf32> to vector<1x16xf32>
        tpu.vector_store %arg7[%swap3A_444, %swap3A_445], %swap3A_448 {add = true, strides = array<i32>} : memref<128x64xf32, #tpu.memory_space<vmem>>, vector<1x16xf32>,
        %add3A_449 = arith.addi %rem3A_40, %scan3A_428 : i32
        %get3A_450 = arith.index_cast %add3A_449 : i32 to index
        %get3A_451 = arith.constant 32 : index
        %get3A_452 = tpu.vector_load %arg11[%get3A_450, %get3A_451] {strides = array<i32>} : memref<400x64xf32, #tpu.memory_space<vmem>>, vector<1x16xf32>,
        %get3A_453 = vector.shape_cast %get3A_452 : vector<1x16xf32> to vector<16xf32>
        %swap3A_454 = arith.index_cast %scan3A_428 : i32 to index
        %swap3A_455 = arith.constant 32 : index
        %swap3A_456 = tpu.vector_load %arg7[%swap3A_454, %swap3A_455] {strides = array<i32>} : memref<128x64xf32, #tpu.memory_space<vmem>>, vector<1x16xf32>,
        %swap3A_457 = vector.shape_cast %swap3A_456 : vector<1x16xf32> to vector<16xf32>
        %swap3A_458 = vector.shape_cast %get3A_453 : vector<16xf32> to vector<1x16xf32>
        tpu.vector_store %arg7[%swap3A_454, %swap3A_455], %swap3A_458 {add = true, strides = array<i32>} : memref<128x64xf32, #tpu.memory_space<vmem>>, vector<1x16xf32>,
        %add3A_459 = arith.addi %rem3A_40, %scan3A_428 : i32
        %get3A_460 = arith.index_cast %add3A_459 : i32 to index
        %get3A_461 = arith.constant 48 : index
        %get3A_462 = tpu.vector_load %arg11[%get3A_460, %get3A_461] {strides = array<i32>} : memref<400x64xf32, #tpu.memory_space<vmem>>, vector<1x16xf32>,
        %get3A_463 = vector.shape_cast %get3A_462 : vector<1x16xf32> to vector<16xf32>
        %swap3A_464 = arith.index_cast %scan3A_428 : i32 to index
        %swap3A_465 = arith.constant 48 : index
        %swap3A_466 = tpu.vector_load %arg7[%swap3A_464, %swap3A_465] {strides = array<i32>} : memref<128x64xf32, #tpu.memory_space<vmem>>, vector<1x16xf32>,
        %swap3A_467 = vector.shape_cast %swap3A_466 : vector<1x16xf32> to vector<16xf32>
        %swap3A_468 = vector.shape_cast %get3A_463 : vector<16xf32> to vector<1x16xf32>
        tpu.vector_store %arg7[%swap3A_464, %swap3A_465], %swap3A_468 {add = true, strides = array<i32>} : memref<128x64xf32, #tpu.memory_space<vmem>>, vector<1x16xf32>,
        %scan3A_469 = arith.constant 7 : i32
        %scan3A_470 = arith.addi %scan3A_178, %scan3A_469 : i32
        %add3A_471 = arith.addi %rem3A_40, %scan3A_470 : i32
        %get3A_472 = arith.index_cast %add3A_471 : i32 to index
        %get3A_473 = arith.constant 0 : index
        %get3A_474 = tpu.vector_load %arg11[%get3A_472, %get3A_473] {strides = array<i32>} : memref<400x64xf32, #tpu.memory_space<vmem>>, vector<1x16xf32>,
        %get3A_475 = vector.shape_cast %get3A_474 : vector<1x16xf32> to vector<16xf32>
        %swap3A_476 = arith.index_cast %scan3A_470 : i32 to index
        %swap3A_477 = arith.constant 0 : index
        %swap3A_478 = tpu.vector_load %arg7[%swap3A_476, %swap3A_477] {strides = array<i32>} : memref<128x64xf32, #tpu.memory_space<vmem>>, vector<1x16xf32>,
        %swap3A_479 = vector.shape_cast %swap3A_478 : vector<1x16xf32> to vector<16xf32>
        %swap3A_480 = vector.shape_cast %get3A_475 : vector<16xf32> to vector<1x16xf32>
        tpu.vector_store %arg7[%swap3A_476, %swap3A_477], %swap3A_480 {add = true, strides = array<i32>} : memref<128x64xf32, #tpu.memory_space<vmem>>, vector<1x16xf32>,
        %add3A_481 = arith.addi %rem3A_40, %scan3A_470 : i32
        %get3A_482 = arith.index_cast %add3A_481 : i32 to index
        %get3A_483 = arith.constant 16 : index
        %get3A_484 = tpu.vector_load %arg11[%get3A_482, %get3A_483] {strides = array<i32>} : memref<400x64xf32, #tpu.memory_space<vmem>>, vector<1x16xf32>,
        %get3A_485 = vector.shape_cast %get3A_484 : vector<1x16xf32> to vector<16xf32>
        %swap3A_486 = arith.index_cast %scan3A_470 : i32 to index
        %swap3A_487 = arith.constant 16 : index
        %swap3A_488 = tpu.vector_load %arg7[%swap3A_486, %swap3A_487] {strides = array<i32>} : memref<128x64xf32, #tpu.memory_space<vmem>>, vector<1x16xf32>,
        %swap3A_489 = vector.shape_cast %swap3A_488 : vector<1x16xf32> to vector<16xf32>
        %swap3A_490 = vector.shape_cast %get3A_485 : vector<16xf32> to vector<1x16xf32>
        tpu.vector_store %arg7[%swap3A_486, %swap3A_487], %swap3A_490 {add = true, strides = array<i32>} : memref<128x64xf32, #tpu.memory_space<vmem>>, vector<1x16xf32>,
        %add3A_491 = arith.addi %rem3A_40, %scan3A_470 : i32
        %get3A_492 = arith.index_cast %add3A_491 : i32 to index
        %get3A_493 = arith.constant 32 : index
        %get3A_494 = tpu.vector_load %arg11[%get3A_492, %get3A_493] {strides = array<i32>} : memref<400x64xf32, #tpu.memory_space<vmem>>, vector<1x16xf32>,
        %get3A_495 = vector.shape_cast %get3A_494 : vector<1x16xf32> to vector<16xf32>
        %swap3A_496 = arith.index_cast %scan3A_470 : i32 to index
        %swap3A_497 = arith.constant 32 : index
        %swap3A_498 = tpu.vector_load %arg7[%swap3A_496, %swap3A_497] {strides = array<i32>} : memref<128x64xf32, #tpu.memory_space<vmem>>, vector<1x16xf32>,
        %swap3A_499 = vector.shape_cast %swap3A_498 : vector<1x16xf32> to vector<16xf32>
        %swap3A_500 = vector.shape_cast %get3A_495 : vector<16xf32> to vector<1x16xf32>
        tpu.vector_store %arg7[%swap3A_496, %swap3A_497], %swap3A_500 {add = true, strides = array<i32>} : memref<128x64xf32, #tpu.memory_space<vmem>>, vector<1x16xf32>,
        %add3A_501 = arith.addi %rem3A_40, %scan3A_470 : i32
        %get3A_502 = arith.index_cast %add3A_501 : i32 to index
        %get3A_503 = arith.constant 48 : index
        %get3A_504 = tpu.vector_load %arg11[%get3A_502, %get3A_503] {strides = array<i32>} : memref<400x64xf32, #tpu.memory_space<vmem>>, vector<1x16xf32>,
        %get3A_505 = vector.shape_cast %get3A_504 : vector<1x16xf32> to vector<16xf32>
        %swap3A_506 = arith.index_cast %scan3A_470 : i32 to index
        %swap3A_507 = arith.constant 48 : index
        %swap3A_508 = tpu.vector_load %arg7[%swap3A_506, %swap3A_507] {strides = array<i32>} : memref<128x64xf32, #tpu.memory_space<vmem>>, vector<1x16xf32>,
        %swap3A_509 = vector.shape_cast %swap3A_508 : vector<1x16xf32> to vector<16xf32>
        %swap3A_510 = vector.shape_cast %get3A_505 : vector<16xf32> to vector<1x16xf32>
        tpu.vector_store %arg7[%swap3A_506, %swap3A_507], %swap3A_510 {add = true, strides = array<i32>} : memref<128x64xf32, #tpu.memory_space<vmem>>, vector<1x16xf32>,
        %scan3A_511 = arith.constant 8 : i32
        %scan3A_512 = arith.addi %scan3A_178, %scan3A_511 : i32
        %add3A_513 = arith.addi %rem3A_40, %scan3A_512 : i32
        %get3A_514 = arith.index_cast %add3A_513 : i32 to index
        %get3A_515 = arith.constant 0 : index
        %get3A_516 = tpu.vector_load %arg11[%get3A_514, %get3A_515] {strides = array<i32>} : memref<400x64xf32, #tpu.memory_space<vmem>>, vector<1x16xf32>,
        %get3A_517 = vector.shape_cast %get3A_516 : vector<1x16xf32> to vector<16xf32>
        %swap3A_518 = arith.index_cast %scan3A_512 : i32 to index
        %swap3A_519 = arith.constant 0 : index
        %swap3A_520 = tpu.vector_load %arg7[%swap3A_518, %swap3A_519] {strides = array<i32>} : memref<128x64xf32, #tpu.memory_space<vmem>>, vector<1x16xf32>,
        %swap3A_521 = vector.shape_cast %swap3A_520 : vector<1x16xf32> to vector<16xf32>
        %swap3A_522 = vector.shape_cast %get3A_517 : vector<16xf32> to vector<1x16xf32>
        tpu.vector_store %arg7[%swap3A_518, %swap3A_519], %swap3A_522 {add = true, strides = array<i32>} : memref<128x64xf32, #tpu.memory_space<vmem>>, vector<1x16xf32>,
        %add3A_523 = arith.addi %rem3A_40, %scan3A_512 : i32
        %get3A_524 = arith.index_cast %add3A_523 : i32 to index
        %get3A_525 = arith.constant 16 : index
        %get3A_526 = tpu.vector_load %arg11[%get3A_524, %get3A_525] {strides = array<i32>} : memref<400x64xf32, #tpu.memory_space<vmem>>, vector<1x16xf32>,
        %get3A_527 = vector.shape_cast %get3A_526 : vector<1x16xf32> to vector<16xf32>
        %swap3A_528 = arith.index_cast %scan3A_512 : i32 to index
        %swap3A_529 = arith.constant 16 : index
        %swap3A_530 = tpu.vector_load %arg7[%swap3A_528, %swap3A_529] {strides = array<i32>} : memref<128x64xf32, #tpu.memory_space<vmem>>, vector<1x16xf32>,
        %swap3A_531 = vector.shape_cast %swap3A_530 : vector<1x16xf32> to vector<16xf32>
        %swap3A_532 = vector.shape_cast %get3A_527 : vector<16xf32> to vector<1x16xf32>
        tpu.vector_store %arg7[%swap3A_528, %swap3A_529], %swap3A_532 {add = true, strides = array<i32>} : memref<128x64xf32, #tpu.memory_space<vmem>>, vector<1x16xf32>,
        %add3A_533 = arith.addi %rem3A_40, %scan3A_512 : i32
        %get3A_534 = arith.index_cast %add3A_533 : i32 to index
        %get3A_535 = arith.constant 32 : index
        %get3A_536 = tpu.vector_load %arg11[%get3A_534, %get3A_535] {strides = array<i32>} : memref<400x64xf32, #tpu.memory_space<vmem>>, vector<1x16xf32>,
        %get3A_537 = vector.shape_cast %get3A_536 : vector<1x16xf32> to vector<16xf32>
        %swap3A_538 = arith.index_cast %scan3A_512 : i32 to index
        %swap3A_539 = arith.constant 32 : index
        %swap3A_540 = tpu.vector_load %arg7[%swap3A_538, %swap3A_539] {strides = array<i32>} : memref<128x64xf32, #tpu.memory_space<vmem>>, vector<1x16xf32>,
        %swap3A_541 = vector.shape_cast %swap3A_540 : vector<1x16xf32> to vector<16xf32>
        %swap3A_542 = vector.shape_cast %get3A_537 : vector<16xf32> to vector<1x16xf32>
        tpu.vector_store %arg7[%swap3A_538, %swap3A_539], %swap3A_542 {add = true, strides = array<i32>} : memref<128x64xf32, #tpu.memory_space<vmem>>, vector<1x16xf32>,
        %add3A_543 = arith.addi %rem3A_40, %scan3A_512 : i32
        %get3A_544 = arith.index_cast %add3A_543 : i32 to index
        %get3A_545 = arith.constant 48 : index
        %get3A_546 = tpu.vector_load %arg11[%get3A_544, %get3A_545] {strides = array<i32>} : memref<400x64xf32, #tpu.memory_space<vmem>>, vector<1x16xf32>,
        %get3A_547 = vector.shape_cast %get3A_546 : vector<1x16xf32> to vector<16xf32>
        %swap3A_548 = arith.index_cast %scan3A_512 : i32 to index
        %swap3A_549 = arith.constant 48 : index
        %swap3A_550 = tpu.vector_load %arg7[%swap3A_548, %swap3A_549] {strides = array<i32>} : memref<128x64xf32, #tpu.memory_space<vmem>>, vector<1x16xf32>,
        %swap3A_551 = vector.shape_cast %swap3A_550 : vector<1x16xf32> to vector<16xf32>
        %swap3A_552 = vector.shape_cast %get3A_547 : vector<16xf32> to vector<1x16xf32>
        tpu.vector_store %arg7[%swap3A_548, %swap3A_549], %swap3A_552 {add = true, strides = array<i32>} : memref<128x64xf32, #tpu.memory_space<vmem>>, vector<1x16xf32>,
        %scan3A_553 = arith.constant 9 : i32
        %scan3A_554 = arith.addi %scan3A_178, %scan3A_553 : i32
        %add3A_555 = arith.addi %rem3A_40, %scan3A_554 : i32
        %get3A_556 = arith.index_cast %add3A_555 : i32 to index
        %get3A_557 = arith.constant 0 : index
        %get3A_558 = tpu.vector_load %arg11[%get3A_556, %get3A_557] {strides = array<i32>} : memref<400x64xf32, #tpu.memory_space<vmem>>, vector<1x16xf32>,
        %get3A_559 = vector.shape_cast %get3A_558 : vector<1x16xf32> to vector<16xf32>
        %swap3A_560 = arith.index_cast %scan3A_554 : i32 to index
        %swap3A_561 = arith.constant 0 : index
        %swap3A_562 = tpu.vector_load %arg7[%swap3A_560, %swap3A_561] {strides = array<i32>} : memref<128x64xf32, #tpu.memory_space<vmem>>, vector<1x16xf32>,
        %swap3A_563 = vector.shape_cast %swap3A_562 : vector<1x16xf32> to vector<16xf32>
        %swap3A_564 = vector.shape_cast %get3A_559 : vector<16xf32> to vector<1x16xf32>
        tpu.vector_store %arg7[%swap3A_560, %swap3A_561], %swap3A_564 {add = true, strides = array<i32>} : memref<128x64xf32, #tpu.memory_space<vmem>>, vector<1x16xf32>,
        %add3A_565 = arith.addi %rem3A_40, %scan3A_554 : i32
        %get3A_566 = arith.index_cast %add3A_565 : i32 to index
        %get3A_567 = arith.constant 16 : index
        %get3A_568 = tpu.vector_load %arg11[%get3A_566, %get3A_567] {strides = array<i32>} : memref<400x64xf32, #tpu.memory_space<vmem>>, vector<1x16xf32>,
        %get3A_569 = vector.shape_cast %get3A_568 : vector<1x16xf32> to vector<16xf32>
        %swap3A_570 = arith.index_cast %scan3A_554 : i32 to index
        %swap3A_571 = arith.constant 16 : index
        %swap3A_572 = tpu.vector_load %arg7[%swap3A_570, %swap3A_571] {strides = array<i32>} : memref<128x64xf32, #tpu.memory_space<vmem>>, vector<1x16xf32>,
        %swap3A_573 = vector.shape_cast %swap3A_572 : vector<1x16xf32> to vector<16xf32>
        %swap3A_574 = vector.shape_cast %get3A_569 : vector<16xf32> to vector<1x16xf32>
        tpu.vector_store %arg7[%swap3A_570, %swap3A_571], %swap3A_574 {add = true, strides = array<i32>} : memref<128x64xf32, #tpu.memory_space<vmem>>, vector<1x16xf32>,
        %add3A_575 = arith.addi %rem3A_40, %scan3A_554 : i32
        %get3A_576 = arith.index_cast %add3A_575 : i32 to index
        %get3A_577 = arith.constant 32 : index
        %get3A_578 = tpu.vector_load %arg11[%get3A_576, %get3A_577] {strides = array<i32>} : memref<400x64xf32, #tpu.memory_space<vmem>>, vector<1x16xf32>,
        %get3A_579 = vector.shape_cast %get3A_578 : vector<1x16xf32> to vector<16xf32>
        %swap3A_580 = arith.index_cast %scan3A_554 : i32 to index
        %swap3A_581 = arith.constant 32 : index
        %swap3A_582 = tpu.vector_load %arg7[%swap3A_580, %swap3A_581] {strides = array<i32>} : memref<128x64xf32, #tpu.memory_space<vmem>>, vector<1x16xf32>,
        %swap3A_583 = vector.shape_cast %swap3A_582 : vector<1x16xf32> to vector<16xf32>
        %swap3A_584 = vector.shape_cast %get3A_579 : vector<16xf32> to vector<1x16xf32>
        tpu.vector_store %arg7[%swap3A_580, %swap3A_581], %swap3A_584 {add = true, strides = array<i32>} : memref<128x64xf32, #tpu.memory_space<vmem>>, vector<1x16xf32>,
        %add3A_585 = arith.addi %rem3A_40, %scan3A_554 : i32
        %get3A_586 = arith.index_cast %add3A_585 : i32 to index
        %get3A_587 = arith.constant 48 : index
        %get3A_588 = tpu.vector_load %arg11[%get3A_586, %get3A_587] {strides = array<i32>} : memref<400x64xf32, #tpu.memory_space<vmem>>, vector<1x16xf32>,
        %get3A_589 = vector.shape_cast %get3A_588 : vector<1x16xf32> to vector<16xf32>
        %swap3A_590 = arith.index_cast %scan3A_554 : i32 to index
        %swap3A_591 = arith.constant 48 : index
        %swap3A_592 = tpu.vector_load %arg7[%swap3A_590, %swap3A_591] {strides = array<i32>} : memref<128x64xf32, #tpu.memory_space<vmem>>, vector<1x16xf32>,
        %swap3A_593 = vector.shape_cast %swap3A_592 : vector<1x16xf32> to vector<16xf32>
        %swap3A_594 = vector.shape_cast %get3A_589 : vector<16xf32> to vector<1x16xf32>
        tpu.vector_store %arg7[%swap3A_590, %swap3A_591], %swap3A_594 {add = true, strides = array<i32>} : memref<128x64xf32, #tpu.memory_space<vmem>>, vector<1x16xf32>,
        %scan3A_595 = arith.constant 10 : i32
        %scan3A_596 = arith.addi %scan3A_178, %scan3A_595 : i32
        %add3A_597 = arith.addi %rem3A_40, %scan3A_596 : i32
        %get3A_598 = arith.index_cast %add3A_597 : i32 to index
        %get3A_599 = arith.constant 0 : index
        %get3A_600 = tpu.vector_load %arg11[%get3A_598, %get3A_599] {strides = array<i32>} : memref<400x64xf32, #tpu.memory_space<vmem>>, vector<1x16xf32>,
        %get3A_601 = vector.shape_cast %get3A_600 : vector<1x16xf32> to vector<16xf32>
        %swap3A_602 = arith.index_cast %scan3A_596 : i32 to index
        %swap3A_603 = arith.constant 0 : index
        %swap3A_604 = tpu.vector_load %arg7[%swap3A_602, %swap3A_603] {strides = array<i32>} : memref<128x64xf32, #tpu.memory_space<vmem>>, vector<1x16xf32>,
        %swap3A_605 = vector.shape_cast %swap3A_604 : vector<1x16xf32> to vector<16xf32>
        %swap3A_606 = vector.shape_cast %get3A_601 : vector<16xf32> to vector<1x16xf32>
        tpu.vector_store %arg7[%swap3A_602, %swap3A_603], %swap3A_606 {add = true, strides = array<i32>} : memref<128x64xf32, #tpu.memory_space<vmem>>, vector<1x16xf32>,
        %add3A_607 = arith.addi %rem3A_40, %scan3A_596 : i32
        %get3A_608 = arith.index_cast %add3A_607 : i32 to index
        %get3A_609 = arith.constant 16 : index
        %get3A_610 = tpu.vector_load %arg11[%get3A_608, %get3A_609] {strides = array<i32>} : memref<400x64xf32, #tpu.memory_space<vmem>>, vector<1x16xf32>,
        %get3A_611 = vector.shape_cast %get3A_610 : vector<1x16xf32> to vector<16xf32>
        %swap3A_612 = arith.index_cast %scan3A_596 : i32 to index
        %swap3A_613 = arith.constant 16 : index
        %swap3A_614 = tpu.vector_load %arg7[%swap3A_612, %swap3A_613] {strides = array<i32>} : memref<128x64xf32, #tpu.memory_space<vmem>>, vector<1x16xf32>,
        %swap3A_615 = vector.shape_cast %swap3A_614 : vector<1x16xf32> to vector<16xf32>
        %swap3A_616 = vector.shape_cast %get3A_611 : vector<16xf32> to vector<1x16xf32>
        tpu.vector_store %arg7[%swap3A_612, %swap3A_613], %swap3A_616 {add = true, strides = array<i32>} : memref<128x64xf32, #tpu.memory_space<vmem>>, vector<1x16xf32>,
        %add3A_617 = arith.addi %rem3A_40, %scan3A_596 : i32
        %get3A_618 = arith.index_cast %add3A_617 : i32 to index
        %get3A_619 = arith.constant 32 : index
        %get3A_620 = tpu.vector_load %arg11[%get3A_618, %get3A_619] {strides = array<i32>} : memref<400x64xf32, #tpu.memory_space<vmem>>, vector<1x16xf32>,
        %get3A_621 = vector.shape_cast %get3A_620 : vector<1x16xf32> to vector<16xf32>
        %swap3A_622 = arith.index_cast %scan3A_596 : i32 to index
        %swap3A_623 = arith.constant 32 : index
        %swap3A_624 = tpu.vector_load %arg7[%swap3A_622, %swap3A_623] {strides = array<i32>} : memref<128x64xf32, #tpu.memory_space<vmem>>, vector<1x16xf32>,
        %swap3A_625 = vector.shape_cast %swap3A_624 : vector<1x16xf32> to vector<16xf32>
        %swap3A_626 = vector.shape_cast %get3A_621 : vector<16xf32> to vector<1x16xf32>
        tpu.vector_store %arg7[%swap3A_622, %swap3A_623], %swap3A_626 {add = true, strides = array<i32>} : memref<128x64xf32, #tpu.memory_space<vmem>>, vector<1x16xf32>,
        %add3A_627 = arith.addi %rem3A_40, %scan3A_596 : i32
        %get3A_628 = arith.index_cast %add3A_627 : i32 to index
        %get3A_629 = arith.constant 48 : index
        %get3A_630 = tpu.vector_load %arg11[%get3A_628, %get3A_629] {strides = array<i32>} : memref<400x64xf32, #tpu.memory_space<vmem>>, vector<1x16xf32>,
        %get3A_631 = vector.shape_cast %get3A_630 : vector<1x16xf32> to vector<16xf32>
        %swap3A_632 = arith.index_cast %scan3A_596 : i32 to index
        %swap3A_633 = arith.constant 48 : index
        %swap3A_634 = tpu.vector_load %arg7[%swap3A_632, %swap3A_633] {strides = array<i32>} : memref<128x64xf32, #tpu.memory_space<vmem>>, vector<1x16xf32>,
        %swap3A_635 = vector.shape_cast %swap3A_634 : vector<1x16xf32> to vector<16xf32>
        %swap3A_636 = vector.shape_cast %get3A_631 : vector<16xf32> to vector<1x16xf32>
        tpu.vector_store %arg7[%swap3A_632, %swap3A_633], %swap3A_636 {add = true, strides = array<i32>} : memref<128x64xf32, #tpu.memory_space<vmem>>, vector<1x16xf32>,
        %scan3A_637 = arith.constant 11 : i32
        %scan3A_638 = arith.addi %scan3A_178, %scan3A_637 : i32
        %add3A_639 = arith.addi %rem3A_40, %scan3A_638 : i32
        %get3A_640 = arith.index_cast %add3A_639 : i32 to index
        %get3A_641 = arith.constant 0 : index
        %get3A_642 = tpu.vector_load %arg11[%get3A_640, %get3A_641] {strides = array<i32>} : memref<400x64xf32, #tpu.memory_space<vmem>>, vector<1x16xf32>,
        %get3A_643 = vector.shape_cast %get3A_642 : vector<1x16xf32> to vector<16xf32>
        %swap3A_644 = arith.index_cast %scan3A_638 : i32 to index
        %swap3A_645 = arith.constant 0 : index
        %swap3A_646 = tpu.vector_load %arg7[%swap3A_644, %swap3A_645] {strides = array<i32>} : memref<128x64xf32, #tpu.memory_space<vmem>>, vector<1x16xf32>,
        %swap3A_647 = vector.shape_cast %swap3A_646 : vector<1x16xf32> to vector<16xf32>
        %swap3A_648 = vector.shape_cast %get3A_643 : vector<16xf32> to vector<1x16xf32>
        tpu.vector_store %arg7[%swap3A_644, %swap3A_645], %swap3A_648 {add = true, strides = array<i32>} : memref<128x64xf32, #tpu.memory_space<vmem>>, vector<1x16xf32>,
        %add3A_649 = arith.addi %rem3A_40, %scan3A_638 : i32
        %get3A_650 = arith.index_cast %add3A_649 : i32 to index
        %get3A_651 = arith.constant 16 : index
        %get3A_652 = tpu.vector_load %arg11[%get3A_650, %get3A_651] {strides = array<i32>} : memref<400x64xf32, #tpu.memory_space<vmem>>, vector<1x16xf32>,
        %get3A_653 = vector.shape_cast %get3A_652 : vector<1x16xf32> to vector<16xf32>
        %swap3A_654 = arith.index_cast %scan3A_638 : i32 to index
        %swap3A_655 = arith.constant 16 : index
        %swap3A_656 = tpu.vector_load %arg7[%swap3A_654, %swap3A_655] {strides = array<i32>} : memref<128x64xf32, #tpu.memory_space<vmem>>, vector<1x16xf32>,
        %swap3A_657 = vector.shape_cast %swap3A_656 : vector<1x16xf32> to vector<16xf32>
        %swap3A_658 = vector.shape_cast %get3A_653 : vector<16xf32> to vector<1x16xf32>
        tpu.vector_store %arg7[%swap3A_654, %swap3A_655], %swap3A_658 {add = true, strides = array<i32>} : memref<128x64xf32, #tpu.memory_space<vmem>>, vector<1x16xf32>,
        %add3A_659 = arith.addi %rem3A_40, %scan3A_638 : i32
        %get3A_660 = arith.index_cast %add3A_659 : i32 to index
        %get3A_661 = arith.constant 32 : index
        %get3A_662 = tpu.vector_load %arg11[%get3A_660, %get3A_661] {strides = array<i32>} : memref<400x64xf32, #tpu.memory_space<vmem>>, vector<1x16xf32>,
        %get3A_663 = vector.shape_cast %get3A_662 : vector<1x16xf32> to vector<16xf32>
        %swap3A_664 = arith.index_cast %scan3A_638 : i32 to index
        %swap3A_665 = arith.constant 32 : index
        %swap3A_666 = tpu.vector_load %arg7[%swap3A_664, %swap3A_665] {strides = array<i32>} : memref<128x64xf32, #tpu.memory_space<vmem>>, vector<1x16xf32>,
        %swap3A_667 = vector.shape_cast %swap3A_666 : vector<1x16xf32> to vector<16xf32>
        %swap3A_668 = vector.shape_cast %get3A_663 : vector<16xf32> to vector<1x16xf32>
        tpu.vector_store %arg7[%swap3A_664, %swap3A_665], %swap3A_668 {add = true, strides = array<i32>} : memref<128x64xf32, #tpu.memory_space<vmem>>, vector<1x16xf32>,
        %add3A_669 = arith.addi %rem3A_40, %scan3A_638 : i32
        %get3A_670 = arith.index_cast %add3A_669 : i32 to index
        %get3A_671 = arith.constant 48 : index
        %get3A_672 = tpu.vector_load %arg11[%get3A_670, %get3A_671] {strides = array<i32>} : memref<400x64xf32, #tpu.memory_space<vmem>>, vector<1x16xf32>,
        %get3A_673 = vector.shape_cast %get3A_672 : vector<1x16xf32> to vector<16xf32>
        %swap3A_674 = arith.index_cast %scan3A_638 : i32 to index
        %swap3A_675 = arith.constant 48 : index
        %swap3A_676 = tpu.vector_load %arg7[%swap3A_674, %swap3A_675] {strides = array<i32>} : memref<128x64xf32, #tpu.memory_space<vmem>>, vector<1x16xf32>,
        %swap3A_677 = vector.shape_cast %swap3A_676 : vector<1x16xf32> to vector<16xf32>
        %swap3A_678 = vector.shape_cast %get3A_673 : vector<16xf32> to vector<1x16xf32>
        tpu.vector_store %arg7[%swap3A_674, %swap3A_675], %swap3A_678 {add = true, strides = array<i32>} : memref<128x64xf32, #tpu.memory_space<vmem>>, vector<1x16xf32>,
        %scan3A_679 = arith.constant 12 : i32
        %scan3A_680 = arith.addi %scan3A_178, %scan3A_679 : i32
        %add3A_681 = arith.addi %rem3A_40, %scan3A_680 : i32
        %get3A_682 = arith.index_cast %add3A_681 : i32 to index
        %get3A_683 = arith.constant 0 : index
        %get3A_684 = tpu.vector_load %arg11[%get3A_682, %get3A_683] {strides = array<i32>} : memref<400x64xf32, #tpu.memory_space<vmem>>, vector<1x16xf32>,
        %get3A_685 = vector.shape_cast %get3A_684 : vector<1x16xf32> to vector<16xf32>
        %swap3A_686 = arith.index_cast %scan3A_680 : i32 to index
        %swap3A_687 = arith.constant 0 : index
        %swap3A_688 = tpu.vector_load %arg7[%swap3A_686, %swap3A_687] {strides = array<i32>} : memref<128x64xf32, #tpu.memory_space<vmem>>, vector<1x16xf32>,
        %swap3A_689 = vector.shape_cast %swap3A_688 : vector<1x16xf32> to vector<16xf32>
        %swap3A_690 = vector.shape_cast %get3A_685 : vector<16xf32> to vector<1x16xf32>
        tpu.vector_store %arg7[%swap3A_686, %swap3A_687], %swap3A_690 {add = true, strides = array<i32>} : memref<128x64xf32, #tpu.memory_space<vmem>>, vector<1x16xf32>,
        %add3A_691 = arith.addi %rem3A_40, %scan3A_680 : i32
        %get3A_692 = arith.index_cast %add3A_691 : i32 to index
        %get3A_693 = arith.constant 16 : index
        %get3A_694 = tpu.vector_load %arg11[%get3A_692, %get3A_693] {strides = array<i32>} : memref<400x64xf32, #tpu.memory_space<vmem>>, vector<1x16xf32>,
        %get3A_695 = vector.shape_cast %get3A_694 : vector<1x16xf32> to vector<16xf32>
        %swap3A_696 = arith.index_cast %scan3A_680 : i32 to index
        %swap3A_697 = arith.constant 16 : index
        %swap3A_698 = tpu.vector_load %arg7[%swap3A_696, %swap3A_697] {strides = array<i32>} : memref<128x64xf32, #tpu.memory_space<vmem>>, vector<1x16xf32>,
        %swap3A_699 = vector.shape_cast %swap3A_698 : vector<1x16xf32> to vector<16xf32>
        %swap3A_700 = vector.shape_cast %get3A_695 : vector<16xf32> to vector<1x16xf32>
        tpu.vector_store %arg7[%swap3A_696, %swap3A_697], %swap3A_700 {add = true, strides = array<i32>} : memref<128x64xf32, #tpu.memory_space<vmem>>, vector<1x16xf32>,
        %add3A_701 = arith.addi %rem3A_40, %scan3A_680 : i32
        %get3A_702 = arith.index_cast %add3A_701 : i32 to index
        %get3A_703 = arith.constant 32 : index
        %get3A_704 = tpu.vector_load %arg11[%get3A_702, %get3A_703] {strides = array<i32>} : memref<400x64xf32, #tpu.memory_space<vmem>>, vector<1x16xf32>,
        %get3A_705 = vector.shape_cast %get3A_704 : vector<1x16xf32> to vector<16xf32>
        %swap3A_706 = arith.index_cast %scan3A_680 : i32 to index
        %swap3A_707 = arith.constant 32 : index
        %swap3A_708 = tpu.vector_load %arg7[%swap3A_706, %swap3A_707] {strides = array<i32>} : memref<128x64xf32, #tpu.memory_space<vmem>>, vector<1x16xf32>,
        %swap3A_709 = vector.shape_cast %swap3A_708 : vector<1x16xf32> to vector<16xf32>
        %swap3A_710 = vector.shape_cast %get3A_705 : vector<16xf32> to vector<1x16xf32>
        tpu.vector_store %arg7[%swap3A_706, %swap3A_707], %swap3A_710 {add = true, strides = array<i32>} : memref<128x64xf32, #tpu.memory_space<vmem>>, vector<1x16xf32>,
        %add3A_711 = arith.addi %rem3A_40, %scan3A_680 : i32
        %get3A_712 = arith.index_cast %add3A_711 : i32 to index
        %get3A_713 = arith.constant 48 : index
        %get3A_714 = tpu.vector_load %arg11[%get3A_712, %get3A_713] {strides = array<i32>} : memref<400x64xf32, #tpu.memory_space<vmem>>, vector<1x16xf32>,
        %get3A_715 = vector.shape_cast %get3A_714 : vector<1x16xf32> to vector<16xf32>
        %swap3A_716 = arith.index_cast %scan3A_680 : i32 to index
        %swap3A_717 = arith.constant 48 : index
        %swap3A_718 = tpu.vector_load %arg7[%swap3A_716, %swap3A_717] {strides = array<i32>} : memref<128x64xf32, #tpu.memory_space<vmem>>, vector<1x16xf32>,
        %swap3A_719 = vector.shape_cast %swap3A_718 : vector<1x16xf32> to vector<16xf32>
        %swap3A_720 = vector.shape_cast %get3A_715 : vector<16xf32> to vector<1x16xf32>
        tpu.vector_store %arg7[%swap3A_716, %swap3A_717], %swap3A_720 {add = true, strides = array<i32>} : memref<128x64xf32, #tpu.memory_space<vmem>>, vector<1x16xf32>,
        %scan3A_721 = arith.constant 13 : i32
        %scan3A_722 = arith.addi %scan3A_178, %scan3A_721 : i32
        %add3A_723 = arith.addi %rem3A_40, %scan3A_722 : i32
        %get3A_724 = arith.index_cast %add3A_723 : i32 to index
        %get3A_725 = arith.constant 0 : index
        %get3A_726 = tpu.vector_load %arg11[%get3A_724, %get3A_725] {strides = array<i32>} : memref<400x64xf32, #tpu.memory_space<vmem>>, vector<1x16xf32>,
        %get3A_727 = vector.shape_cast %get3A_726 : vector<1x16xf32> to vector<16xf32>
        %swap3A_728 = arith.index_cast %scan3A_722 : i32 to index
        %swap3A_729 = arith.constant 0 : index
        %swap3A_730 = tpu.vector_load %arg7[%swap3A_728, %swap3A_729] {strides = array<i32>} : memref<128x64xf32, #tpu.memory_space<vmem>>, vector<1x16xf32>,
        %swap3A_731 = vector.shape_cast %swap3A_730 : vector<1x16xf32> to vector<16xf32>
        %swap3A_732 = vector.shape_cast %get3A_727 : vector<16xf32> to vector<1x16xf32>
        tpu.vector_store %arg7[%swap3A_728, %swap3A_729], %swap3A_732 {add = true, strides = array<i32>} : memref<128x64xf32, #tpu.memory_space<vmem>>, vector<1x16xf32>,
        %add3A_733 = arith.addi %rem3A_40, %scan3A_722 : i32
        %get3A_734 = arith.index_cast %add3A_733 : i32 to index
        %get3A_735 = arith.constant 16 : index
        %get3A_736 = tpu.vector_load %arg11[%get3A_734, %get3A_735] {strides = array<i32>} : memref<400x64xf32, #tpu.memory_space<vmem>>, vector<1x16xf32>,
        %get3A_737 = vector.shape_cast %get3A_736 : vector<1x16xf32> to vector<16xf32>
        %swap3A_738 = arith.index_cast %scan3A_722 : i32 to index
        %swap3A_739 = arith.constant 16 : index
        %swap3A_740 = tpu.vector_load %arg7[%swap3A_738, %swap3A_739] {strides = array<i32>} : memref<128x64xf32, #tpu.memory_space<vmem>>, vector<1x16xf32>,
        %swap3A_741 = vector.shape_cast %swap3A_740 : vector<1x16xf32> to vector<16xf32>
        %swap3A_742 = vector.shape_cast %get3A_737 : vector<16xf32> to vector<1x16xf32>
        tpu.vector_store %arg7[%swap3A_738, %swap3A_739], %swap3A_742 {add = true, strides = array<i32>} : memref<128x64xf32, #tpu.memory_space<vmem>>, vector<1x16xf32>,
        %add3A_743 = arith.addi %rem3A_40, %scan3A_722 : i32
        %get3A_744 = arith.index_cast %add3A_743 : i32 to index
        %get3A_745 = arith.constant 32 : index
        %get3A_746 = tpu.vector_load %arg11[%get3A_744, %get3A_745] {strides = array<i32>} : memref<400x64xf32, #tpu.memory_space<vmem>>, vector<1x16xf32>,
        %get3A_747 = vector.shape_cast %get3A_746 : vector<1x16xf32> to vector<16xf32>
        %swap3A_748 = arith.index_cast %scan3A_722 : i32 to index
        %swap3A_749 = arith.constant 32 : index
        %swap3A_750 = tpu.vector_load %arg7[%swap3A_748, %swap3A_749] {strides = array<i32>} : memref<128x64xf32, #tpu.memory_space<vmem>>, vector<1x16xf32>,
        %swap3A_751 = vector.shape_cast %swap3A_750 : vector<1x16xf32> to vector<16xf32>
        %swap3A_752 = vector.shape_cast %get3A_747 : vector<16xf32> to vector<1x16xf32>
        tpu.vector_store %arg7[%swap3A_748, %swap3A_749], %swap3A_752 {add = true, strides = array<i32>} : memref<128x64xf32, #tpu.memory_space<vmem>>, vector<1x16xf32>,
        %add3A_753 = arith.addi %rem3A_40, %scan3A_722 : i32
        %get3A_754 = arith.index_cast %add3A_753 : i32 to index
        %get3A_755 = arith.constant 48 : index
        %get3A_756 = tpu.vector_load %arg11[%get3A_754, %get3A_755] {strides = array<i32>} : memref<400x64xf32, #tpu.memory_space<vmem>>, vector<1x16xf32>,
        %get3A_757 = vector.shape_cast %get3A_756 : vector<1x16xf32> to vector<16xf32>
        %swap3A_758 = arith.index_cast %scan3A_722 : i32 to index
        %swap3A_759 = arith.constant 48 : index
        %swap3A_760 = tpu.vector_load %arg7[%swap3A_758, %swap3A_759] {strides = array<i32>} : memref<128x64xf32, #tpu.memory_space<vmem>>, vector<1x16xf32>,
        %swap3A_761 = vector.shape_cast %swap3A_760 : vector<1x16xf32> to vector<16xf32>
        %swap3A_762 = vector.shape_cast %get3A_757 : vector<16xf32> to vector<1x16xf32>
        tpu.vector_store %arg7[%swap3A_758, %swap3A_759], %swap3A_762 {add = true, strides = array<i32>} : memref<128x64xf32, #tpu.memory_space<vmem>>, vector<1x16xf32>,
        %scan3A_763 = arith.constant 14 : i32
        %scan3A_764 = arith.addi %scan3A_178, %scan3A_763 : i32
        %add3A_765 = arith.addi %rem3A_40, %scan3A_764 : i32
        %get3A_766 = arith.index_cast %add3A_765 : i32 to index
        %get3A_767 = arith.constant 0 : index
        %get3A_768 = tpu.vector_load %arg11[%get3A_766, %get3A_767] {strides = array<i32>} : memref<400x64xf32, #tpu.memory_space<vmem>>, vector<1x16xf32>,
        %get3A_769 = vector.shape_cast %get3A_768 : vector<1x16xf32> to vector<16xf32>
        %swap3A_770 = arith.index_cast %scan3A_764 : i32 to index
        %swap3A_771 = arith.constant 0 : index
        %swap3A_772 = tpu.vector_load %arg7[%swap3A_770, %swap3A_771] {strides = array<i32>} : memref<128x64xf32, #tpu.memory_space<vmem>>, vector<1x16xf32>,
        %swap3A_773 = vector.shape_cast %swap3A_772 : vector<1x16xf32> to vector<16xf32>
        %swap3A_774 = vector.shape_cast %get3A_769 : vector<16xf32> to vector<1x16xf32>
        tpu.vector_store %arg7[%swap3A_770, %swap3A_771], %swap3A_774 {add = true, strides = array<i32>} : memref<128x64xf32, #tpu.memory_space<vmem>>, vector<1x16xf32>,
        %add3A_775 = arith.addi %rem3A_40, %scan3A_764 : i32
        %get3A_776 = arith.index_cast %add3A_775 : i32 to index
        %get3A_777 = arith.constant 16 : index
        %get3A_778 = tpu.vector_load %arg11[%get3A_776, %get3A_777] {strides = array<i32>} : memref<400x64xf32, #tpu.memory_space<vmem>>, vector<1x16xf32>,
        %get3A_779 = vector.shape_cast %get3A_778 : vector<1x16xf32> to vector<16xf32>
        %swap3A_780 = arith.index_cast %scan3A_764 : i32 to index
        %swap3A_781 = arith.constant 16 : index
        %swap3A_782 = tpu.vector_load %arg7[%swap3A_780, %swap3A_781] {strides = array<i32>} : memref<128x64xf32, #tpu.memory_space<vmem>>, vector<1x16xf32>,
        %swap3A_783 = vector.shape_cast %swap3A_782 : vector<1x16xf32> to vector<16xf32>
        %swap3A_784 = vector.shape_cast %get3A_779 : vector<16xf32> to vector<1x16xf32>
        tpu.vector_store %arg7[%swap3A_780, %swap3A_781], %swap3A_784 {add = true, strides = array<i32>} : memref<128x64xf32, #tpu.memory_space<vmem>>, vector<1x16xf32>,
        %add3A_785 = arith.addi %rem3A_40, %scan3A_764 : i32
        %get3A_786 = arith.index_cast %add3A_785 : i32 to index
        %get3A_787 = arith.constant 32 : index
        %get3A_788 = tpu.vector_load %arg11[%get3A_786, %get3A_787] {strides = array<i32>} : memref<400x64xf32, #tpu.memory_space<vmem>>, vector<1x16xf32>,
        %get3A_789 = vector.shape_cast %get3A_788 : vector<1x16xf32> to vector<16xf32>
        %swap3A_790 = arith.index_cast %scan3A_764 : i32 to index
        %swap3A_791 = arith.constant 32 : index
        %swap3A_792 = tpu.vector_load %arg7[%swap3A_790, %swap3A_791] {strides = array<i32>} : memref<128x64xf32, #tpu.memory_space<vmem>>, vector<1x16xf32>,
        %swap3A_793 = vector.shape_cast %swap3A_792 : vector<1x16xf32> to vector<16xf32>
        %swap3A_794 = vector.shape_cast %get3A_789 : vector<16xf32> to vector<1x16xf32>
        tpu.vector_store %arg7[%swap3A_790, %swap3A_791], %swap3A_794 {add = true, strides = array<i32>} : memref<128x64xf32, #tpu.memory_space<vmem>>, vector<1x16xf32>,
        %add3A_795 = arith.addi %rem3A_40, %scan3A_764 : i32
        %get3A_796 = arith.index_cast %add3A_795 : i32 to index
        %get3A_797 = arith.constant 48 : index
        %get3A_798 = tpu.vector_load %arg11[%get3A_796, %get3A_797] {strides = array<i32>} : memref<400x64xf32, #tpu.memory_space<vmem>>, vector<1x16xf32>,
        %get3A_799 = vector.shape_cast %get3A_798 : vector<1x16xf32> to vector<16xf32>
        %swap3A_800 = arith.index_cast %scan3A_764 : i32 to index
        %swap3A_801 = arith.constant 48 : index
        %swap3A_802 = tpu.vector_load %arg7[%swap3A_800, %swap3A_801] {strides = array<i32>} : memref<128x64xf32, #tpu.memory_space<vmem>>, vector<1x16xf32>,
        %swap3A_803 = vector.shape_cast %swap3A_802 : vector<1x16xf32> to vector<16xf32>
        %swap3A_804 = vector.shape_cast %get3A_799 : vector<16xf32> to vector<1x16xf32>
        tpu.vector_store %arg7[%swap3A_800, %swap3A_801], %swap3A_804 {add = true, strides = array<i32>} : memref<128x64xf32, #tpu.memory_space<vmem>>, vector<1x16xf32>,
        %scan3A_805 = arith.constant 15 : i32
        %scan3A_806 = arith.addi %scan3A_178, %scan3A_805 : i32
        %add3A_807 = arith.addi %rem3A_40, %scan3A_806 : i32
        %get3A_808 = arith.index_cast %add3A_807 : i32 to index
        %get3A_809 = arith.constant 0 : index
        %get3A_810 = tpu.vector_load %arg11[%get3A_808, %get3A_809] {strides = array<i32>} : memref<400x64xf32, #tpu.memory_space<vmem>>, vector<1x16xf32>,
        %get3A_811 = vector.shape_cast %get3A_810 : vector<1x16xf32> to vector<16xf32>
        %swap3A_812 = arith.index_cast %scan3A_806 : i32 to index
        %swap3A_813 = arith.constant 0 : index
        %swap3A_814 = tpu.vector_load %arg7[%swap3A_812, %swap3A_813] {strides = array<i32>} : memref<128x64xf32, #tpu.memory_space<vmem>>, vector<1x16xf32>,
        %swap3A_815 = vector.shape_cast %swap3A_814 : vector<1x16xf32> to vector<16xf32>
        %swap3A_816 = vector.shape_cast %get3A_811 : vector<16xf32> to vector<1x16xf32>
        tpu.vector_store %arg7[%swap3A_812, %swap3A_813], %swap3A_816 {add = true, strides = array<i32>} : memref<128x64xf32, #tpu.memory_space<vmem>>, vector<1x16xf32>,
        %add3A_817 = arith.addi %rem3A_40, %scan3A_806 : i32
        %get3A_818 = arith.index_cast %add3A_817 : i32 to index
        %get3A_819 = arith.constant 16 : index
        %get3A_820 = tpu.vector_load %arg11[%get3A_818, %get3A_819] {strides = array<i32>} : memref<400x64xf32, #tpu.memory_space<vmem>>, vector<1x16xf32>,
        %get3A_821 = vector.shape_cast %get3A_820 : vector<1x16xf32> to vector<16xf32>
        %swap3A_822 = arith.index_cast %scan3A_806 : i32 to index
        %swap3A_823 = arith.constant 16 : index
        %swap3A_824 = tpu.vector_load %arg7[%swap3A_822, %swap3A_823] {strides = array<i32>} : memref<128x64xf32, #tpu.memory_space<vmem>>, vector<1x16xf32>,
        %swap3A_825 = vector.shape_cast %swap3A_824 : vector<1x16xf32> to vector<16xf32>
        %swap3A_826 = vector.shape_cast %get3A_821 : vector<16xf32> to vector<1x16xf32>
        tpu.vector_store %arg7[%swap3A_822, %swap3A_823], %swap3A_826 {add = true, strides = array<i32>} : memref<128x64xf32, #tpu.memory_space<vmem>>, vector<1x16xf32>,
        %add3A_827 = arith.addi %rem3A_40, %scan3A_806 : i32
        %get3A_828 = arith.index_cast %add3A_827 : i32 to index
        %get3A_829 = arith.constant 32 : index
        %get3A_830 = tpu.vector_load %arg11[%get3A_828, %get3A_829] {strides = array<i32>} : memref<400x64xf32, #tpu.memory_space<vmem>>, vector<1x16xf32>,
        %get3A_831 = vector.shape_cast %get3A_830 : vector<1x16xf32> to vector<16xf32>
        %swap3A_832 = arith.index_cast %scan3A_806 : i32 to index
        %swap3A_833 = arith.constant 32 : index
        %swap3A_834 = tpu.vector_load %arg7[%swap3A_832, %swap3A_833] {strides = array<i32>} : memref<128x64xf32, #tpu.memory_space<vmem>>, vector<1x16xf32>,
        %swap3A_835 = vector.shape_cast %swap3A_834 : vector<1x16xf32> to vector<16xf32>
        %swap3A_836 = vector.shape_cast %get3A_831 : vector<16xf32> to vector<1x16xf32>
        tpu.vector_store %arg7[%swap3A_832, %swap3A_833], %swap3A_836 {add = true, strides = array<i32>} : memref<128x64xf32, #tpu.memory_space<vmem>>, vector<1x16xf32>,
        %add3A_837 = arith.addi %rem3A_40, %scan3A_806 : i32
        %get3A_838 = arith.index_cast %add3A_837 : i32 to index
        %get3A_839 = arith.constant 48 : index
        %get3A_840 = tpu.vector_load %arg11[%get3A_838, %get3A_839] {strides = array<i32>} : memref<400x64xf32, #tpu.memory_space<vmem>>, vector<1x16xf32>,
        %get3A_841 = vector.shape_cast %get3A_840 : vector<1x16xf32> to vector<16xf32>
        %swap3A_842 = arith.index_cast %scan3A_806 : i32 to index
        %swap3A_843 = arith.constant 48 : index
        %swap3A_844 = tpu.vector_load %arg7[%swap3A_842, %swap3A_843] {strides = array<i32>} : memref<128x64xf32, #tpu.memory_space<vmem>>, vector<1x16xf32>,
        %swap3A_845 = vector.shape_cast %swap3A_844 : vector<1x16xf32> to vector<16xf32>
        %swap3A_846 = vector.shape_cast %get3A_841 : vector<16xf32> to vector<1x16xf32>
        tpu.vector_store %arg7[%swap3A_842, %swap3A_843], %swap3A_846 {add = true, strides = array<i32>} : memref<128x64xf32, #tpu.memory_space<vmem>>, vector<1x16xf32>,
      }
      %scan3A_46 = arith.constant 128 : i32
      %ge3A = arith.constant 1 : i32
      %ge3A_47 = arith.cmpi sge, %scan3A_27, %ge3A : i32
      %convert_element_type3A = arith.extui %ge3A_47 : i1 to i32
      %cond3A = arith.constant 0 : i32
      %cond3A_48 = arith.cmpi ne, %convert_element_type3A, %cond3A : i32
      scf.if %cond3A_48 {
        %dma_wait3A_178 = arith.constant 0 : i32
        %dma_wait3A_179 = arith.constant 0 : i32
        %dma_wait3A_180 = tpu.memref_slice %arg5[%dma_wait3A_178, %dma_wait3A_179] : memref<819200x64xf32, #tpu.memory_space<hbm>> -> memref<128x64xf32, #tpu.memory_space<hbm>>
        %dma_wait3A_181 = arith.constant 0 : i32
        %dma_wait3A_182 = arith.constant 0 : i32
        %dma_wait3A_183 = tpu.memref_slice %arg5[%dma_wait3A_181, %dma_wait3A_182] : memref<819200x64xf32, #tpu.memory_space<hbm>> -> memref<128x64xf32, #tpu.memory_space<hbm>>
        tpu.wait_dma2 semaphore(%arg19 : memref<!tpu.dma_semaphore, #tpu.memory_space<semaphore_mem>>) src(%arg10 : memref<128x64xf32, #tpu.memory_space<vmem>>) dst(%dma_wait3A_183 : memref<128x64xf32, #tpu.memory_space<hbm>>)
      } else {
      }
      %add3A_49 = arith.constant 4 : i32
      %add3A_50 = arith.addi %add3A_31, %add3A_49 : i32
      %sub3A = arith.constant 1 : i32
      %sub3A_51 = arith.subi %add3A_50, %sub3A : i32
      %mul3A_52 = arith.constant 128 : i32
      %mul3A_53 = arith.muli %sub3A_51, %mul3A_52 : i32
      %dma_start3A_54 = tpu.memref_slice %arg6[%mul3A_53] : memref<25600xi32, #tpu.memory_space<vmem>> -> memref<128xi32, #tpu.memory_space<vmem>>
      %dma_start3A_55 = arith.constant 0 : i32
      %dma_start3A_56 = arith.constant 0 : i32
      %dma_start3A_57 = tpu.memref_slice %arg3[%dma_start3A_55, %dma_start3A_56] : memref<1000000x64xf32, #tpu.memory_space<hbm>> -> memref<1000000x64xf32, #tpu.memory_space<hbm>>
      tpu.enqueue_indirect_dma source(%dma_start3A_57 : memref<1000000x64xf32, #tpu.memory_space<hbm>>) target(%arg10 : memref<128x64xf32, #tpu.memory_space<vmem>>) offsets(%dma_start3A_54 : memref<128xi32, #tpu.memory_space<vmem>>) semaphore(%arg15 : memref<!tpu.dma_semaphore, #tpu.memory_space<semaphore_mem>>)
      %mul3A_58 = arith.constant 128 : i32
      %mul3A_59 = arith.muli %add3A_31, %mul3A_58 : i32
      %add3A_60 = arith.addi %mul3A_2, %mul3A_59 : i32
      %dma_start3A_61 = arith.constant 0 : i32
      %dma_start3A_62 = tpu.memref_slice %arg5[%add3A_60, %dma_start3A_61] : memref<819200x64xf32, #tpu.memory_space<hbm>> -> memref<128x64xf32, #tpu.memory_space<hbm>>
      %dma_start3A_63 = arith.constant 0 : i32
      %dma_start3A_64 = tpu.memref_slice %arg5[%add3A_60, %dma_start3A_63] : memref<819200x64xf32, #tpu.memory_space<hbm>> -> memref<128x64xf32, #tpu.memory_space<hbm>>
      tpu.enqueue_dma source(%arg7 : memref<128x64xf32, #tpu.memory_space<vmem>>) target(%dma_start3A_64 : memref<128x64xf32, #tpu.memory_space<hbm>>) target_semaphore(%arg16 : memref<!tpu.dma_semaphore, #tpu.memory_space<semaphore_mem>>)
      %mul3A_65 = arith.constant 4 : i32
      %mul3A_66 = arith.muli %scan3A_27, %mul3A_65 : i32
      %add3A_67 = arith.constant 1 : i32
      %add3A_68 = arith.addi %mul3A_66, %add3A_67 : i32
      %dma_wait3A_69 = arith.constant 0 : i32
      %dma_wait3A_70 = arith.constant 0 : i32
      %dma_wait3A_71 = tpu.memref_slice %arg5[%dma_wait3A_69, %dma_wait3A_70] : memref<819200x64xf32, #tpu.memory_space<hbm>> -> memref<128x64xf32, #tpu.memory_space<hbm>>
      %dma_wait3A_72 = arith.constant 0 : i32
      %dma_wait3A_73 = arith.constant 0 : i32
      %dma_wait3A_74 = tpu.memref_slice %arg5[%dma_wait3A_72, %dma_wait3A_73] : memref<819200x64xf32, #tpu.memory_space<hbm>> -> memref<128x64xf32, #tpu.memory_space<hbm>>
      tpu.wait_dma2 semaphore(%arg13 : memref<!tpu.dma_semaphore, #tpu.memory_space<semaphore_mem>>) src(%dma_wait3A_74 : memref<128x64xf32, #tpu.memory_space<hbm>>) dst(%arg8 : memref<128x64xf32, #tpu.memory_space<vmem>>)
      %mul3A_75 = arith.constant 128 : i32
      %mul3A_76 = arith.muli %add3A_68, %mul3A_75 : i32
      %rem3A_77 = arith.constant 200 : i32
      %rem3A_78 = arith.remsi %mul3A_76, %rem3A_77 : i32
      %scan3A_79 = arith.constant 0 : i32
      %scan3A_80 = arith.constant 0 : i32
      %scan3A_81 = arith.constant 128 : i32
      %scan3A_82 = arith.addi %scan3A_80, %scan3A_81 : i32
      %scan3A_83 = arith.constant 16 : i32
      scf.for %scan3A_178 = %scan3A_80 to %scan3A_82 step %scan3A_83  : i32 {
        %add3A_179 = arith.addi %rem3A_78, %scan3A_178 : i32
        %get3A = arith.index_cast %add3A_179 : i32 to index
        %get3A_180 = arith.constant 0 : index
        %get3A_181 = tpu.vector_load %arg11[%get3A, %get3A_180] {strides = array<i32>} : memref<400x64xf32, #tpu.memory_space<vmem>>, vector<1x16xf32>,
        %get3A_182 = vector.shape_cast %get3A_181 : vector<1x16xf32> to vector<16xf32>
        %swap3A = arith.index_cast %scan3A_178 : i32 to index
        %swap3A_183 = arith.constant 0 : index
        %swap3A_184 = tpu.vector_load %arg8[%swap3A, %swap3A_183] {strides = array<i32>} : memref<128x64xf32, #tpu.memory_space<vmem>>, vector<1x16xf32>,
        %swap3A_185 = vector.shape_cast %swap3A_184 : vector<1x16xf32> to vector<16xf32>
        %swap3A_186 = vector.shape_cast %get3A_182 : vector<16xf32> to vector<1x16xf32>
        tpu.vector_store %arg8[%swap3A, %swap3A_183], %swap3A_186 {add = true, strides = array<i32>} : memref<128x64xf32, #tpu.memory_space<vmem>>, vector<1x16xf32>,
        %add3A_187 = arith.addi %rem3A_78, %scan3A_178 : i32
        %get3A_188 = arith.index_cast %add3A_187 : i32 to index
        %get3A_189 = arith.constant 16 : index
        %get3A_190 = tpu.vector_load %arg11[%get3A_188, %get3A_189] {strides = array<i32>} : memref<400x64xf32, #tpu.memory_space<vmem>>, vector<1x16xf32>,
        %get3A_191 = vector.shape_cast %get3A_190 : vector<1x16xf32> to vector<16xf32>
        %swap3A_192 = arith.index_cast %scan3A_178 : i32 to index
        %swap3A_193 = arith.constant 16 : index
        %swap3A_194 = tpu.vector_load %arg8[%swap3A_192, %swap3A_193] {strides = array<i32>} : memref<128x64xf32, #tpu.memory_space<vmem>>, vector<1x16xf32>,
        %swap3A_195 = vector.shape_cast %swap3A_194 : vector<1x16xf32> to vector<16xf32>
        %swap3A_196 = vector.shape_cast %get3A_191 : vector<16xf32> to vector<1x16xf32>
        tpu.vector_store %arg8[%swap3A_192, %swap3A_193], %swap3A_196 {add = true, strides = array<i32>} : memref<128x64xf32, #tpu.memory_space<vmem>>, vector<1x16xf32>,
        %add3A_197 = arith.addi %rem3A_78, %scan3A_178 : i32
        %get3A_198 = arith.index_cast %add3A_197 : i32 to index
        %get3A_199 = arith.constant 32 : index
        %get3A_200 = tpu.vector_load %arg11[%get3A_198, %get3A_199] {strides = array<i32>} : memref<400x64xf32, #tpu.memory_space<vmem>>, vector<1x16xf32>,
        %get3A_201 = vector.shape_cast %get3A_200 : vector<1x16xf32> to vector<16xf32>
        %swap3A_202 = arith.index_cast %scan3A_178 : i32 to index
        %swap3A_203 = arith.constant 32 : index
        %swap3A_204 = tpu.vector_load %arg8[%swap3A_202, %swap3A_203] {strides = array<i32>} : memref<128x64xf32, #tpu.memory_space<vmem>>, vector<1x16xf32>,
        %swap3A_205 = vector.shape_cast %swap3A_204 : vector<1x16xf32> to vector<16xf32>
        %swap3A_206 = vector.shape_cast %get3A_201 : vector<16xf32> to vector<1x16xf32>
        tpu.vector_store %arg8[%swap3A_202, %swap3A_203], %swap3A_206 {add = true, strides = array<i32>} : memref<128x64xf32, #tpu.memory_space<vmem>>, vector<1x16xf32>,
        %add3A_207 = arith.addi %rem3A_78, %scan3A_178 : i32
        %get3A_208 = arith.index_cast %add3A_207 : i32 to index
        %get3A_209 = arith.constant 48 : index
        %get3A_210 = tpu.vector_load %arg11[%get3A_208, %get3A_209] {strides = array<i32>} : memref<400x64xf32, #tpu.memory_space<vmem>>, vector<1x16xf32>,
        %get3A_211 = vector.shape_cast %get3A_210 : vector<1x16xf32> to vector<16xf32>
        %swap3A_212 = arith.index_cast %scan3A_178 : i32 to index
        %swap3A_213 = arith.constant 48 : index
        %swap3A_214 = tpu.vector_load %arg8[%swap3A_212, %swap3A_213] {strides = array<i32>} : memref<128x64xf32, #tpu.memory_space<vmem>>, vector<1x16xf32>,
        %swap3A_215 = vector.shape_cast %swap3A_214 : vector<1x16xf32> to vector<16xf32>
        %swap3A_216 = vector.shape_cast %get3A_211 : vector<16xf32> to vector<1x16xf32>
        tpu.vector_store %arg8[%swap3A_212, %swap3A_213], %swap3A_216 {add = true, strides = array<i32>} : memref<128x64xf32, #tpu.memory_space<vmem>>, vector<1x16xf32>,
        %scan3A_217 = arith.constant 1 : i32
        %scan3A_218 = arith.addi %scan3A_178, %scan3A_217 : i32
        %add3A_219 = arith.addi %rem3A_78, %scan3A_218 : i32
        %get3A_220 = arith.index_cast %add3A_219 : i32 to index
        %get3A_221 = arith.constant 0 : index
        %get3A_222 = tpu.vector_load %arg11[%get3A_220, %get3A_221] {strides = array<i32>} : memref<400x64xf32, #tpu.memory_space<vmem>>, vector<1x16xf32>,
        %get3A_223 = vector.shape_cast %get3A_222 : vector<1x16xf32> to vector<16xf32>
        %swap3A_224 = arith.index_cast %scan3A_218 : i32 to index
        %swap3A_225 = arith.constant 0 : index
        %swap3A_226 = tpu.vector_load %arg8[%swap3A_224, %swap3A_225] {strides = array<i32>} : memref<128x64xf32, #tpu.memory_space<vmem>>, vector<1x16xf32>,
        %swap3A_227 = vector.shape_cast %swap3A_226 : vector<1x16xf32> to vector<16xf32>
        %swap3A_228 = vector.shape_cast %get3A_223 : vector<16xf32> to vector<1x16xf32>
        tpu.vector_store %arg8[%swap3A_224, %swap3A_225], %swap3A_228 {add = true, strides = array<i32>} : memref<128x64xf32, #tpu.memory_space<vmem>>, vector<1x16xf32>,
        %add3A_229 = arith.addi %rem3A_78, %scan3A_218 : i32
        %get3A_230 = arith.index_cast %add3A_229 : i32 to index
        %get3A_231 = arith.constant 16 : index
        %get3A_232 = tpu.vector_load %arg11[%get3A_230, %get3A_231] {strides = array<i32>} : memref<400x64xf32, #tpu.memory_space<vmem>>, vector<1x16xf32>,
        %get3A_233 = vector.shape_cast %get3A_232 : vector<1x16xf32> to vector<16xf32>
        %swap3A_234 = arith.index_cast %scan3A_218 : i32 to index
        %swap3A_235 = arith.constant 16 : index
        %swap3A_236 = tpu.vector_load %arg8[%swap3A_234, %swap3A_235] {strides = array<i32>} : memref<128x64xf32, #tpu.memory_space<vmem>>, vector<1x16xf32>,
        %swap3A_237 = vector.shape_cast %swap3A_236 : vector<1x16xf32> to vector<16xf32>
        %swap3A_238 = vector.shape_cast %get3A_233 : vector<16xf32> to vector<1x16xf32>
        tpu.vector_store %arg8[%swap3A_234, %swap3A_235], %swap3A_238 {add = true, strides = array<i32>} : memref<128x64xf32, #tpu.memory_space<vmem>>, vector<1x16xf32>,
        %add3A_239 = arith.addi %rem3A_78, %scan3A_218 : i32
        %get3A_240 = arith.index_cast %add3A_239 : i32 to index
        %get3A_241 = arith.constant 32 : index
        %get3A_242 = tpu.vector_load %arg11[%get3A_240, %get3A_241] {strides = array<i32>} : memref<400x64xf32, #tpu.memory_space<vmem>>, vector<1x16xf32>,
        %get3A_243 = vector.shape_cast %get3A_242 : vector<1x16xf32> to vector<16xf32>
        %swap3A_244 = arith.index_cast %scan3A_218 : i32 to index
        %swap3A_245 = arith.constant 32 : index
        %swap3A_246 = tpu.vector_load %arg8[%swap3A_244, %swap3A_245] {strides = array<i32>} : memref<128x64xf32, #tpu.memory_space<vmem>>, vector<1x16xf32>,
        %swap3A_247 = vector.shape_cast %swap3A_246 : vector<1x16xf32> to vector<16xf32>
        %swap3A_248 = vector.shape_cast %get3A_243 : vector<16xf32> to vector<1x16xf32>
        tpu.vector_store %arg8[%swap3A_244, %swap3A_245], %swap3A_248 {add = true, strides = array<i32>} : memref<128x64xf32, #tpu.memory_space<vmem>>, vector<1x16xf32>,
        %add3A_249 = arith.addi %rem3A_78, %scan3A_218 : i32
        %get3A_250 = arith.index_cast %add3A_249 : i32 to index
        %get3A_251 = arith.constant 48 : index
        %get3A_252 = tpu.vector_load %arg11[%get3A_250, %get3A_251] {strides = array<i32>} : memref<400x64xf32, #tpu.memory_space<vmem>>, vector<1x16xf32>,
        %get3A_253 = vector.shape_cast %get3A_252 : vector<1x16xf32> to vector<16xf32>
        %swap3A_254 = arith.index_cast %scan3A_218 : i32 to index
        %swap3A_255 = arith.constant 48 : index
        %swap3A_256 = tpu.vector_load %arg8[%swap3A_254, %swap3A_255] {strides = array<i32>} : memref<128x64xf32, #tpu.memory_space<vmem>>, vector<1x16xf32>,
        %swap3A_257 = vector.shape_cast %swap3A_256 : vector<1x16xf32> to vector<16xf32>
        %swap3A_258 = vector.shape_cast %get3A_253 : vector<16xf32> to vector<1x16xf32>
        tpu.vector_store %arg8[%swap3A_254, %swap3A_255], %swap3A_258 {add = true, strides = array<i32>} : memref<128x64xf32, #tpu.memory_space<vmem>>, vector<1x16xf32>,
        %scan3A_259 = arith.constant 2 : i32
        %scan3A_260 = arith.addi %scan3A_178, %scan3A_259 : i32
        %add3A_261 = arith.addi %rem3A_78, %scan3A_260 : i32
        %get3A_262 = arith.index_cast %add3A_261 : i32 to index
        %get3A_263 = arith.constant 0 : index
        %get3A_264 = tpu.vector_load %arg11[%get3A_262, %get3A_263] {strides = array<i32>} : memref<400x64xf32, #tpu.memory_space<vmem>>, vector<1x16xf32>,
        %get3A_265 = vector.shape_cast %get3A_264 : vector<1x16xf32> to vector<16xf32>
        %swap3A_266 = arith.index_cast %scan3A_260 : i32 to index
        %swap3A_267 = arith.constant 0 : index
        %swap3A_268 = tpu.vector_load %arg8[%swap3A_266, %swap3A_267] {strides = array<i32>} : memref<128x64xf32, #tpu.memory_space<vmem>>, vector<1x16xf32>,
        %swap3A_269 = vector.shape_cast %swap3A_268 : vector<1x16xf32> to vector<16xf32>
        %swap3A_270 = vector.shape_cast %get3A_265 : vector<16xf32> to vector<1x16xf32>
        tpu.vector_store %arg8[%swap3A_266, %swap3A_267], %swap3A_270 {add = true, strides = array<i32>} : memref<128x64xf32, #tpu.memory_space<vmem>>, vector<1x16xf32>,
        %add3A_271 = arith.addi %rem3A_78, %scan3A_260 : i32
        %get3A_272 = arith.index_cast %add3A_271 : i32 to index
        %get3A_273 = arith.constant 16 : index
        %get3A_274 = tpu.vector_load %arg11[%get3A_272, %get3A_273] {strides = array<i32>} : memref<400x64xf32, #tpu.memory_space<vmem>>, vector<1x16xf32>,
        %get3A_275 = vector.shape_cast %get3A_274 : vector<1x16xf32> to vector<16xf32>
        %swap3A_276 = arith.index_cast %scan3A_260 : i32 to index
        %swap3A_277 = arith.constant 16 : index
        %swap3A_278 = tpu.vector_load %arg8[%swap3A_276, %swap3A_277] {strides = array<i32>} : memref<128x64xf32, #tpu.memory_space<vmem>>, vector<1x16xf32>,
        %swap3A_279 = vector.shape_cast %swap3A_278 : vector<1x16xf32> to vector<16xf32>
        %swap3A_280 = vector.shape_cast %get3A_275 : vector<16xf32> to vector<1x16xf32>
        tpu.vector_store %arg8[%swap3A_276, %swap3A_277], %swap3A_280 {add = true, strides = array<i32>} : memref<128x64xf32, #tpu.memory_space<vmem>>, vector<1x16xf32>,
        %add3A_281 = arith.addi %rem3A_78, %scan3A_260 : i32
        %get3A_282 = arith.index_cast %add3A_281 : i32 to index
        %get3A_283 = arith.constant 32 : index
        %get3A_284 = tpu.vector_load %arg11[%get3A_282, %get3A_283] {strides = array<i32>} : memref<400x64xf32, #tpu.memory_space<vmem>>, vector<1x16xf32>,
        %get3A_285 = vector.shape_cast %get3A_284 : vector<1x16xf32> to vector<16xf32>
        %swap3A_286 = arith.index_cast %scan3A_260 : i32 to index
        %swap3A_287 = arith.constant 32 : index
        %swap3A_288 = tpu.vector_load %arg8[%swap3A_286, %swap3A_287] {strides = array<i32>} : memref<128x64xf32, #tpu.memory_space<vmem>>, vector<1x16xf32>,
        %swap3A_289 = vector.shape_cast %swap3A_288 : vector<1x16xf32> to vector<16xf32>
        %swap3A_290 = vector.shape_cast %get3A_285 : vector<16xf32> to vector<1x16xf32>
        tpu.vector_store %arg8[%swap3A_286, %swap3A_287], %swap3A_290 {add = true, strides = array<i32>} : memref<128x64xf32, #tpu.memory_space<vmem>>, vector<1x16xf32>,
        %add3A_291 = arith.addi %rem3A_78, %scan3A_260 : i32
        %get3A_292 = arith.index_cast %add3A_291 : i32 to index
        %get3A_293 = arith.constant 48 : index
        %get3A_294 = tpu.vector_load %arg11[%get3A_292, %get3A_293] {strides = array<i32>} : memref<400x64xf32, #tpu.memory_space<vmem>>, vector<1x16xf32>,
        %get3A_295 = vector.shape_cast %get3A_294 : vector<1x16xf32> to vector<16xf32>
        %swap3A_296 = arith.index_cast %scan3A_260 : i32 to index
        %swap3A_297 = arith.constant 48 : index
        %swap3A_298 = tpu.vector_load %arg8[%swap3A_296, %swap3A_297] {strides = array<i32>} : memref<128x64xf32, #tpu.memory_space<vmem>>, vector<1x16xf32>,
        %swap3A_299 = vector.shape_cast %swap3A_298 : vector<1x16xf32> to vector<16xf32>
        %swap3A_300 = vector.shape_cast %get3A_295 : vector<16xf32> to vector<1x16xf32>
        tpu.vector_store %arg8[%swap3A_296, %swap3A_297], %swap3A_300 {add = true, strides = array<i32>} : memref<128x64xf32, #tpu.memory_space<vmem>>, vector<1x16xf32>,
        %scan3A_301 = arith.constant 3 : i32
        %scan3A_302 = arith.addi %scan3A_178, %scan3A_301 : i32
        %add3A_303 = arith.addi %rem3A_78, %scan3A_302 : i32
        %get3A_304 = arith.index_cast %add3A_303 : i32 to index
        %get3A_305 = arith.constant 0 : index
        %get3A_306 = tpu.vector_load %arg11[%get3A_304, %get3A_305] {strides = array<i32>} : memref<400x64xf32, #tpu.memory_space<vmem>>, vector<1x16xf32>,
        %get3A_307 = vector.shape_cast %get3A_306 : vector<1x16xf32> to vector<16xf32>
        %swap3A_308 = arith.index_cast %scan3A_302 : i32 to index
        %swap3A_309 = arith.constant 0 : index
        %swap3A_310 = tpu.vector_load %arg8[%swap3A_308, %swap3A_309] {strides = array<i32>} : memref<128x64xf32, #tpu.memory_space<vmem>>, vector<1x16xf32>,
        %swap3A_311 = vector.shape_cast %swap3A_310 : vector<1x16xf32> to vector<16xf32>
        %swap3A_312 = vector.shape_cast %get3A_307 : vector<16xf32> to vector<1x16xf32>
        tpu.vector_store %arg8[%swap3A_308, %swap3A_309], %swap3A_312 {add = true, strides = array<i32>} : memref<128x64xf32, #tpu.memory_space<vmem>>, vector<1x16xf32>,
        %add3A_313 = arith.addi %rem3A_78, %scan3A_302 : i32
        %get3A_314 = arith.index_cast %add3A_313 : i32 to index
        %get3A_315 = arith.constant 16 : index
        %get3A_316 = tpu.vector_load %arg11[%get3A_314, %get3A_315] {strides = array<i32>} : memref<400x64xf32, #tpu.memory_space<vmem>>, vector<1x16xf32>,
        %get3A_317 = vector.shape_cast %get3A_316 : vector<1x16xf32> to vector<16xf32>
        %swap3A_318 = arith.index_cast %scan3A_302 : i32 to index
        %swap3A_319 = arith.constant 16 : index
        %swap3A_320 = tpu.vector_load %arg8[%swap3A_318, %swap3A_319] {strides = array<i32>} : memref<128x64xf32, #tpu.memory_space<vmem>>, vector<1x16xf32>,
        %swap3A_321 = vector.shape_cast %swap3A_320 : vector<1x16xf32> to vector<16xf32>
        %swap3A_322 = vector.shape_cast %get3A_317 : vector<16xf32> to vector<1x16xf32>
        tpu.vector_store %arg8[%swap3A_318, %swap3A_319], %swap3A_322 {add = true, strides = array<i32>} : memref<128x64xf32, #tpu.memory_space<vmem>>, vector<1x16xf32>,
        %add3A_323 = arith.addi %rem3A_78, %scan3A_302 : i32
        %get3A_324 = arith.index_cast %add3A_323 : i32 to index
        %get3A_325 = arith.constant 32 : index
        %get3A_326 = tpu.vector_load %arg11[%get3A_324, %get3A_325] {strides = array<i32>} : memref<400x64xf32, #tpu.memory_space<vmem>>, vector<1x16xf32>,
        %get3A_327 = vector.shape_cast %get3A_326 : vector<1x16xf32> to vector<16xf32>
        %swap3A_328 = arith.index_cast %scan3A_302 : i32 to index
        %swap3A_329 = arith.constant 32 : index
        %swap3A_330 = tpu.vector_load %arg8[%swap3A_328, %swap3A_329] {strides = array<i32>} : memref<128x64xf32, #tpu.memory_space<vmem>>, vector<1x16xf32>,
        %swap3A_331 = vector.shape_cast %swap3A_330 : vector<1x16xf32> to vector<16xf32>
        %swap3A_332 = vector.shape_cast %get3A_327 : vector<16xf32> to vector<1x16xf32>
        tpu.vector_store %arg8[%swap3A_328, %swap3A_329], %swap3A_332 {add = true, strides = array<i32>} : memref<128x64xf32, #tpu.memory_space<vmem>>, vector<1x16xf32>,
        %add3A_333 = arith.addi %rem3A_78, %scan3A_302 : i32
        %get3A_334 = arith.index_cast %add3A_333 : i32 to index
        %get3A_335 = arith.constant 48 : index
        %get3A_336 = tpu.vector_load %arg11[%get3A_334, %get3A_335] {strides = array<i32>} : memref<400x64xf32, #tpu.memory_space<vmem>>, vector<1x16xf32>,
        %get3A_337 = vector.shape_cast %get3A_336 : vector<1x16xf32> to vector<16xf32>
        %swap3A_338 = arith.index_cast %scan3A_302 : i32 to index
        %swap3A_339 = arith.constant 48 : index
        %swap3A_340 = tpu.vector_load %arg8[%swap3A_338, %swap3A_339] {strides = array<i32>} : memref<128x64xf32, #tpu.memory_space<vmem>>, vector<1x16xf32>,
        %swap3A_341 = vector.shape_cast %swap3A_340 : vector<1x16xf32> to vector<16xf32>
        %swap3A_342 = vector.shape_cast %get3A_337 : vector<16xf32> to vector<1x16xf32>
        tpu.vector_store %arg8[%swap3A_338, %swap3A_339], %swap3A_342 {add = true, strides = array<i32>} : memref<128x64xf32, #tpu.memory_space<vmem>>, vector<1x16xf32>,
        %scan3A_343 = arith.constant 4 : i32
        %scan3A_344 = arith.addi %scan3A_178, %scan3A_343 : i32
        %add3A_345 = arith.addi %rem3A_78, %scan3A_344 : i32
        %get3A_346 = arith.index_cast %add3A_345 : i32 to index
        %get3A_347 = arith.constant 0 : index
        %get3A_348 = tpu.vector_load %arg11[%get3A_346, %get3A_347] {strides = array<i32>} : memref<400x64xf32, #tpu.memory_space<vmem>>, vector<1x16xf32>,
        %get3A_349 = vector.shape_cast %get3A_348 : vector<1x16xf32> to vector<16xf32>
        %swap3A_350 = arith.index_cast %scan3A_344 : i32 to index
        %swap3A_351 = arith.constant 0 : index
        %swap3A_352 = tpu.vector_load %arg8[%swap3A_350, %swap3A_351] {strides = array<i32>} : memref<128x64xf32, #tpu.memory_space<vmem>>, vector<1x16xf32>,
        %swap3A_353 = vector.shape_cast %swap3A_352 : vector<1x16xf32> to vector<16xf32>
        %swap3A_354 = vector.shape_cast %get3A_349 : vector<16xf32> to vector<1x16xf32>
        tpu.vector_store %arg8[%swap3A_350, %swap3A_351], %swap3A_354 {add = true, strides = array<i32>} : memref<128x64xf32, #tpu.memory_space<vmem>>, vector<1x16xf32>,
        %add3A_355 = arith.addi %rem3A_78, %scan3A_344 : i32
        %get3A_356 = arith.index_cast %add3A_355 : i32 to index
        %get3A_357 = arith.constant 16 : index
        %get3A_358 = tpu.vector_load %arg11[%get3A_356, %get3A_357] {strides = array<i32>} : memref<400x64xf32, #tpu.memory_space<vmem>>, vector<1x16xf32>,
        %get3A_359 = vector.shape_cast %get3A_358 : vector<1x16xf32> to vector<16xf32>
        %swap3A_360 = arith.index_cast %scan3A_344 : i32 to index
        %swap3A_361 = arith.constant 16 : index
        %swap3A_362 = tpu.vector_load %arg8[%swap3A_360, %swap3A_361] {strides = array<i32>} : memref<128x64xf32, #tpu.memory_space<vmem>>, vector<1x16xf32>,
        %swap3A_363 = vector.shape_cast %swap3A_362 : vector<1x16xf32> to vector<16xf32>
        %swap3A_364 = vector.shape_cast %get3A_359 : vector<16xf32> to vector<1x16xf32>
        tpu.vector_store %arg8[%swap3A_360, %swap3A_361], %swap3A_364 {add = true, strides = array<i32>} : memref<128x64xf32, #tpu.memory_space<vmem>>, vector<1x16xf32>,
        %add3A_365 = arith.addi %rem3A_78, %scan3A_344 : i32
        %get3A_366 = arith.index_cast %add3A_365 : i32 to index
        %get3A_367 = arith.constant 32 : index
        %get3A_368 = tpu.vector_load %arg11[%get3A_366, %get3A_367] {strides = array<i32>} : memref<400x64xf32, #tpu.memory_space<vmem>>, vector<1x16xf32>,
        %get3A_369 = vector.shape_cast %get3A_368 : vector<1x16xf32> to vector<16xf32>
        %swap3A_370 = arith.index_cast %scan3A_344 : i32 to index
        %swap3A_371 = arith.constant 32 : index
        %swap3A_372 = tpu.vector_load %arg8[%swap3A_370, %swap3A_371] {strides = array<i32>} : memref<128x64xf32, #tpu.memory_space<vmem>>, vector<1x16xf32>,
        %swap3A_373 = vector.shape_cast %swap3A_372 : vector<1x16xf32> to vector<16xf32>
        %swap3A_374 = vector.shape_cast %get3A_369 : vector<16xf32> to vector<1x16xf32>
        tpu.vector_store %arg8[%swap3A_370, %swap3A_371], %swap3A_374 {add = true, strides = array<i32>} : memref<128x64xf32, #tpu.memory_space<vmem>>, vector<1x16xf32>,
        %add3A_375 = arith.addi %rem3A_78, %scan3A_344 : i32
        %get3A_376 = arith.index_cast %add3A_375 : i32 to index
        %get3A_377 = arith.constant 48 : index
        %get3A_378 = tpu.vector_load %arg11[%get3A_376, %get3A_377] {strides = array<i32>} : memref<400x64xf32, #tpu.memory_space<vmem>>, vector<1x16xf32>,
        %get3A_379 = vector.shape_cast %get3A_378 : vector<1x16xf32> to vector<16xf32>
        %swap3A_380 = arith.index_cast %scan3A_344 : i32 to index
        %swap3A_381 = arith.constant 48 : index
        %swap3A_382 = tpu.vector_load %arg8[%swap3A_380, %swap3A_381] {strides = array<i32>} : memref<128x64xf32, #tpu.memory_space<vmem>>, vector<1x16xf32>,
        %swap3A_383 = vector.shape_cast %swap3A_382 : vector<1x16xf32> to vector<16xf32>
        %swap3A_384 = vector.shape_cast %get3A_379 : vector<16xf32> to vector<1x16xf32>
        tpu.vector_store %arg8[%swap3A_380, %swap3A_381], %swap3A_384 {add = true, strides = array<i32>} : memref<128x64xf32, #tpu.memory_space<vmem>>, vector<1x16xf32>,
        %scan3A_385 = arith.constant 5 : i32
        %scan3A_386 = arith.addi %scan3A_178, %scan3A_385 : i32
        %add3A_387 = arith.addi %rem3A_78, %scan3A_386 : i32
        %get3A_388 = arith.index_cast %add3A_387 : i32 to index
        %get3A_389 = arith.constant 0 : index
        %get3A_390 = tpu.vector_load %arg11[%get3A_388, %get3A_389] {strides = array<i32>} : memref<400x64xf32, #tpu.memory_space<vmem>>, vector<1x16xf32>,
        %get3A_391 = vector.shape_cast %get3A_390 : vector<1x16xf32> to vector<16xf32>
        %swap3A_392 = arith.index_cast %scan3A_386 : i32 to index
        %swap3A_393 = arith.constant 0 : index
        %swap3A_394 = tpu.vector_load %arg8[%swap3A_392, %swap3A_393] {strides = array<i32>} : memref<128x64xf32, #tpu.memory_space<vmem>>, vector<1x16xf32>,
        %swap3A_395 = vector.shape_cast %swap3A_394 : vector<1x16xf32> to vector<16xf32>
        %swap3A_396 = vector.shape_cast %get3A_391 : vector<16xf32> to vector<1x16xf32>
        tpu.vector_store %arg8[%swap3A_392, %swap3A_393], %swap3A_396 {add = true, strides = array<i32>} : memref<128x64xf32, #tpu.memory_space<vmem>>, vector<1x16xf32>,
        %add3A_397 = arith.addi %rem3A_78, %scan3A_386 : i32
        %get3A_398 = arith.index_cast %add3A_397 : i32 to index
        %get3A_399 = arith.constant 16 : index
        %get3A_400 = tpu.vector_load %arg11[%get3A_398, %get3A_399] {strides = array<i32>} : memref<400x64xf32, #tpu.memory_space<vmem>>, vector<1x16xf32>,
        %get3A_401 = vector.shape_cast %get3A_400 : vector<1x16xf32> to vector<16xf32>
        %swap3A_402 = arith.index_cast %scan3A_386 : i32 to index
        %swap3A_403 = arith.constant 16 : index
        %swap3A_404 = tpu.vector_load %arg8[%swap3A_402, %swap3A_403] {strides = array<i32>} : memref<128x64xf32, #tpu.memory_space<vmem>>, vector<1x16xf32>,
        %swap3A_405 = vector.shape_cast %swap3A_404 : vector<1x16xf32> to vector<16xf32>
        %swap3A_406 = vector.shape_cast %get3A_401 : vector<16xf32> to vector<1x16xf32>
        tpu.vector_store %arg8[%swap3A_402, %swap3A_403], %swap3A_406 {add = true, strides = array<i32>} : memref<128x64xf32, #tpu.memory_space<vmem>>, vector<1x16xf32>,
        %add3A_407 = arith.addi %rem3A_78, %scan3A_386 : i32
        %get3A_408 = arith.index_cast %add3A_407 : i32 to index
        %get3A_409 = arith.constant 32 : index
        %get3A_410 = tpu.vector_load %arg11[%get3A_408, %get3A_409] {strides = array<i32>} : memref<400x64xf32, #tpu.memory_space<vmem>>, vector<1x16xf32>,
        %get3A_411 = vector.shape_cast %get3A_410 : vector<1x16xf32> to vector<16xf32>
        %swap3A_412 = arith.index_cast %scan3A_386 : i32 to index
        %swap3A_413 = arith.constant 32 : index
        %swap3A_414 = tpu.vector_load %arg8[%swap3A_412, %swap3A_413] {strides = array<i32>} : memref<128x64xf32, #tpu.memory_space<vmem>>, vector<1x16xf32>,
        %swap3A_415 = vector.shape_cast %swap3A_414 : vector<1x16xf32> to vector<16xf32>
        %swap3A_416 = vector.shape_cast %get3A_411 : vector<16xf32> to vector<1x16xf32>
        tpu.vector_store %arg8[%swap3A_412, %swap3A_413], %swap3A_416 {add = true, strides = array<i32>} : memref<128x64xf32, #tpu.memory_space<vmem>>, vector<1x16xf32>,
        %add3A_417 = arith.addi %rem3A_78, %scan3A_386 : i32
        %get3A_418 = arith.index_cast %add3A_417 : i32 to index
        %get3A_419 = arith.constant 48 : index
        %get3A_420 = tpu.vector_load %arg11[%get3A_418, %get3A_419] {strides = array<i32>} : memref<400x64xf32, #tpu.memory_space<vmem>>, vector<1x16xf32>,
        %get3A_421 = vector.shape_cast %get3A_420 : vector<1x16xf32> to vector<16xf32>
        %swap3A_422 = arith.index_cast %scan3A_386 : i32 to index
        %swap3A_423 = arith.constant 48 : index
        %swap3A_424 = tpu.vector_load %arg8[%swap3A_422, %swap3A_423] {strides = array<i32>} : memref<128x64xf32, #tpu.memory_space<vmem>>, vector<1x16xf32>,
        %swap3A_425 = vector.shape_cast %swap3A_424 : vector<1x16xf32> to vector<16xf32>
        %swap3A_426 = vector.shape_cast %get3A_421 : vector<16xf32> to vector<1x16xf32>
        tpu.vector_store %arg8[%swap3A_422, %swap3A_423], %swap3A_426 {add = true, strides = array<i32>} : memref<128x64xf32, #tpu.memory_space<vmem>>, vector<1x16xf32>,
        %scan3A_427 = arith.constant 6 : i32
        %scan3A_428 = arith.addi %scan3A_178, %scan3A_427 : i32
        %add3A_429 = arith.addi %rem3A_78, %scan3A_428 : i32
        %get3A_430 = arith.index_cast %add3A_429 : i32 to index
        %get3A_431 = arith.constant 0 : index
        %get3A_432 = tpu.vector_load %arg11[%get3A_430, %get3A_431] {strides = array<i32>} : memref<400x64xf32, #tpu.memory_space<vmem>>, vector<1x16xf32>,
        %get3A_433 = vector.shape_cast %get3A_432 : vector<1x16xf32> to vector<16xf32>
        %swap3A_434 = arith.index_cast %scan3A_428 : i32 to index
        %swap3A_435 = arith.constant 0 : index
        %swap3A_436 = tpu.vector_load %arg8[%swap3A_434, %swap3A_435] {strides = array<i32>} : memref<128x64xf32, #tpu.memory_space<vmem>>, vector<1x16xf32>,
        %swap3A_437 = vector.shape_cast %swap3A_436 : vector<1x16xf32> to vector<16xf32>
        %swap3A_438 = vector.shape_cast %get3A_433 : vector<16xf32> to vector<1x16xf32>
        tpu.vector_store %arg8[%swap3A_434, %swap3A_435], %swap3A_438 {add = true, strides = array<i32>} : memref<128x64xf32, #tpu.memory_space<vmem>>, vector<1x16xf32>,
        %add3A_439 = arith.addi %rem3A_78, %scan3A_428 : i32
        %get3A_440 = arith.index_cast %add3A_439 : i32 to index
        %get3A_441 = arith.constant 16 : index
        %get3A_442 = tpu.vector_load %arg11[%get3A_440, %get3A_441] {strides = array<i32>} : memref<400x64xf32, #tpu.memory_space<vmem>>, vector<1x16xf32>,
        %get3A_443 = vector.shape_cast %get3A_442 : vector<1x16xf32> to vector<16xf32>
        %swap3A_444 = arith.index_cast %scan3A_428 : i32 to index
        %swap3A_445 = arith.constant 16 : index
        %swap3A_446 = tpu.vector_load %arg8[%swap3A_444, %swap3A_445] {strides = array<i32>} : memref<128x64xf32, #tpu.memory_space<vmem>>, vector<1x16xf32>,
        %swap3A_447 = vector.shape_cast %swap3A_446 : vector<1x16xf32> to vector<16xf32>
        %swap3A_448 = vector.shape_cast %get3A_443 : vector<16xf32> to vector<1x16xf32>
        tpu.vector_store %arg8[%swap3A_444, %swap3A_445], %swap3A_448 {add = true, strides = array<i32>} : memref<128x64xf32, #tpu.memory_space<vmem>>, vector<1x16xf32>,
        %add3A_449 = arith.addi %rem3A_78, %scan3A_428 : i32
        %get3A_450 = arith.index_cast %add3A_449 : i32 to index
        %get3A_451 = arith.constant 32 : index
        %get3A_452 = tpu.vector_load %arg11[%get3A_450, %get3A_451] {strides = array<i32>} : memref<400x64xf32, #tpu.memory_space<vmem>>, vector<1x16xf32>,
        %get3A_453 = vector.shape_cast %get3A_452 : vector<1x16xf32> to vector<16xf32>
        %swap3A_454 = arith.index_cast %scan3A_428 : i32 to index
        %swap3A_455 = arith.constant 32 : index
        %swap3A_456 = tpu.vector_load %arg8[%swap3A_454, %swap3A_455] {strides = array<i32>} : memref<128x64xf32, #tpu.memory_space<vmem>>, vector<1x16xf32>,
        %swap3A_457 = vector.shape_cast %swap3A_456 : vector<1x16xf32> to vector<16xf32>
        %swap3A_458 = vector.shape_cast %get3A_453 : vector<16xf32> to vector<1x16xf32>
        tpu.vector_store %arg8[%swap3A_454, %swap3A_455], %swap3A_458 {add = true, strides = array<i32>} : memref<128x64xf32, #tpu.memory_space<vmem>>, vector<1x16xf32>,
        %add3A_459 = arith.addi %rem3A_78, %scan3A_428 : i32
        %get3A_460 = arith.index_cast %add3A_459 : i32 to index
        %get3A_461 = arith.constant 48 : index
        %get3A_462 = tpu.vector_load %arg11[%get3A_460, %get3A_461] {strides = array<i32>} : memref<400x64xf32, #tpu.memory_space<vmem>>, vector<1x16xf32>,
        %get3A_463 = vector.shape_cast %get3A_462 : vector<1x16xf32> to vector<16xf32>
        %swap3A_464 = arith.index_cast %scan3A_428 : i32 to index
        %swap3A_465 = arith.constant 48 : index
        %swap3A_466 = tpu.vector_load %arg8[%swap3A_464, %swap3A_465] {strides = array<i32>} : memref<128x64xf32, #tpu.memory_space<vmem>>, vector<1x16xf32>,
        %swap3A_467 = vector.shape_cast %swap3A_466 : vector<1x16xf32> to vector<16xf32>
        %swap3A_468 = vector.shape_cast %get3A_463 : vector<16xf32> to vector<1x16xf32>
        tpu.vector_store %arg8[%swap3A_464, %swap3A_465], %swap3A_468 {add = true, strides = array<i32>} : memref<128x64xf32, #tpu.memory_space<vmem>>, vector<1x16xf32>,
        %scan3A_469 = arith.constant 7 : i32
        %scan3A_470 = arith.addi %scan3A_178, %scan3A_469 : i32
        %add3A_471 = arith.addi %rem3A_78, %scan3A_470 : i32
        %get3A_472 = arith.index_cast %add3A_471 : i32 to index
        %get3A_473 = arith.constant 0 : index
        %get3A_474 = tpu.vector_load %arg11[%get3A_472, %get3A_473] {strides = array<i32>} : memref<400x64xf32, #tpu.memory_space<vmem>>, vector<1x16xf32>,
        %get3A_475 = vector.shape_cast %get3A_474 : vector<1x16xf32> to vector<16xf32>
        %swap3A_476 = arith.index_cast %scan3A_470 : i32 to index
        %swap3A_477 = arith.constant 0 : index
        %swap3A_478 = tpu.vector_load %arg8[%swap3A_476, %swap3A_477] {strides = array<i32>} : memref<128x64xf32, #tpu.memory_space<vmem>>, vector<1x16xf32>,
        %swap3A_479 = vector.shape_cast %swap3A_478 : vector<1x16xf32> to vector<16xf32>
        %swap3A_480 = vector.shape_cast %get3A_475 : vector<16xf32> to vector<1x16xf32>
        tpu.vector_store %arg8[%swap3A_476, %swap3A_477], %swap3A_480 {add = true, strides = array<i32>} : memref<128x64xf32, #tpu.memory_space<vmem>>, vector<1x16xf32>,
        %add3A_481 = arith.addi %rem3A_78, %scan3A_470 : i32
        %get3A_482 = arith.index_cast %add3A_481 : i32 to index
        %get3A_483 = arith.constant 16 : index
        %get3A_484 = tpu.vector_load %arg11[%get3A_482, %get3A_483] {strides = array<i32>} : memref<400x64xf32, #tpu.memory_space<vmem>>, vector<1x16xf32>,
        %get3A_485 = vector.shape_cast %get3A_484 : vector<1x16xf32> to vector<16xf32>
        %swap3A_486 = arith.index_cast %scan3A_470 : i32 to index
        %swap3A_487 = arith.constant 16 : index
        %swap3A_488 = tpu.vector_load %arg8[%swap3A_486, %swap3A_487] {strides = array<i32>} : memref<128x64xf32, #tpu.memory_space<vmem>>, vector<1x16xf32>,
        %swap3A_489 = vector.shape_cast %swap3A_488 : vector<1x16xf32> to vector<16xf32>
        %swap3A_490 = vector.shape_cast %get3A_485 : vector<16xf32> to vector<1x16xf32>
        tpu.vector_store %arg8[%swap3A_486, %swap3A_487], %swap3A_490 {add = true, strides = array<i32>} : memref<128x64xf32, #tpu.memory_space<vmem>>, vector<1x16xf32>,
        %add3A_491 = arith.addi %rem3A_78, %scan3A_470 : i32
        %get3A_492 = arith.index_cast %add3A_491 : i32 to index
        %get3A_493 = arith.constant 32 : index
        %get3A_494 = tpu.vector_load %arg11[%get3A_492, %get3A_493] {strides = array<i32>} : memref<400x64xf32, #tpu.memory_space<vmem>>, vector<1x16xf32>,
        %get3A_495 = vector.shape_cast %get3A_494 : vector<1x16xf32> to vector<16xf32>
        %swap3A_496 = arith.index_cast %scan3A_470 : i32 to index
        %swap3A_497 = arith.constant 32 : index
        %swap3A_498 = tpu.vector_load %arg8[%swap3A_496, %swap3A_497] {strides = array<i32>} : memref<128x64xf32, #tpu.memory_space<vmem>>, vector<1x16xf32>,
        %swap3A_499 = vector.shape_cast %swap3A_498 : vector<1x16xf32> to vector<16xf32>
        %swap3A_500 = vector.shape_cast %get3A_495 : vector<16xf32> to vector<1x16xf32>
        tpu.vector_store %arg8[%swap3A_496, %swap3A_497], %swap3A_500 {add = true, strides = array<i32>} : memref<128x64xf32, #tpu.memory_space<vmem>>, vector<1x16xf32>,
        %add3A_501 = arith.addi %rem3A_78, %scan3A_470 : i32
        %get3A_502 = arith.index_cast %add3A_501 : i32 to index
        %get3A_503 = arith.constant 48 : index
        %get3A_504 = tpu.vector_load %arg11[%get3A_502, %get3A_503] {strides = array<i32>} : memref<400x64xf32, #tpu.memory_space<vmem>>, vector<1x16xf32>,
        %get3A_505 = vector.shape_cast %get3A_504 : vector<1x16xf32> to vector<16xf32>
        %swap3A_506 = arith.index_cast %scan3A_470 : i32 to index
        %swap3A_507 = arith.constant 48 : index
        %swap3A_508 = tpu.vector_load %arg8[%swap3A_506, %swap3A_507] {strides = array<i32>} : memref<128x64xf32, #tpu.memory_space<vmem>>, vector<1x16xf32>,
        %swap3A_509 = vector.shape_cast %swap3A_508 : vector<1x16xf32> to vector<16xf32>
        %swap3A_510 = vector.shape_cast %get3A_505 : vector<16xf32> to vector<1x16xf32>
        tpu.vector_store %arg8[%swap3A_506, %swap3A_507], %swap3A_510 {add = true, strides = array<i32>} : memref<128x64xf32, #tpu.memory_space<vmem>>, vector<1x16xf32>,
        %scan3A_511 = arith.constant 8 : i32
        %scan3A_512 = arith.addi %scan3A_178, %scan3A_511 : i32
        %add3A_513 = arith.addi %rem3A_78, %scan3A_512 : i32
        %get3A_514 = arith.index_cast %add3A_513 : i32 to index
        %get3A_515 = arith.constant 0 : index
        %get3A_516 = tpu.vector_load %arg11[%get3A_514, %get3A_515] {strides = array<i32>} : memref<400x64xf32, #tpu.memory_space<vmem>>, vector<1x16xf32>,
        %get3A_517 = vector.shape_cast %get3A_516 : vector<1x16xf32> to vector<16xf32>
        %swap3A_518 = arith.index_cast %scan3A_512 : i32 to index
        %swap3A_519 = arith.constant 0 : index
        %swap3A_520 = tpu.vector_load %arg8[%swap3A_518, %swap3A_519] {strides = array<i32>} : memref<128x64xf32, #tpu.memory_space<vmem>>, vector<1x16xf32>,
        %swap3A_521 = vector.shape_cast %swap3A_520 : vector<1x16xf32> to vector<16xf32>
        %swap3A_522 = vector.shape_cast %get3A_517 : vector<16xf32> to vector<1x16xf32>
        tpu.vector_store %arg8[%swap3A_518, %swap3A_519], %swap3A_522 {add = true, strides = array<i32>} : memref<128x64xf32, #tpu.memory_space<vmem>>, vector<1x16xf32>,
        %add3A_523 = arith.addi %rem3A_78, %scan3A_512 : i32
        %get3A_524 = arith.index_cast %add3A_523 : i32 to index
        %get3A_525 = arith.constant 16 : index
        %get3A_526 = tpu.vector_load %arg11[%get3A_524, %get3A_525] {strides = array<i32>} : memref<400x64xf32, #tpu.memory_space<vmem>>, vector<1x16xf32>,
        %get3A_527 = vector.shape_cast %get3A_526 : vector<1x16xf32> to vector<16xf32>
        %swap3A_528 = arith.index_cast %scan3A_512 : i32 to index
        %swap3A_529 = arith.constant 16 : index
        %swap3A_530 = tpu.vector_load %arg8[%swap3A_528, %swap3A_529] {strides = array<i32>} : memref<128x64xf32, #tpu.memory_space<vmem>>, vector<1x16xf32>,
        %swap3A_531 = vector.shape_cast %swap3A_530 : vector<1x16xf32> to vector<16xf32>
        %swap3A_532 = vector.shape_cast %get3A_527 : vector<16xf32> to vector<1x16xf32>
        tpu.vector_store %arg8[%swap3A_528, %swap3A_529], %swap3A_532 {add = true, strides = array<i32>} : memref<128x64xf32, #tpu.memory_space<vmem>>, vector<1x16xf32>,
        %add3A_533 = arith.addi %rem3A_78, %scan3A_512 : i32
        %get3A_534 = arith.index_cast %add3A_533 : i32 to index
        %get3A_535 = arith.constant 32 : index
        %get3A_536 = tpu.vector_load %arg11[%get3A_534, %get3A_535] {strides = array<i32>} : memref<400x64xf32, #tpu.memory_space<vmem>>, vector<1x16xf32>,
        %get3A_537 = vector.shape_cast %get3A_536 : vector<1x16xf32> to vector<16xf32>
        %swap3A_538 = arith.index_cast %scan3A_512 : i32 to index
        %swap3A_539 = arith.constant 32 : index
        %swap3A_540 = tpu.vector_load %arg8[%swap3A_538, %swap3A_539] {strides = array<i32>} : memref<128x64xf32, #tpu.memory_space<vmem>>, vector<1x16xf32>,
        %swap3A_541 = vector.shape_cast %swap3A_540 : vector<1x16xf32> to vector<16xf32>
        %swap3A_542 = vector.shape_cast %get3A_537 : vector<16xf32> to vector<1x16xf32>
        tpu.vector_store %arg8[%swap3A_538, %swap3A_539], %swap3A_542 {add = true, strides = array<i32>} : memref<128x64xf32, #tpu.memory_space<vmem>>, vector<1x16xf32>,
        %add3A_543 = arith.addi %rem3A_78, %scan3A_512 : i32
        %get3A_544 = arith.index_cast %add3A_543 : i32 to index
        %get3A_545 = arith.constant 48 : index
        %get3A_546 = tpu.vector_load %arg11[%get3A_544, %get3A_545] {strides = array<i32>} : memref<400x64xf32, #tpu.memory_space<vmem>>, vector<1x16xf32>,
        %get3A_547 = vector.shape_cast %get3A_546 : vector<1x16xf32> to vector<16xf32>
        %swap3A_548 = arith.index_cast %scan3A_512 : i32 to index
        %swap3A_549 = arith.constant 48 : index
        %swap3A_550 = tpu.vector_load %arg8[%swap3A_548, %swap3A_549] {strides = array<i32>} : memref<128x64xf32, #tpu.memory_space<vmem>>, vector<1x16xf32>,
        %swap3A_551 = vector.shape_cast %swap3A_550 : vector<1x16xf32> to vector<16xf32>
        %swap3A_552 = vector.shape_cast %get3A_547 : vector<16xf32> to vector<1x16xf32>
        tpu.vector_store %arg8[%swap3A_548, %swap3A_549], %swap3A_552 {add = true, strides = array<i32>} : memref<128x64xf32, #tpu.memory_space<vmem>>, vector<1x16xf32>,
        %scan3A_553 = arith.constant 9 : i32
        %scan3A_554 = arith.addi %scan3A_178, %scan3A_553 : i32
        %add3A_555 = arith.addi %rem3A_78, %scan3A_554 : i32
        %get3A_556 = arith.index_cast %add3A_555 : i32 to index
        %get3A_557 = arith.constant 0 : index
        %get3A_558 = tpu.vector_load %arg11[%get3A_556, %get3A_557] {strides = array<i32>} : memref<400x64xf32, #tpu.memory_space<vmem>>, vector<1x16xf32>,
        %get3A_559 = vector.shape_cast %get3A_558 : vector<1x16xf32> to vector<16xf32>
        %swap3A_560 = arith.index_cast %scan3A_554 : i32 to index
        %swap3A_561 = arith.constant 0 : index
        %swap3A_562 = tpu.vector_load %arg8[%swap3A_560, %swap3A_561] {strides = array<i32>} : memref<128x64xf32, #tpu.memory_space<vmem>>, vector<1x16xf32>,
        %swap3A_563 = vector.shape_cast %swap3A_562 : vector<1x16xf32> to vector<16xf32>
        %swap3A_564 = vector.shape_cast %get3A_559 : vector<16xf32> to vector<1x16xf32>
        tpu.vector_store %arg8[%swap3A_560, %swap3A_561], %swap3A_564 {add = true, strides = array<i32>} : memref<128x64xf32, #tpu.memory_space<vmem>>, vector<1x16xf32>,
        %add3A_565 = arith.addi %rem3A_78, %scan3A_554 : i32
        %get3A_566 = arith.index_cast %add3A_565 : i32 to index
        %get3A_567 = arith.constant 16 : index
        %get3A_568 = tpu.vector_load %arg11[%get3A_566, %get3A_567] {strides = array<i32>} : memref<400x64xf32, #tpu.memory_space<vmem>>, vector<1x16xf32>,
        %get3A_569 = vector.shape_cast %get3A_568 : vector<1x16xf32> to vector<16xf32>
        %swap3A_570 = arith.index_cast %scan3A_554 : i32 to index
        %swap3A_571 = arith.constant 16 : index
        %swap3A_572 = tpu.vector_load %arg8[%swap3A_570, %swap3A_571] {strides = array<i32>} : memref<128x64xf32, #tpu.memory_space<vmem>>, vector<1x16xf32>,
        %swap3A_573 = vector.shape_cast %swap3A_572 : vector<1x16xf32> to vector<16xf32>
        %swap3A_574 = vector.shape_cast %get3A_569 : vector<16xf32> to vector<1x16xf32>
        tpu.vector_store %arg8[%swap3A_570, %swap3A_571], %swap3A_574 {add = true, strides = array<i32>} : memref<128x64xf32, #tpu.memory_space<vmem>>, vector<1x16xf32>,
        %add3A_575 = arith.addi %rem3A_78, %scan3A_554 : i32
        %get3A_576 = arith.index_cast %add3A_575 : i32 to index
        %get3A_577 = arith.constant 32 : index
        %get3A_578 = tpu.vector_load %arg11[%get3A_576, %get3A_577] {strides = array<i32>} : memref<400x64xf32, #tpu.memory_space<vmem>>, vector<1x16xf32>,
        %get3A_579 = vector.shape_cast %get3A_578 : vector<1x16xf32> to vector<16xf32>
        %swap3A_580 = arith.index_cast %scan3A_554 : i32 to index
        %swap3A_581 = arith.constant 32 : index
        %swap3A_582 = tpu.vector_load %arg8[%swap3A_580, %swap3A_581] {strides = array<i32>} : memref<128x64xf32, #tpu.memory_space<vmem>>, vector<1x16xf32>,
        %swap3A_583 = vector.shape_cast %swap3A_582 : vector<1x16xf32> to vector<16xf32>
        %swap3A_584 = vector.shape_cast %get3A_579 : vector<16xf32> to vector<1x16xf32>
        tpu.vector_store %arg8[%swap3A_580, %swap3A_581], %swap3A_584 {add = true, strides = array<i32>} : memref<128x64xf32, #tpu.memory_space<vmem>>, vector<1x16xf32>,
        %add3A_585 = arith.addi %rem3A_78, %scan3A_554 : i32
        %get3A_586 = arith.index_cast %add3A_585 : i32 to index
        %get3A_587 = arith.constant 48 : index
        %get3A_588 = tpu.vector_load %arg11[%get3A_586, %get3A_587] {strides = array<i32>} : memref<400x64xf32, #tpu.memory_space<vmem>>, vector<1x16xf32>,
        %get3A_589 = vector.shape_cast %get3A_588 : vector<1x16xf32> to vector<16xf32>
        %swap3A_590 = arith.index_cast %scan3A_554 : i32 to index
        %swap3A_591 = arith.constant 48 : index
        %swap3A_592 = tpu.vector_load %arg8[%swap3A_590, %swap3A_591] {strides = array<i32>} : memref<128x64xf32, #tpu.memory_space<vmem>>, vector<1x16xf32>,
        %swap3A_593 = vector.shape_cast %swap3A_592 : vector<1x16xf32> to vector<16xf32>
        %swap3A_594 = vector.shape_cast %get3A_589 : vector<16xf32> to vector<1x16xf32>
        tpu.vector_store %arg8[%swap3A_590, %swap3A_591], %swap3A_594 {add = true, strides = array<i32>} : memref<128x64xf32, #tpu.memory_space<vmem>>, vector<1x16xf32>,
        %scan3A_595 = arith.constant 10 : i32
        %scan3A_596 = arith.addi %scan3A_178, %scan3A_595 : i32
        %add3A_597 = arith.addi %rem3A_78, %scan3A_596 : i32
        %get3A_598 = arith.index_cast %add3A_597 : i32 to index
        %get3A_599 = arith.constant 0 : index
        %get3A_600 = tpu.vector_load %arg11[%get3A_598, %get3A_599] {strides = array<i32>} : memref<400x64xf32, #tpu.memory_space<vmem>>, vector<1x16xf32>,
        %get3A_601 = vector.shape_cast %get3A_600 : vector<1x16xf32> to vector<16xf32>
        %swap3A_602 = arith.index_cast %scan3A_596 : i32 to index
        %swap3A_603 = arith.constant 0 : index
        %swap3A_604 = tpu.vector_load %arg8[%swap3A_602, %swap3A_603] {strides = array<i32>} : memref<128x64xf32, #tpu.memory_space<vmem>>, vector<1x16xf32>,
        %swap3A_605 = vector.shape_cast %swap3A_604 : vector<1x16xf32> to vector<16xf32>
        %swap3A_606 = vector.shape_cast %get3A_601 : vector<16xf32> to vector<1x16xf32>
        tpu.vector_store %arg8[%swap3A_602, %swap3A_603], %swap3A_606 {add = true, strides = array<i32>} : memref<128x64xf32, #tpu.memory_space<vmem>>, vector<1x16xf32>,
        %add3A_607 = arith.addi %rem3A_78, %scan3A_596 : i32
        %get3A_608 = arith.index_cast %add3A_607 : i32 to index
        %get3A_609 = arith.constant 16 : index
        %get3A_610 = tpu.vector_load %arg11[%get3A_608, %get3A_609] {strides = array<i32>} : memref<400x64xf32, #tpu.memory_space<vmem>>, vector<1x16xf32>,
        %get3A_611 = vector.shape_cast %get3A_610 : vector<1x16xf32> to vector<16xf32>
        %swap3A_612 = arith.index_cast %scan3A_596 : i32 to index
        %swap3A_613 = arith.constant 16 : index
        %swap3A_614 = tpu.vector_load %arg8[%swap3A_612, %swap3A_613] {strides = array<i32>} : memref<128x64xf32, #tpu.memory_space<vmem>>, vector<1x16xf32>,
        %swap3A_615 = vector.shape_cast %swap3A_614 : vector<1x16xf32> to vector<16xf32>
        %swap3A_616 = vector.shape_cast %get3A_611 : vector<16xf32> to vector<1x16xf32>
        tpu.vector_store %arg8[%swap3A_612, %swap3A_613], %swap3A_616 {add = true, strides = array<i32>} : memref<128x64xf32, #tpu.memory_space<vmem>>, vector<1x16xf32>,
        %add3A_617 = arith.addi %rem3A_78, %scan3A_596 : i32
        %get3A_618 = arith.index_cast %add3A_617 : i32 to index
        %get3A_619 = arith.constant 32 : index
        %get3A_620 = tpu.vector_load %arg11[%get3A_618, %get3A_619] {strides = array<i32>} : memref<400x64xf32, #tpu.memory_space<vmem>>, vector<1x16xf32>,
        %get3A_621 = vector.shape_cast %get3A_620 : vector<1x16xf32> to vector<16xf32>
        %swap3A_622 = arith.index_cast %scan3A_596 : i32 to index
        %swap3A_623 = arith.constant 32 : index
        %swap3A_624 = tpu.vector_load %arg8[%swap3A_622, %swap3A_623] {strides = array<i32>} : memref<128x64xf32, #tpu.memory_space<vmem>>, vector<1x16xf32>,
        %swap3A_625 = vector.shape_cast %swap3A_624 : vector<1x16xf32> to vector<16xf32>
        %swap3A_626 = vector.shape_cast %get3A_621 : vector<16xf32> to vector<1x16xf32>
        tpu.vector_store %arg8[%swap3A_622, %swap3A_623], %swap3A_626 {add = true, strides = array<i32>} : memref<128x64xf32, #tpu.memory_space<vmem>>, vector<1x16xf32>,
        %add3A_627 = arith.addi %rem3A_78, %scan3A_596 : i32
        %get3A_628 = arith.index_cast %add3A_627 : i32 to index
        %get3A_629 = arith.constant 48 : index
        %get3A_630 = tpu.vector_load %arg11[%get3A_628, %get3A_629] {strides = array<i32>} : memref<400x64xf32, #tpu.memory_space<vmem>>, vector<1x16xf32>,
        %get3A_631 = vector.shape_cast %get3A_630 : vector<1x16xf32> to vector<16xf32>
        %swap3A_632 = arith.index_cast %scan3A_596 : i32 to index
        %swap3A_633 = arith.constant 48 : index
        %swap3A_634 = tpu.vector_load %arg8[%swap3A_632, %swap3A_633] {strides = array<i32>} : memref<128x64xf32, #tpu.memory_space<vmem>>, vector<1x16xf32>,
        %swap3A_635 = vector.shape_cast %swap3A_634 : vector<1x16xf32> to vector<16xf32>
        %swap3A_636 = vector.shape_cast %get3A_631 : vector<16xf32> to vector<1x16xf32>
        tpu.vector_store %arg8[%swap3A_632, %swap3A_633], %swap3A_636 {add = true, strides = array<i32>} : memref<128x64xf32, #tpu.memory_space<vmem>>, vector<1x16xf32>,
        %scan3A_637 = arith.constant 11 : i32
        %scan3A_638 = arith.addi %scan3A_178, %scan3A_637 : i32
        %add3A_639 = arith.addi %rem3A_78, %scan3A_638 : i32
        %get3A_640 = arith.index_cast %add3A_639 : i32 to index
        %get3A_641 = arith.constant 0 : index
        %get3A_642 = tpu.vector_load %arg11[%get3A_640, %get3A_641] {strides = array<i32>} : memref<400x64xf32, #tpu.memory_space<vmem>>, vector<1x16xf32>,
        %get3A_643 = vector.shape_cast %get3A_642 : vector<1x16xf32> to vector<16xf32>
        %swap3A_644 = arith.index_cast %scan3A_638 : i32 to index
        %swap3A_645 = arith.constant 0 : index
        %swap3A_646 = tpu.vector_load %arg8[%swap3A_644, %swap3A_645] {strides = array<i32>} : memref<128x64xf32, #tpu.memory_space<vmem>>, vector<1x16xf32>,
        %swap3A_647 = vector.shape_cast %swap3A_646 : vector<1x16xf32> to vector<16xf32>
        %swap3A_648 = vector.shape_cast %get3A_643 : vector<16xf32> to vector<1x16xf32>
        tpu.vector_store %arg8[%swap3A_644, %swap3A_645], %swap3A_648 {add = true, strides = array<i32>} : memref<128x64xf32, #tpu.memory_space<vmem>>, vector<1x16xf32>,
        %add3A_649 = arith.addi %rem3A_78, %scan3A_638 : i32
        %get3A_650 = arith.index_cast %add3A_649 : i32 to index
        %get3A_651 = arith.constant 16 : index
        %get3A_652 = tpu.vector_load %arg11[%get3A_650, %get3A_651] {strides = array<i32>} : memref<400x64xf32, #tpu.memory_space<vmem>>, vector<1x16xf32>,
        %get3A_653 = vector.shape_cast %get3A_652 : vector<1x16xf32> to vector<16xf32>
        %swap3A_654 = arith.index_cast %scan3A_638 : i32 to index
        %swap3A_655 = arith.constant 16 : index
        %swap3A_656 = tpu.vector_load %arg8[%swap3A_654, %swap3A_655] {strides = array<i32>} : memref<128x64xf32, #tpu.memory_space<vmem>>, vector<1x16xf32>,
        %swap3A_657 = vector.shape_cast %swap3A_656 : vector<1x16xf32> to vector<16xf32>
        %swap3A_658 = vector.shape_cast %get3A_653 : vector<16xf32> to vector<1x16xf32>
        tpu.vector_store %arg8[%swap3A_654, %swap3A_655], %swap3A_658 {add = true, strides = array<i32>} : memref<128x64xf32, #tpu.memory_space<vmem>>, vector<1x16xf32>,
        %add3A_659 = arith.addi %rem3A_78, %scan3A_638 : i32
        %get3A_660 = arith.index_cast %add3A_659 : i32 to index
        %get3A_661 = arith.constant 32 : index
        %get3A_662 = tpu.vector_load %arg11[%get3A_660, %get3A_661] {strides = array<i32>} : memref<400x64xf32, #tpu.memory_space<vmem>>, vector<1x16xf32>,
        %get3A_663 = vector.shape_cast %get3A_662 : vector<1x16xf32> to vector<16xf32>
        %swap3A_664 = arith.index_cast %scan3A_638 : i32 to index
        %swap3A_665 = arith.constant 32 : index
        %swap3A_666 = tpu.vector_load %arg8[%swap3A_664, %swap3A_665] {strides = array<i32>} : memref<128x64xf32, #tpu.memory_space<vmem>>, vector<1x16xf32>,
        %swap3A_667 = vector.shape_cast %swap3A_666 : vector<1x16xf32> to vector<16xf32>
        %swap3A_668 = vector.shape_cast %get3A_663 : vector<16xf32> to vector<1x16xf32>
        tpu.vector_store %arg8[%swap3A_664, %swap3A_665], %swap3A_668 {add = true, strides = array<i32>} : memref<128x64xf32, #tpu.memory_space<vmem>>, vector<1x16xf32>,
        %add3A_669 = arith.addi %rem3A_78, %scan3A_638 : i32
        %get3A_670 = arith.index_cast %add3A_669 : i32 to index
        %get3A_671 = arith.constant 48 : index
        %get3A_672 = tpu.vector_load %arg11[%get3A_670, %get3A_671] {strides = array<i32>} : memref<400x64xf32, #tpu.memory_space<vmem>>, vector<1x16xf32>,
        %get3A_673 = vector.shape_cast %get3A_672 : vector<1x16xf32> to vector<16xf32>
        %swap3A_674 = arith.index_cast %scan3A_638 : i32 to index
        %swap3A_675 = arith.constant 48 : index
        %swap3A_676 = tpu.vector_load %arg8[%swap3A_674, %swap3A_675] {strides = array<i32>} : memref<128x64xf32, #tpu.memory_space<vmem>>, vector<1x16xf32>,
        %swap3A_677 = vector.shape_cast %swap3A_676 : vector<1x16xf32> to vector<16xf32>
        %swap3A_678 = vector.shape_cast %get3A_673 : vector<16xf32> to vector<1x16xf32>
        tpu.vector_store %arg8[%swap3A_674, %swap3A_675], %swap3A_678 {add = true, strides = array<i32>} : memref<128x64xf32, #tpu.memory_space<vmem>>, vector<1x16xf32>,
        %scan3A_679 = arith.constant 12 : i32
        %scan3A_680 = arith.addi %scan3A_178, %scan3A_679 : i32
        %add3A_681 = arith.addi %rem3A_78, %scan3A_680 : i32
        %get3A_682 = arith.index_cast %add3A_681 : i32 to index
        %get3A_683 = arith.constant 0 : index
        %get3A_684 = tpu.vector_load %arg11[%get3A_682, %get3A_683] {strides = array<i32>} : memref<400x64xf32, #tpu.memory_space<vmem>>, vector<1x16xf32>,
        %get3A_685 = vector.shape_cast %get3A_684 : vector<1x16xf32> to vector<16xf32>
        %swap3A_686 = arith.index_cast %scan3A_680 : i32 to index
        %swap3A_687 = arith.constant 0 : index
        %swap3A_688 = tpu.vector_load %arg8[%swap3A_686, %swap3A_687] {strides = array<i32>} : memref<128x64xf32, #tpu.memory_space<vmem>>, vector<1x16xf32>,
        %swap3A_689 = vector.shape_cast %swap3A_688 : vector<1x16xf32> to vector<16xf32>
        %swap3A_690 = vector.shape_cast %get3A_685 : vector<16xf32> to vector<1x16xf32>
        tpu.vector_store %arg8[%swap3A_686, %swap3A_687], %swap3A_690 {add = true, strides = array<i32>} : memref<128x64xf32, #tpu.memory_space<vmem>>, vector<1x16xf32>,
        %add3A_691 = arith.addi %rem3A_78, %scan3A_680 : i32
        %get3A_692 = arith.index_cast %add3A_691 : i32 to index
        %get3A_693 = arith.constant 16 : index
        %get3A_694 = tpu.vector_load %arg11[%get3A_692, %get3A_693] {strides = array<i32>} : memref<400x64xf32, #tpu.memory_space<vmem>>, vector<1x16xf32>,
        %get3A_695 = vector.shape_cast %get3A_694 : vector<1x16xf32> to vector<16xf32>
        %swap3A_696 = arith.index_cast %scan3A_680 : i32 to index
        %swap3A_697 = arith.constant 16 : index
        %swap3A_698 = tpu.vector_load %arg8[%swap3A_696, %swap3A_697] {strides = array<i32>} : memref<128x64xf32, #tpu.memory_space<vmem>>, vector<1x16xf32>,
        %swap3A_699 = vector.shape_cast %swap3A_698 : vector<1x16xf32> to vector<16xf32>
        %swap3A_700 = vector.shape_cast %get3A_695 : vector<16xf32> to vector<1x16xf32>
        tpu.vector_store %arg8[%swap3A_696, %swap3A_697], %swap3A_700 {add = true, strides = array<i32>} : memref<128x64xf32, #tpu.memory_space<vmem>>, vector<1x16xf32>,
        %add3A_701 = arith.addi %rem3A_78, %scan3A_680 : i32
        %get3A_702 = arith.index_cast %add3A_701 : i32 to index
        %get3A_703 = arith.constant 32 : index
        %get3A_704 = tpu.vector_load %arg11[%get3A_702, %get3A_703] {strides = array<i32>} : memref<400x64xf32, #tpu.memory_space<vmem>>, vector<1x16xf32>,
        %get3A_705 = vector.shape_cast %get3A_704 : vector<1x16xf32> to vector<16xf32>
        %swap3A_706 = arith.index_cast %scan3A_680 : i32 to index
        %swap3A_707 = arith.constant 32 : index
        %swap3A_708 = tpu.vector_load %arg8[%swap3A_706, %swap3A_707] {strides = array<i32>} : memref<128x64xf32, #tpu.memory_space<vmem>>, vector<1x16xf32>,
        %swap3A_709 = vector.shape_cast %swap3A_708 : vector<1x16xf32> to vector<16xf32>
        %swap3A_710 = vector.shape_cast %get3A_705 : vector<16xf32> to vector<1x16xf32>
        tpu.vector_store %arg8[%swap3A_706, %swap3A_707], %swap3A_710 {add = true, strides = array<i32>} : memref<128x64xf32, #tpu.memory_space<vmem>>, vector<1x16xf32>,
        %add3A_711 = arith.addi %rem3A_78, %scan3A_680 : i32
        %get3A_712 = arith.index_cast %add3A_711 : i32 to index
        %get3A_713 = arith.constant 48 : index
        %get3A_714 = tpu.vector_load %arg11[%get3A_712, %get3A_713] {strides = array<i32>} : memref<400x64xf32, #tpu.memory_space<vmem>>, vector<1x16xf32>,
        %get3A_715 = vector.shape_cast %get3A_714 : vector<1x16xf32> to vector<16xf32>
        %swap3A_716 = arith.index_cast %scan3A_680 : i32 to index
        %swap3A_717 = arith.constant 48 : index
        %swap3A_718 = tpu.vector_load %arg8[%swap3A_716, %swap3A_717] {strides = array<i32>} : memref<128x64xf32, #tpu.memory_space<vmem>>, vector<1x16xf32>,
        %swap3A_719 = vector.shape_cast %swap3A_718 : vector<1x16xf32> to vector<16xf32>
        %swap3A_720 = vector.shape_cast %get3A_715 : vector<16xf32> to vector<1x16xf32>
        tpu.vector_store %arg8[%swap3A_716, %swap3A_717], %swap3A_720 {add = true, strides = array<i32>} : memref<128x64xf32, #tpu.memory_space<vmem>>, vector<1x16xf32>,
        %scan3A_721 = arith.constant 13 : i32
        %scan3A_722 = arith.addi %scan3A_178, %scan3A_721 : i32
        %add3A_723 = arith.addi %rem3A_78, %scan3A_722 : i32
        %get3A_724 = arith.index_cast %add3A_723 : i32 to index
        %get3A_725 = arith.constant 0 : index
        %get3A_726 = tpu.vector_load %arg11[%get3A_724, %get3A_725] {strides = array<i32>} : memref<400x64xf32, #tpu.memory_space<vmem>>, vector<1x16xf32>,
        %get3A_727 = vector.shape_cast %get3A_726 : vector<1x16xf32> to vector<16xf32>
        %swap3A_728 = arith.index_cast %scan3A_722 : i32 to index
        %swap3A_729 = arith.constant 0 : index
        %swap3A_730 = tpu.vector_load %arg8[%swap3A_728, %swap3A_729] {strides = array<i32>} : memref<128x64xf32, #tpu.memory_space<vmem>>, vector<1x16xf32>,
        %swap3A_731 = vector.shape_cast %swap3A_730 : vector<1x16xf32> to vector<16xf32>
        %swap3A_732 = vector.shape_cast %get3A_727 : vector<16xf32> to vector<1x16xf32>
        tpu.vector_store %arg8[%swap3A_728, %swap3A_729], %swap3A_732 {add = true, strides = array<i32>} : memref<128x64xf32, #tpu.memory_space<vmem>>, vector<1x16xf32>,
        %add3A_733 = arith.addi %rem3A_78, %scan3A_722 : i32
        %get3A_734 = arith.index_cast %add3A_733 : i32 to index
        %get3A_735 = arith.constant 16 : index
        %get3A_736 = tpu.vector_load %arg11[%get3A_734, %get3A_735] {strides = array<i32>} : memref<400x64xf32, #tpu.memory_space<vmem>>, vector<1x16xf32>,
        %get3A_737 = vector.shape_cast %get3A_736 : vector<1x16xf32> to vector<16xf32>
        %swap3A_738 = arith.index_cast %scan3A_722 : i32 to index
        %swap3A_739 = arith.constant 16 : index
        %swap3A_740 = tpu.vector_load %arg8[%swap3A_738, %swap3A_739] {strides = array<i32>} : memref<128x64xf32, #tpu.memory_space<vmem>>, vector<1x16xf32>,
        %swap3A_741 = vector.shape_cast %swap3A_740 : vector<1x16xf32> to vector<16xf32>
        %swap3A_742 = vector.shape_cast %get3A_737 : vector<16xf32> to vector<1x16xf32>
        tpu.vector_store %arg8[%swap3A_738, %swap3A_739], %swap3A_742 {add = true, strides = array<i32>} : memref<128x64xf32, #tpu.memory_space<vmem>>, vector<1x16xf32>,
        %add3A_743 = arith.addi %rem3A_78, %scan3A_722 : i32
        %get3A_744 = arith.index_cast %add3A_743 : i32 to index
        %get3A_745 = arith.constant 32 : index
        %get3A_746 = tpu.vector_load %arg11[%get3A_744, %get3A_745] {strides = array<i32>} : memref<400x64xf32, #tpu.memory_space<vmem>>, vector<1x16xf32>,
        %get3A_747 = vector.shape_cast %get3A_746 : vector<1x16xf32> to vector<16xf32>
        %swap3A_748 = arith.index_cast %scan3A_722 : i32 to index
        %swap3A_749 = arith.constant 32 : index
        %swap3A_750 = tpu.vector_load %arg8[%swap3A_748, %swap3A_749] {strides = array<i32>} : memref<128x64xf32, #tpu.memory_space<vmem>>, vector<1x16xf32>,
        %swap3A_751 = vector.shape_cast %swap3A_750 : vector<1x16xf32> to vector<16xf32>
        %swap3A_752 = vector.shape_cast %get3A_747 : vector<16xf32> to vector<1x16xf32>
        tpu.vector_store %arg8[%swap3A_748, %swap3A_749], %swap3A_752 {add = true, strides = array<i32>} : memref<128x64xf32, #tpu.memory_space<vmem>>, vector<1x16xf32>,
        %add3A_753 = arith.addi %rem3A_78, %scan3A_722 : i32
        %get3A_754 = arith.index_cast %add3A_753 : i32 to index
        %get3A_755 = arith.constant 48 : index
        %get3A_756 = tpu.vector_load %arg11[%get3A_754, %get3A_755] {strides = array<i32>} : memref<400x64xf32, #tpu.memory_space<vmem>>, vector<1x16xf32>,
        %get3A_757 = vector.shape_cast %get3A_756 : vector<1x16xf32> to vector<16xf32>
        %swap3A_758 = arith.index_cast %scan3A_722 : i32 to index
        %swap3A_759 = arith.constant 48 : index
        %swap3A_760 = tpu.vector_load %arg8[%swap3A_758, %swap3A_759] {strides = array<i32>} : memref<128x64xf32, #tpu.memory_space<vmem>>, vector<1x16xf32>,
        %swap3A_761 = vector.shape_cast %swap3A_760 : vector<1x16xf32> to vector<16xf32>
        %swap3A_762 = vector.shape_cast %get3A_757 : vector<16xf32> to vector<1x16xf32>
        tpu.vector_store %arg8[%swap3A_758, %swap3A_759], %swap3A_762 {add = true, strides = array<i32>} : memref<128x64xf32, #tpu.memory_space<vmem>>, vector<1x16xf32>,
        %scan3A_763 = arith.constant 14 : i32
        %scan3A_764 = arith.addi %scan3A_178, %scan3A_763 : i32
        %add3A_765 = arith.addi %rem3A_78, %scan3A_764 : i32
        %get3A_766 = arith.index_cast %add3A_765 : i32 to index
        %get3A_767 = arith.constant 0 : index
        %get3A_768 = tpu.vector_load %arg11[%get3A_766, %get3A_767] {strides = array<i32>} : memref<400x64xf32, #tpu.memory_space<vmem>>, vector<1x16xf32>,
        %get3A_769 = vector.shape_cast %get3A_768 : vector<1x16xf32> to vector<16xf32>
        %swap3A_770 = arith.index_cast %scan3A_764 : i32 to index
        %swap3A_771 = arith.constant 0 : index
        %swap3A_772 = tpu.vector_load %arg8[%swap3A_770, %swap3A_771] {strides = array<i32>} : memref<128x64xf32, #tpu.memory_space<vmem>>, vector<1x16xf32>,
        %swap3A_773 = vector.shape_cast %swap3A_772 : vector<1x16xf32> to vector<16xf32>
        %swap3A_774 = vector.shape_cast %get3A_769 : vector<16xf32> to vector<1x16xf32>
        tpu.vector_store %arg8[%swap3A_770, %swap3A_771], %swap3A_774 {add = true, strides = array<i32>} : memref<128x64xf32, #tpu.memory_space<vmem>>, vector<1x16xf32>,
        %add3A_775 = arith.addi %rem3A_78, %scan3A_764 : i32
        %get3A_776 = arith.index_cast %add3A_775 : i32 to index
        %get3A_777 = arith.constant 16 : index
        %get3A_778 = tpu.vector_load %arg11[%get3A_776, %get3A_777] {strides = array<i32>} : memref<400x64xf32, #tpu.memory_space<vmem>>, vector<1x16xf32>,
        %get3A_779 = vector.shape_cast %get3A_778 : vector<1x16xf32> to vector<16xf32>
        %swap3A_780 = arith.index_cast %scan3A_764 : i32 to index
        %swap3A_781 = arith.constant 16 : index
        %swap3A_782 = tpu.vector_load %arg8[%swap3A_780, %swap3A_781] {strides = array<i32>} : memref<128x64xf32, #tpu.memory_space<vmem>>, vector<1x16xf32>,
        %swap3A_783 = vector.shape_cast %swap3A_782 : vector<1x16xf32> to vector<16xf32>
        %swap3A_784 = vector.shape_cast %get3A_779 : vector<16xf32> to vector<1x16xf32>
        tpu.vector_store %arg8[%swap3A_780, %swap3A_781], %swap3A_784 {add = true, strides = array<i32>} : memref<128x64xf32, #tpu.memory_space<vmem>>, vector<1x16xf32>,
        %add3A_785 = arith.addi %rem3A_78, %scan3A_764 : i32
        %get3A_786 = arith.index_cast %add3A_785 : i32 to index
        %get3A_787 = arith.constant 32 : index
        %get3A_788 = tpu.vector_load %arg11[%get3A_786, %get3A_787] {strides = array<i32>} : memref<400x64xf32, #tpu.memory_space<vmem>>, vector<1x16xf32>,
        %get3A_789 = vector.shape_cast %get3A_788 : vector<1x16xf32> to vector<16xf32>
        %swap3A_790 = arith.index_cast %scan3A_764 : i32 to index
        %swap3A_791 = arith.constant 32 : index
        %swap3A_792 = tpu.vector_load %arg8[%swap3A_790, %swap3A_791] {strides = array<i32>} : memref<128x64xf32, #tpu.memory_space<vmem>>, vector<1x16xf32>,
        %swap3A_793 = vector.shape_cast %swap3A_792 : vector<1x16xf32> to vector<16xf32>
        %swap3A_794 = vector.shape_cast %get3A_789 : vector<16xf32> to vector<1x16xf32>
        tpu.vector_store %arg8[%swap3A_790, %swap3A_791], %swap3A_794 {add = true, strides = array<i32>} : memref<128x64xf32, #tpu.memory_space<vmem>>, vector<1x16xf32>,
        %add3A_795 = arith.addi %rem3A_78, %scan3A_764 : i32
        %get3A_796 = arith.index_cast %add3A_795 : i32 to index
        %get3A_797 = arith.constant 48 : index
        %get3A_798 = tpu.vector_load %arg11[%get3A_796, %get3A_797] {strides = array<i32>} : memref<400x64xf32, #tpu.memory_space<vmem>>, vector<1x16xf32>,
        %get3A_799 = vector.shape_cast %get3A_798 : vector<1x16xf32> to vector<16xf32>
        %swap3A_800 = arith.index_cast %scan3A_764 : i32 to index
        %swap3A_801 = arith.constant 48 : index
        %swap3A_802 = tpu.vector_load %arg8[%swap3A_800, %swap3A_801] {strides = array<i32>} : memref<128x64xf32, #tpu.memory_space<vmem>>, vector<1x16xf32>,
        %swap3A_803 = vector.shape_cast %swap3A_802 : vector<1x16xf32> to vector<16xf32>
        %swap3A_804 = vector.shape_cast %get3A_799 : vector<16xf32> to vector<1x16xf32>
        tpu.vector_store %arg8[%swap3A_800, %swap3A_801], %swap3A_804 {add = true, strides = array<i32>} : memref<128x64xf32, #tpu.memory_space<vmem>>, vector<1x16xf32>,
        %scan3A_805 = arith.constant 15 : i32
        %scan3A_806 = arith.addi %scan3A_178, %scan3A_805 : i32
        %add3A_807 = arith.addi %rem3A_78, %scan3A_806 : i32
        %get3A_808 = arith.index_cast %add3A_807 : i32 to index
        %get3A_809 = arith.constant 0 : index
        %get3A_810 = tpu.vector_load %arg11[%get3A_808, %get3A_809] {strides = array<i32>} : memref<400x64xf32, #tpu.memory_space<vmem>>, vector<1x16xf32>,
        %get3A_811 = vector.shape_cast %get3A_810 : vector<1x16xf32> to vector<16xf32>
        %swap3A_812 = arith.index_cast %scan3A_806 : i32 to index
        %swap3A_813 = arith.constant 0 : index
        %swap3A_814 = tpu.vector_load %arg8[%swap3A_812, %swap3A_813] {strides = array<i32>} : memref<128x64xf32, #tpu.memory_space<vmem>>, vector<1x16xf32>,
        %swap3A_815 = vector.shape_cast %swap3A_814 : vector<1x16xf32> to vector<16xf32>
        %swap3A_816 = vector.shape_cast %get3A_811 : vector<16xf32> to vector<1x16xf32>
        tpu.vector_store %arg8[%swap3A_812, %swap3A_813], %swap3A_816 {add = true, strides = array<i32>} : memref<128x64xf32, #tpu.memory_space<vmem>>, vector<1x16xf32>,
        %add3A_817 = arith.addi %rem3A_78, %scan3A_806 : i32
        %get3A_818 = arith.index_cast %add3A_817 : i32 to index
        %get3A_819 = arith.constant 16 : index
        %get3A_820 = tpu.vector_load %arg11[%get3A_818, %get3A_819] {strides = array<i32>} : memref<400x64xf32, #tpu.memory_space<vmem>>, vector<1x16xf32>,
        %get3A_821 = vector.shape_cast %get3A_820 : vector<1x16xf32> to vector<16xf32>
        %swap3A_822 = arith.index_cast %scan3A_806 : i32 to index
        %swap3A_823 = arith.constant 16 : index
        %swap3A_824 = tpu.vector_load %arg8[%swap3A_822, %swap3A_823] {strides = array<i32>} : memref<128x64xf32, #tpu.memory_space<vmem>>, vector<1x16xf32>,
        %swap3A_825 = vector.shape_cast %swap3A_824 : vector<1x16xf32> to vector<16xf32>
        %swap3A_826 = vector.shape_cast %get3A_821 : vector<16xf32> to vector<1x16xf32>
        tpu.vector_store %arg8[%swap3A_822, %swap3A_823], %swap3A_826 {add = true, strides = array<i32>} : memref<128x64xf32, #tpu.memory_space<vmem>>, vector<1x16xf32>,
        %add3A_827 = arith.addi %rem3A_78, %scan3A_806 : i32
        %get3A_828 = arith.index_cast %add3A_827 : i32 to index
        %get3A_829 = arith.constant 32 : index
        %get3A_830 = tpu.vector_load %arg11[%get3A_828, %get3A_829] {strides = array<i32>} : memref<400x64xf32, #tpu.memory_space<vmem>>, vector<1x16xf32>,
        %get3A_831 = vector.shape_cast %get3A_830 : vector<1x16xf32> to vector<16xf32>
        %swap3A_832 = arith.index_cast %scan3A_806 : i32 to index
        %swap3A_833 = arith.constant 32 : index
        %swap3A_834 = tpu.vector_load %arg8[%swap3A_832, %swap3A_833] {strides = array<i32>} : memref<128x64xf32, #tpu.memory_space<vmem>>, vector<1x16xf32>,
        %swap3A_835 = vector.shape_cast %swap3A_834 : vector<1x16xf32> to vector<16xf32>
        %swap3A_836 = vector.shape_cast %get3A_831 : vector<16xf32> to vector<1x16xf32>
        tpu.vector_store %arg8[%swap3A_832, %swap3A_833], %swap3A_836 {add = true, strides = array<i32>} : memref<128x64xf32, #tpu.memory_space<vmem>>, vector<1x16xf32>,
        %add3A_837 = arith.addi %rem3A_78, %scan3A_806 : i32
        %get3A_838 = arith.index_cast %add3A_837 : i32 to index
        %get3A_839 = arith.constant 48 : index
        %get3A_840 = tpu.vector_load %arg11[%get3A_838, %get3A_839] {strides = array<i32>} : memref<400x64xf32, #tpu.memory_space<vmem>>, vector<1x16xf32>,
        %get3A_841 = vector.shape_cast %get3A_840 : vector<1x16xf32> to vector<16xf32>
        %swap3A_842 = arith.index_cast %scan3A_806 : i32 to index
        %swap3A_843 = arith.constant 48 : index
        %swap3A_844 = tpu.vector_load %arg8[%swap3A_842, %swap3A_843] {strides = array<i32>} : memref<128x64xf32, #tpu.memory_space<vmem>>, vector<1x16xf32>,
        %swap3A_845 = vector.shape_cast %swap3A_844 : vector<1x16xf32> to vector<16xf32>
        %swap3A_846 = vector.shape_cast %get3A_841 : vector<16xf32> to vector<1x16xf32>
        tpu.vector_store %arg8[%swap3A_842, %swap3A_843], %swap3A_846 {add = true, strides = array<i32>} : memref<128x64xf32, #tpu.memory_space<vmem>>, vector<1x16xf32>,
      }
      %scan3A_84 = arith.constant 128 : i32
      %dma_wait3A_85 = arith.constant 0 : i32
      %dma_wait3A_86 = arith.constant 0 : i32
      %dma_wait3A_87 = tpu.memref_slice %arg5[%dma_wait3A_85, %dma_wait3A_86] : memref<819200x64xf32, #tpu.memory_space<hbm>> -> memref<128x64xf32, #tpu.memory_space<hbm>>
      %dma_wait3A_88 = arith.constant 0 : i32
      %dma_wait3A_89 = arith.constant 0 : i32
      %dma_wait3A_90 = tpu.memref_slice %arg5[%dma_wait3A_88, %dma_wait3A_89] : memref<819200x64xf32, #tpu.memory_space<hbm>> -> memref<128x64xf32, #tpu.memory_space<hbm>>
      tpu.wait_dma2 semaphore(%arg16 : memref<!tpu.dma_semaphore, #tpu.memory_space<semaphore_mem>>) src(%arg7 : memref<128x64xf32, #tpu.memory_space<vmem>>) dst(%dma_wait3A_90 : memref<128x64xf32, #tpu.memory_space<hbm>>)
      %le3A = arith.constant 48 : i32
      %le3A_91 = arith.cmpi sle, %scan3A_27, %le3A : i32
      %convert_element_type3A_92 = arith.extui %le3A_91 : i1 to i32
      %cond3A_93 = arith.constant 0 : i32
      %cond3A_94 = arith.cmpi ne, %convert_element_type3A_92, %cond3A_93 : i32
      scf.if %cond3A_94 {
        %add3A_178 = arith.constant 4 : i32
        %add3A_179 = arith.addi %add3A_68, %add3A_178 : i32
        %sub3A_180 = arith.constant 1 : i32
        %sub3A_181 = arith.subi %add3A_179, %sub3A_180 : i32
        %mul3A_182 = arith.constant 128 : i32
        %mul3A_183 = arith.muli %sub3A_181, %mul3A_182 : i32
        %dma_start3A_184 = tpu.memref_slice %arg6[%mul3A_183] : memref<25600xi32, #tpu.memory_space<vmem>> -> memref<128xi32, #tpu.memory_space<vmem>>
        %dma_start3A_185 = arith.constant 0 : i32
        %dma_start3A_186 = arith.constant 0 : i32
        %dma_start3A_187 = tpu.memref_slice %arg3[%dma_start3A_185, %dma_start3A_186] : memref<1000000x64xf32, #tpu.memory_space<hbm>> -> memref<1000000x64xf32, #tpu.memory_space<hbm>>
        tpu.enqueue_indirect_dma source(%dma_start3A_187 : memref<1000000x64xf32, #tpu.memory_space<hbm>>) target(%arg7 : memref<128x64xf32, #tpu.memory_space<vmem>>) offsets(%dma_start3A_184 : memref<128xi32, #tpu.memory_space<vmem>>) semaphore(%arg12 : memref<!tpu.dma_semaphore, #tpu.memory_space<semaphore_mem>>)
      } else {
      }
      %mul3A_95 = arith.constant 128 : i32
      %mul3A_96 = arith.muli %add3A_68, %mul3A_95 : i32
      %add3A_97 = arith.addi %mul3A_2, %mul3A_96 : i32
      %dma_start3A_98 = arith.constant 0 : i32
      %dma_start3A_99 = tpu.memref_slice %arg5[%add3A_97, %dma_start3A_98] : memref<819200x64xf32, #tpu.memory_space<hbm>> -> memref<128x64xf32, #tpu.memory_space<hbm>>
      %dma_start3A_100 = arith.constant 0 : i32
      %dma_start3A_101 = tpu.memref_slice %arg5[%add3A_97, %dma_start3A_100] : memref<819200x64xf32, #tpu.memory_space<hbm>> -> memref<128x64xf32, #tpu.memory_space<hbm>>
      tpu.enqueue_dma source(%arg8 : memref<128x64xf32, #tpu.memory_space<vmem>>) target(%dma_start3A_101 : memref<128x64xf32, #tpu.memory_space<hbm>>) target_semaphore(%arg17 : memref<!tpu.dma_semaphore, #tpu.memory_space<semaphore_mem>>)
      %mul3A_102 = arith.constant 4 : i32
      %mul3A_103 = arith.muli %scan3A_27, %mul3A_102 : i32
      %add3A_104 = arith.constant 2 : i32
      %add3A_105 = arith.addi %mul3A_103, %add3A_104 : i32
      %dma_wait3A_106 = arith.constant 0 : i32
      %dma_wait3A_107 = arith.constant 0 : i32
      %dma_wait3A_108 = tpu.memref_slice %arg5[%dma_wait3A_106, %dma_wait3A_107] : memref<819200x64xf32, #tpu.memory_space<hbm>> -> memref<128x64xf32, #tpu.memory_space<hbm>>
      %dma_wait3A_109 = arith.constant 0 : i32
      %dma_wait3A_110 = arith.constant 0 : i32
      %dma_wait3A_111 = tpu.memref_slice %arg5[%dma_wait3A_109, %dma_wait3A_110] : memref<819200x64xf32, #tpu.memory_space<hbm>> -> memref<128x64xf32, #tpu.memory_space<hbm>>
      tpu.wait_dma2 semaphore(%arg14 : memref<!tpu.dma_semaphore, #tpu.memory_space<semaphore_mem>>) src(%dma_wait3A_111 : memref<128x64xf32, #tpu.memory_space<hbm>>) dst(%arg9 : memref<128x64xf32, #tpu.memory_space<vmem>>)
      %mul3A_112 = arith.constant 128 : i32
      %mul3A_113 = arith.muli %add3A_105, %mul3A_112 : i32
      %rem3A_114 = arith.constant 200 : i32
      %rem3A_115 = arith.remsi %mul3A_113, %rem3A_114 : i32
      %scan3A_116 = arith.constant 0 : i32
      %scan3A_117 = arith.constant 0 : i32
      %scan3A_118 = arith.constant 128 : i32
      %scan3A_119 = arith.addi %scan3A_117, %scan3A_118 : i32
      %scan3A_120 = arith.constant 16 : i32
      scf.for %scan3A_178 = %scan3A_117 to %scan3A_119 step %scan3A_120  : i32 {
        %add3A_179 = arith.addi %rem3A_115, %scan3A_178 : i32
        %get3A = arith.index_cast %add3A_179 : i32 to index
        %get3A_180 = arith.constant 0 : index
        %get3A_181 = tpu.vector_load %arg11[%get3A, %get3A_180] {strides = array<i32>} : memref<400x64xf32, #tpu.memory_space<vmem>>, vector<1x16xf32>,
        %get3A_182 = vector.shape_cast %get3A_181 : vector<1x16xf32> to vector<16xf32>
        %swap3A = arith.index_cast %scan3A_178 : i32 to index
        %swap3A_183 = arith.constant 0 : index
        %swap3A_184 = tpu.vector_load %arg9[%swap3A, %swap3A_183] {strides = array<i32>} : memref<128x64xf32, #tpu.memory_space<vmem>>, vector<1x16xf32>,
        %swap3A_185 = vector.shape_cast %swap3A_184 : vector<1x16xf32> to vector<16xf32>
        %swap3A_186 = vector.shape_cast %get3A_182 : vector<16xf32> to vector<1x16xf32>
        tpu.vector_store %arg9[%swap3A, %swap3A_183], %swap3A_186 {add = true, strides = array<i32>} : memref<128x64xf32, #tpu.memory_space<vmem>>, vector<1x16xf32>,
        %add3A_187 = arith.addi %rem3A_115, %scan3A_178 : i32
        %get3A_188 = arith.index_cast %add3A_187 : i32 to index
        %get3A_189 = arith.constant 16 : index
        %get3A_190 = tpu.vector_load %arg11[%get3A_188, %get3A_189] {strides = array<i32>} : memref<400x64xf32, #tpu.memory_space<vmem>>, vector<1x16xf32>,
        %get3A_191 = vector.shape_cast %get3A_190 : vector<1x16xf32> to vector<16xf32>
        %swap3A_192 = arith.index_cast %scan3A_178 : i32 to index
        %swap3A_193 = arith.constant 16 : index
        %swap3A_194 = tpu.vector_load %arg9[%swap3A_192, %swap3A_193] {strides = array<i32>} : memref<128x64xf32, #tpu.memory_space<vmem>>, vector<1x16xf32>,
        %swap3A_195 = vector.shape_cast %swap3A_194 : vector<1x16xf32> to vector<16xf32>
        %swap3A_196 = vector.shape_cast %get3A_191 : vector<16xf32> to vector<1x16xf32>
        tpu.vector_store %arg9[%swap3A_192, %swap3A_193], %swap3A_196 {add = true, strides = array<i32>} : memref<128x64xf32, #tpu.memory_space<vmem>>, vector<1x16xf32>,
        %add3A_197 = arith.addi %rem3A_115, %scan3A_178 : i32
        %get3A_198 = arith.index_cast %add3A_197 : i32 to index
        %get3A_199 = arith.constant 32 : index
        %get3A_200 = tpu.vector_load %arg11[%get3A_198, %get3A_199] {strides = array<i32>} : memref<400x64xf32, #tpu.memory_space<vmem>>, vector<1x16xf32>,
        %get3A_201 = vector.shape_cast %get3A_200 : vector<1x16xf32> to vector<16xf32>
        %swap3A_202 = arith.index_cast %scan3A_178 : i32 to index
        %swap3A_203 = arith.constant 32 : index
        %swap3A_204 = tpu.vector_load %arg9[%swap3A_202, %swap3A_203] {strides = array<i32>} : memref<128x64xf32, #tpu.memory_space<vmem>>, vector<1x16xf32>,
        %swap3A_205 = vector.shape_cast %swap3A_204 : vector<1x16xf32> to vector<16xf32>
        %swap3A_206 = vector.shape_cast %get3A_201 : vector<16xf32> to vector<1x16xf32>
        tpu.vector_store %arg9[%swap3A_202, %swap3A_203], %swap3A_206 {add = true, strides = array<i32>} : memref<128x64xf32, #tpu.memory_space<vmem>>, vector<1x16xf32>,
        %add3A_207 = arith.addi %rem3A_115, %scan3A_178 : i32
        %get3A_208 = arith.index_cast %add3A_207 : i32 to index
        %get3A_209 = arith.constant 48 : index
        %get3A_210 = tpu.vector_load %arg11[%get3A_208, %get3A_209] {strides = array<i32>} : memref<400x64xf32, #tpu.memory_space<vmem>>, vector<1x16xf32>,
        %get3A_211 = vector.shape_cast %get3A_210 : vector<1x16xf32> to vector<16xf32>
        %swap3A_212 = arith.index_cast %scan3A_178 : i32 to index
        %swap3A_213 = arith.constant 48 : index
        %swap3A_214 = tpu.vector_load %arg9[%swap3A_212, %swap3A_213] {strides = array<i32>} : memref<128x64xf32, #tpu.memory_space<vmem>>, vector<1x16xf32>,
        %swap3A_215 = vector.shape_cast %swap3A_214 : vector<1x16xf32> to vector<16xf32>
        %swap3A_216 = vector.shape_cast %get3A_211 : vector<16xf32> to vector<1x16xf32>
        tpu.vector_store %arg9[%swap3A_212, %swap3A_213], %swap3A_216 {add = true, strides = array<i32>} : memref<128x64xf32, #tpu.memory_space<vmem>>, vector<1x16xf32>,
        %scan3A_217 = arith.constant 1 : i32
        %scan3A_218 = arith.addi %scan3A_178, %scan3A_217 : i32
        %add3A_219 = arith.addi %rem3A_115, %scan3A_218 : i32
        %get3A_220 = arith.index_cast %add3A_219 : i32 to index
        %get3A_221 = arith.constant 0 : index
        %get3A_222 = tpu.vector_load %arg11[%get3A_220, %get3A_221] {strides = array<i32>} : memref<400x64xf32, #tpu.memory_space<vmem>>, vector<1x16xf32>,
        %get3A_223 = vector.shape_cast %get3A_222 : vector<1x16xf32> to vector<16xf32>
        %swap3A_224 = arith.index_cast %scan3A_218 : i32 to index
        %swap3A_225 = arith.constant 0 : index
        %swap3A_226 = tpu.vector_load %arg9[%swap3A_224, %swap3A_225] {strides = array<i32>} : memref<128x64xf32, #tpu.memory_space<vmem>>, vector<1x16xf32>,
        %swap3A_227 = vector.shape_cast %swap3A_226 : vector<1x16xf32> to vector<16xf32>
        %swap3A_228 = vector.shape_cast %get3A_223 : vector<16xf32> to vector<1x16xf32>
        tpu.vector_store %arg9[%swap3A_224, %swap3A_225], %swap3A_228 {add = true, strides = array<i32>} : memref<128x64xf32, #tpu.memory_space<vmem>>, vector<1x16xf32>,
        %add3A_229 = arith.addi %rem3A_115, %scan3A_218 : i32
        %get3A_230 = arith.index_cast %add3A_229 : i32 to index
        %get3A_231 = arith.constant 16 : index
        %get3A_232 = tpu.vector_load %arg11[%get3A_230, %get3A_231] {strides = array<i32>} : memref<400x64xf32, #tpu.memory_space<vmem>>, vector<1x16xf32>,
        %get3A_233 = vector.shape_cast %get3A_232 : vector<1x16xf32> to vector<16xf32>
        %swap3A_234 = arith.index_cast %scan3A_218 : i32 to index
        %swap3A_235 = arith.constant 16 : index
        %swap3A_236 = tpu.vector_load %arg9[%swap3A_234, %swap3A_235] {strides = array<i32>} : memref<128x64xf32, #tpu.memory_space<vmem>>, vector<1x16xf32>,
        %swap3A_237 = vector.shape_cast %swap3A_236 : vector<1x16xf32> to vector<16xf32>
        %swap3A_238 = vector.shape_cast %get3A_233 : vector<16xf32> to vector<1x16xf32>
        tpu.vector_store %arg9[%swap3A_234, %swap3A_235], %swap3A_238 {add = true, strides = array<i32>} : memref<128x64xf32, #tpu.memory_space<vmem>>, vector<1x16xf32>,
        %add3A_239 = arith.addi %rem3A_115, %scan3A_218 : i32
        %get3A_240 = arith.index_cast %add3A_239 : i32 to index
        %get3A_241 = arith.constant 32 : index
        %get3A_242 = tpu.vector_load %arg11[%get3A_240, %get3A_241] {strides = array<i32>} : memref<400x64xf32, #tpu.memory_space<vmem>>, vector<1x16xf32>,
        %get3A_243 = vector.shape_cast %get3A_242 : vector<1x16xf32> to vector<16xf32>
        %swap3A_244 = arith.index_cast %scan3A_218 : i32 to index
        %swap3A_245 = arith.constant 32 : index
        %swap3A_246 = tpu.vector_load %arg9[%swap3A_244, %swap3A_245] {strides = array<i32>} : memref<128x64xf32, #tpu.memory_space<vmem>>, vector<1x16xf32>,
        %swap3A_247 = vector.shape_cast %swap3A_246 : vector<1x16xf32> to vector<16xf32>
        %swap3A_248 = vector.shape_cast %get3A_243 : vector<16xf32> to vector<1x16xf32>
        tpu.vector_store %arg9[%swap3A_244, %swap3A_245], %swap3A_248 {add = true, strides = array<i32>} : memref<128x64xf32, #tpu.memory_space<vmem>>, vector<1x16xf32>,
        %add3A_249 = arith.addi %rem3A_115, %scan3A_218 : i32
        %get3A_250 = arith.index_cast %add3A_249 : i32 to index
        %get3A_251 = arith.constant 48 : index
        %get3A_252 = tpu.vector_load %arg11[%get3A_250, %get3A_251] {strides = array<i32>} : memref<400x64xf32, #tpu.memory_space<vmem>>, vector<1x16xf32>,
        %get3A_253 = vector.shape_cast %get3A_252 : vector<1x16xf32> to vector<16xf32>
        %swap3A_254 = arith.index_cast %scan3A_218 : i32 to index
        %swap3A_255 = arith.constant 48 : index
        %swap3A_256 = tpu.vector_load %arg9[%swap3A_254, %swap3A_255] {strides = array<i32>} : memref<128x64xf32, #tpu.memory_space<vmem>>, vector<1x16xf32>,
        %swap3A_257 = vector.shape_cast %swap3A_256 : vector<1x16xf32> to vector<16xf32>
        %swap3A_258 = vector.shape_cast %get3A_253 : vector<16xf32> to vector<1x16xf32>
        tpu.vector_store %arg9[%swap3A_254, %swap3A_255], %swap3A_258 {add = true, strides = array<i32>} : memref<128x64xf32, #tpu.memory_space<vmem>>, vector<1x16xf32>,
        %scan3A_259 = arith.constant 2 : i32
        %scan3A_260 = arith.addi %scan3A_178, %scan3A_259 : i32
        %add3A_261 = arith.addi %rem3A_115, %scan3A_260 : i32
        %get3A_262 = arith.index_cast %add3A_261 : i32 to index
        %get3A_263 = arith.constant 0 : index
        %get3A_264 = tpu.vector_load %arg11[%get3A_262, %get3A_263] {strides = array<i32>} : memref<400x64xf32, #tpu.memory_space<vmem>>, vector<1x16xf32>,
        %get3A_265 = vector.shape_cast %get3A_264 : vector<1x16xf32> to vector<16xf32>
        %swap3A_266 = arith.index_cast %scan3A_260 : i32 to index
        %swap3A_267 = arith.constant 0 : index
        %swap3A_268 = tpu.vector_load %arg9[%swap3A_266, %swap3A_267] {strides = array<i32>} : memref<128x64xf32, #tpu.memory_space<vmem>>, vector<1x16xf32>,
        %swap3A_269 = vector.shape_cast %swap3A_268 : vector<1x16xf32> to vector<16xf32>
        %swap3A_270 = vector.shape_cast %get3A_265 : vector<16xf32> to vector<1x16xf32>
        tpu.vector_store %arg9[%swap3A_266, %swap3A_267], %swap3A_270 {add = true, strides = array<i32>} : memref<128x64xf32, #tpu.memory_space<vmem>>, vector<1x16xf32>,
        %add3A_271 = arith.addi %rem3A_115, %scan3A_260 : i32
        %get3A_272 = arith.index_cast %add3A_271 : i32 to index
        %get3A_273 = arith.constant 16 : index
        %get3A_274 = tpu.vector_load %arg11[%get3A_272, %get3A_273] {strides = array<i32>} : memref<400x64xf32, #tpu.memory_space<vmem>>, vector<1x16xf32>,
        %get3A_275 = vector.shape_cast %get3A_274 : vector<1x16xf32> to vector<16xf32>
        %swap3A_276 = arith.index_cast %scan3A_260 : i32 to index
        %swap3A_277 = arith.constant 16 : index
        %swap3A_278 = tpu.vector_load %arg9[%swap3A_276, %swap3A_277] {strides = array<i32>} : memref<128x64xf32, #tpu.memory_space<vmem>>, vector<1x16xf32>,
        %swap3A_279 = vector.shape_cast %swap3A_278 : vector<1x16xf32> to vector<16xf32>
        %swap3A_280 = vector.shape_cast %get3A_275 : vector<16xf32> to vector<1x16xf32>
        tpu.vector_store %arg9[%swap3A_276, %swap3A_277], %swap3A_280 {add = true, strides = array<i32>} : memref<128x64xf32, #tpu.memory_space<vmem>>, vector<1x16xf32>,
        %add3A_281 = arith.addi %rem3A_115, %scan3A_260 : i32
        %get3A_282 = arith.index_cast %add3A_281 : i32 to index
        %get3A_283 = arith.constant 32 : index
        %get3A_284 = tpu.vector_load %arg11[%get3A_282, %get3A_283] {strides = array<i32>} : memref<400x64xf32, #tpu.memory_space<vmem>>, vector<1x16xf32>,
        %get3A_285 = vector.shape_cast %get3A_284 : vector<1x16xf32> to vector<16xf32>
        %swap3A_286 = arith.index_cast %scan3A_260 : i32 to index
        %swap3A_287 = arith.constant 32 : index
        %swap3A_288 = tpu.vector_load %arg9[%swap3A_286, %swap3A_287] {strides = array<i32>} : memref<128x64xf32, #tpu.memory_space<vmem>>, vector<1x16xf32>,
        %swap3A_289 = vector.shape_cast %swap3A_288 : vector<1x16xf32> to vector<16xf32>
        %swap3A_290 = vector.shape_cast %get3A_285 : vector<16xf32> to vector<1x16xf32>
        tpu.vector_store %arg9[%swap3A_286, %swap3A_287], %swap3A_290 {add = true, strides = array<i32>} : memref<128x64xf32, #tpu.memory_space<vmem>>, vector<1x16xf32>,
        %add3A_291 = arith.addi %rem3A_115, %scan3A_260 : i32
        %get3A_292 = arith.index_cast %add3A_291 : i32 to index
        %get3A_293 = arith.constant 48 : index
        %get3A_294 = tpu.vector_load %arg11[%get3A_292, %get3A_293] {strides = array<i32>} : memref<400x64xf32, #tpu.memory_space<vmem>>, vector<1x16xf32>,
        %get3A_295 = vector.shape_cast %get3A_294 : vector<1x16xf32> to vector<16xf32>
        %swap3A_296 = arith.index_cast %scan3A_260 : i32 to index
        %swap3A_297 = arith.constant 48 : index
        %swap3A_298 = tpu.vector_load %arg9[%swap3A_296, %swap3A_297] {strides = array<i32>} : memref<128x64xf32, #tpu.memory_space<vmem>>, vector<1x16xf32>,
        %swap3A_299 = vector.shape_cast %swap3A_298 : vector<1x16xf32> to vector<16xf32>
        %swap3A_300 = vector.shape_cast %get3A_295 : vector<16xf32> to vector<1x16xf32>
        tpu.vector_store %arg9[%swap3A_296, %swap3A_297], %swap3A_300 {add = true, strides = array<i32>} : memref<128x64xf32, #tpu.memory_space<vmem>>, vector<1x16xf32>,
        %scan3A_301 = arith.constant 3 : i32
        %scan3A_302 = arith.addi %scan3A_178, %scan3A_301 : i32
        %add3A_303 = arith.addi %rem3A_115, %scan3A_302 : i32
        %get3A_304 = arith.index_cast %add3A_303 : i32 to index
        %get3A_305 = arith.constant 0 : index
        %get3A_306 = tpu.vector_load %arg11[%get3A_304, %get3A_305] {strides = array<i32>} : memref<400x64xf32, #tpu.memory_space<vmem>>, vector<1x16xf32>,
        %get3A_307 = vector.shape_cast %get3A_306 : vector<1x16xf32> to vector<16xf32>
        %swap3A_308 = arith.index_cast %scan3A_302 : i32 to index
        %swap3A_309 = arith.constant 0 : index
        %swap3A_310 = tpu.vector_load %arg9[%swap3A_308, %swap3A_309] {strides = array<i32>} : memref<128x64xf32, #tpu.memory_space<vmem>>, vector<1x16xf32>,
        %swap3A_311 = vector.shape_cast %swap3A_310 : vector<1x16xf32> to vector<16xf32>
        %swap3A_312 = vector.shape_cast %get3A_307 : vector<16xf32> to vector<1x16xf32>
        tpu.vector_store %arg9[%swap3A_308, %swap3A_309], %swap3A_312 {add = true, strides = array<i32>} : memref<128x64xf32, #tpu.memory_space<vmem>>, vector<1x16xf32>,
        %add3A_313 = arith.addi %rem3A_115, %scan3A_302 : i32
        %get3A_314 = arith.index_cast %add3A_313 : i32 to index
        %get3A_315 = arith.constant 16 : index
        %get3A_316 = tpu.vector_load %arg11[%get3A_314, %get3A_315] {strides = array<i32>} : memref<400x64xf32, #tpu.memory_space<vmem>>, vector<1x16xf32>,
        %get3A_317 = vector.shape_cast %get3A_316 : vector<1x16xf32> to vector<16xf32>
        %swap3A_318 = arith.index_cast %scan3A_302 : i32 to index
        %swap3A_319 = arith.constant 16 : index
        %swap3A_320 = tpu.vector_load %arg9[%swap3A_318, %swap3A_319] {strides = array<i32>} : memref<128x64xf32, #tpu.memory_space<vmem>>, vector<1x16xf32>,
        %swap3A_321 = vector.shape_cast %swap3A_320 : vector<1x16xf32> to vector<16xf32>
        %swap3A_322 = vector.shape_cast %get3A_317 : vector<16xf32> to vector<1x16xf32>
        tpu.vector_store %arg9[%swap3A_318, %swap3A_319], %swap3A_322 {add = true, strides = array<i32>} : memref<128x64xf32, #tpu.memory_space<vmem>>, vector<1x16xf32>,
        %add3A_323 = arith.addi %rem3A_115, %scan3A_302 : i32
        %get3A_324 = arith.index_cast %add3A_323 : i32 to index
        %get3A_325 = arith.constant 32 : index
        %get3A_326 = tpu.vector_load %arg11[%get3A_324, %get3A_325] {strides = array<i32>} : memref<400x64xf32, #tpu.memory_space<vmem>>, vector<1x16xf32>,
        %get3A_327 = vector.shape_cast %get3A_326 : vector<1x16xf32> to vector<16xf32>
        %swap3A_328 = arith.index_cast %scan3A_302 : i32 to index
        %swap3A_329 = arith.constant 32 : index
        %swap3A_330 = tpu.vector_load %arg9[%swap3A_328, %swap3A_329] {strides = array<i32>} : memref<128x64xf32, #tpu.memory_space<vmem>>, vector<1x16xf32>,
        %swap3A_331 = vector.shape_cast %swap3A_330 : vector<1x16xf32> to vector<16xf32>
        %swap3A_332 = vector.shape_cast %get3A_327 : vector<16xf32> to vector<1x16xf32>
        tpu.vector_store %arg9[%swap3A_328, %swap3A_329], %swap3A_332 {add = true, strides = array<i32>} : memref<128x64xf32, #tpu.memory_space<vmem>>, vector<1x16xf32>,
        %add3A_333 = arith.addi %rem3A_115, %scan3A_302 : i32
        %get3A_334 = arith.index_cast %add3A_333 : i32 to index
        %get3A_335 = arith.constant 48 : index
        %get3A_336 = tpu.vector_load %arg11[%get3A_334, %get3A_335] {strides = array<i32>} : memref<400x64xf32, #tpu.memory_space<vmem>>, vector<1x16xf32>,
        %get3A_337 = vector.shape_cast %get3A_336 : vector<1x16xf32> to vector<16xf32>
        %swap3A_338 = arith.index_cast %scan3A_302 : i32 to index
        %swap3A_339 = arith.constant 48 : index
        %swap3A_340 = tpu.vector_load %arg9[%swap3A_338, %swap3A_339] {strides = array<i32>} : memref<128x64xf32, #tpu.memory_space<vmem>>, vector<1x16xf32>,
        %swap3A_341 = vector.shape_cast %swap3A_340 : vector<1x16xf32> to vector<16xf32>
        %swap3A_342 = vector.shape_cast %get3A_337 : vector<16xf32> to vector<1x16xf32>
        tpu.vector_store %arg9[%swap3A_338, %swap3A_339], %swap3A_342 {add = true, strides = array<i32>} : memref<128x64xf32, #tpu.memory_space<vmem>>, vector<1x16xf32>,
        %scan3A_343 = arith.constant 4 : i32
        %scan3A_344 = arith.addi %scan3A_178, %scan3A_343 : i32
        %add3A_345 = arith.addi %rem3A_115, %scan3A_344 : i32
        %get3A_346 = arith.index_cast %add3A_345 : i32 to index
        %get3A_347 = arith.constant 0 : index
        %get3A_348 = tpu.vector_load %arg11[%get3A_346, %get3A_347] {strides = array<i32>} : memref<400x64xf32, #tpu.memory_space<vmem>>, vector<1x16xf32>,
        %get3A_349 = vector.shape_cast %get3A_348 : vector<1x16xf32> to vector<16xf32>
        %swap3A_350 = arith.index_cast %scan3A_344 : i32 to index
        %swap3A_351 = arith.constant 0 : index
        %swap3A_352 = tpu.vector_load %arg9[%swap3A_350, %swap3A_351] {strides = array<i32>} : memref<128x64xf32, #tpu.memory_space<vmem>>, vector<1x16xf32>,
        %swap3A_353 = vector.shape_cast %swap3A_352 : vector<1x16xf32> to vector<16xf32>
        %swap3A_354 = vector.shape_cast %get3A_349 : vector<16xf32> to vector<1x16xf32>
        tpu.vector_store %arg9[%swap3A_350, %swap3A_351], %swap3A_354 {add = true, strides = array<i32>} : memref<128x64xf32, #tpu.memory_space<vmem>>, vector<1x16xf32>,
        %add3A_355 = arith.addi %rem3A_115, %scan3A_344 : i32
        %get3A_356 = arith.index_cast %add3A_355 : i32 to index
        %get3A_357 = arith.constant 16 : index
        %get3A_358 = tpu.vector_load %arg11[%get3A_356, %get3A_357] {strides = array<i32>} : memref<400x64xf32, #tpu.memory_space<vmem>>, vector<1x16xf32>,
        %get3A_359 = vector.shape_cast %get3A_358 : vector<1x16xf32> to vector<16xf32>
        %swap3A_360 = arith.index_cast %scan3A_344 : i32 to index
        %swap3A_361 = arith.constant 16 : index
        %swap3A_362 = tpu.vector_load %arg9[%swap3A_360, %swap3A_361] {strides = array<i32>} : memref<128x64xf32, #tpu.memory_space<vmem>>, vector<1x16xf32>,
        %swap3A_363 = vector.shape_cast %swap3A_362 : vector<1x16xf32> to vector<16xf32>
        %swap3A_364 = vector.shape_cast %get3A_359 : vector<16xf32> to vector<1x16xf32>
        tpu.vector_store %arg9[%swap3A_360, %swap3A_361], %swap3A_364 {add = true, strides = array<i32>} : memref<128x64xf32, #tpu.memory_space<vmem>>, vector<1x16xf32>,
        %add3A_365 = arith.addi %rem3A_115, %scan3A_344 : i32
        %get3A_366 = arith.index_cast %add3A_365 : i32 to index
        %get3A_367 = arith.constant 32 : index
        %get3A_368 = tpu.vector_load %arg11[%get3A_366, %get3A_367] {strides = array<i32>} : memref<400x64xf32, #tpu.memory_space<vmem>>, vector<1x16xf32>,
        %get3A_369 = vector.shape_cast %get3A_368 : vector<1x16xf32> to vector<16xf32>
        %swap3A_370 = arith.index_cast %scan3A_344 : i32 to index
        %swap3A_371 = arith.constant 32 : index
        %swap3A_372 = tpu.vector_load %arg9[%swap3A_370, %swap3A_371] {strides = array<i32>} : memref<128x64xf32, #tpu.memory_space<vmem>>, vector<1x16xf32>,
        %swap3A_373 = vector.shape_cast %swap3A_372 : vector<1x16xf32> to vector<16xf32>
        %swap3A_374 = vector.shape_cast %get3A_369 : vector<16xf32> to vector<1x16xf32>
        tpu.vector_store %arg9[%swap3A_370, %swap3A_371], %swap3A_374 {add = true, strides = array<i32>} : memref<128x64xf32, #tpu.memory_space<vmem>>, vector<1x16xf32>,
        %add3A_375 = arith.addi %rem3A_115, %scan3A_344 : i32
        %get3A_376 = arith.index_cast %add3A_375 : i32 to index
        %get3A_377 = arith.constant 48 : index
        %get3A_378 = tpu.vector_load %arg11[%get3A_376, %get3A_377] {strides = array<i32>} : memref<400x64xf32, #tpu.memory_space<vmem>>, vector<1x16xf32>,
        %get3A_379 = vector.shape_cast %get3A_378 : vector<1x16xf32> to vector<16xf32>
        %swap3A_380 = arith.index_cast %scan3A_344 : i32 to index
        %swap3A_381 = arith.constant 48 : index
        %swap3A_382 = tpu.vector_load %arg9[%swap3A_380, %swap3A_381] {strides = array<i32>} : memref<128x64xf32, #tpu.memory_space<vmem>>, vector<1x16xf32>,
        %swap3A_383 = vector.shape_cast %swap3A_382 : vector<1x16xf32> to vector<16xf32>
        %swap3A_384 = vector.shape_cast %get3A_379 : vector<16xf32> to vector<1x16xf32>
        tpu.vector_store %arg9[%swap3A_380, %swap3A_381], %swap3A_384 {add = true, strides = array<i32>} : memref<128x64xf32, #tpu.memory_space<vmem>>, vector<1x16xf32>,
        %scan3A_385 = arith.constant 5 : i32
        %scan3A_386 = arith.addi %scan3A_178, %scan3A_385 : i32
        %add3A_387 = arith.addi %rem3A_115, %scan3A_386 : i32
        %get3A_388 = arith.index_cast %add3A_387 : i32 to index
        %get3A_389 = arith.constant 0 : index
        %get3A_390 = tpu.vector_load %arg11[%get3A_388, %get3A_389] {strides = array<i32>} : memref<400x64xf32, #tpu.memory_space<vmem>>, vector<1x16xf32>,
        %get3A_391 = vector.shape_cast %get3A_390 : vector<1x16xf32> to vector<16xf32>
        %swap3A_392 = arith.index_cast %scan3A_386 : i32 to index
        %swap3A_393 = arith.constant 0 : index
        %swap3A_394 = tpu.vector_load %arg9[%swap3A_392, %swap3A_393] {strides = array<i32>} : memref<128x64xf32, #tpu.memory_space<vmem>>, vector<1x16xf32>,
        %swap3A_395 = vector.shape_cast %swap3A_394 : vector<1x16xf32> to vector<16xf32>
        %swap3A_396 = vector.shape_cast %get3A_391 : vector<16xf32> to vector<1x16xf32>
        tpu.vector_store %arg9[%swap3A_392, %swap3A_393], %swap3A_396 {add = true, strides = array<i32>} : memref<128x64xf32, #tpu.memory_space<vmem>>, vector<1x16xf32>,
        %add3A_397 = arith.addi %rem3A_115, %scan3A_386 : i32
        %get3A_398 = arith.index_cast %add3A_397 : i32 to index
        %get3A_399 = arith.constant 16 : index
        %get3A_400 = tpu.vector_load %arg11[%get3A_398, %get3A_399] {strides = array<i32>} : memref<400x64xf32, #tpu.memory_space<vmem>>, vector<1x16xf32>,
        %get3A_401 = vector.shape_cast %get3A_400 : vector<1x16xf32> to vector<16xf32>
        %swap3A_402 = arith.index_cast %scan3A_386 : i32 to index
        %swap3A_403 = arith.constant 16 : index
        %swap3A_404 = tpu.vector_load %arg9[%swap3A_402, %swap3A_403] {strides = array<i32>} : memref<128x64xf32, #tpu.memory_space<vmem>>, vector<1x16xf32>,
        %swap3A_405 = vector.shape_cast %swap3A_404 : vector<1x16xf32> to vector<16xf32>
        %swap3A_406 = vector.shape_cast %get3A_401 : vector<16xf32> to vector<1x16xf32>
        tpu.vector_store %arg9[%swap3A_402, %swap3A_403], %swap3A_406 {add = true, strides = array<i32>} : memref<128x64xf32, #tpu.memory_space<vmem>>, vector<1x16xf32>,
        %add3A_407 = arith.addi %rem3A_115, %scan3A_386 : i32
        %get3A_408 = arith.index_cast %add3A_407 : i32 to index
        %get3A_409 = arith.constant 32 : index
        %get3A_410 = tpu.vector_load %arg11[%get3A_408, %get3A_409] {strides = array<i32>} : memref<400x64xf32, #tpu.memory_space<vmem>>, vector<1x16xf32>,
        %get3A_411 = vector.shape_cast %get3A_410 : vector<1x16xf32> to vector<16xf32>
        %swap3A_412 = arith.index_cast %scan3A_386 : i32 to index
        %swap3A_413 = arith.constant 32 : index
        %swap3A_414 = tpu.vector_load %arg9[%swap3A_412, %swap3A_413] {strides = array<i32>} : memref<128x64xf32, #tpu.memory_space<vmem>>, vector<1x16xf32>,
        %swap3A_415 = vector.shape_cast %swap3A_414 : vector<1x16xf32> to vector<16xf32>
        %swap3A_416 = vector.shape_cast %get3A_411 : vector<16xf32> to vector<1x16xf32>
        tpu.vector_store %arg9[%swap3A_412, %swap3A_413], %swap3A_416 {add = true, strides = array<i32>} : memref<128x64xf32, #tpu.memory_space<vmem>>, vector<1x16xf32>,
        %add3A_417 = arith.addi %rem3A_115, %scan3A_386 : i32
        %get3A_418 = arith.index_cast %add3A_417 : i32 to index
        %get3A_419 = arith.constant 48 : index
        %get3A_420 = tpu.vector_load %arg11[%get3A_418, %get3A_419] {strides = array<i32>} : memref<400x64xf32, #tpu.memory_space<vmem>>, vector<1x16xf32>,
        %get3A_421 = vector.shape_cast %get3A_420 : vector<1x16xf32> to vector<16xf32>
        %swap3A_422 = arith.index_cast %scan3A_386 : i32 to index
        %swap3A_423 = arith.constant 48 : index
        %swap3A_424 = tpu.vector_load %arg9[%swap3A_422, %swap3A_423] {strides = array<i32>} : memref<128x64xf32, #tpu.memory_space<vmem>>, vector<1x16xf32>,
        %swap3A_425 = vector.shape_cast %swap3A_424 : vector<1x16xf32> to vector<16xf32>
        %swap3A_426 = vector.shape_cast %get3A_421 : vector<16xf32> to vector<1x16xf32>
        tpu.vector_store %arg9[%swap3A_422, %swap3A_423], %swap3A_426 {add = true, strides = array<i32>} : memref<128x64xf32, #tpu.memory_space<vmem>>, vector<1x16xf32>,
        %scan3A_427 = arith.constant 6 : i32
        %scan3A_428 = arith.addi %scan3A_178, %scan3A_427 : i32
        %add3A_429 = arith.addi %rem3A_115, %scan3A_428 : i32
        %get3A_430 = arith.index_cast %add3A_429 : i32 to index
        %get3A_431 = arith.constant 0 : index
        %get3A_432 = tpu.vector_load %arg11[%get3A_430, %get3A_431] {strides = array<i32>} : memref<400x64xf32, #tpu.memory_space<vmem>>, vector<1x16xf32>,
        %get3A_433 = vector.shape_cast %get3A_432 : vector<1x16xf32> to vector<16xf32>
        %swap3A_434 = arith.index_cast %scan3A_428 : i32 to index
        %swap3A_435 = arith.constant 0 : index
        %swap3A_436 = tpu.vector_load %arg9[%swap3A_434, %swap3A_435] {strides = array<i32>} : memref<128x64xf32, #tpu.memory_space<vmem>>, vector<1x16xf32>,
        %swap3A_437 = vector.shape_cast %swap3A_436 : vector<1x16xf32> to vector<16xf32>
        %swap3A_438 = vector.shape_cast %get3A_433 : vector<16xf32> to vector<1x16xf32>
        tpu.vector_store %arg9[%swap3A_434, %swap3A_435], %swap3A_438 {add = true, strides = array<i32>} : memref<128x64xf32, #tpu.memory_space<vmem>>, vector<1x16xf32>,
        %add3A_439 = arith.addi %rem3A_115, %scan3A_428 : i32
        %get3A_440 = arith.index_cast %add3A_439 : i32 to index
        %get3A_441 = arith.constant 16 : index
        %get3A_442 = tpu.vector_load %arg11[%get3A_440, %get3A_441] {strides = array<i32>} : memref<400x64xf32, #tpu.memory_space<vmem>>, vector<1x16xf32>,
        %get3A_443 = vector.shape_cast %get3A_442 : vector<1x16xf32> to vector<16xf32>
        %swap3A_444 = arith.index_cast %scan3A_428 : i32 to index
        %swap3A_445 = arith.constant 16 : index
        %swap3A_446 = tpu.vector_load %arg9[%swap3A_444, %swap3A_445] {strides = array<i32>} : memref<128x64xf32, #tpu.memory_space<vmem>>, vector<1x16xf32>,
        %swap3A_447 = vector.shape_cast %swap3A_446 : vector<1x16xf32> to vector<16xf32>
        %swap3A_448 = vector.shape_cast %get3A_443 : vector<16xf32> to vector<1x16xf32>
        tpu.vector_store %arg9[%swap3A_444, %swap3A_445], %swap3A_448 {add = true, strides = array<i32>} : memref<128x64xf32, #tpu.memory_space<vmem>>, vector<1x16xf32>,
        %add3A_449 = arith.addi %rem3A_115, %scan3A_428 : i32
        %get3A_450 = arith.index_cast %add3A_449 : i32 to index
        %get3A_451 = arith.constant 32 : index
        %get3A_452 = tpu.vector_load %arg11[%get3A_450, %get3A_451] {strides = array<i32>} : memref<400x64xf32, #tpu.memory_space<vmem>>, vector<1x16xf32>,
        %get3A_453 = vector.shape_cast %get3A_452 : vector<1x16xf32> to vector<16xf32>
        %swap3A_454 = arith.index_cast %scan3A_428 : i32 to index
        %swap3A_455 = arith.constant 32 : index
        %swap3A_456 = tpu.vector_load %arg9[%swap3A_454, %swap3A_455] {strides = array<i32>} : memref<128x64xf32, #tpu.memory_space<vmem>>, vector<1x16xf32>,
        %swap3A_457 = vector.shape_cast %swap3A_456 : vector<1x16xf32> to vector<16xf32>
        %swap3A_458 = vector.shape_cast %get3A_453 : vector<16xf32> to vector<1x16xf32>
        tpu.vector_store %arg9[%swap3A_454, %swap3A_455], %swap3A_458 {add = true, strides = array<i32>} : memref<128x64xf32, #tpu.memory_space<vmem>>, vector<1x16xf32>,
        %add3A_459 = arith.addi %rem3A_115, %scan3A_428 : i32
        %get3A_460 = arith.index_cast %add3A_459 : i32 to index
        %get3A_461 = arith.constant 48 : index
        %get3A_462 = tpu.vector_load %arg11[%get3A_460, %get3A_461] {strides = array<i32>} : memref<400x64xf32, #tpu.memory_space<vmem>>, vector<1x16xf32>,
        %get3A_463 = vector.shape_cast %get3A_462 : vector<1x16xf32> to vector<16xf32>
        %swap3A_464 = arith.index_cast %scan3A_428 : i32 to index
        %swap3A_465 = arith.constant 48 : index
        %swap3A_466 = tpu.vector_load %arg9[%swap3A_464, %swap3A_465] {strides = array<i32>} : memref<128x64xf32, #tpu.memory_space<vmem>>, vector<1x16xf32>,
        %swap3A_467 = vector.shape_cast %swap3A_466 : vector<1x16xf32> to vector<16xf32>
        %swap3A_468 = vector.shape_cast %get3A_463 : vector<16xf32> to vector<1x16xf32>
        tpu.vector_store %arg9[%swap3A_464, %swap3A_465], %swap3A_468 {add = true, strides = array<i32>} : memref<128x64xf32, #tpu.memory_space<vmem>>, vector<1x16xf32>,
        %scan3A_469 = arith.constant 7 : i32
        %scan3A_470 = arith.addi %scan3A_178, %scan3A_469 : i32
        %add3A_471 = arith.addi %rem3A_115, %scan3A_470 : i32
        %get3A_472 = arith.index_cast %add3A_471 : i32 to index
        %get3A_473 = arith.constant 0 : index
        %get3A_474 = tpu.vector_load %arg11[%get3A_472, %get3A_473] {strides = array<i32>} : memref<400x64xf32, #tpu.memory_space<vmem>>, vector<1x16xf32>,
        %get3A_475 = vector.shape_cast %get3A_474 : vector<1x16xf32> to vector<16xf32>
        %swap3A_476 = arith.index_cast %scan3A_470 : i32 to index
        %swap3A_477 = arith.constant 0 : index
        %swap3A_478 = tpu.vector_load %arg9[%swap3A_476, %swap3A_477] {strides = array<i32>} : memref<128x64xf32, #tpu.memory_space<vmem>>, vector<1x16xf32>,
        %swap3A_479 = vector.shape_cast %swap3A_478 : vector<1x16xf32> to vector<16xf32>
        %swap3A_480 = vector.shape_cast %get3A_475 : vector<16xf32> to vector<1x16xf32>
        tpu.vector_store %arg9[%swap3A_476, %swap3A_477], %swap3A_480 {add = true, strides = array<i32>} : memref<128x64xf32, #tpu.memory_space<vmem>>, vector<1x16xf32>,
        %add3A_481 = arith.addi %rem3A_115, %scan3A_470 : i32
        %get3A_482 = arith.index_cast %add3A_481 : i32 to index
        %get3A_483 = arith.constant 16 : index
        %get3A_484 = tpu.vector_load %arg11[%get3A_482, %get3A_483] {strides = array<i32>} : memref<400x64xf32, #tpu.memory_space<vmem>>, vector<1x16xf32>,
        %get3A_485 = vector.shape_cast %get3A_484 : vector<1x16xf32> to vector<16xf32>
        %swap3A_486 = arith.index_cast %scan3A_470 : i32 to index
        %swap3A_487 = arith.constant 16 : index
        %swap3A_488 = tpu.vector_load %arg9[%swap3A_486, %swap3A_487] {strides = array<i32>} : memref<128x64xf32, #tpu.memory_space<vmem>>, vector<1x16xf32>,
        %swap3A_489 = vector.shape_cast %swap3A_488 : vector<1x16xf32> to vector<16xf32>
        %swap3A_490 = vector.shape_cast %get3A_485 : vector<16xf32> to vector<1x16xf32>
        tpu.vector_store %arg9[%swap3A_486, %swap3A_487], %swap3A_490 {add = true, strides = array<i32>} : memref<128x64xf32, #tpu.memory_space<vmem>>, vector<1x16xf32>,
        %add3A_491 = arith.addi %rem3A_115, %scan3A_470 : i32
        %get3A_492 = arith.index_cast %add3A_491 : i32 to index
        %get3A_493 = arith.constant 32 : index
        %get3A_494 = tpu.vector_load %arg11[%get3A_492, %get3A_493] {strides = array<i32>} : memref<400x64xf32, #tpu.memory_space<vmem>>, vector<1x16xf32>,
        %get3A_495 = vector.shape_cast %get3A_494 : vector<1x16xf32> to vector<16xf32>
        %swap3A_496 = arith.index_cast %scan3A_470 : i32 to index
        %swap3A_497 = arith.constant 32 : index
        %swap3A_498 = tpu.vector_load %arg9[%swap3A_496, %swap3A_497] {strides = array<i32>} : memref<128x64xf32, #tpu.memory_space<vmem>>, vector<1x16xf32>,
        %swap3A_499 = vector.shape_cast %swap3A_498 : vector<1x16xf32> to vector<16xf32>
        %swap3A_500 = vector.shape_cast %get3A_495 : vector<16xf32> to vector<1x16xf32>
        tpu.vector_store %arg9[%swap3A_496, %swap3A_497], %swap3A_500 {add = true, strides = array<i32>} : memref<128x64xf32, #tpu.memory_space<vmem>>, vector<1x16xf32>,
        %add3A_501 = arith.addi %rem3A_115, %scan3A_470 : i32
        %get3A_502 = arith.index_cast %add3A_501 : i32 to index
        %get3A_503 = arith.constant 48 : index
        %get3A_504 = tpu.vector_load %arg11[%get3A_502, %get3A_503] {strides = array<i32>} : memref<400x64xf32, #tpu.memory_space<vmem>>, vector<1x16xf32>,
        %get3A_505 = vector.shape_cast %get3A_504 : vector<1x16xf32> to vector<16xf32>
        %swap3A_506 = arith.index_cast %scan3A_470 : i32 to index
        %swap3A_507 = arith.constant 48 : index
        %swap3A_508 = tpu.vector_load %arg9[%swap3A_506, %swap3A_507] {strides = array<i32>} : memref<128x64xf32, #tpu.memory_space<vmem>>, vector<1x16xf32>,
        %swap3A_509 = vector.shape_cast %swap3A_508 : vector<1x16xf32> to vector<16xf32>
        %swap3A_510 = vector.shape_cast %get3A_505 : vector<16xf32> to vector<1x16xf32>
        tpu.vector_store %arg9[%swap3A_506, %swap3A_507], %swap3A_510 {add = true, strides = array<i32>} : memref<128x64xf32, #tpu.memory_space<vmem>>, vector<1x16xf32>,
        %scan3A_511 = arith.constant 8 : i32
        %scan3A_512 = arith.addi %scan3A_178, %scan3A_511 : i32
        %add3A_513 = arith.addi %rem3A_115, %scan3A_512 : i32
        %get3A_514 = arith.index_cast %add3A_513 : i32 to index
        %get3A_515 = arith.constant 0 : index
        %get3A_516 = tpu.vector_load %arg11[%get3A_514, %get3A_515] {strides = array<i32>} : memref<400x64xf32, #tpu.memory_space<vmem>>, vector<1x16xf32>,
        %get3A_517 = vector.shape_cast %get3A_516 : vector<1x16xf32> to vector<16xf32>
        %swap3A_518 = arith.index_cast %scan3A_512 : i32 to index
        %swap3A_519 = arith.constant 0 : index
        %swap3A_520 = tpu.vector_load %arg9[%swap3A_518, %swap3A_519] {strides = array<i32>} : memref<128x64xf32, #tpu.memory_space<vmem>>, vector<1x16xf32>,
        %swap3A_521 = vector.shape_cast %swap3A_520 : vector<1x16xf32> to vector<16xf32>
        %swap3A_522 = vector.shape_cast %get3A_517 : vector<16xf32> to vector<1x16xf32>
        tpu.vector_store %arg9[%swap3A_518, %swap3A_519], %swap3A_522 {add = true, strides = array<i32>} : memref<128x64xf32, #tpu.memory_space<vmem>>, vector<1x16xf32>,
        %add3A_523 = arith.addi %rem3A_115, %scan3A_512 : i32
        %get3A_524 = arith.index_cast %add3A_523 : i32 to index
        %get3A_525 = arith.constant 16 : index
        %get3A_526 = tpu.vector_load %arg11[%get3A_524, %get3A_525] {strides = array<i32>} : memref<400x64xf32, #tpu.memory_space<vmem>>, vector<1x16xf32>,
        %get3A_527 = vector.shape_cast %get3A_526 : vector<1x16xf32> to vector<16xf32>
        %swap3A_528 = arith.index_cast %scan3A_512 : i32 to index
        %swap3A_529 = arith.constant 16 : index
        %swap3A_530 = tpu.vector_load %arg9[%swap3A_528, %swap3A_529] {strides = array<i32>} : memref<128x64xf32, #tpu.memory_space<vmem>>, vector<1x16xf32>,
        %swap3A_531 = vector.shape_cast %swap3A_530 : vector<1x16xf32> to vector<16xf32>
        %swap3A_532 = vector.shape_cast %get3A_527 : vector<16xf32> to vector<1x16xf32>
        tpu.vector_store %arg9[%swap3A_528, %swap3A_529], %swap3A_532 {add = true, strides = array<i32>} : memref<128x64xf32, #tpu.memory_space<vmem>>, vector<1x16xf32>,
        %add3A_533 = arith.addi %rem3A_115, %scan3A_512 : i32
        %get3A_534 = arith.index_cast %add3A_533 : i32 to index
        %get3A_535 = arith.constant 32 : index
        %get3A_536 = tpu.vector_load %arg11[%get3A_534, %get3A_535] {strides = array<i32>} : memref<400x64xf32, #tpu.memory_space<vmem>>, vector<1x16xf32>,
        %get3A_537 = vector.shape_cast %get3A_536 : vector<1x16xf32> to vector<16xf32>
        %swap3A_538 = arith.index_cast %scan3A_512 : i32 to index
        %swap3A_539 = arith.constant 32 : index
        %swap3A_540 = tpu.vector_load %arg9[%swap3A_538, %swap3A_539] {strides = array<i32>} : memref<128x64xf32, #tpu.memory_space<vmem>>, vector<1x16xf32>,
        %swap3A_541 = vector.shape_cast %swap3A_540 : vector<1x16xf32> to vector<16xf32>
        %swap3A_542 = vector.shape_cast %get3A_537 : vector<16xf32> to vector<1x16xf32>
        tpu.vector_store %arg9[%swap3A_538, %swap3A_539], %swap3A_542 {add = true, strides = array<i32>} : memref<128x64xf32, #tpu.memory_space<vmem>>, vector<1x16xf32>,
        %add3A_543 = arith.addi %rem3A_115, %scan3A_512 : i32
        %get3A_544 = arith.index_cast %add3A_543 : i32 to index
        %get3A_545 = arith.constant 48 : index
        %get3A_546 = tpu.vector_load %arg11[%get3A_544, %get3A_545] {strides = array<i32>} : memref<400x64xf32, #tpu.memory_space<vmem>>, vector<1x16xf32>,
        %get3A_547 = vector.shape_cast %get3A_546 : vector<1x16xf32> to vector<16xf32>
        %swap3A_548 = arith.index_cast %scan3A_512 : i32 to index
        %swap3A_549 = arith.constant 48 : index
        %swap3A_550 = tpu.vector_load %arg9[%swap3A_548, %swap3A_549] {strides = array<i32>} : memref<128x64xf32, #tpu.memory_space<vmem>>, vector<1x16xf32>,
        %swap3A_551 = vector.shape_cast %swap3A_550 : vector<1x16xf32> to vector<16xf32>
        %swap3A_552 = vector.shape_cast %get3A_547 : vector<16xf32> to vector<1x16xf32>
        tpu.vector_store %arg9[%swap3A_548, %swap3A_549], %swap3A_552 {add = true, strides = array<i32>} : memref<128x64xf32, #tpu.memory_space<vmem>>, vector<1x16xf32>,
        %scan3A_553 = arith.constant 9 : i32
        %scan3A_554 = arith.addi %scan3A_178, %scan3A_553 : i32
        %add3A_555 = arith.addi %rem3A_115, %scan3A_554 : i32
        %get3A_556 = arith.index_cast %add3A_555 : i32 to index
        %get3A_557 = arith.constant 0 : index
        %get3A_558 = tpu.vector_load %arg11[%get3A_556, %get3A_557] {strides = array<i32>} : memref<400x64xf32, #tpu.memory_space<vmem>>, vector<1x16xf32>,
        %get3A_559 = vector.shape_cast %get3A_558 : vector<1x16xf32> to vector<16xf32>
        %swap3A_560 = arith.index_cast %scan3A_554 : i32 to index
        %swap3A_561 = arith.constant 0 : index
        %swap3A_562 = tpu.vector_load %arg9[%swap3A_560, %swap3A_561] {strides = array<i32>} : memref<128x64xf32, #tpu.memory_space<vmem>>, vector<1x16xf32>,
        %swap3A_563 = vector.shape_cast %swap3A_562 : vector<1x16xf32> to vector<16xf32>
        %swap3A_564 = vector.shape_cast %get3A_559 : vector<16xf32> to vector<1x16xf32>
        tpu.vector_store %arg9[%swap3A_560, %swap3A_561], %swap3A_564 {add = true, strides = array<i32>} : memref<128x64xf32, #tpu.memory_space<vmem>>, vector<1x16xf32>,
        %add3A_565 = arith.addi %rem3A_115, %scan3A_554 : i32
        %get3A_566 = arith.index_cast %add3A_565 : i32 to index
        %get3A_567 = arith.constant 16 : index
        %get3A_568 = tpu.vector_load %arg11[%get3A_566, %get3A_567] {strides = array<i32>} : memref<400x64xf32, #tpu.memory_space<vmem>>, vector<1x16xf32>,
        %get3A_569 = vector.shape_cast %get3A_568 : vector<1x16xf32> to vector<16xf32>
        %swap3A_570 = arith.index_cast %scan3A_554 : i32 to index
        %swap3A_571 = arith.constant 16 : index
        %swap3A_572 = tpu.vector_load %arg9[%swap3A_570, %swap3A_571] {strides = array<i32>} : memref<128x64xf32, #tpu.memory_space<vmem>>, vector<1x16xf32>,
        %swap3A_573 = vector.shape_cast %swap3A_572 : vector<1x16xf32> to vector<16xf32>
        %swap3A_574 = vector.shape_cast %get3A_569 : vector<16xf32> to vector<1x16xf32>
        tpu.vector_store %arg9[%swap3A_570, %swap3A_571], %swap3A_574 {add = true, strides = array<i32>} : memref<128x64xf32, #tpu.memory_space<vmem>>, vector<1x16xf32>,
        %add3A_575 = arith.addi %rem3A_115, %scan3A_554 : i32
        %get3A_576 = arith.index_cast %add3A_575 : i32 to index
        %get3A_577 = arith.constant 32 : index
        %get3A_578 = tpu.vector_load %arg11[%get3A_576, %get3A_577] {strides = array<i32>} : memref<400x64xf32, #tpu.memory_space<vmem>>, vector<1x16xf32>,
        %get3A_579 = vector.shape_cast %get3A_578 : vector<1x16xf32> to vector<16xf32>
        %swap3A_580 = arith.index_cast %scan3A_554 : i32 to index
        %swap3A_581 = arith.constant 32 : index
        %swap3A_582 = tpu.vector_load %arg9[%swap3A_580, %swap3A_581] {strides = array<i32>} : memref<128x64xf32, #tpu.memory_space<vmem>>, vector<1x16xf32>,
        %swap3A_583 = vector.shape_cast %swap3A_582 : vector<1x16xf32> to vector<16xf32>
        %swap3A_584 = vector.shape_cast %get3A_579 : vector<16xf32> to vector<1x16xf32>
        tpu.vector_store %arg9[%swap3A_580, %swap3A_581], %swap3A_584 {add = true, strides = array<i32>} : memref<128x64xf32, #tpu.memory_space<vmem>>, vector<1x16xf32>,
        %add3A_585 = arith.addi %rem3A_115, %scan3A_554 : i32
        %get3A_586 = arith.index_cast %add3A_585 : i32 to index
        %get3A_587 = arith.constant 48 : index
        %get3A_588 = tpu.vector_load %arg11[%get3A_586, %get3A_587] {strides = array<i32>} : memref<400x64xf32, #tpu.memory_space<vmem>>, vector<1x16xf32>,
        %get3A_589 = vector.shape_cast %get3A_588 : vector<1x16xf32> to vector<16xf32>
        %swap3A_590 = arith.index_cast %scan3A_554 : i32 to index
        %swap3A_591 = arith.constant 48 : index
        %swap3A_592 = tpu.vector_load %arg9[%swap3A_590, %swap3A_591] {strides = array<i32>} : memref<128x64xf32, #tpu.memory_space<vmem>>, vector<1x16xf32>,
        %swap3A_593 = vector.shape_cast %swap3A_592 : vector<1x16xf32> to vector<16xf32>
        %swap3A_594 = vector.shape_cast %get3A_589 : vector<16xf32> to vector<1x16xf32>
        tpu.vector_store %arg9[%swap3A_590, %swap3A_591], %swap3A_594 {add = true, strides = array<i32>} : memref<128x64xf32, #tpu.memory_space<vmem>>, vector<1x16xf32>,
        %scan3A_595 = arith.constant 10 : i32
        %scan3A_596 = arith.addi %scan3A_178, %scan3A_595 : i32
        %add3A_597 = arith.addi %rem3A_115, %scan3A_596 : i32
        %get3A_598 = arith.index_cast %add3A_597 : i32 to index
        %get3A_599 = arith.constant 0 : index
        %get3A_600 = tpu.vector_load %arg11[%get3A_598, %get3A_599] {strides = array<i32>} : memref<400x64xf32, #tpu.memory_space<vmem>>, vector<1x16xf32>,
        %get3A_601 = vector.shape_cast %get3A_600 : vector<1x16xf32> to vector<16xf32>
        %swap3A_602 = arith.index_cast %scan3A_596 : i32 to index
        %swap3A_603 = arith.constant 0 : index
        %swap3A_604 = tpu.vector_load %arg9[%swap3A_602, %swap3A_603] {strides = array<i32>} : memref<128x64xf32, #tpu.memory_space<vmem>>, vector<1x16xf32>,
        %swap3A_605 = vector.shape_cast %swap3A_604 : vector<1x16xf32> to vector<16xf32>
        %swap3A_606 = vector.shape_cast %get3A_601 : vector<16xf32> to vector<1x16xf32>
        tpu.vector_store %arg9[%swap3A_602, %swap3A_603], %swap3A_606 {add = true, strides = array<i32>} : memref<128x64xf32, #tpu.memory_space<vmem>>, vector<1x16xf32>,
        %add3A_607 = arith.addi %rem3A_115, %scan3A_596 : i32
        %get3A_608 = arith.index_cast %add3A_607 : i32 to index
        %get3A_609 = arith.constant 16 : index
        %get3A_610 = tpu.vector_load %arg11[%get3A_608, %get3A_609] {strides = array<i32>} : memref<400x64xf32, #tpu.memory_space<vmem>>, vector<1x16xf32>,
        %get3A_611 = vector.shape_cast %get3A_610 : vector<1x16xf32> to vector<16xf32>
        %swap3A_612 = arith.index_cast %scan3A_596 : i32 to index
        %swap3A_613 = arith.constant 16 : index
        %swap3A_614 = tpu.vector_load %arg9[%swap3A_612, %swap3A_613] {strides = array<i32>} : memref<128x64xf32, #tpu.memory_space<vmem>>, vector<1x16xf32>,
        %swap3A_615 = vector.shape_cast %swap3A_614 : vector<1x16xf32> to vector<16xf32>
        %swap3A_616 = vector.shape_cast %get3A_611 : vector<16xf32> to vector<1x16xf32>
        tpu.vector_store %arg9[%swap3A_612, %swap3A_613], %swap3A_616 {add = true, strides = array<i32>} : memref<128x64xf32, #tpu.memory_space<vmem>>, vector<1x16xf32>,
        %add3A_617 = arith.addi %rem3A_115, %scan3A_596 : i32
        %get3A_618 = arith.index_cast %add3A_617 : i32 to index
        %get3A_619 = arith.constant 32 : index
        %get3A_620 = tpu.vector_load %arg11[%get3A_618, %get3A_619] {strides = array<i32>} : memref<400x64xf32, #tpu.memory_space<vmem>>, vector<1x16xf32>,
        %get3A_621 = vector.shape_cast %get3A_620 : vector<1x16xf32> to vector<16xf32>
        %swap3A_622 = arith.index_cast %scan3A_596 : i32 to index
        %swap3A_623 = arith.constant 32 : index
        %swap3A_624 = tpu.vector_load %arg9[%swap3A_622, %swap3A_623] {strides = array<i32>} : memref<128x64xf32, #tpu.memory_space<vmem>>, vector<1x16xf32>,
        %swap3A_625 = vector.shape_cast %swap3A_624 : vector<1x16xf32> to vector<16xf32>
        %swap3A_626 = vector.shape_cast %get3A_621 : vector<16xf32> to vector<1x16xf32>
        tpu.vector_store %arg9[%swap3A_622, %swap3A_623], %swap3A_626 {add = true, strides = array<i32>} : memref<128x64xf32, #tpu.memory_space<vmem>>, vector<1x16xf32>,
        %add3A_627 = arith.addi %rem3A_115, %scan3A_596 : i32
        %get3A_628 = arith.index_cast %add3A_627 : i32 to index
        %get3A_629 = arith.constant 48 : index
        %get3A_630 = tpu.vector_load %arg11[%get3A_628, %get3A_629] {strides = array<i32>} : memref<400x64xf32, #tpu.memory_space<vmem>>, vector<1x16xf32>,
        %get3A_631 = vector.shape_cast %get3A_630 : vector<1x16xf32> to vector<16xf32>
        %swap3A_632 = arith.index_cast %scan3A_596 : i32 to index
        %swap3A_633 = arith.constant 48 : index
        %swap3A_634 = tpu.vector_load %arg9[%swap3A_632, %swap3A_633] {strides = array<i32>} : memref<128x64xf32, #tpu.memory_space<vmem>>, vector<1x16xf32>,
        %swap3A_635 = vector.shape_cast %swap3A_634 : vector<1x16xf32> to vector<16xf32>
        %swap3A_636 = vector.shape_cast %get3A_631 : vector<16xf32> to vector<1x16xf32>
        tpu.vector_store %arg9[%swap3A_632, %swap3A_633], %swap3A_636 {add = true, strides = array<i32>} : memref<128x64xf32, #tpu.memory_space<vmem>>, vector<1x16xf32>,
        %scan3A_637 = arith.constant 11 : i32
        %scan3A_638 = arith.addi %scan3A_178, %scan3A_637 : i32
        %add3A_639 = arith.addi %rem3A_115, %scan3A_638 : i32
        %get3A_640 = arith.index_cast %add3A_639 : i32 to index
        %get3A_641 = arith.constant 0 : index
        %get3A_642 = tpu.vector_load %arg11[%get3A_640, %get3A_641] {strides = array<i32>} : memref<400x64xf32, #tpu.memory_space<vmem>>, vector<1x16xf32>,
        %get3A_643 = vector.shape_cast %get3A_642 : vector<1x16xf32> to vector<16xf32>
        %swap3A_644 = arith.index_cast %scan3A_638 : i32 to index
        %swap3A_645 = arith.constant 0 : index
        %swap3A_646 = tpu.vector_load %arg9[%swap3A_644, %swap3A_645] {strides = array<i32>} : memref<128x64xf32, #tpu.memory_space<vmem>>, vector<1x16xf32>,
        %swap3A_647 = vector.shape_cast %swap3A_646 : vector<1x16xf32> to vector<16xf32>
        %swap3A_648 = vector.shape_cast %get3A_643 : vector<16xf32> to vector<1x16xf32>
        tpu.vector_store %arg9[%swap3A_644, %swap3A_645], %swap3A_648 {add = true, strides = array<i32>} : memref<128x64xf32, #tpu.memory_space<vmem>>, vector<1x16xf32>,
        %add3A_649 = arith.addi %rem3A_115, %scan3A_638 : i32
        %get3A_650 = arith.index_cast %add3A_649 : i32 to index
        %get3A_651 = arith.constant 16 : index
        %get3A_652 = tpu.vector_load %arg11[%get3A_650, %get3A_651] {strides = array<i32>} : memref<400x64xf32, #tpu.memory_space<vmem>>, vector<1x16xf32>,
        %get3A_653 = vector.shape_cast %get3A_652 : vector<1x16xf32> to vector<16xf32>
        %swap3A_654 = arith.index_cast %scan3A_638 : i32 to index
        %swap3A_655 = arith.constant 16 : index
        %swap3A_656 = tpu.vector_load %arg9[%swap3A_654, %swap3A_655] {strides = array<i32>} : memref<128x64xf32, #tpu.memory_space<vmem>>, vector<1x16xf32>,
        %swap3A_657 = vector.shape_cast %swap3A_656 : vector<1x16xf32> to vector<16xf32>
        %swap3A_658 = vector.shape_cast %get3A_653 : vector<16xf32> to vector<1x16xf32>
        tpu.vector_store %arg9[%swap3A_654, %swap3A_655], %swap3A_658 {add = true, strides = array<i32>} : memref<128x64xf32, #tpu.memory_space<vmem>>, vector<1x16xf32>,
        %add3A_659 = arith.addi %rem3A_115, %scan3A_638 : i32
        %get3A_660 = arith.index_cast %add3A_659 : i32 to index
        %get3A_661 = arith.constant 32 : index
        %get3A_662 = tpu.vector_load %arg11[%get3A_660, %get3A_661] {strides = array<i32>} : memref<400x64xf32, #tpu.memory_space<vmem>>, vector<1x16xf32>,
        %get3A_663 = vector.shape_cast %get3A_662 : vector<1x16xf32> to vector<16xf32>
        %swap3A_664 = arith.index_cast %scan3A_638 : i32 to index
        %swap3A_665 = arith.constant 32 : index
        %swap3A_666 = tpu.vector_load %arg9[%swap3A_664, %swap3A_665] {strides = array<i32>} : memref<128x64xf32, #tpu.memory_space<vmem>>, vector<1x16xf32>,
        %swap3A_667 = vector.shape_cast %swap3A_666 : vector<1x16xf32> to vector<16xf32>
        %swap3A_668 = vector.shape_cast %get3A_663 : vector<16xf32> to vector<1x16xf32>
        tpu.vector_store %arg9[%swap3A_664, %swap3A_665], %swap3A_668 {add = true, strides = array<i32>} : memref<128x64xf32, #tpu.memory_space<vmem>>, vector<1x16xf32>,
        %add3A_669 = arith.addi %rem3A_115, %scan3A_638 : i32
        %get3A_670 = arith.index_cast %add3A_669 : i32 to index
        %get3A_671 = arith.constant 48 : index
        %get3A_672 = tpu.vector_load %arg11[%get3A_670, %get3A_671] {strides = array<i32>} : memref<400x64xf32, #tpu.memory_space<vmem>>, vector<1x16xf32>,
        %get3A_673 = vector.shape_cast %get3A_672 : vector<1x16xf32> to vector<16xf32>
        %swap3A_674 = arith.index_cast %scan3A_638 : i32 to index
        %swap3A_675 = arith.constant 48 : index
        %swap3A_676 = tpu.vector_load %arg9[%swap3A_674, %swap3A_675] {strides = array<i32>} : memref<128x64xf32, #tpu.memory_space<vmem>>, vector<1x16xf32>,
        %swap3A_677 = vector.shape_cast %swap3A_676 : vector<1x16xf32> to vector<16xf32>
        %swap3A_678 = vector.shape_cast %get3A_673 : vector<16xf32> to vector<1x16xf32>
        tpu.vector_store %arg9[%swap3A_674, %swap3A_675], %swap3A_678 {add = true, strides = array<i32>} : memref<128x64xf32, #tpu.memory_space<vmem>>, vector<1x16xf32>,
        %scan3A_679 = arith.constant 12 : i32
        %scan3A_680 = arith.addi %scan3A_178, %scan3A_679 : i32
        %add3A_681 = arith.addi %rem3A_115, %scan3A_680 : i32
        %get3A_682 = arith.index_cast %add3A_681 : i32 to index
        %get3A_683 = arith.constant 0 : index
        %get3A_684 = tpu.vector_load %arg11[%get3A_682, %get3A_683] {strides = array<i32>} : memref<400x64xf32, #tpu.memory_space<vmem>>, vector<1x16xf32>,
        %get3A_685 = vector.shape_cast %get3A_684 : vector<1x16xf32> to vector<16xf32>
        %swap3A_686 = arith.index_cast %scan3A_680 : i32 to index
        %swap3A_687 = arith.constant 0 : index
        %swap3A_688 = tpu.vector_load %arg9[%swap3A_686, %swap3A_687] {strides = array<i32>} : memref<128x64xf32, #tpu.memory_space<vmem>>, vector<1x16xf32>,
        %swap3A_689 = vector.shape_cast %swap3A_688 : vector<1x16xf32> to vector<16xf32>
        %swap3A_690 = vector.shape_cast %get3A_685 : vector<16xf32> to vector<1x16xf32>
        tpu.vector_store %arg9[%swap3A_686, %swap3A_687], %swap3A_690 {add = true, strides = array<i32>} : memref<128x64xf32, #tpu.memory_space<vmem>>, vector<1x16xf32>,
        %add3A_691 = arith.addi %rem3A_115, %scan3A_680 : i32
        %get3A_692 = arith.index_cast %add3A_691 : i32 to index
        %get3A_693 = arith.constant 16 : index
        %get3A_694 = tpu.vector_load %arg11[%get3A_692, %get3A_693] {strides = array<i32>} : memref<400x64xf32, #tpu.memory_space<vmem>>, vector<1x16xf32>,
        %get3A_695 = vector.shape_cast %get3A_694 : vector<1x16xf32> to vector<16xf32>
        %swap3A_696 = arith.index_cast %scan3A_680 : i32 to index
        %swap3A_697 = arith.constant 16 : index
        %swap3A_698 = tpu.vector_load %arg9[%swap3A_696, %swap3A_697] {strides = array<i32>} : memref<128x64xf32, #tpu.memory_space<vmem>>, vector<1x16xf32>,
        %swap3A_699 = vector.shape_cast %swap3A_698 : vector<1x16xf32> to vector<16xf32>
        %swap3A_700 = vector.shape_cast %get3A_695 : vector<16xf32> to vector<1x16xf32>
        tpu.vector_store %arg9[%swap3A_696, %swap3A_697], %swap3A_700 {add = true, strides = array<i32>} : memref<128x64xf32, #tpu.memory_space<vmem>>, vector<1x16xf32>,
        %add3A_701 = arith.addi %rem3A_115, %scan3A_680 : i32
        %get3A_702 = arith.index_cast %add3A_701 : i32 to index
        %get3A_703 = arith.constant 32 : index
        %get3A_704 = tpu.vector_load %arg11[%get3A_702, %get3A_703] {strides = array<i32>} : memref<400x64xf32, #tpu.memory_space<vmem>>, vector<1x16xf32>,
        %get3A_705 = vector.shape_cast %get3A_704 : vector<1x16xf32> to vector<16xf32>
        %swap3A_706 = arith.index_cast %scan3A_680 : i32 to index
        %swap3A_707 = arith.constant 32 : index
        %swap3A_708 = tpu.vector_load %arg9[%swap3A_706, %swap3A_707] {strides = array<i32>} : memref<128x64xf32, #tpu.memory_space<vmem>>, vector<1x16xf32>,
        %swap3A_709 = vector.shape_cast %swap3A_708 : vector<1x16xf32> to vector<16xf32>
        %swap3A_710 = vector.shape_cast %get3A_705 : vector<16xf32> to vector<1x16xf32>
        tpu.vector_store %arg9[%swap3A_706, %swap3A_707], %swap3A_710 {add = true, strides = array<i32>} : memref<128x64xf32, #tpu.memory_space<vmem>>, vector<1x16xf32>,
        %add3A_711 = arith.addi %rem3A_115, %scan3A_680 : i32
        %get3A_712 = arith.index_cast %add3A_711 : i32 to index
        %get3A_713 = arith.constant 48 : index
        %get3A_714 = tpu.vector_load %arg11[%get3A_712, %get3A_713] {strides = array<i32>} : memref<400x64xf32, #tpu.memory_space<vmem>>, vector<1x16xf32>,
        %get3A_715 = vector.shape_cast %get3A_714 : vector<1x16xf32> to vector<16xf32>
        %swap3A_716 = arith.index_cast %scan3A_680 : i32 to index
        %swap3A_717 = arith.constant 48 : index
        %swap3A_718 = tpu.vector_load %arg9[%swap3A_716, %swap3A_717] {strides = array<i32>} : memref<128x64xf32, #tpu.memory_space<vmem>>, vector<1x16xf32>,
        %swap3A_719 = vector.shape_cast %swap3A_718 : vector<1x16xf32> to vector<16xf32>
        %swap3A_720 = vector.shape_cast %get3A_715 : vector<16xf32> to vector<1x16xf32>
        tpu.vector_store %arg9[%swap3A_716, %swap3A_717], %swap3A_720 {add = true, strides = array<i32>} : memref<128x64xf32, #tpu.memory_space<vmem>>, vector<1x16xf32>,
        %scan3A_721 = arith.constant 13 : i32
        %scan3A_722 = arith.addi %scan3A_178, %scan3A_721 : i32
        %add3A_723 = arith.addi %rem3A_115, %scan3A_722 : i32
        %get3A_724 = arith.index_cast %add3A_723 : i32 to index
        %get3A_725 = arith.constant 0 : index
        %get3A_726 = tpu.vector_load %arg11[%get3A_724, %get3A_725] {strides = array<i32>} : memref<400x64xf32, #tpu.memory_space<vmem>>, vector<1x16xf32>,
        %get3A_727 = vector.shape_cast %get3A_726 : vector<1x16xf32> to vector<16xf32>
        %swap3A_728 = arith.index_cast %scan3A_722 : i32 to index
        %swap3A_729 = arith.constant 0 : index
        %swap3A_730 = tpu.vector_load %arg9[%swap3A_728, %swap3A_729] {strides = array<i32>} : memref<128x64xf32, #tpu.memory_space<vmem>>, vector<1x16xf32>,
        %swap3A_731 = vector.shape_cast %swap3A_730 : vector<1x16xf32> to vector<16xf32>
        %swap3A_732 = vector.shape_cast %get3A_727 : vector<16xf32> to vector<1x16xf32>
        tpu.vector_store %arg9[%swap3A_728, %swap3A_729], %swap3A_732 {add = true, strides = array<i32>} : memref<128x64xf32, #tpu.memory_space<vmem>>, vector<1x16xf32>,
        %add3A_733 = arith.addi %rem3A_115, %scan3A_722 : i32
        %get3A_734 = arith.index_cast %add3A_733 : i32 to index
        %get3A_735 = arith.constant 16 : index
        %get3A_736 = tpu.vector_load %arg11[%get3A_734, %get3A_735] {strides = array<i32>} : memref<400x64xf32, #tpu.memory_space<vmem>>, vector<1x16xf32>,
        %get3A_737 = vector.shape_cast %get3A_736 : vector<1x16xf32> to vector<16xf32>
        %swap3A_738 = arith.index_cast %scan3A_722 : i32 to index
        %swap3A_739 = arith.constant 16 : index
        %swap3A_740 = tpu.vector_load %arg9[%swap3A_738, %swap3A_739] {strides = array<i32>} : memref<128x64xf32, #tpu.memory_space<vmem>>, vector<1x16xf32>,
        %swap3A_741 = vector.shape_cast %swap3A_740 : vector<1x16xf32> to vector<16xf32>
        %swap3A_742 = vector.shape_cast %get3A_737 : vector<16xf32> to vector<1x16xf32>
        tpu.vector_store %arg9[%swap3A_738, %swap3A_739], %swap3A_742 {add = true, strides = array<i32>} : memref<128x64xf32, #tpu.memory_space<vmem>>, vector<1x16xf32>,
        %add3A_743 = arith.addi %rem3A_115, %scan3A_722 : i32
        %get3A_744 = arith.index_cast %add3A_743 : i32 to index
        %get3A_745 = arith.constant 32 : index
        %get3A_746 = tpu.vector_load %arg11[%get3A_744, %get3A_745] {strides = array<i32>} : memref<400x64xf32, #tpu.memory_space<vmem>>, vector<1x16xf32>,
        %get3A_747 = vector.shape_cast %get3A_746 : vector<1x16xf32> to vector<16xf32>
        %swap3A_748 = arith.index_cast %scan3A_722 : i32 to index
        %swap3A_749 = arith.constant 32 : index
        %swap3A_750 = tpu.vector_load %arg9[%swap3A_748, %swap3A_749] {strides = array<i32>} : memref<128x64xf32, #tpu.memory_space<vmem>>, vector<1x16xf32>,
        %swap3A_751 = vector.shape_cast %swap3A_750 : vector<1x16xf32> to vector<16xf32>
        %swap3A_752 = vector.shape_cast %get3A_747 : vector<16xf32> to vector<1x16xf32>
        tpu.vector_store %arg9[%swap3A_748, %swap3A_749], %swap3A_752 {add = true, strides = array<i32>} : memref<128x64xf32, #tpu.memory_space<vmem>>, vector<1x16xf32>,
        %add3A_753 = arith.addi %rem3A_115, %scan3A_722 : i32
        %get3A_754 = arith.index_cast %add3A_753 : i32 to index
        %get3A_755 = arith.constant 48 : index
        %get3A_756 = tpu.vector_load %arg11[%get3A_754, %get3A_755] {strides = array<i32>} : memref<400x64xf32, #tpu.memory_space<vmem>>, vector<1x16xf32>,
        %get3A_757 = vector.shape_cast %get3A_756 : vector<1x16xf32> to vector<16xf32>
        %swap3A_758 = arith.index_cast %scan3A_722 : i32 to index
        %swap3A_759 = arith.constant 48 : index
        %swap3A_760 = tpu.vector_load %arg9[%swap3A_758, %swap3A_759] {strides = array<i32>} : memref<128x64xf32, #tpu.memory_space<vmem>>, vector<1x16xf32>,
        %swap3A_761 = vector.shape_cast %swap3A_760 : vector<1x16xf32> to vector<16xf32>
        %swap3A_762 = vector.shape_cast %get3A_757 : vector<16xf32> to vector<1x16xf32>
        tpu.vector_store %arg9[%swap3A_758, %swap3A_759], %swap3A_762 {add = true, strides = array<i32>} : memref<128x64xf32, #tpu.memory_space<vmem>>, vector<1x16xf32>,
        %scan3A_763 = arith.constant 14 : i32
        %scan3A_764 = arith.addi %scan3A_178, %scan3A_763 : i32
        %add3A_765 = arith.addi %rem3A_115, %scan3A_764 : i32
        %get3A_766 = arith.index_cast %add3A_765 : i32 to index
        %get3A_767 = arith.constant 0 : index
        %get3A_768 = tpu.vector_load %arg11[%get3A_766, %get3A_767] {strides = array<i32>} : memref<400x64xf32, #tpu.memory_space<vmem>>, vector<1x16xf32>,
        %get3A_769 = vector.shape_cast %get3A_768 : vector<1x16xf32> to vector<16xf32>
        %swap3A_770 = arith.index_cast %scan3A_764 : i32 to index
        %swap3A_771 = arith.constant 0 : index
        %swap3A_772 = tpu.vector_load %arg9[%swap3A_770, %swap3A_771] {strides = array<i32>} : memref<128x64xf32, #tpu.memory_space<vmem>>, vector<1x16xf32>,
        %swap3A_773 = vector.shape_cast %swap3A_772 : vector<1x16xf32> to vector<16xf32>
        %swap3A_774 = vector.shape_cast %get3A_769 : vector<16xf32> to vector<1x16xf32>
        tpu.vector_store %arg9[%swap3A_770, %swap3A_771], %swap3A_774 {add = true, strides = array<i32>} : memref<128x64xf32, #tpu.memory_space<vmem>>, vector<1x16xf32>,
        %add3A_775 = arith.addi %rem3A_115, %scan3A_764 : i32
        %get3A_776 = arith.index_cast %add3A_775 : i32 to index
        %get3A_777 = arith.constant 16 : index
        %get3A_778 = tpu.vector_load %arg11[%get3A_776, %get3A_777] {strides = array<i32>} : memref<400x64xf32, #tpu.memory_space<vmem>>, vector<1x16xf32>,
        %get3A_779 = vector.shape_cast %get3A_778 : vector<1x16xf32> to vector<16xf32>
        %swap3A_780 = arith.index_cast %scan3A_764 : i32 to index
        %swap3A_781 = arith.constant 16 : index
        %swap3A_782 = tpu.vector_load %arg9[%swap3A_780, %swap3A_781] {strides = array<i32>} : memref<128x64xf32, #tpu.memory_space<vmem>>, vector<1x16xf32>,
        %swap3A_783 = vector.shape_cast %swap3A_782 : vector<1x16xf32> to vector<16xf32>
        %swap3A_784 = vector.shape_cast %get3A_779 : vector<16xf32> to vector<1x16xf32>
        tpu.vector_store %arg9[%swap3A_780, %swap3A_781], %swap3A_784 {add = true, strides = array<i32>} : memref<128x64xf32, #tpu.memory_space<vmem>>, vector<1x16xf32>,
        %add3A_785 = arith.addi %rem3A_115, %scan3A_764 : i32
        %get3A_786 = arith.index_cast %add3A_785 : i32 to index
        %get3A_787 = arith.constant 32 : index
        %get3A_788 = tpu.vector_load %arg11[%get3A_786, %get3A_787] {strides = array<i32>} : memref<400x64xf32, #tpu.memory_space<vmem>>, vector<1x16xf32>,
        %get3A_789 = vector.shape_cast %get3A_788 : vector<1x16xf32> to vector<16xf32>
        %swap3A_790 = arith.index_cast %scan3A_764 : i32 to index
        %swap3A_791 = arith.constant 32 : index
        %swap3A_792 = tpu.vector_load %arg9[%swap3A_790, %swap3A_791] {strides = array<i32>} : memref<128x64xf32, #tpu.memory_space<vmem>>, vector<1x16xf32>,
        %swap3A_793 = vector.shape_cast %swap3A_792 : vector<1x16xf32> to vector<16xf32>
        %swap3A_794 = vector.shape_cast %get3A_789 : vector<16xf32> to vector<1x16xf32>
        tpu.vector_store %arg9[%swap3A_790, %swap3A_791], %swap3A_794 {add = true, strides = array<i32>} : memref<128x64xf32, #tpu.memory_space<vmem>>, vector<1x16xf32>,
        %add3A_795 = arith.addi %rem3A_115, %scan3A_764 : i32
        %get3A_796 = arith.index_cast %add3A_795 : i32 to index
        %get3A_797 = arith.constant 48 : index
        %get3A_798 = tpu.vector_load %arg11[%get3A_796, %get3A_797] {strides = array<i32>} : memref<400x64xf32, #tpu.memory_space<vmem>>, vector<1x16xf32>,
        %get3A_799 = vector.shape_cast %get3A_798 : vector<1x16xf32> to vector<16xf32>
        %swap3A_800 = arith.index_cast %scan3A_764 : i32 to index
        %swap3A_801 = arith.constant 48 : index
        %swap3A_802 = tpu.vector_load %arg9[%swap3A_800, %swap3A_801] {strides = array<i32>} : memref<128x64xf32, #tpu.memory_space<vmem>>, vector<1x16xf32>,
        %swap3A_803 = vector.shape_cast %swap3A_802 : vector<1x16xf32> to vector<16xf32>
        %swap3A_804 = vector.shape_cast %get3A_799 : vector<16xf32> to vector<1x16xf32>
        tpu.vector_store %arg9[%swap3A_800, %swap3A_801], %swap3A_804 {add = true, strides = array<i32>} : memref<128x64xf32, #tpu.memory_space<vmem>>, vector<1x16xf32>,
        %scan3A_805 = arith.constant 15 : i32
        %scan3A_806 = arith.addi %scan3A_178, %scan3A_805 : i32
        %add3A_807 = arith.addi %rem3A_115, %scan3A_806 : i32
        %get3A_808 = arith.index_cast %add3A_807 : i32 to index
        %get3A_809 = arith.constant 0 : index
        %get3A_810 = tpu.vector_load %arg11[%get3A_808, %get3A_809] {strides = array<i32>} : memref<400x64xf32, #tpu.memory_space<vmem>>, vector<1x16xf32>,
        %get3A_811 = vector.shape_cast %get3A_810 : vector<1x16xf32> to vector<16xf32>
        %swap3A_812 = arith.index_cast %scan3A_806 : i32 to index
        %swap3A_813 = arith.constant 0 : index
        %swap3A_814 = tpu.vector_load %arg9[%swap3A_812, %swap3A_813] {strides = array<i32>} : memref<128x64xf32, #tpu.memory_space<vmem>>, vector<1x16xf32>,
        %swap3A_815 = vector.shape_cast %swap3A_814 : vector<1x16xf32> to vector<16xf32>
        %swap3A_816 = vector.shape_cast %get3A_811 : vector<16xf32> to vector<1x16xf32>
        tpu.vector_store %arg9[%swap3A_812, %swap3A_813], %swap3A_816 {add = true, strides = array<i32>} : memref<128x64xf32, #tpu.memory_space<vmem>>, vector<1x16xf32>,
        %add3A_817 = arith.addi %rem3A_115, %scan3A_806 : i32
        %get3A_818 = arith.index_cast %add3A_817 : i32 to index
        %get3A_819 = arith.constant 16 : index
        %get3A_820 = tpu.vector_load %arg11[%get3A_818, %get3A_819] {strides = array<i32>} : memref<400x64xf32, #tpu.memory_space<vmem>>, vector<1x16xf32>,
        %get3A_821 = vector.shape_cast %get3A_820 : vector<1x16xf32> to vector<16xf32>
        %swap3A_822 = arith.index_cast %scan3A_806 : i32 to index
        %swap3A_823 = arith.constant 16 : index
        %swap3A_824 = tpu.vector_load %arg9[%swap3A_822, %swap3A_823] {strides = array<i32>} : memref<128x64xf32, #tpu.memory_space<vmem>>, vector<1x16xf32>,
        %swap3A_825 = vector.shape_cast %swap3A_824 : vector<1x16xf32> to vector<16xf32>
        %swap3A_826 = vector.shape_cast %get3A_821 : vector<16xf32> to vector<1x16xf32>
        tpu.vector_store %arg9[%swap3A_822, %swap3A_823], %swap3A_826 {add = true, strides = array<i32>} : memref<128x64xf32, #tpu.memory_space<vmem>>, vector<1x16xf32>,
        %add3A_827 = arith.addi %rem3A_115, %scan3A_806 : i32
        %get3A_828 = arith.index_cast %add3A_827 : i32 to index
        %get3A_829 = arith.constant 32 : index
        %get3A_830 = tpu.vector_load %arg11[%get3A_828, %get3A_829] {strides = array<i32>} : memref<400x64xf32, #tpu.memory_space<vmem>>, vector<1x16xf32>,
        %get3A_831 = vector.shape_cast %get3A_830 : vector<1x16xf32> to vector<16xf32>
        %swap3A_832 = arith.index_cast %scan3A_806 : i32 to index
        %swap3A_833 = arith.constant 32 : index
        %swap3A_834 = tpu.vector_load %arg9[%swap3A_832, %swap3A_833] {strides = array<i32>} : memref<128x64xf32, #tpu.memory_space<vmem>>, vector<1x16xf32>,
        %swap3A_835 = vector.shape_cast %swap3A_834 : vector<1x16xf32> to vector<16xf32>
        %swap3A_836 = vector.shape_cast %get3A_831 : vector<16xf32> to vector<1x16xf32>
        tpu.vector_store %arg9[%swap3A_832, %swap3A_833], %swap3A_836 {add = true, strides = array<i32>} : memref<128x64xf32, #tpu.memory_space<vmem>>, vector<1x16xf32>,
        %add3A_837 = arith.addi %rem3A_115, %scan3A_806 : i32
        %get3A_838 = arith.index_cast %add3A_837 : i32 to index
        %get3A_839 = arith.constant 48 : index
        %get3A_840 = tpu.vector_load %arg11[%get3A_838, %get3A_839] {strides = array<i32>} : memref<400x64xf32, #tpu.memory_space<vmem>>, vector<1x16xf32>,
        %get3A_841 = vector.shape_cast %get3A_840 : vector<1x16xf32> to vector<16xf32>
        %swap3A_842 = arith.index_cast %scan3A_806 : i32 to index
        %swap3A_843 = arith.constant 48 : index
        %swap3A_844 = tpu.vector_load %arg9[%swap3A_842, %swap3A_843] {strides = array<i32>} : memref<128x64xf32, #tpu.memory_space<vmem>>, vector<1x16xf32>,
        %swap3A_845 = vector.shape_cast %swap3A_844 : vector<1x16xf32> to vector<16xf32>
        %swap3A_846 = vector.shape_cast %get3A_841 : vector<16xf32> to vector<1x16xf32>
        tpu.vector_store %arg9[%swap3A_842, %swap3A_843], %swap3A_846 {add = true, strides = array<i32>} : memref<128x64xf32, #tpu.memory_space<vmem>>, vector<1x16xf32>,
      }
      %scan3A_121 = arith.constant 128 : i32
      %dma_wait3A_122 = arith.constant 0 : i32
      %dma_wait3A_123 = arith.constant 0 : i32
      %dma_wait3A_124 = tpu.memref_slice %arg5[%dma_wait3A_122, %dma_wait3A_123] : memref<819200x64xf32, #tpu.memory_space<hbm>> -> memref<128x64xf32, #tpu.memory_space<hbm>>
      %dma_wait3A_125 = arith.constant 0 : i32
      %dma_wait3A_126 = arith.constant 0 : i32
      %dma_wait3A_127 = tpu.memref_slice %arg5[%dma_wait3A_125, %dma_wait3A_126] : memref<819200x64xf32, #tpu.memory_space<hbm>> -> memref<128x64xf32, #tpu.memory_space<hbm>>
      tpu.wait_dma2 semaphore(%arg17 : memref<!tpu.dma_semaphore, #tpu.memory_space<semaphore_mem>>) src(%arg8 : memref<128x64xf32, #tpu.memory_space<vmem>>) dst(%dma_wait3A_127 : memref<128x64xf32, #tpu.memory_space<hbm>>)
      %le3A_128 = arith.constant 48 : i32
      %le3A_129 = arith.cmpi sle, %scan3A_27, %le3A_128 : i32
      %convert_element_type3A_130 = arith.extui %le3A_129 : i1 to i32
      %cond3A_131 = arith.constant 0 : i32
      %cond3A_132 = arith.cmpi ne, %convert_element_type3A_130, %cond3A_131 : i32
      scf.if %cond3A_132 {
        %add3A_178 = arith.constant 4 : i32
        %add3A_179 = arith.addi %add3A_105, %add3A_178 : i32
        %sub3A_180 = arith.constant 1 : i32
        %sub3A_181 = arith.subi %add3A_179, %sub3A_180 : i32
        %mul3A_182 = arith.constant 128 : i32
        %mul3A_183 = arith.muli %sub3A_181, %mul3A_182 : i32
        %dma_start3A_184 = tpu.memref_slice %arg6[%mul3A_183] : memref<25600xi32, #tpu.memory_space<vmem>> -> memref<128xi32, #tpu.memory_space<vmem>>
        %dma_start3A_185 = arith.constant 0 : i32
        %dma_start3A_186 = arith.constant 0 : i32
        %dma_start3A_187 = tpu.memref_slice %arg3[%dma_start3A_185, %dma_start3A_186] : memref<1000000x64xf32, #tpu.memory_space<hbm>> -> memref<1000000x64xf32, #tpu.memory_space<hbm>>
        tpu.enqueue_indirect_dma source(%dma_start3A_187 : memref<1000000x64xf32, #tpu.memory_space<hbm>>) target(%arg8 : memref<128x64xf32, #tpu.memory_space<vmem>>) offsets(%dma_start3A_184 : memref<128xi32, #tpu.memory_space<vmem>>) semaphore(%arg13 : memref<!tpu.dma_semaphore, #tpu.memory_space<semaphore_mem>>)
      } else {
      }
      %mul3A_133 = arith.constant 128 : i32
      %mul3A_134 = arith.muli %add3A_105, %mul3A_133 : i32
      %add3A_135 = arith.addi %mul3A_2, %mul3A_134 : i32
      %dma_start3A_136 = arith.constant 0 : i32
      %dma_start3A_137 = tpu.memref_slice %arg5[%add3A_135, %dma_start3A_136] : memref<819200x64xf32, #tpu.memory_space<hbm>> -> memref<128x64xf32, #tpu.memory_space<hbm>>
      %dma_start3A_138 = arith.constant 0 : i32
      %dma_start3A_139 = tpu.memref_slice %arg5[%add3A_135, %dma_start3A_138] : memref<819200x64xf32, #tpu.memory_space<hbm>> -> memref<128x64xf32, #tpu.memory_space<hbm>>
      tpu.enqueue_dma source(%arg9 : memref<128x64xf32, #tpu.memory_space<vmem>>) target(%dma_start3A_139 : memref<128x64xf32, #tpu.memory_space<hbm>>) target_semaphore(%arg18 : memref<!tpu.dma_semaphore, #tpu.memory_space<semaphore_mem>>)
      %mul3A_140 = arith.constant 4 : i32
      %mul3A_141 = arith.muli %scan3A_27, %mul3A_140 : i32
      %add3A_142 = arith.constant 3 : i32
      %add3A_143 = arith.addi %mul3A_141, %add3A_142 : i32
      %dma_wait3A_144 = arith.constant 0 : i32
      %dma_wait3A_145 = arith.constant 0 : i32
      %dma_wait3A_146 = tpu.memref_slice %arg5[%dma_wait3A_144, %dma_wait3A_145] : memref<819200x64xf32, #tpu.memory_space<hbm>> -> memref<128x64xf32, #tpu.memory_space<hbm>>
      %dma_wait3A_147 = arith.constant 0 : i32
      %dma_wait3A_148 = arith.constant 0 : i32
      %dma_wait3A_149 = tpu.memref_slice %arg5[%dma_wait3A_147, %dma_wait3A_148] : memref<819200x64xf32, #tpu.memory_space<hbm>> -> memref<128x64xf32, #tpu.memory_space<hbm>>
      tpu.wait_dma2 semaphore(%arg15 : memref<!tpu.dma_semaphore, #tpu.memory_space<semaphore_mem>>) src(%dma_wait3A_149 : memref<128x64xf32, #tpu.memory_space<hbm>>) dst(%arg10 : memref<128x64xf32, #tpu.memory_space<vmem>>)
      %mul3A_150 = arith.constant 128 : i32
      %mul3A_151 = arith.muli %add3A_143, %mul3A_150 : i32
      %rem3A_152 = arith.constant 200 : i32
      %rem3A_153 = arith.remsi %mul3A_151, %rem3A_152 : i32
      %scan3A_154 = arith.constant 0 : i32
      %scan3A_155 = arith.constant 0 : i32
      %scan3A_156 = arith.constant 128 : i32
      %scan3A_157 = arith.addi %scan3A_155, %scan3A_156 : i32
      %scan3A_158 = arith.constant 16 : i32
      scf.for %scan3A_178 = %scan3A_155 to %scan3A_157 step %scan3A_158  : i32 {
        %add3A_179 = arith.addi %rem3A_153, %scan3A_178 : i32
        %get3A = arith.index_cast %add3A_179 : i32 to index
        %get3A_180 = arith.constant 0 : index
        %get3A_181 = tpu.vector_load %arg11[%get3A, %get3A_180] {strides = array<i32>} : memref<400x64xf32, #tpu.memory_space<vmem>>, vector<1x16xf32>,
        %get3A_182 = vector.shape_cast %get3A_181 : vector<1x16xf32> to vector<16xf32>
        %swap3A = arith.index_cast %scan3A_178 : i32 to index
        %swap3A_183 = arith.constant 0 : index
        %swap3A_184 = tpu.vector_load %arg10[%swap3A, %swap3A_183] {strides = array<i32>} : memref<128x64xf32, #tpu.memory_space<vmem>>, vector<1x16xf32>,
        %swap3A_185 = vector.shape_cast %swap3A_184 : vector<1x16xf32> to vector<16xf32>
        %swap3A_186 = vector.shape_cast %get3A_182 : vector<16xf32> to vector<1x16xf32>
        tpu.vector_store %arg10[%swap3A, %swap3A_183], %swap3A_186 {add = true, strides = array<i32>} : memref<128x64xf32, #tpu.memory_space<vmem>>, vector<1x16xf32>,
        %add3A_187 = arith.addi %rem3A_153, %scan3A_178 : i32
        %get3A_188 = arith.index_cast %add3A_187 : i32 to index
        %get3A_189 = arith.constant 16 : index
        %get3A_190 = tpu.vector_load %arg11[%get3A_188, %get3A_189] {strides = array<i32>} : memref<400x64xf32, #tpu.memory_space<vmem>>, vector<1x16xf32>,
        %get3A_191 = vector.shape_cast %get3A_190 : vector<1x16xf32> to vector<16xf32>
        %swap3A_192 = arith.index_cast %scan3A_178 : i32 to index
        %swap3A_193 = arith.constant 16 : index
        %swap3A_194 = tpu.vector_load %arg10[%swap3A_192, %swap3A_193] {strides = array<i32>} : memref<128x64xf32, #tpu.memory_space<vmem>>, vector<1x16xf32>,
        %swap3A_195 = vector.shape_cast %swap3A_194 : vector<1x16xf32> to vector<16xf32>
        %swap3A_196 = vector.shape_cast %get3A_191 : vector<16xf32> to vector<1x16xf32>
        tpu.vector_store %arg10[%swap3A_192, %swap3A_193], %swap3A_196 {add = true, strides = array<i32>} : memref<128x64xf32, #tpu.memory_space<vmem>>, vector<1x16xf32>,
        %add3A_197 = arith.addi %rem3A_153, %scan3A_178 : i32
        %get3A_198 = arith.index_cast %add3A_197 : i32 to index
        %get3A_199 = arith.constant 32 : index
        %get3A_200 = tpu.vector_load %arg11[%get3A_198, %get3A_199] {strides = array<i32>} : memref<400x64xf32, #tpu.memory_space<vmem>>, vector<1x16xf32>,
        %get3A_201 = vector.shape_cast %get3A_200 : vector<1x16xf32> to vector<16xf32>
        %swap3A_202 = arith.index_cast %scan3A_178 : i32 to index
        %swap3A_203 = arith.constant 32 : index
        %swap3A_204 = tpu.vector_load %arg10[%swap3A_202, %swap3A_203] {strides = array<i32>} : memref<128x64xf32, #tpu.memory_space<vmem>>, vector<1x16xf32>,
        %swap3A_205 = vector.shape_cast %swap3A_204 : vector<1x16xf32> to vector<16xf32>
        %swap3A_206 = vector.shape_cast %get3A_201 : vector<16xf32> to vector<1x16xf32>
        tpu.vector_store %arg10[%swap3A_202, %swap3A_203], %swap3A_206 {add = true, strides = array<i32>} : memref<128x64xf32, #tpu.memory_space<vmem>>, vector<1x16xf32>,
        %add3A_207 = arith.addi %rem3A_153, %scan3A_178 : i32
        %get3A_208 = arith.index_cast %add3A_207 : i32 to index
        %get3A_209 = arith.constant 48 : index
        %get3A_210 = tpu.vector_load %arg11[%get3A_208, %get3A_209] {strides = array<i32>} : memref<400x64xf32, #tpu.memory_space<vmem>>, vector<1x16xf32>,
        %get3A_211 = vector.shape_cast %get3A_210 : vector<1x16xf32> to vector<16xf32>
        %swap3A_212 = arith.index_cast %scan3A_178 : i32 to index
        %swap3A_213 = arith.constant 48 : index
        %swap3A_214 = tpu.vector_load %arg10[%swap3A_212, %swap3A_213] {strides = array<i32>} : memref<128x64xf32, #tpu.memory_space<vmem>>, vector<1x16xf32>,
        %swap3A_215 = vector.shape_cast %swap3A_214 : vector<1x16xf32> to vector<16xf32>
        %swap3A_216 = vector.shape_cast %get3A_211 : vector<16xf32> to vector<1x16xf32>
        tpu.vector_store %arg10[%swap3A_212, %swap3A_213], %swap3A_216 {add = true, strides = array<i32>} : memref<128x64xf32, #tpu.memory_space<vmem>>, vector<1x16xf32>,
        %scan3A_217 = arith.constant 1 : i32
        %scan3A_218 = arith.addi %scan3A_178, %scan3A_217 : i32
        %add3A_219 = arith.addi %rem3A_153, %scan3A_218 : i32
        %get3A_220 = arith.index_cast %add3A_219 : i32 to index
        %get3A_221 = arith.constant 0 : index
        %get3A_222 = tpu.vector_load %arg11[%get3A_220, %get3A_221] {strides = array<i32>} : memref<400x64xf32, #tpu.memory_space<vmem>>, vector<1x16xf32>,
        %get3A_223 = vector.shape_cast %get3A_222 : vector<1x16xf32> to vector<16xf32>
        %swap3A_224 = arith.index_cast %scan3A_218 : i32 to index
        %swap3A_225 = arith.constant 0 : index
        %swap3A_226 = tpu.vector_load %arg10[%swap3A_224, %swap3A_225] {strides = array<i32>} : memref<128x64xf32, #tpu.memory_space<vmem>>, vector<1x16xf32>,
        %swap3A_227 = vector.shape_cast %swap3A_226 : vector<1x16xf32> to vector<16xf32>
        %swap3A_228 = vector.shape_cast %get3A_223 : vector<16xf32> to vector<1x16xf32>
        tpu.vector_store %arg10[%swap3A_224, %swap3A_225], %swap3A_228 {add = true, strides = array<i32>} : memref<128x64xf32, #tpu.memory_space<vmem>>, vector<1x16xf32>,
        %add3A_229 = arith.addi %rem3A_153, %scan3A_218 : i32
        %get3A_230 = arith.index_cast %add3A_229 : i32 to index
        %get3A_231 = arith.constant 16 : index
        %get3A_232 = tpu.vector_load %arg11[%get3A_230, %get3A_231] {strides = array<i32>} : memref<400x64xf32, #tpu.memory_space<vmem>>, vector<1x16xf32>,
        %get3A_233 = vector.shape_cast %get3A_232 : vector<1x16xf32> to vector<16xf32>
        %swap3A_234 = arith.index_cast %scan3A_218 : i32 to index
        %swap3A_235 = arith.constant 16 : index
        %swap3A_236 = tpu.vector_load %arg10[%swap3A_234, %swap3A_235] {strides = array<i32>} : memref<128x64xf32, #tpu.memory_space<vmem>>, vector<1x16xf32>,
        %swap3A_237 = vector.shape_cast %swap3A_236 : vector<1x16xf32> to vector<16xf32>
        %swap3A_238 = vector.shape_cast %get3A_233 : vector<16xf32> to vector<1x16xf32>
        tpu.vector_store %arg10[%swap3A_234, %swap3A_235], %swap3A_238 {add = true, strides = array<i32>} : memref<128x64xf32, #tpu.memory_space<vmem>>, vector<1x16xf32>,
        %add3A_239 = arith.addi %rem3A_153, %scan3A_218 : i32
        %get3A_240 = arith.index_cast %add3A_239 : i32 to index
        %get3A_241 = arith.constant 32 : index
        %get3A_242 = tpu.vector_load %arg11[%get3A_240, %get3A_241] {strides = array<i32>} : memref<400x64xf32, #tpu.memory_space<vmem>>, vector<1x16xf32>,
        %get3A_243 = vector.shape_cast %get3A_242 : vector<1x16xf32> to vector<16xf32>
        %swap3A_244 = arith.index_cast %scan3A_218 : i32 to index
        %swap3A_245 = arith.constant 32 : index
        %swap3A_246 = tpu.vector_load %arg10[%swap3A_244, %swap3A_245] {strides = array<i32>} : memref<128x64xf32, #tpu.memory_space<vmem>>, vector<1x16xf32>,
        %swap3A_247 = vector.shape_cast %swap3A_246 : vector<1x16xf32> to vector<16xf32>
        %swap3A_248 = vector.shape_cast %get3A_243 : vector<16xf32> to vector<1x16xf32>
        tpu.vector_store %arg10[%swap3A_244, %swap3A_245], %swap3A_248 {add = true, strides = array<i32>} : memref<128x64xf32, #tpu.memory_space<vmem>>, vector<1x16xf32>,
        %add3A_249 = arith.addi %rem3A_153, %scan3A_218 : i32
        %get3A_250 = arith.index_cast %add3A_249 : i32 to index
        %get3A_251 = arith.constant 48 : index
        %get3A_252 = tpu.vector_load %arg11[%get3A_250, %get3A_251] {strides = array<i32>} : memref<400x64xf32, #tpu.memory_space<vmem>>, vector<1x16xf32>,
        %get3A_253 = vector.shape_cast %get3A_252 : vector<1x16xf32> to vector<16xf32>
        %swap3A_254 = arith.index_cast %scan3A_218 : i32 to index
        %swap3A_255 = arith.constant 48 : index
        %swap3A_256 = tpu.vector_load %arg10[%swap3A_254, %swap3A_255] {strides = array<i32>} : memref<128x64xf32, #tpu.memory_space<vmem>>, vector<1x16xf32>,
        %swap3A_257 = vector.shape_cast %swap3A_256 : vector<1x16xf32> to vector<16xf32>
        %swap3A_258 = vector.shape_cast %get3A_253 : vector<16xf32> to vector<1x16xf32>
        tpu.vector_store %arg10[%swap3A_254, %swap3A_255], %swap3A_258 {add = true, strides = array<i32>} : memref<128x64xf32, #tpu.memory_space<vmem>>, vector<1x16xf32>,
        %scan3A_259 = arith.constant 2 : i32
        %scan3A_260 = arith.addi %scan3A_178, %scan3A_259 : i32
        %add3A_261 = arith.addi %rem3A_153, %scan3A_260 : i32
        %get3A_262 = arith.index_cast %add3A_261 : i32 to index
        %get3A_263 = arith.constant 0 : index
        %get3A_264 = tpu.vector_load %arg11[%get3A_262, %get3A_263] {strides = array<i32>} : memref<400x64xf32, #tpu.memory_space<vmem>>, vector<1x16xf32>,
        %get3A_265 = vector.shape_cast %get3A_264 : vector<1x16xf32> to vector<16xf32>
        %swap3A_266 = arith.index_cast %scan3A_260 : i32 to index
        %swap3A_267 = arith.constant 0 : index
        %swap3A_268 = tpu.vector_load %arg10[%swap3A_266, %swap3A_267] {strides = array<i32>} : memref<128x64xf32, #tpu.memory_space<vmem>>, vector<1x16xf32>,
        %swap3A_269 = vector.shape_cast %swap3A_268 : vector<1x16xf32> to vector<16xf32>
        %swap3A_270 = vector.shape_cast %get3A_265 : vector<16xf32> to vector<1x16xf32>
        tpu.vector_store %arg10[%swap3A_266, %swap3A_267], %swap3A_270 {add = true, strides = array<i32>} : memref<128x64xf32, #tpu.memory_space<vmem>>, vector<1x16xf32>,
        %add3A_271 = arith.addi %rem3A_153, %scan3A_260 : i32
        %get3A_272 = arith.index_cast %add3A_271 : i32 to index
        %get3A_273 = arith.constant 16 : index
        %get3A_274 = tpu.vector_load %arg11[%get3A_272, %get3A_273] {strides = array<i32>} : memref<400x64xf32, #tpu.memory_space<vmem>>, vector<1x16xf32>,
        %get3A_275 = vector.shape_cast %get3A_274 : vector<1x16xf32> to vector<16xf32>
        %swap3A_276 = arith.index_cast %scan3A_260 : i32 to index
        %swap3A_277 = arith.constant 16 : index
        %swap3A_278 = tpu.vector_load %arg10[%swap3A_276, %swap3A_277] {strides = array<i32>} : memref<128x64xf32, #tpu.memory_space<vmem>>, vector<1x16xf32>,
        %swap3A_279 = vector.shape_cast %swap3A_278 : vector<1x16xf32> to vector<16xf32>
        %swap3A_280 = vector.shape_cast %get3A_275 : vector<16xf32> to vector<1x16xf32>
        tpu.vector_store %arg10[%swap3A_276, %swap3A_277], %swap3A_280 {add = true, strides = array<i32>} : memref<128x64xf32, #tpu.memory_space<vmem>>, vector<1x16xf32>,
        %add3A_281 = arith.addi %rem3A_153, %scan3A_260 : i32
        %get3A_282 = arith.index_cast %add3A_281 : i32 to index
        %get3A_283 = arith.constant 32 : index
        %get3A_284 = tpu.vector_load %arg11[%get3A_282, %get3A_283] {strides = array<i32>} : memref<400x64xf32, #tpu.memory_space<vmem>>, vector<1x16xf32>,
        %get3A_285 = vector.shape_cast %get3A_284 : vector<1x16xf32> to vector<16xf32>
        %swap3A_286 = arith.index_cast %scan3A_260 : i32 to index
        %swap3A_287 = arith.constant 32 : index
        %swap3A_288 = tpu.vector_load %arg10[%swap3A_286, %swap3A_287] {strides = array<i32>} : memref<128x64xf32, #tpu.memory_space<vmem>>, vector<1x16xf32>,
        %swap3A_289 = vector.shape_cast %swap3A_288 : vector<1x16xf32> to vector<16xf32>
        %swap3A_290 = vector.shape_cast %get3A_285 : vector<16xf32> to vector<1x16xf32>
        tpu.vector_store %arg10[%swap3A_286, %swap3A_287], %swap3A_290 {add = true, strides = array<i32>} : memref<128x64xf32, #tpu.memory_space<vmem>>, vector<1x16xf32>,
        %add3A_291 = arith.addi %rem3A_153, %scan3A_260 : i32
        %get3A_292 = arith.index_cast %add3A_291 : i32 to index
        %get3A_293 = arith.constant 48 : index
        %get3A_294 = tpu.vector_load %arg11[%get3A_292, %get3A_293] {strides = array<i32>} : memref<400x64xf32, #tpu.memory_space<vmem>>, vector<1x16xf32>,
        %get3A_295 = vector.shape_cast %get3A_294 : vector<1x16xf32> to vector<16xf32>
        %swap3A_296 = arith.index_cast %scan3A_260 : i32 to index
        %swap3A_297 = arith.constant 48 : index
        %swap3A_298 = tpu.vector_load %arg10[%swap3A_296, %swap3A_297] {strides = array<i32>} : memref<128x64xf32, #tpu.memory_space<vmem>>, vector<1x16xf32>,
        %swap3A_299 = vector.shape_cast %swap3A_298 : vector<1x16xf32> to vector<16xf32>
        %swap3A_300 = vector.shape_cast %get3A_295 : vector<16xf32> to vector<1x16xf32>
        tpu.vector_store %arg10[%swap3A_296, %swap3A_297], %swap3A_300 {add = true, strides = array<i32>} : memref<128x64xf32, #tpu.memory_space<vmem>>, vector<1x16xf32>,
        %scan3A_301 = arith.constant 3 : i32
        %scan3A_302 = arith.addi %scan3A_178, %scan3A_301 : i32
        %add3A_303 = arith.addi %rem3A_153, %scan3A_302 : i32
        %get3A_304 = arith.index_cast %add3A_303 : i32 to index
        %get3A_305 = arith.constant 0 : index
        %get3A_306 = tpu.vector_load %arg11[%get3A_304, %get3A_305] {strides = array<i32>} : memref<400x64xf32, #tpu.memory_space<vmem>>, vector<1x16xf32>,
        %get3A_307 = vector.shape_cast %get3A_306 : vector<1x16xf32> to vector<16xf32>
        %swap3A_308 = arith.index_cast %scan3A_302 : i32 to index
        %swap3A_309 = arith.constant 0 : index
        %swap3A_310 = tpu.vector_load %arg10[%swap3A_308, %swap3A_309] {strides = array<i32>} : memref<128x64xf32, #tpu.memory_space<vmem>>, vector<1x16xf32>,
        %swap3A_311 = vector.shape_cast %swap3A_310 : vector<1x16xf32> to vector<16xf32>
        %swap3A_312 = vector.shape_cast %get3A_307 : vector<16xf32> to vector<1x16xf32>
        tpu.vector_store %arg10[%swap3A_308, %swap3A_309], %swap3A_312 {add = true, strides = array<i32>} : memref<128x64xf32, #tpu.memory_space<vmem>>, vector<1x16xf32>,
        %add3A_313 = arith.addi %rem3A_153, %scan3A_302 : i32
        %get3A_314 = arith.index_cast %add3A_313 : i32 to index
        %get3A_315 = arith.constant 16 : index
        %get3A_316 = tpu.vector_load %arg11[%get3A_314, %get3A_315] {strides = array<i32>} : memref<400x64xf32, #tpu.memory_space<vmem>>, vector<1x16xf32>,
        %get3A_317 = vector.shape_cast %get3A_316 : vector<1x16xf32> to vector<16xf32>
        %swap3A_318 = arith.index_cast %scan3A_302 : i32 to index
        %swap3A_319 = arith.constant 16 : index
        %swap3A_320 = tpu.vector_load %arg10[%swap3A_318, %swap3A_319] {strides = array<i32>} : memref<128x64xf32, #tpu.memory_space<vmem>>, vector<1x16xf32>,
        %swap3A_321 = vector.shape_cast %swap3A_320 : vector<1x16xf32> to vector<16xf32>
        %swap3A_322 = vector.shape_cast %get3A_317 : vector<16xf32> to vector<1x16xf32>
        tpu.vector_store %arg10[%swap3A_318, %swap3A_319], %swap3A_322 {add = true, strides = array<i32>} : memref<128x64xf32, #tpu.memory_space<vmem>>, vector<1x16xf32>,
        %add3A_323 = arith.addi %rem3A_153, %scan3A_302 : i32
        %get3A_324 = arith.index_cast %add3A_323 : i32 to index
        %get3A_325 = arith.constant 32 : index
        %get3A_326 = tpu.vector_load %arg11[%get3A_324, %get3A_325] {strides = array<i32>} : memref<400x64xf32, #tpu.memory_space<vmem>>, vector<1x16xf32>,
        %get3A_327 = vector.shape_cast %get3A_326 : vector<1x16xf32> to vector<16xf32>
        %swap3A_328 = arith.index_cast %scan3A_302 : i32 to index
        %swap3A_329 = arith.constant 32 : index
        %swap3A_330 = tpu.vector_load %arg10[%swap3A_328, %swap3A_329] {strides = array<i32>} : memref<128x64xf32, #tpu.memory_space<vmem>>, vector<1x16xf32>,
        %swap3A_331 = vector.shape_cast %swap3A_330 : vector<1x16xf32> to vector<16xf32>
        %swap3A_332 = vector.shape_cast %get3A_327 : vector<16xf32> to vector<1x16xf32>
        tpu.vector_store %arg10[%swap3A_328, %swap3A_329], %swap3A_332 {add = true, strides = array<i32>} : memref<128x64xf32, #tpu.memory_space<vmem>>, vector<1x16xf32>,
        %add3A_333 = arith.addi %rem3A_153, %scan3A_302 : i32
        %get3A_334 = arith.index_cast %add3A_333 : i32 to index
        %get3A_335 = arith.constant 48 : index
        %get3A_336 = tpu.vector_load %arg11[%get3A_334, %get3A_335] {strides = array<i32>} : memref<400x64xf32, #tpu.memory_space<vmem>>, vector<1x16xf32>,
        %get3A_337 = vector.shape_cast %get3A_336 : vector<1x16xf32> to vector<16xf32>
        %swap3A_338 = arith.index_cast %scan3A_302 : i32 to index
        %swap3A_339 = arith.constant 48 : index
        %swap3A_340 = tpu.vector_load %arg10[%swap3A_338, %swap3A_339] {strides = array<i32>} : memref<128x64xf32, #tpu.memory_space<vmem>>, vector<1x16xf32>,
        %swap3A_341 = vector.shape_cast %swap3A_340 : vector<1x16xf32> to vector<16xf32>
        %swap3A_342 = vector.shape_cast %get3A_337 : vector<16xf32> to vector<1x16xf32>
        tpu.vector_store %arg10[%swap3A_338, %swap3A_339], %swap3A_342 {add = true, strides = array<i32>} : memref<128x64xf32, #tpu.memory_space<vmem>>, vector<1x16xf32>,
        %scan3A_343 = arith.constant 4 : i32
        %scan3A_344 = arith.addi %scan3A_178, %scan3A_343 : i32
        %add3A_345 = arith.addi %rem3A_153, %scan3A_344 : i32
        %get3A_346 = arith.index_cast %add3A_345 : i32 to index
        %get3A_347 = arith.constant 0 : index
        %get3A_348 = tpu.vector_load %arg11[%get3A_346, %get3A_347] {strides = array<i32>} : memref<400x64xf32, #tpu.memory_space<vmem>>, vector<1x16xf32>,
        %get3A_349 = vector.shape_cast %get3A_348 : vector<1x16xf32> to vector<16xf32>
        %swap3A_350 = arith.index_cast %scan3A_344 : i32 to index
        %swap3A_351 = arith.constant 0 : index
        %swap3A_352 = tpu.vector_load %arg10[%swap3A_350, %swap3A_351] {strides = array<i32>} : memref<128x64xf32, #tpu.memory_space<vmem>>, vector<1x16xf32>,
        %swap3A_353 = vector.shape_cast %swap3A_352 : vector<1x16xf32> to vector<16xf32>
        %swap3A_354 = vector.shape_cast %get3A_349 : vector<16xf32> to vector<1x16xf32>
        tpu.vector_store %arg10[%swap3A_350, %swap3A_351], %swap3A_354 {add = true, strides = array<i32>} : memref<128x64xf32, #tpu.memory_space<vmem>>, vector<1x16xf32>,
        %add3A_355 = arith.addi %rem3A_153, %scan3A_344 : i32
        %get3A_356 = arith.index_cast %add3A_355 : i32 to index
        %get3A_357 = arith.constant 16 : index
        %get3A_358 = tpu.vector_load %arg11[%get3A_356, %get3A_357] {strides = array<i32>} : memref<400x64xf32, #tpu.memory_space<vmem>>, vector<1x16xf32>,
        %get3A_359 = vector.shape_cast %get3A_358 : vector<1x16xf32> to vector<16xf32>
        %swap3A_360 = arith.index_cast %scan3A_344 : i32 to index
        %swap3A_361 = arith.constant 16 : index
        %swap3A_362 = tpu.vector_load %arg10[%swap3A_360, %swap3A_361] {strides = array<i32>} : memref<128x64xf32, #tpu.memory_space<vmem>>, vector<1x16xf32>,
        %swap3A_363 = vector.shape_cast %swap3A_362 : vector<1x16xf32> to vector<16xf32>
        %swap3A_364 = vector.shape_cast %get3A_359 : vector<16xf32> to vector<1x16xf32>
        tpu.vector_store %arg10[%swap3A_360, %swap3A_361], %swap3A_364 {add = true, strides = array<i32>} : memref<128x64xf32, #tpu.memory_space<vmem>>, vector<1x16xf32>,
        %add3A_365 = arith.addi %rem3A_153, %scan3A_344 : i32
        %get3A_366 = arith.index_cast %add3A_365 : i32 to index
        %get3A_367 = arith.constant 32 : index
        %get3A_368 = tpu.vector_load %arg11[%get3A_366, %get3A_367] {strides = array<i32>} : memref<400x64xf32, #tpu.memory_space<vmem>>, vector<1x16xf32>,
        %get3A_369 = vector.shape_cast %get3A_368 : vector<1x16xf32> to vector<16xf32>
        %swap3A_370 = arith.index_cast %scan3A_344 : i32 to index
        %swap3A_371 = arith.constant 32 : index
        %swap3A_372 = tpu.vector_load %arg10[%swap3A_370, %swap3A_371] {strides = array<i32>} : memref<128x64xf32, #tpu.memory_space<vmem>>, vector<1x16xf32>,
        %swap3A_373 = vector.shape_cast %swap3A_372 : vector<1x16xf32> to vector<16xf32>
        %swap3A_374 = vector.shape_cast %get3A_369 : vector<16xf32> to vector<1x16xf32>
        tpu.vector_store %arg10[%swap3A_370, %swap3A_371], %swap3A_374 {add = true, strides = array<i32>} : memref<128x64xf32, #tpu.memory_space<vmem>>, vector<1x16xf32>,
        %add3A_375 = arith.addi %rem3A_153, %scan3A_344 : i32
        %get3A_376 = arith.index_cast %add3A_375 : i32 to index
        %get3A_377 = arith.constant 48 : index
        %get3A_378 = tpu.vector_load %arg11[%get3A_376, %get3A_377] {strides = array<i32>} : memref<400x64xf32, #tpu.memory_space<vmem>>, vector<1x16xf32>,
        %get3A_379 = vector.shape_cast %get3A_378 : vector<1x16xf32> to vector<16xf32>
        %swap3A_380 = arith.index_cast %scan3A_344 : i32 to index
        %swap3A_381 = arith.constant 48 : index
        %swap3A_382 = tpu.vector_load %arg10[%swap3A_380, %swap3A_381] {strides = array<i32>} : memref<128x64xf32, #tpu.memory_space<vmem>>, vector<1x16xf32>,
        %swap3A_383 = vector.shape_cast %swap3A_382 : vector<1x16xf32> to vector<16xf32>
        %swap3A_384 = vector.shape_cast %get3A_379 : vector<16xf32> to vector<1x16xf32>
        tpu.vector_store %arg10[%swap3A_380, %swap3A_381], %swap3A_384 {add = true, strides = array<i32>} : memref<128x64xf32, #tpu.memory_space<vmem>>, vector<1x16xf32>,
        %scan3A_385 = arith.constant 5 : i32
        %scan3A_386 = arith.addi %scan3A_178, %scan3A_385 : i32
        %add3A_387 = arith.addi %rem3A_153, %scan3A_386 : i32
        %get3A_388 = arith.index_cast %add3A_387 : i32 to index
        %get3A_389 = arith.constant 0 : index
        %get3A_390 = tpu.vector_load %arg11[%get3A_388, %get3A_389] {strides = array<i32>} : memref<400x64xf32, #tpu.memory_space<vmem>>, vector<1x16xf32>,
        %get3A_391 = vector.shape_cast %get3A_390 : vector<1x16xf32> to vector<16xf32>
        %swap3A_392 = arith.index_cast %scan3A_386 : i32 to index
        %swap3A_393 = arith.constant 0 : index
        %swap3A_394 = tpu.vector_load %arg10[%swap3A_392, %swap3A_393] {strides = array<i32>} : memref<128x64xf32, #tpu.memory_space<vmem>>, vector<1x16xf32>,
        %swap3A_395 = vector.shape_cast %swap3A_394 : vector<1x16xf32> to vector<16xf32>
        %swap3A_396 = vector.shape_cast %get3A_391 : vector<16xf32> to vector<1x16xf32>
        tpu.vector_store %arg10[%swap3A_392, %swap3A_393], %swap3A_396 {add = true, strides = array<i32>} : memref<128x64xf32, #tpu.memory_space<vmem>>, vector<1x16xf32>,
        %add3A_397 = arith.addi %rem3A_153, %scan3A_386 : i32
        %get3A_398 = arith.index_cast %add3A_397 : i32 to index
        %get3A_399 = arith.constant 16 : index
        %get3A_400 = tpu.vector_load %arg11[%get3A_398, %get3A_399] {strides = array<i32>} : memref<400x64xf32, #tpu.memory_space<vmem>>, vector<1x16xf32>,
        %get3A_401 = vector.shape_cast %get3A_400 : vector<1x16xf32> to vector<16xf32>
        %swap3A_402 = arith.index_cast %scan3A_386 : i32 to index
        %swap3A_403 = arith.constant 16 : index
        %swap3A_404 = tpu.vector_load %arg10[%swap3A_402, %swap3A_403] {strides = array<i32>} : memref<128x64xf32, #tpu.memory_space<vmem>>, vector<1x16xf32>,
        %swap3A_405 = vector.shape_cast %swap3A_404 : vector<1x16xf32> to vector<16xf32>
        %swap3A_406 = vector.shape_cast %get3A_401 : vector<16xf32> to vector<1x16xf32>
        tpu.vector_store %arg10[%swap3A_402, %swap3A_403], %swap3A_406 {add = true, strides = array<i32>} : memref<128x64xf32, #tpu.memory_space<vmem>>, vector<1x16xf32>,
        %add3A_407 = arith.addi %rem3A_153, %scan3A_386 : i32
        %get3A_408 = arith.index_cast %add3A_407 : i32 to index
        %get3A_409 = arith.constant 32 : index
        %get3A_410 = tpu.vector_load %arg11[%get3A_408, %get3A_409] {strides = array<i32>} : memref<400x64xf32, #tpu.memory_space<vmem>>, vector<1x16xf32>,
        %get3A_411 = vector.shape_cast %get3A_410 : vector<1x16xf32> to vector<16xf32>
        %swap3A_412 = arith.index_cast %scan3A_386 : i32 to index
        %swap3A_413 = arith.constant 32 : index
        %swap3A_414 = tpu.vector_load %arg10[%swap3A_412, %swap3A_413] {strides = array<i32>} : memref<128x64xf32, #tpu.memory_space<vmem>>, vector<1x16xf32>,
        %swap3A_415 = vector.shape_cast %swap3A_414 : vector<1x16xf32> to vector<16xf32>
        %swap3A_416 = vector.shape_cast %get3A_411 : vector<16xf32> to vector<1x16xf32>
        tpu.vector_store %arg10[%swap3A_412, %swap3A_413], %swap3A_416 {add = true, strides = array<i32>} : memref<128x64xf32, #tpu.memory_space<vmem>>, vector<1x16xf32>,
        %add3A_417 = arith.addi %rem3A_153, %scan3A_386 : i32
        %get3A_418 = arith.index_cast %add3A_417 : i32 to index
        %get3A_419 = arith.constant 48 : index
        %get3A_420 = tpu.vector_load %arg11[%get3A_418, %get3A_419] {strides = array<i32>} : memref<400x64xf32, #tpu.memory_space<vmem>>, vector<1x16xf32>,
        %get3A_421 = vector.shape_cast %get3A_420 : vector<1x16xf32> to vector<16xf32>
        %swap3A_422 = arith.index_cast %scan3A_386 : i32 to index
        %swap3A_423 = arith.constant 48 : index
        %swap3A_424 = tpu.vector_load %arg10[%swap3A_422, %swap3A_423] {strides = array<i32>} : memref<128x64xf32, #tpu.memory_space<vmem>>, vector<1x16xf32>,
        %swap3A_425 = vector.shape_cast %swap3A_424 : vector<1x16xf32> to vector<16xf32>
        %swap3A_426 = vector.shape_cast %get3A_421 : vector<16xf32> to vector<1x16xf32>
        tpu.vector_store %arg10[%swap3A_422, %swap3A_423], %swap3A_426 {add = true, strides = array<i32>} : memref<128x64xf32, #tpu.memory_space<vmem>>, vector<1x16xf32>,
        %scan3A_427 = arith.constant 6 : i32
        %scan3A_428 = arith.addi %scan3A_178, %scan3A_427 : i32
        %add3A_429 = arith.addi %rem3A_153, %scan3A_428 : i32
        %get3A_430 = arith.index_cast %add3A_429 : i32 to index
        %get3A_431 = arith.constant 0 : index
        %get3A_432 = tpu.vector_load %arg11[%get3A_430, %get3A_431] {strides = array<i32>} : memref<400x64xf32, #tpu.memory_space<vmem>>, vector<1x16xf32>,
        %get3A_433 = vector.shape_cast %get3A_432 : vector<1x16xf32> to vector<16xf32>
        %swap3A_434 = arith.index_cast %scan3A_428 : i32 to index
        %swap3A_435 = arith.constant 0 : index
        %swap3A_436 = tpu.vector_load %arg10[%swap3A_434, %swap3A_435] {strides = array<i32>} : memref<128x64xf32, #tpu.memory_space<vmem>>, vector<1x16xf32>,
        %swap3A_437 = vector.shape_cast %swap3A_436 : vector<1x16xf32> to vector<16xf32>
        %swap3A_438 = vector.shape_cast %get3A_433 : vector<16xf32> to vector<1x16xf32>
        tpu.vector_store %arg10[%swap3A_434, %swap3A_435], %swap3A_438 {add = true, strides = array<i32>} : memref<128x64xf32, #tpu.memory_space<vmem>>, vector<1x16xf32>,
        %add3A_439 = arith.addi %rem3A_153, %scan3A_428 : i32
        %get3A_440 = arith.index_cast %add3A_439 : i32 to index
        %get3A_441 = arith.constant 16 : index
        %get3A_442 = tpu.vector_load %arg11[%get3A_440, %get3A_441] {strides = array<i32>} : memref<400x64xf32, #tpu.memory_space<vmem>>, vector<1x16xf32>,
        %get3A_443 = vector.shape_cast %get3A_442 : vector<1x16xf32> to vector<16xf32>
        %swap3A_444 = arith.index_cast %scan3A_428 : i32 to index
        %swap3A_445 = arith.constant 16 : index
        %swap3A_446 = tpu.vector_load %arg10[%swap3A_444, %swap3A_445] {strides = array<i32>} : memref<128x64xf32, #tpu.memory_space<vmem>>, vector<1x16xf32>,
        %swap3A_447 = vector.shape_cast %swap3A_446 : vector<1x16xf32> to vector<16xf32>
        %swap3A_448 = vector.shape_cast %get3A_443 : vector<16xf32> to vector<1x16xf32>
        tpu.vector_store %arg10[%swap3A_444, %swap3A_445], %swap3A_448 {add = true, strides = array<i32>} : memref<128x64xf32, #tpu.memory_space<vmem>>, vector<1x16xf32>,
        %add3A_449 = arith.addi %rem3A_153, %scan3A_428 : i32
        %get3A_450 = arith.index_cast %add3A_449 : i32 to index
        %get3A_451 = arith.constant 32 : index
        %get3A_452 = tpu.vector_load %arg11[%get3A_450, %get3A_451] {strides = array<i32>} : memref<400x64xf32, #tpu.memory_space<vmem>>, vector<1x16xf32>,
        %get3A_453 = vector.shape_cast %get3A_452 : vector<1x16xf32> to vector<16xf32>
        %swap3A_454 = arith.index_cast %scan3A_428 : i32 to index
        %swap3A_455 = arith.constant 32 : index
        %swap3A_456 = tpu.vector_load %arg10[%swap3A_454, %swap3A_455] {strides = array<i32>} : memref<128x64xf32, #tpu.memory_space<vmem>>, vector<1x16xf32>,
        %swap3A_457 = vector.shape_cast %swap3A_456 : vector<1x16xf32> to vector<16xf32>
        %swap3A_458 = vector.shape_cast %get3A_453 : vector<16xf32> to vector<1x16xf32>
        tpu.vector_store %arg10[%swap3A_454, %swap3A_455], %swap3A_458 {add = true, strides = array<i32>} : memref<128x64xf32, #tpu.memory_space<vmem>>, vector<1x16xf32>,
        %add3A_459 = arith.addi %rem3A_153, %scan3A_428 : i32
        %get3A_460 = arith.index_cast %add3A_459 : i32 to index
        %get3A_461 = arith.constant 48 : index
        %get3A_462 = tpu.vector_load %arg11[%get3A_460, %get3A_461] {strides = array<i32>} : memref<400x64xf32, #tpu.memory_space<vmem>>, vector<1x16xf32>,
        %get3A_463 = vector.shape_cast %get3A_462 : vector<1x16xf32> to vector<16xf32>
        %swap3A_464 = arith.index_cast %scan3A_428 : i32 to index
        %swap3A_465 = arith.constant 48 : index
        %swap3A_466 = tpu.vector_load %arg10[%swap3A_464, %swap3A_465] {strides = array<i32>} : memref<128x64xf32, #tpu.memory_space<vmem>>, vector<1x16xf32>,
        %swap3A_467 = vector.shape_cast %swap3A_466 : vector<1x16xf32> to vector<16xf32>
        %swap3A_468 = vector.shape_cast %get3A_463 : vector<16xf32> to vector<1x16xf32>
        tpu.vector_store %arg10[%swap3A_464, %swap3A_465], %swap3A_468 {add = true, strides = array<i32>} : memref<128x64xf32, #tpu.memory_space<vmem>>, vector<1x16xf32>,
        %scan3A_469 = arith.constant 7 : i32
        %scan3A_470 = arith.addi %scan3A_178, %scan3A_469 : i32
        %add3A_471 = arith.addi %rem3A_153, %scan3A_470 : i32
        %get3A_472 = arith.index_cast %add3A_471 : i32 to index
        %get3A_473 = arith.constant 0 : index
        %get3A_474 = tpu.vector_load %arg11[%get3A_472, %get3A_473] {strides = array<i32>} : memref<400x64xf32, #tpu.memory_space<vmem>>, vector<1x16xf32>,
        %get3A_475 = vector.shape_cast %get3A_474 : vector<1x16xf32> to vector<16xf32>
        %swap3A_476 = arith.index_cast %scan3A_470 : i32 to index
        %swap3A_477 = arith.constant 0 : index
        %swap3A_478 = tpu.vector_load %arg10[%swap3A_476, %swap3A_477] {strides = array<i32>} : memref<128x64xf32, #tpu.memory_space<vmem>>, vector<1x16xf32>,
        %swap3A_479 = vector.shape_cast %swap3A_478 : vector<1x16xf32> to vector<16xf32>
        %swap3A_480 = vector.shape_cast %get3A_475 : vector<16xf32> to vector<1x16xf32>
        tpu.vector_store %arg10[%swap3A_476, %swap3A_477], %swap3A_480 {add = true, strides = array<i32>} : memref<128x64xf32, #tpu.memory_space<vmem>>, vector<1x16xf32>,
        %add3A_481 = arith.addi %rem3A_153, %scan3A_470 : i32
        %get3A_482 = arith.index_cast %add3A_481 : i32 to index
        %get3A_483 = arith.constant 16 : index
        %get3A_484 = tpu.vector_load %arg11[%get3A_482, %get3A_483] {strides = array<i32>} : memref<400x64xf32, #tpu.memory_space<vmem>>, vector<1x16xf32>,
        %get3A_485 = vector.shape_cast %get3A_484 : vector<1x16xf32> to vector<16xf32>
        %swap3A_486 = arith.index_cast %scan3A_470 : i32 to index
        %swap3A_487 = arith.constant 16 : index
        %swap3A_488 = tpu.vector_load %arg10[%swap3A_486, %swap3A_487] {strides = array<i32>} : memref<128x64xf32, #tpu.memory_space<vmem>>, vector<1x16xf32>,
        %swap3A_489 = vector.shape_cast %swap3A_488 : vector<1x16xf32> to vector<16xf32>
        %swap3A_490 = vector.shape_cast %get3A_485 : vector<16xf32> to vector<1x16xf32>
        tpu.vector_store %arg10[%swap3A_486, %swap3A_487], %swap3A_490 {add = true, strides = array<i32>} : memref<128x64xf32, #tpu.memory_space<vmem>>, vector<1x16xf32>,
        %add3A_491 = arith.addi %rem3A_153, %scan3A_470 : i32
        %get3A_492 = arith.index_cast %add3A_491 : i32 to index
        %get3A_493 = arith.constant 32 : index
        %get3A_494 = tpu.vector_load %arg11[%get3A_492, %get3A_493] {strides = array<i32>} : memref<400x64xf32, #tpu.memory_space<vmem>>, vector<1x16xf32>,
        %get3A_495 = vector.shape_cast %get3A_494 : vector<1x16xf32> to vector<16xf32>
        %swap3A_496 = arith.index_cast %scan3A_470 : i32 to index
        %swap3A_497 = arith.constant 32 : index
        %swap3A_498 = tpu.vector_load %arg10[%swap3A_496, %swap3A_497] {strides = array<i32>} : memref<128x64xf32, #tpu.memory_space<vmem>>, vector<1x16xf32>,
        %swap3A_499 = vector.shape_cast %swap3A_498 : vector<1x16xf32> to vector<16xf32>
        %swap3A_500 = vector.shape_cast %get3A_495 : vector<16xf32> to vector<1x16xf32>
        tpu.vector_store %arg10[%swap3A_496, %swap3A_497], %swap3A_500 {add = true, strides = array<i32>} : memref<128x64xf32, #tpu.memory_space<vmem>>, vector<1x16xf32>,
        %add3A_501 = arith.addi %rem3A_153, %scan3A_470 : i32
        %get3A_502 = arith.index_cast %add3A_501 : i32 to index
        %get3A_503 = arith.constant 48 : index
        %get3A_504 = tpu.vector_load %arg11[%get3A_502, %get3A_503] {strides = array<i32>} : memref<400x64xf32, #tpu.memory_space<vmem>>, vector<1x16xf32>,
        %get3A_505 = vector.shape_cast %get3A_504 : vector<1x16xf32> to vector<16xf32>
        %swap3A_506 = arith.index_cast %scan3A_470 : i32 to index
        %swap3A_507 = arith.constant 48 : index
        %swap3A_508 = tpu.vector_load %arg10[%swap3A_506, %swap3A_507] {strides = array<i32>} : memref<128x64xf32, #tpu.memory_space<vmem>>, vector<1x16xf32>,
        %swap3A_509 = vector.shape_cast %swap3A_508 : vector<1x16xf32> to vector<16xf32>
        %swap3A_510 = vector.shape_cast %get3A_505 : vector<16xf32> to vector<1x16xf32>
        tpu.vector_store %arg10[%swap3A_506, %swap3A_507], %swap3A_510 {add = true, strides = array<i32>} : memref<128x64xf32, #tpu.memory_space<vmem>>, vector<1x16xf32>,
        %scan3A_511 = arith.constant 8 : i32
        %scan3A_512 = arith.addi %scan3A_178, %scan3A_511 : i32
        %add3A_513 = arith.addi %rem3A_153, %scan3A_512 : i32
        %get3A_514 = arith.index_cast %add3A_513 : i32 to index
        %get3A_515 = arith.constant 0 : index
        %get3A_516 = tpu.vector_load %arg11[%get3A_514, %get3A_515] {strides = array<i32>} : memref<400x64xf32, #tpu.memory_space<vmem>>, vector<1x16xf32>,
        %get3A_517 = vector.shape_cast %get3A_516 : vector<1x16xf32> to vector<16xf32>
        %swap3A_518 = arith.index_cast %scan3A_512 : i32 to index
        %swap3A_519 = arith.constant 0 : index
        %swap3A_520 = tpu.vector_load %arg10[%swap3A_518, %swap3A_519] {strides = array<i32>} : memref<128x64xf32, #tpu.memory_space<vmem>>, vector<1x16xf32>,
        %swap3A_521 = vector.shape_cast %swap3A_520 : vector<1x16xf32> to vector<16xf32>
        %swap3A_522 = vector.shape_cast %get3A_517 : vector<16xf32> to vector<1x16xf32>
        tpu.vector_store %arg10[%swap3A_518, %swap3A_519], %swap3A_522 {add = true, strides = array<i32>} : memref<128x64xf32, #tpu.memory_space<vmem>>, vector<1x16xf32>,
        %add3A_523 = arith.addi %rem3A_153, %scan3A_512 : i32
        %get3A_524 = arith.index_cast %add3A_523 : i32 to index
        %get3A_525 = arith.constant 16 : index
        %get3A_526 = tpu.vector_load %arg11[%get3A_524, %get3A_525] {strides = array<i32>} : memref<400x64xf32, #tpu.memory_space<vmem>>, vector<1x16xf32>,
        %get3A_527 = vector.shape_cast %get3A_526 : vector<1x16xf32> to vector<16xf32>
        %swap3A_528 = arith.index_cast %scan3A_512 : i32 to index
        %swap3A_529 = arith.constant 16 : index
        %swap3A_530 = tpu.vector_load %arg10[%swap3A_528, %swap3A_529] {strides = array<i32>} : memref<128x64xf32, #tpu.memory_space<vmem>>, vector<1x16xf32>,
        %swap3A_531 = vector.shape_cast %swap3A_530 : vector<1x16xf32> to vector<16xf32>
        %swap3A_532 = vector.shape_cast %get3A_527 : vector<16xf32> to vector<1x16xf32>
        tpu.vector_store %arg10[%swap3A_528, %swap3A_529], %swap3A_532 {add = true, strides = array<i32>} : memref<128x64xf32, #tpu.memory_space<vmem>>, vector<1x16xf32>,
        %add3A_533 = arith.addi %rem3A_153, %scan3A_512 : i32
        %get3A_534 = arith.index_cast %add3A_533 : i32 to index
        %get3A_535 = arith.constant 32 : index
        %get3A_536 = tpu.vector_load %arg11[%get3A_534, %get3A_535] {strides = array<i32>} : memref<400x64xf32, #tpu.memory_space<vmem>>, vector<1x16xf32>,
        %get3A_537 = vector.shape_cast %get3A_536 : vector<1x16xf32> to vector<16xf32>
        %swap3A_538 = arith.index_cast %scan3A_512 : i32 to index
        %swap3A_539 = arith.constant 32 : index
        %swap3A_540 = tpu.vector_load %arg10[%swap3A_538, %swap3A_539] {strides = array<i32>} : memref<128x64xf32, #tpu.memory_space<vmem>>, vector<1x16xf32>,
        %swap3A_541 = vector.shape_cast %swap3A_540 : vector<1x16xf32> to vector<16xf32>
        %swap3A_542 = vector.shape_cast %get3A_537 : vector<16xf32> to vector<1x16xf32>
        tpu.vector_store %arg10[%swap3A_538, %swap3A_539], %swap3A_542 {add = true, strides = array<i32>} : memref<128x64xf32, #tpu.memory_space<vmem>>, vector<1x16xf32>,
        %add3A_543 = arith.addi %rem3A_153, %scan3A_512 : i32
        %get3A_544 = arith.index_cast %add3A_543 : i32 to index
        %get3A_545 = arith.constant 48 : index
        %get3A_546 = tpu.vector_load %arg11[%get3A_544, %get3A_545] {strides = array<i32>} : memref<400x64xf32, #tpu.memory_space<vmem>>, vector<1x16xf32>,
        %get3A_547 = vector.shape_cast %get3A_546 : vector<1x16xf32> to vector<16xf32>
        %swap3A_548 = arith.index_cast %scan3A_512 : i32 to index
        %swap3A_549 = arith.constant 48 : index
        %swap3A_550 = tpu.vector_load %arg10[%swap3A_548, %swap3A_549] {strides = array<i32>} : memref<128x64xf32, #tpu.memory_space<vmem>>, vector<1x16xf32>,
        %swap3A_551 = vector.shape_cast %swap3A_550 : vector<1x16xf32> to vector<16xf32>
        %swap3A_552 = vector.shape_cast %get3A_547 : vector<16xf32> to vector<1x16xf32>
        tpu.vector_store %arg10[%swap3A_548, %swap3A_549], %swap3A_552 {add = true, strides = array<i32>} : memref<128x64xf32, #tpu.memory_space<vmem>>, vector<1x16xf32>,
        %scan3A_553 = arith.constant 9 : i32
        %scan3A_554 = arith.addi %scan3A_178, %scan3A_553 : i32
        %add3A_555 = arith.addi %rem3A_153, %scan3A_554 : i32
        %get3A_556 = arith.index_cast %add3A_555 : i32 to index
        %get3A_557 = arith.constant 0 : index
        %get3A_558 = tpu.vector_load %arg11[%get3A_556, %get3A_557] {strides = array<i32>} : memref<400x64xf32, #tpu.memory_space<vmem>>, vector<1x16xf32>,
        %get3A_559 = vector.shape_cast %get3A_558 : vector<1x16xf32> to vector<16xf32>
        %swap3A_560 = arith.index_cast %scan3A_554 : i32 to index
        %swap3A_561 = arith.constant 0 : index
        %swap3A_562 = tpu.vector_load %arg10[%swap3A_560, %swap3A_561] {strides = array<i32>} : memref<128x64xf32, #tpu.memory_space<vmem>>, vector<1x16xf32>,
        %swap3A_563 = vector.shape_cast %swap3A_562 : vector<1x16xf32> to vector<16xf32>
        %swap3A_564 = vector.shape_cast %get3A_559 : vector<16xf32> to vector<1x16xf32>
        tpu.vector_store %arg10[%swap3A_560, %swap3A_561], %swap3A_564 {add = true, strides = array<i32>} : memref<128x64xf32, #tpu.memory_space<vmem>>, vector<1x16xf32>,
        %add3A_565 = arith.addi %rem3A_153, %scan3A_554 : i32
        %get3A_566 = arith.index_cast %add3A_565 : i32 to index
        %get3A_567 = arith.constant 16 : index
        %get3A_568 = tpu.vector_load %arg11[%get3A_566, %get3A_567] {strides = array<i32>} : memref<400x64xf32, #tpu.memory_space<vmem>>, vector<1x16xf32>,
        %get3A_569 = vector.shape_cast %get3A_568 : vector<1x16xf32> to vector<16xf32>
        %swap3A_570 = arith.index_cast %scan3A_554 : i32 to index
        %swap3A_571 = arith.constant 16 : index
        %swap3A_572 = tpu.vector_load %arg10[%swap3A_570, %swap3A_571] {strides = array<i32>} : memref<128x64xf32, #tpu.memory_space<vmem>>, vector<1x16xf32>,
        %swap3A_573 = vector.shape_cast %swap3A_572 : vector<1x16xf32> to vector<16xf32>
        %swap3A_574 = vector.shape_cast %get3A_569 : vector<16xf32> to vector<1x16xf32>
        tpu.vector_store %arg10[%swap3A_570, %swap3A_571], %swap3A_574 {add = true, strides = array<i32>} : memref<128x64xf32, #tpu.memory_space<vmem>>, vector<1x16xf32>,
        %add3A_575 = arith.addi %rem3A_153, %scan3A_554 : i32
        %get3A_576 = arith.index_cast %add3A_575 : i32 to index
        %get3A_577 = arith.constant 32 : index
        %get3A_578 = tpu.vector_load %arg11[%get3A_576, %get3A_577] {strides = array<i32>} : memref<400x64xf32, #tpu.memory_space<vmem>>, vector<1x16xf32>,
        %get3A_579 = vector.shape_cast %get3A_578 : vector<1x16xf32> to vector<16xf32>
        %swap3A_580 = arith.index_cast %scan3A_554 : i32 to index
        %swap3A_581 = arith.constant 32 : index
        %swap3A_582 = tpu.vector_load %arg10[%swap3A_580, %swap3A_581] {strides = array<i32>} : memref<128x64xf32, #tpu.memory_space<vmem>>, vector<1x16xf32>,
        %swap3A_583 = vector.shape_cast %swap3A_582 : vector<1x16xf32> to vector<16xf32>
        %swap3A_584 = vector.shape_cast %get3A_579 : vector<16xf32> to vector<1x16xf32>
        tpu.vector_store %arg10[%swap3A_580, %swap3A_581], %swap3A_584 {add = true, strides = array<i32>} : memref<128x64xf32, #tpu.memory_space<vmem>>, vector<1x16xf32>,
        %add3A_585 = arith.addi %rem3A_153, %scan3A_554 : i32
        %get3A_586 = arith.index_cast %add3A_585 : i32 to index
        %get3A_587 = arith.constant 48 : index
        %get3A_588 = tpu.vector_load %arg11[%get3A_586, %get3A_587] {strides = array<i32>} : memref<400x64xf32, #tpu.memory_space<vmem>>, vector<1x16xf32>,
        %get3A_589 = vector.shape_cast %get3A_588 : vector<1x16xf32> to vector<16xf32>
        %swap3A_590 = arith.index_cast %scan3A_554 : i32 to index
        %swap3A_591 = arith.constant 48 : index
        %swap3A_592 = tpu.vector_load %arg10[%swap3A_590, %swap3A_591] {strides = array<i32>} : memref<128x64xf32, #tpu.memory_space<vmem>>, vector<1x16xf32>,
        %swap3A_593 = vector.shape_cast %swap3A_592 : vector<1x16xf32> to vector<16xf32>
        %swap3A_594 = vector.shape_cast %get3A_589 : vector<16xf32> to vector<1x16xf32>
        tpu.vector_store %arg10[%swap3A_590, %swap3A_591], %swap3A_594 {add = true, strides = array<i32>} : memref<128x64xf32, #tpu.memory_space<vmem>>, vector<1x16xf32>,
        %scan3A_595 = arith.constant 10 : i32
        %scan3A_596 = arith.addi %scan3A_178, %scan3A_595 : i32
        %add3A_597 = arith.addi %rem3A_153, %scan3A_596 : i32
        %get3A_598 = arith.index_cast %add3A_597 : i32 to index
        %get3A_599 = arith.constant 0 : index
        %get3A_600 = tpu.vector_load %arg11[%get3A_598, %get3A_599] {strides = array<i32>} : memref<400x64xf32, #tpu.memory_space<vmem>>, vector<1x16xf32>,
        %get3A_601 = vector.shape_cast %get3A_600 : vector<1x16xf32> to vector<16xf32>
        %swap3A_602 = arith.index_cast %scan3A_596 : i32 to index
        %swap3A_603 = arith.constant 0 : index
        %swap3A_604 = tpu.vector_load %arg10[%swap3A_602, %swap3A_603] {strides = array<i32>} : memref<128x64xf32, #tpu.memory_space<vmem>>, vector<1x16xf32>,
        %swap3A_605 = vector.shape_cast %swap3A_604 : vector<1x16xf32> to vector<16xf32>
        %swap3A_606 = vector.shape_cast %get3A_601 : vector<16xf32> to vector<1x16xf32>
        tpu.vector_store %arg10[%swap3A_602, %swap3A_603], %swap3A_606 {add = true, strides = array<i32>} : memref<128x64xf32, #tpu.memory_space<vmem>>, vector<1x16xf32>,
        %add3A_607 = arith.addi %rem3A_153, %scan3A_596 : i32
        %get3A_608 = arith.index_cast %add3A_607 : i32 to index
        %get3A_609 = arith.constant 16 : index
        %get3A_610 = tpu.vector_load %arg11[%get3A_608, %get3A_609] {strides = array<i32>} : memref<400x64xf32, #tpu.memory_space<vmem>>, vector<1x16xf32>,
        %get3A_611 = vector.shape_cast %get3A_610 : vector<1x16xf32> to vector<16xf32>
        %swap3A_612 = arith.index_cast %scan3A_596 : i32 to index
        %swap3A_613 = arith.constant 16 : index
        %swap3A_614 = tpu.vector_load %arg10[%swap3A_612, %swap3A_613] {strides = array<i32>} : memref<128x64xf32, #tpu.memory_space<vmem>>, vector<1x16xf32>,
        %swap3A_615 = vector.shape_cast %swap3A_614 : vector<1x16xf32> to vector<16xf32>
        %swap3A_616 = vector.shape_cast %get3A_611 : vector<16xf32> to vector<1x16xf32>
        tpu.vector_store %arg10[%swap3A_612, %swap3A_613], %swap3A_616 {add = true, strides = array<i32>} : memref<128x64xf32, #tpu.memory_space<vmem>>, vector<1x16xf32>,
        %add3A_617 = arith.addi %rem3A_153, %scan3A_596 : i32
        %get3A_618 = arith.index_cast %add3A_617 : i32 to index
        %get3A_619 = arith.constant 32 : index
        %get3A_620 = tpu.vector_load %arg11[%get3A_618, %get3A_619] {strides = array<i32>} : memref<400x64xf32, #tpu.memory_space<vmem>>, vector<1x16xf32>,
        %get3A_621 = vector.shape_cast %get3A_620 : vector<1x16xf32> to vector<16xf32>
        %swap3A_622 = arith.index_cast %scan3A_596 : i32 to index
        %swap3A_623 = arith.constant 32 : index
        %swap3A_624 = tpu.vector_load %arg10[%swap3A_622, %swap3A_623] {strides = array<i32>} : memref<128x64xf32, #tpu.memory_space<vmem>>, vector<1x16xf32>,
        %swap3A_625 = vector.shape_cast %swap3A_624 : vector<1x16xf32> to vector<16xf32>
        %swap3A_626 = vector.shape_cast %get3A_621 : vector<16xf32> to vector<1x16xf32>
        tpu.vector_store %arg10[%swap3A_622, %swap3A_623], %swap3A_626 {add = true, strides = array<i32>} : memref<128x64xf32, #tpu.memory_space<vmem>>, vector<1x16xf32>,
        %add3A_627 = arith.addi %rem3A_153, %scan3A_596 : i32
        %get3A_628 = arith.index_cast %add3A_627 : i32 to index
        %get3A_629 = arith.constant 48 : index
        %get3A_630 = tpu.vector_load %arg11[%get3A_628, %get3A_629] {strides = array<i32>} : memref<400x64xf32, #tpu.memory_space<vmem>>, vector<1x16xf32>,
        %get3A_631 = vector.shape_cast %get3A_630 : vector<1x16xf32> to vector<16xf32>
        %swap3A_632 = arith.index_cast %scan3A_596 : i32 to index
        %swap3A_633 = arith.constant 48 : index
        %swap3A_634 = tpu.vector_load %arg10[%swap3A_632, %swap3A_633] {strides = array<i32>} : memref<128x64xf32, #tpu.memory_space<vmem>>, vector<1x16xf32>,
        %swap3A_635 = vector.shape_cast %swap3A_634 : vector<1x16xf32> to vector<16xf32>
        %swap3A_636 = vector.shape_cast %get3A_631 : vector<16xf32> to vector<1x16xf32>
        tpu.vector_store %arg10[%swap3A_632, %swap3A_633], %swap3A_636 {add = true, strides = array<i32>} : memref<128x64xf32, #tpu.memory_space<vmem>>, vector<1x16xf32>,
        %scan3A_637 = arith.constant 11 : i32
        %scan3A_638 = arith.addi %scan3A_178, %scan3A_637 : i32
        %add3A_639 = arith.addi %rem3A_153, %scan3A_638 : i32
        %get3A_640 = arith.index_cast %add3A_639 : i32 to index
        %get3A_641 = arith.constant 0 : index
        %get3A_642 = tpu.vector_load %arg11[%get3A_640, %get3A_641] {strides = array<i32>} : memref<400x64xf32, #tpu.memory_space<vmem>>, vector<1x16xf32>,
        %get3A_643 = vector.shape_cast %get3A_642 : vector<1x16xf32> to vector<16xf32>
        %swap3A_644 = arith.index_cast %scan3A_638 : i32 to index
        %swap3A_645 = arith.constant 0 : index
        %swap3A_646 = tpu.vector_load %arg10[%swap3A_644, %swap3A_645] {strides = array<i32>} : memref<128x64xf32, #tpu.memory_space<vmem>>, vector<1x16xf32>,
        %swap3A_647 = vector.shape_cast %swap3A_646 : vector<1x16xf32> to vector<16xf32>
        %swap3A_648 = vector.shape_cast %get3A_643 : vector<16xf32> to vector<1x16xf32>
        tpu.vector_store %arg10[%swap3A_644, %swap3A_645], %swap3A_648 {add = true, strides = array<i32>} : memref<128x64xf32, #tpu.memory_space<vmem>>, vector<1x16xf32>,
        %add3A_649 = arith.addi %rem3A_153, %scan3A_638 : i32
        %get3A_650 = arith.index_cast %add3A_649 : i32 to index
        %get3A_651 = arith.constant 16 : index
        %get3A_652 = tpu.vector_load %arg11[%get3A_650, %get3A_651] {strides = array<i32>} : memref<400x64xf32, #tpu.memory_space<vmem>>, vector<1x16xf32>,
        %get3A_653 = vector.shape_cast %get3A_652 : vector<1x16xf32> to vector<16xf32>
        %swap3A_654 = arith.index_cast %scan3A_638 : i32 to index
        %swap3A_655 = arith.constant 16 : index
        %swap3A_656 = tpu.vector_load %arg10[%swap3A_654, %swap3A_655] {strides = array<i32>} : memref<128x64xf32, #tpu.memory_space<vmem>>, vector<1x16xf32>,
        %swap3A_657 = vector.shape_cast %swap3A_656 : vector<1x16xf32> to vector<16xf32>
        %swap3A_658 = vector.shape_cast %get3A_653 : vector<16xf32> to vector<1x16xf32>
        tpu.vector_store %arg10[%swap3A_654, %swap3A_655], %swap3A_658 {add = true, strides = array<i32>} : memref<128x64xf32, #tpu.memory_space<vmem>>, vector<1x16xf32>,
        %add3A_659 = arith.addi %rem3A_153, %scan3A_638 : i32
        %get3A_660 = arith.index_cast %add3A_659 : i32 to index
        %get3A_661 = arith.constant 32 : index
        %get3A_662 = tpu.vector_load %arg11[%get3A_660, %get3A_661] {strides = array<i32>} : memref<400x64xf32, #tpu.memory_space<vmem>>, vector<1x16xf32>,
        %get3A_663 = vector.shape_cast %get3A_662 : vector<1x16xf32> to vector<16xf32>
        %swap3A_664 = arith.index_cast %scan3A_638 : i32 to index
        %swap3A_665 = arith.constant 32 : index
        %swap3A_666 = tpu.vector_load %arg10[%swap3A_664, %swap3A_665] {strides = array<i32>} : memref<128x64xf32, #tpu.memory_space<vmem>>, vector<1x16xf32>,
        %swap3A_667 = vector.shape_cast %swap3A_666 : vector<1x16xf32> to vector<16xf32>
        %swap3A_668 = vector.shape_cast %get3A_663 : vector<16xf32> to vector<1x16xf32>
        tpu.vector_store %arg10[%swap3A_664, %swap3A_665], %swap3A_668 {add = true, strides = array<i32>} : memref<128x64xf32, #tpu.memory_space<vmem>>, vector<1x16xf32>,
        %add3A_669 = arith.addi %rem3A_153, %scan3A_638 : i32
        %get3A_670 = arith.index_cast %add3A_669 : i32 to index
        %get3A_671 = arith.constant 48 : index
        %get3A_672 = tpu.vector_load %arg11[%get3A_670, %get3A_671] {strides = array<i32>} : memref<400x64xf32, #tpu.memory_space<vmem>>, vector<1x16xf32>,
        %get3A_673 = vector.shape_cast %get3A_672 : vector<1x16xf32> to vector<16xf32>
        %swap3A_674 = arith.index_cast %scan3A_638 : i32 to index
        %swap3A_675 = arith.constant 48 : index
        %swap3A_676 = tpu.vector_load %arg10[%swap3A_674, %swap3A_675] {strides = array<i32>} : memref<128x64xf32, #tpu.memory_space<vmem>>, vector<1x16xf32>,
        %swap3A_677 = vector.shape_cast %swap3A_676 : vector<1x16xf32> to vector<16xf32>
        %swap3A_678 = vector.shape_cast %get3A_673 : vector<16xf32> to vector<1x16xf32>
        tpu.vector_store %arg10[%swap3A_674, %swap3A_675], %swap3A_678 {add = true, strides = array<i32>} : memref<128x64xf32, #tpu.memory_space<vmem>>, vector<1x16xf32>,
        %scan3A_679 = arith.constant 12 : i32
        %scan3A_680 = arith.addi %scan3A_178, %scan3A_679 : i32
        %add3A_681 = arith.addi %rem3A_153, %scan3A_680 : i32
        %get3A_682 = arith.index_cast %add3A_681 : i32 to index
        %get3A_683 = arith.constant 0 : index
        %get3A_684 = tpu.vector_load %arg11[%get3A_682, %get3A_683] {strides = array<i32>} : memref<400x64xf32, #tpu.memory_space<vmem>>, vector<1x16xf32>,
        %get3A_685 = vector.shape_cast %get3A_684 : vector<1x16xf32> to vector<16xf32>
        %swap3A_686 = arith.index_cast %scan3A_680 : i32 to index
        %swap3A_687 = arith.constant 0 : index
        %swap3A_688 = tpu.vector_load %arg10[%swap3A_686, %swap3A_687] {strides = array<i32>} : memref<128x64xf32, #tpu.memory_space<vmem>>, vector<1x16xf32>,
        %swap3A_689 = vector.shape_cast %swap3A_688 : vector<1x16xf32> to vector<16xf32>
        %swap3A_690 = vector.shape_cast %get3A_685 : vector<16xf32> to vector<1x16xf32>
        tpu.vector_store %arg10[%swap3A_686, %swap3A_687], %swap3A_690 {add = true, strides = array<i32>} : memref<128x64xf32, #tpu.memory_space<vmem>>, vector<1x16xf32>,
        %add3A_691 = arith.addi %rem3A_153, %scan3A_680 : i32
        %get3A_692 = arith.index_cast %add3A_691 : i32 to index
        %get3A_693 = arith.constant 16 : index
        %get3A_694 = tpu.vector_load %arg11[%get3A_692, %get3A_693] {strides = array<i32>} : memref<400x64xf32, #tpu.memory_space<vmem>>, vector<1x16xf32>,
        %get3A_695 = vector.shape_cast %get3A_694 : vector<1x16xf32> to vector<16xf32>
        %swap3A_696 = arith.index_cast %scan3A_680 : i32 to index
        %swap3A_697 = arith.constant 16 : index
        %swap3A_698 = tpu.vector_load %arg10[%swap3A_696, %swap3A_697] {strides = array<i32>} : memref<128x64xf32, #tpu.memory_space<vmem>>, vector<1x16xf32>,
        %swap3A_699 = vector.shape_cast %swap3A_698 : vector<1x16xf32> to vector<16xf32>
        %swap3A_700 = vector.shape_cast %get3A_695 : vector<16xf32> to vector<1x16xf32>
        tpu.vector_store %arg10[%swap3A_696, %swap3A_697], %swap3A_700 {add = true, strides = array<i32>} : memref<128x64xf32, #tpu.memory_space<vmem>>, vector<1x16xf32>,
        %add3A_701 = arith.addi %rem3A_153, %scan3A_680 : i32
        %get3A_702 = arith.index_cast %add3A_701 : i32 to index
        %get3A_703 = arith.constant 32 : index
        %get3A_704 = tpu.vector_load %arg11[%get3A_702, %get3A_703] {strides = array<i32>} : memref<400x64xf32, #tpu.memory_space<vmem>>, vector<1x16xf32>,
        %get3A_705 = vector.shape_cast %get3A_704 : vector<1x16xf32> to vector<16xf32>
        %swap3A_706 = arith.index_cast %scan3A_680 : i32 to index
        %swap3A_707 = arith.constant 32 : index
        %swap3A_708 = tpu.vector_load %arg10[%swap3A_706, %swap3A_707] {strides = array<i32>} : memref<128x64xf32, #tpu.memory_space<vmem>>, vector<1x16xf32>,
        %swap3A_709 = vector.shape_cast %swap3A_708 : vector<1x16xf32> to vector<16xf32>
        %swap3A_710 = vector.shape_cast %get3A_705 : vector<16xf32> to vector<1x16xf32>
        tpu.vector_store %arg10[%swap3A_706, %swap3A_707], %swap3A_710 {add = true, strides = array<i32>} : memref<128x64xf32, #tpu.memory_space<vmem>>, vector<1x16xf32>,
        %add3A_711 = arith.addi %rem3A_153, %scan3A_680 : i32
        %get3A_712 = arith.index_cast %add3A_711 : i32 to index
        %get3A_713 = arith.constant 48 : index
        %get3A_714 = tpu.vector_load %arg11[%get3A_712, %get3A_713] {strides = array<i32>} : memref<400x64xf32, #tpu.memory_space<vmem>>, vector<1x16xf32>,
        %get3A_715 = vector.shape_cast %get3A_714 : vector<1x16xf32> to vector<16xf32>
        %swap3A_716 = arith.index_cast %scan3A_680 : i32 to index
        %swap3A_717 = arith.constant 48 : index
        %swap3A_718 = tpu.vector_load %arg10[%swap3A_716, %swap3A_717] {strides = array<i32>} : memref<128x64xf32, #tpu.memory_space<vmem>>, vector<1x16xf32>,
        %swap3A_719 = vector.shape_cast %swap3A_718 : vector<1x16xf32> to vector<16xf32>
        %swap3A_720 = vector.shape_cast %get3A_715 : vector<16xf32> to vector<1x16xf32>
        tpu.vector_store %arg10[%swap3A_716, %swap3A_717], %swap3A_720 {add = true, strides = array<i32>} : memref<128x64xf32, #tpu.memory_space<vmem>>, vector<1x16xf32>,
        %scan3A_721 = arith.constant 13 : i32
        %scan3A_722 = arith.addi %scan3A_178, %scan3A_721 : i32
        %add3A_723 = arith.addi %rem3A_153, %scan3A_722 : i32
        %get3A_724 = arith.index_cast %add3A_723 : i32 to index
        %get3A_725 = arith.constant 0 : index
        %get3A_726 = tpu.vector_load %arg11[%get3A_724, %get3A_725] {strides = array<i32>} : memref<400x64xf32, #tpu.memory_space<vmem>>, vector<1x16xf32>,
        %get3A_727 = vector.shape_cast %get3A_726 : vector<1x16xf32> to vector<16xf32>
        %swap3A_728 = arith.index_cast %scan3A_722 : i32 to index
        %swap3A_729 = arith.constant 0 : index
        %swap3A_730 = tpu.vector_load %arg10[%swap3A_728, %swap3A_729] {strides = array<i32>} : memref<128x64xf32, #tpu.memory_space<vmem>>, vector<1x16xf32>,
        %swap3A_731 = vector.shape_cast %swap3A_730 : vector<1x16xf32> to vector<16xf32>
        %swap3A_732 = vector.shape_cast %get3A_727 : vector<16xf32> to vector<1x16xf32>
        tpu.vector_store %arg10[%swap3A_728, %swap3A_729], %swap3A_732 {add = true, strides = array<i32>} : memref<128x64xf32, #tpu.memory_space<vmem>>, vector<1x16xf32>,
        %add3A_733 = arith.addi %rem3A_153, %scan3A_722 : i32
        %get3A_734 = arith.index_cast %add3A_733 : i32 to index
        %get3A_735 = arith.constant 16 : index
        %get3A_736 = tpu.vector_load %arg11[%get3A_734, %get3A_735] {strides = array<i32>} : memref<400x64xf32, #tpu.memory_space<vmem>>, vector<1x16xf32>,
        %get3A_737 = vector.shape_cast %get3A_736 : vector<1x16xf32> to vector<16xf32>
        %swap3A_738 = arith.index_cast %scan3A_722 : i32 to index
        %swap3A_739 = arith.constant 16 : index
        %swap3A_740 = tpu.vector_load %arg10[%swap3A_738, %swap3A_739] {strides = array<i32>} : memref<128x64xf32, #tpu.memory_space<vmem>>, vector<1x16xf32>,
        %swap3A_741 = vector.shape_cast %swap3A_740 : vector<1x16xf32> to vector<16xf32>
        %swap3A_742 = vector.shape_cast %get3A_737 : vector<16xf32> to vector<1x16xf32>
        tpu.vector_store %arg10[%swap3A_738, %swap3A_739], %swap3A_742 {add = true, strides = array<i32>} : memref<128x64xf32, #tpu.memory_space<vmem>>, vector<1x16xf32>,
        %add3A_743 = arith.addi %rem3A_153, %scan3A_722 : i32
        %get3A_744 = arith.index_cast %add3A_743 : i32 to index
        %get3A_745 = arith.constant 32 : index
        %get3A_746 = tpu.vector_load %arg11[%get3A_744, %get3A_745] {strides = array<i32>} : memref<400x64xf32, #tpu.memory_space<vmem>>, vector<1x16xf32>,
        %get3A_747 = vector.shape_cast %get3A_746 : vector<1x16xf32> to vector<16xf32>
        %swap3A_748 = arith.index_cast %scan3A_722 : i32 to index
        %swap3A_749 = arith.constant 32 : index
        %swap3A_750 = tpu.vector_load %arg10[%swap3A_748, %swap3A_749] {strides = array<i32>} : memref<128x64xf32, #tpu.memory_space<vmem>>, vector<1x16xf32>,
        %swap3A_751 = vector.shape_cast %swap3A_750 : vector<1x16xf32> to vector<16xf32>
        %swap3A_752 = vector.shape_cast %get3A_747 : vector<16xf32> to vector<1x16xf32>
        tpu.vector_store %arg10[%swap3A_748, %swap3A_749], %swap3A_752 {add = true, strides = array<i32>} : memref<128x64xf32, #tpu.memory_space<vmem>>, vector<1x16xf32>,
        %add3A_753 = arith.addi %rem3A_153, %scan3A_722 : i32
        %get3A_754 = arith.index_cast %add3A_753 : i32 to index
        %get3A_755 = arith.constant 48 : index
        %get3A_756 = tpu.vector_load %arg11[%get3A_754, %get3A_755] {strides = array<i32>} : memref<400x64xf32, #tpu.memory_space<vmem>>, vector<1x16xf32>,
        %get3A_757 = vector.shape_cast %get3A_756 : vector<1x16xf32> to vector<16xf32>
        %swap3A_758 = arith.index_cast %scan3A_722 : i32 to index
        %swap3A_759 = arith.constant 48 : index
        %swap3A_760 = tpu.vector_load %arg10[%swap3A_758, %swap3A_759] {strides = array<i32>} : memref<128x64xf32, #tpu.memory_space<vmem>>, vector<1x16xf32>,
        %swap3A_761 = vector.shape_cast %swap3A_760 : vector<1x16xf32> to vector<16xf32>
        %swap3A_762 = vector.shape_cast %get3A_757 : vector<16xf32> to vector<1x16xf32>
        tpu.vector_store %arg10[%swap3A_758, %swap3A_759], %swap3A_762 {add = true, strides = array<i32>} : memref<128x64xf32, #tpu.memory_space<vmem>>, vector<1x16xf32>,
        %scan3A_763 = arith.constant 14 : i32
        %scan3A_764 = arith.addi %scan3A_178, %scan3A_763 : i32
        %add3A_765 = arith.addi %rem3A_153, %scan3A_764 : i32
        %get3A_766 = arith.index_cast %add3A_765 : i32 to index
        %get3A_767 = arith.constant 0 : index
        %get3A_768 = tpu.vector_load %arg11[%get3A_766, %get3A_767] {strides = array<i32>} : memref<400x64xf32, #tpu.memory_space<vmem>>, vector<1x16xf32>,
        %get3A_769 = vector.shape_cast %get3A_768 : vector<1x16xf32> to vector<16xf32>
        %swap3A_770 = arith.index_cast %scan3A_764 : i32 to index
        %swap3A_771 = arith.constant 0 : index
        %swap3A_772 = tpu.vector_load %arg10[%swap3A_770, %swap3A_771] {strides = array<i32>} : memref<128x64xf32, #tpu.memory_space<vmem>>, vector<1x16xf32>,
        %swap3A_773 = vector.shape_cast %swap3A_772 : vector<1x16xf32> to vector<16xf32>
        %swap3A_774 = vector.shape_cast %get3A_769 : vector<16xf32> to vector<1x16xf32>
        tpu.vector_store %arg10[%swap3A_770, %swap3A_771], %swap3A_774 {add = true, strides = array<i32>} : memref<128x64xf32, #tpu.memory_space<vmem>>, vector<1x16xf32>,
        %add3A_775 = arith.addi %rem3A_153, %scan3A_764 : i32
        %get3A_776 = arith.index_cast %add3A_775 : i32 to index
        %get3A_777 = arith.constant 16 : index
        %get3A_778 = tpu.vector_load %arg11[%get3A_776, %get3A_777] {strides = array<i32>} : memref<400x64xf32, #tpu.memory_space<vmem>>, vector<1x16xf32>,
        %get3A_779 = vector.shape_cast %get3A_778 : vector<1x16xf32> to vector<16xf32>
        %swap3A_780 = arith.index_cast %scan3A_764 : i32 to index
        %swap3A_781 = arith.constant 16 : index
        %swap3A_782 = tpu.vector_load %arg10[%swap3A_780, %swap3A_781] {strides = array<i32>} : memref<128x64xf32, #tpu.memory_space<vmem>>, vector<1x16xf32>,
        %swap3A_783 = vector.shape_cast %swap3A_782 : vector<1x16xf32> to vector<16xf32>
        %swap3A_784 = vector.shape_cast %get3A_779 : vector<16xf32> to vector<1x16xf32>
        tpu.vector_store %arg10[%swap3A_780, %swap3A_781], %swap3A_784 {add = true, strides = array<i32>} : memref<128x64xf32, #tpu.memory_space<vmem>>, vector<1x16xf32>,
        %add3A_785 = arith.addi %rem3A_153, %scan3A_764 : i32
        %get3A_786 = arith.index_cast %add3A_785 : i32 to index
        %get3A_787 = arith.constant 32 : index
        %get3A_788 = tpu.vector_load %arg11[%get3A_786, %get3A_787] {strides = array<i32>} : memref<400x64xf32, #tpu.memory_space<vmem>>, vector<1x16xf32>,
        %get3A_789 = vector.shape_cast %get3A_788 : vector<1x16xf32> to vector<16xf32>
        %swap3A_790 = arith.index_cast %scan3A_764 : i32 to index
        %swap3A_791 = arith.constant 32 : index
        %swap3A_792 = tpu.vector_load %arg10[%swap3A_790, %swap3A_791] {strides = array<i32>} : memref<128x64xf32, #tpu.memory_space<vmem>>, vector<1x16xf32>,
        %swap3A_793 = vector.shape_cast %swap3A_792 : vector<1x16xf32> to vector<16xf32>
        %swap3A_794 = vector.shape_cast %get3A_789 : vector<16xf32> to vector<1x16xf32>
        tpu.vector_store %arg10[%swap3A_790, %swap3A_791], %swap3A_794 {add = true, strides = array<i32>} : memref<128x64xf32, #tpu.memory_space<vmem>>, vector<1x16xf32>,
        %add3A_795 = arith.addi %rem3A_153, %scan3A_764 : i32
        %get3A_796 = arith.index_cast %add3A_795 : i32 to index
        %get3A_797 = arith.constant 48 : index
        %get3A_798 = tpu.vector_load %arg11[%get3A_796, %get3A_797] {strides = array<i32>} : memref<400x64xf32, #tpu.memory_space<vmem>>, vector<1x16xf32>,
        %get3A_799 = vector.shape_cast %get3A_798 : vector<1x16xf32> to vector<16xf32>
        %swap3A_800 = arith.index_cast %scan3A_764 : i32 to index
        %swap3A_801 = arith.constant 48 : index
        %swap3A_802 = tpu.vector_load %arg10[%swap3A_800, %swap3A_801] {strides = array<i32>} : memref<128x64xf32, #tpu.memory_space<vmem>>, vector<1x16xf32>,
        %swap3A_803 = vector.shape_cast %swap3A_802 : vector<1x16xf32> to vector<16xf32>
        %swap3A_804 = vector.shape_cast %get3A_799 : vector<16xf32> to vector<1x16xf32>
        tpu.vector_store %arg10[%swap3A_800, %swap3A_801], %swap3A_804 {add = true, strides = array<i32>} : memref<128x64xf32, #tpu.memory_space<vmem>>, vector<1x16xf32>,
        %scan3A_805 = arith.constant 15 : i32
        %scan3A_806 = arith.addi %scan3A_178, %scan3A_805 : i32
        %add3A_807 = arith.addi %rem3A_153, %scan3A_806 : i32
        %get3A_808 = arith.index_cast %add3A_807 : i32 to index
        %get3A_809 = arith.constant 0 : index
        %get3A_810 = tpu.vector_load %arg11[%get3A_808, %get3A_809] {strides = array<i32>} : memref<400x64xf32, #tpu.memory_space<vmem>>, vector<1x16xf32>,
        %get3A_811 = vector.shape_cast %get3A_810 : vector<1x16xf32> to vector<16xf32>
        %swap3A_812 = arith.index_cast %scan3A_806 : i32 to index
        %swap3A_813 = arith.constant 0 : index
        %swap3A_814 = tpu.vector_load %arg10[%swap3A_812, %swap3A_813] {strides = array<i32>} : memref<128x64xf32, #tpu.memory_space<vmem>>, vector<1x16xf32>,
        %swap3A_815 = vector.shape_cast %swap3A_814 : vector<1x16xf32> to vector<16xf32>
        %swap3A_816 = vector.shape_cast %get3A_811 : vector<16xf32> to vector<1x16xf32>
        tpu.vector_store %arg10[%swap3A_812, %swap3A_813], %swap3A_816 {add = true, strides = array<i32>} : memref<128x64xf32, #tpu.memory_space<vmem>>, vector<1x16xf32>,
        %add3A_817 = arith.addi %rem3A_153, %scan3A_806 : i32
        %get3A_818 = arith.index_cast %add3A_817 : i32 to index
        %get3A_819 = arith.constant 16 : index
        %get3A_820 = tpu.vector_load %arg11[%get3A_818, %get3A_819] {strides = array<i32>} : memref<400x64xf32, #tpu.memory_space<vmem>>, vector<1x16xf32>,
        %get3A_821 = vector.shape_cast %get3A_820 : vector<1x16xf32> to vector<16xf32>
        %swap3A_822 = arith.index_cast %scan3A_806 : i32 to index
        %swap3A_823 = arith.constant 16 : index
        %swap3A_824 = tpu.vector_load %arg10[%swap3A_822, %swap3A_823] {strides = array<i32>} : memref<128x64xf32, #tpu.memory_space<vmem>>, vector<1x16xf32>,
        %swap3A_825 = vector.shape_cast %swap3A_824 : vector<1x16xf32> to vector<16xf32>
        %swap3A_826 = vector.shape_cast %get3A_821 : vector<16xf32> to vector<1x16xf32>
        tpu.vector_store %arg10[%swap3A_822, %swap3A_823], %swap3A_826 {add = true, strides = array<i32>} : memref<128x64xf32, #tpu.memory_space<vmem>>, vector<1x16xf32>,
        %add3A_827 = arith.addi %rem3A_153, %scan3A_806 : i32
        %get3A_828 = arith.index_cast %add3A_827 : i32 to index
        %get3A_829 = arith.constant 32 : index
        %get3A_830 = tpu.vector_load %arg11[%get3A_828, %get3A_829] {strides = array<i32>} : memref<400x64xf32, #tpu.memory_space<vmem>>, vector<1x16xf32>,
        %get3A_831 = vector.shape_cast %get3A_830 : vector<1x16xf32> to vector<16xf32>
        %swap3A_832 = arith.index_cast %scan3A_806 : i32 to index
        %swap3A_833 = arith.constant 32 : index
        %swap3A_834 = tpu.vector_load %arg10[%swap3A_832, %swap3A_833] {strides = array<i32>} : memref<128x64xf32, #tpu.memory_space<vmem>>, vector<1x16xf32>,
        %swap3A_835 = vector.shape_cast %swap3A_834 : vector<1x16xf32> to vector<16xf32>
        %swap3A_836 = vector.shape_cast %get3A_831 : vector<16xf32> to vector<1x16xf32>
        tpu.vector_store %arg10[%swap3A_832, %swap3A_833], %swap3A_836 {add = true, strides = array<i32>} : memref<128x64xf32, #tpu.memory_space<vmem>>, vector<1x16xf32>,
        %add3A_837 = arith.addi %rem3A_153, %scan3A_806 : i32
        %get3A_838 = arith.index_cast %add3A_837 : i32 to index
        %get3A_839 = arith.constant 48 : index
        %get3A_840 = tpu.vector_load %arg11[%get3A_838, %get3A_839] {strides = array<i32>} : memref<400x64xf32, #tpu.memory_space<vmem>>, vector<1x16xf32>,
        %get3A_841 = vector.shape_cast %get3A_840 : vector<1x16xf32> to vector<16xf32>
        %swap3A_842 = arith.index_cast %scan3A_806 : i32 to index
        %swap3A_843 = arith.constant 48 : index
        %swap3A_844 = tpu.vector_load %arg10[%swap3A_842, %swap3A_843] {strides = array<i32>} : memref<128x64xf32, #tpu.memory_space<vmem>>, vector<1x16xf32>,
        %swap3A_845 = vector.shape_cast %swap3A_844 : vector<1x16xf32> to vector<16xf32>
        %swap3A_846 = vector.shape_cast %get3A_841 : vector<16xf32> to vector<1x16xf32>
        tpu.vector_store %arg10[%swap3A_842, %swap3A_843], %swap3A_846 {add = true, strides = array<i32>} : memref<128x64xf32, #tpu.memory_space<vmem>>, vector<1x16xf32>,
      }
      %scan3A_159 = arith.constant 128 : i32
      %dma_wait3A_160 = arith.constant 0 : i32
      %dma_wait3A_161 = arith.constant 0 : i32
      %dma_wait3A_162 = tpu.memref_slice %arg5[%dma_wait3A_160, %dma_wait3A_161] : memref<819200x64xf32, #tpu.memory_space<hbm>> -> memref<128x64xf32, #tpu.memory_space<hbm>>
      %dma_wait3A_163 = arith.constant 0 : i32
      %dma_wait3A_164 = arith.constant 0 : i32
      %dma_wait3A_165 = tpu.memref_slice %arg5[%dma_wait3A_163, %dma_wait3A_164] : memref<819200x64xf32, #tpu.memory_space<hbm>> -> memref<128x64xf32, #tpu.memory_space<hbm>>
      tpu.wait_dma2 semaphore(%arg18 : memref<!tpu.dma_semaphore, #tpu.memory_space<semaphore_mem>>) src(%arg9 : memref<128x64xf32, #tpu.memory_space<vmem>>) dst(%dma_wait3A_165 : memref<128x64xf32, #tpu.memory_space<hbm>>)
      %le3A_166 = arith.constant 48 : i32
      %le3A_167 = arith.cmpi sle, %scan3A_27, %le3A_166 : i32
      %convert_element_type3A_168 = arith.extui %le3A_167 : i1 to i32
      %cond3A_169 = arith.constant 0 : i32
      %cond3A_170 = arith.cmpi ne, %convert_element_type3A_168, %cond3A_169 : i32
      scf.if %cond3A_170 {
        %add3A_178 = arith.constant 4 : i32
        %add3A_179 = arith.addi %add3A_143, %add3A_178 : i32
        %sub3A_180 = arith.constant 1 : i32
        %sub3A_181 = arith.subi %add3A_179, %sub3A_180 : i32
        %mul3A_182 = arith.constant 128 : i32
        %mul3A_183 = arith.muli %sub3A_181, %mul3A_182 : i32
        %dma_start3A_184 = tpu.memref_slice %arg6[%mul3A_183] : memref<25600xi32, #tpu.memory_space<vmem>> -> memref<128xi32, #tpu.memory_space<vmem>>
        %dma_start3A_185 = arith.constant 0 : i32
        %dma_start3A_186 = arith.constant 0 : i32
        %dma_start3A_187 = tpu.memref_slice %arg3[%dma_start3A_185, %dma_start3A_186] : memref<1000000x64xf32, #tpu.memory_space<hbm>> -> memref<1000000x64xf32, #tpu.memory_space<hbm>>
        tpu.enqueue_indirect_dma source(%dma_start3A_187 : memref<1000000x64xf32, #tpu.memory_space<hbm>>) target(%arg9 : memref<128x64xf32, #tpu.memory_space<vmem>>) offsets(%dma_start3A_184 : memref<128xi32, #tpu.memory_space<vmem>>) semaphore(%arg14 : memref<!tpu.dma_semaphore, #tpu.memory_space<semaphore_mem>>)
      } else {
      }
      %mul3A_171 = arith.constant 128 : i32
      %mul3A_172 = arith.muli %add3A_143, %mul3A_171 : i32
      %add3A_173 = arith.addi %mul3A_2, %mul3A_172 : i32
      %dma_start3A_174 = arith.constant 0 : i32
      %dma_start3A_175 = tpu.memref_slice %arg5[%add3A_173, %dma_start3A_174] : memref<819200x64xf32, #tpu.memory_space<hbm>> -> memref<128x64xf32, #tpu.memory_space<hbm>>
      %dma_start3A_176 = arith.constant 0 : i32
      %dma_start3A_177 = tpu.memref_slice %arg5[%add3A_173, %dma_start3A_176] : memref<819200x64xf32, #tpu.memory_space<hbm>> -> memref<128x64xf32, #tpu.memory_space<hbm>>
      tpu.enqueue_dma source(%arg10 : memref<128x64xf32, #tpu.memory_space<vmem>>) target(%dma_start3A_177 : memref<128x64xf32, #tpu.memory_space<hbm>>) target_semaphore(%arg19 : memref<!tpu.dma_semaphore, #tpu.memory_space<semaphore_mem>>)
    }
    %scan3A_21 = arith.constant 50 : i32
    %dma_wait3A = arith.constant 0 : i32
    %dma_wait3A_22 = arith.constant 0 : i32
    %dma_wait3A_23 = tpu.memref_slice %arg5[%dma_wait3A, %dma_wait3A_22] : memref<819200x64xf32, #tpu.memory_space<hbm>> -> memref<128x64xf32, #tpu.memory_space<hbm>>
    %dma_wait3A_24 = arith.constant 0 : i32
    %dma_wait3A_25 = arith.constant 0 : i32
    %dma_wait3A_26 = tpu.memref_slice %arg5[%dma_wait3A_24, %dma_wait3A_25] : memref<819200x64xf32, #tpu.memory_space<hbm>> -> memref<128x64xf32, #tpu.memory_space<hbm>>
    tpu.wait_dma2 semaphore(%arg19 : memref<!tpu.dma_semaphore, #tpu.memory_space<semaphore_mem>>) src(%arg10 : memref<128x64xf32, #tpu.memory_space<vmem>>) dst(%dma_wait3A_26 : memref<128x64xf32, #tpu.memory_space<hbm>>)
    return
  }
}

</mosaic_0001>

<sc_bundles>
// kernel: kernel.3.cloned.1.call-start
scs
__scs_entry_jumppad:
0x0: {  	(pc) =	sbr.rel $0x88, $3  }
0x1: {  	(tag) =	ssettag $0x0;
	lr =	simm.s32 $0x1  }
0x2: {  	[smem:$0x3F9E] =	sst lr;
	_ =	strace $0xD0000000  }
0x3: {  	_ = 	snop  }
0x4: {  	_ = 	snop  }
0x5: {  	_ = 	snop  }
0x6: {  	_ = 	snop  }
0x7: {  	_ = 	snop  }
__scs_overlays_trampoline_lowered:
0x8: {  	[smem:$0x3FAD] =	sst s0  }
0x9: {  	[smem:$0x3FAE] =	sst s1  }
0xa: {  	[smem:$0x3FAF] =	sst s2  }
0xb: {  	[smem:$0x3FB0] =	sst s3  }
0xc: {  	[smem:$0x3FB1] =	sst s4  }
0xd: {  	[smem:$0x3FB2] =	sst s5  }
0xe: {  	[smem:$0x3FB3] =	sst s6  }
0xf: {  	[smem:$0x3FB4] =	sst s7  }
0x10: {  	[smem:$0x3FB5] =	sst s8  }
0x11: {  	[smem:$0x3FB6] =	sst s9;
	s0 =	simm.s32 @!p0 $0x0  }
0x12: {  	s1 =	sld [smem:$0x3F9C];
	s0 =	simm.s32 @p0 $0x1  }
0x13: {  	[smem:$0x3FB7] =	sst s0;
	s0 =	simm.s32 @!p1 $0x0  }
0x14: {  	s2 =	sld [smem:$0x3F9B];
	s0 =	simm.s32 @p1 $0x1  }
0x15: {  	[smem:$0x3FB8] =	sst s0;
	s0 =	simm.s32 @!p2 $0x0  }
0x16: {  	s3 =	sld [smem:$0x3FDB];
	s0 =	simm.s32 @p2 $0x1  }
0x17: {  	s4 =	simm.s32 $0x1BF5;
	[smem:$0x3FBA] =	sst s0  }
0x18: {  	s0 =	sld [smem:$0x3F9D];
	_ =	swait.ge [sflag:s4], $0x0  }
0x19: {  	s7 =	sld [smem:$0x3F9E]  }
0x1a: {  	s8 =	sadd.s32 $0xFFFFE003, lr  }
0x1b: {  	s9 =	sadd.s32 $0xFFFFFEF7, lr;
	s5 =	simm.s32 $0xFFFFFFFF;
	p2 =	slt.u32 s8, $0xFFFFF086  }
0x1c: {  	p1 =	slt.u32 s9, $0xF7A;
	s5 =	simm.s32 @!p2 $0x0  }
0x1d: {  	s5 =	simm.s32 @p1 $0x1;
	p0 =	seq.s32 s7, s2  }
0x1e: {  	s7 =	smul.u32 @!p0 $0xF7A, s2;
	p2 =	seq.s32 @!p0 s5, $0x0  }
0x1f: {  	s9 =	smul.u32 $0xF7A, s1;
	s8 =	simm.s32 @!p0 $0x1BF5;
	p2 =	por !p2, p0  }
0x20: {  	[sflag:s8] =	ssyncset.s32 @!p0 $0xFFFFF086;
	s6 =	sadd.s32 @!p0 s3, s7;
	s7 =	simm.s32 @!p0 $0x108  }
0x21: {  	s3 =	sadd.s32 s3, s9;
	s6 =	sadd.s32 @!p0 $0x88, s6;
	s7 =	simm.s32 @p2 $0x1082  }
0x22: {  	[simem:s7], [sflag:s8] =	dma.local @!p0 [hbm:s6], $0xF7A  }
0x23: {  	s9 =	sor.u32 $0xD0000000, s2;
	s6 =	simm.s32 $0x108;
	_ =	swait.ge @!p0 [sflag:s8], $0x0  }
0x24: {  	s3 =	sadd.s32 $0x88, s3;
	s6 =	simm.s32 @!p1 $0x1082;
	[sflag:s4] =	ssyncset.s32 $0xFFFFF086  }
0x25: {  	[simem:s6], [sflag:s4] =	dma.local [hbm:s3], $0xF7A  }
0x26: {  	[smem:$0x3F9E] =	sst s1;
	(tag) =	ssettag s2;
	_ =	strace s9  }
0x27: {  	s1 =	sld [smem:$0x3FAE]  }
0x28: {  	s2 =	sld [smem:$0x3FAF]  }
0x29: {  	s4 =	sld [smem:$0x3FB1]  }
0x2a: {  	p0 =	seq.s32 s5, $0x0;
	s5 =	sld [smem:$0x3FB2]  }
0x2b: {  	s6 =	sld [smem:$0x3FB3]  }
0x2c: {  	s7 =	sld [smem:$0x3FB4]  }
0x2d: {  	s3 =	simm.s32 $0x108;
	s8 =	sld [smem:$0x3FB5]  }
0x2e: {  	s3 =	simm.s32 @!p0 $0x1082;
	s9 =	sld [smem:$0x3FB6]  }
0x2f: {  	lr =	sadd.s32 s0, s3;
	s0 =	sld [smem:$0x3FAD]  }
0x30: {  	s3 =	sld [smem:$0x3FB0]  }
0x31: {  	[smem:$0x3FB9] =	sst s10  }
0x32: {  	s10 =	sld [smem:$0x3FB7];
	_ =	sdelay $0x3  }
0x33: {  	p0 =	seq.s32 s10, $0x1;
	s10 =	sld [smem:$0x3FB9];
	_ =	sdelay $0x3  }
0x34: {  	[smem:$0x3FB9] =	sst s10  }
0x35: {  	s10 =	sld [smem:$0x3FB8];
	_ =	sdelay $0x3  }
0x36: {  	p1 =	seq.s32 s10, $0x1;
	s10 =	sld [smem:$0x3FB9];
	_ =	sdelay $0x3  }
0x37: {  	[smem:$0x3FB9] =	sst s10  }
0x38: {  	s10 =	sld [smem:$0x3FBA]  }
0x39: {  	_ = 	snop;
	(pc) =	sbr.ind lr, $3  }
0x3a: {  	_ = 	snop  }
0x3b: {  	_ = 	snop  }
0x3c: {  	p2 =	seq.s32 s10, $0x1;
	s10 =	sld [smem:$0x3FB9]  }
0x3d: {  	_ =	shalt  }
0x3e: {  	_ =	shalt  }
0x3f: {  	_ =	shalt  }
0x40: {  	_ =	shalt  }
0x41: {  	_ =	shalt  }
0x42: {  	_ =	shalt  }
0x43: {  	_ =	shalt  }
0x44: {  	_ =	shalt  }
0x45: {  	_ =	shalt  }
0x46: {  	_ =	shalt  }
0x47: {  	_ =	shalt  }
0x48: {  	_ =	shalt  }
0x49: {  	_ =	shalt  }
0x4a: {  	_ =	shalt  }
0x4b: {  	_ =	shalt  }
0x4c: {  	_ =	shalt  }
0x4d: {  	_ =	shalt  }
0x4e: {  	_ =	shalt  }
0x4f: {  	_ =	shalt  }
0x50: {  	_ =	shalt  }
0x51: {  	_ =	shalt  }
0x52: {  	_ =	shalt  }
0x53: {  	_ =	shalt  }
0x54: {  	_ =	shalt  }
0x55: {  	_ =	shalt  }
0x56: {  	_ =	shalt  }
0x57: {  	_ =	shalt  }
0x58: {  	_ =	shalt  }
0x59: {  	_ =	shalt  }
0x5a: {  	_ =	shalt  }
0x5b: {  	_ =	shalt  }
0x5c: {  	_ =	shalt  }
0x5d: {  	_ =	shalt  }
0x5e: {  	_ =	shalt  }
0x5f: {  	_ =	shalt  }
0x60: {  	_ =	shalt  }
0x61: {  	_ =	shalt  }
0x62: {  	_ =	shalt  }
0x63: {  	_ =	shalt  }
0x64: {  	_ =	shalt  }
0x65: {  	_ =	shalt  }
0x66: {  	_ =	shalt  }
0x67: {  	_ =	shalt  }
0x68: {  	_ =	shalt  }
0x69: {  	_ =	shalt  }
0x6a: {  	_ =	shalt  }
0x6b: {  	_ =	shalt  }
0x6c: {  	_ =	shalt  }
0x6d: {  	_ =	shalt  }
0x6e: {  	_ =	shalt  }
0x6f: {  	_ =	shalt  }
0x70: {  	_ =	shalt  }
0x71: {  	_ =	shalt  }
0x72: {  	_ =	shalt  }
0x73: {  	_ =	shalt  }
0x74: {  	_ =	shalt  }
0x75: {  	_ =	shalt  }
0x76: {  	_ =	shalt  }
0x77: {  	_ =	shalt  }
0x78: {  	_ =	shalt  }
0x79: {  	_ =	shalt  }
0x7a: {  	_ =	shalt  }
0x7b: {  	_ =	shalt  }
0x7c: {  	_ =	shalt  }
0x7d: {  	_ =	shalt  }
0x7e: {  	_ =	shalt  }
0x7f: {  	_ =	shalt  }
0x80: {  	_ =	shalt  }
0x81: {  	_ =	shalt  }
0x82: {  	_ =	shalt  }
0x83: {  	_ =	shalt  }
0x84: {  	_ =	shalt  }
0x85: {  	_ =	shalt  }
0x86: {  	_ =	shalt  }
0x87: {  	_ =	shalt  }
.Lfunc_end0:
.L_simem_size_0:
called_computation.1_lowered:
.L_overlay_start_0:
0x88: {  	s2 =	sld [smem:$0x3FD9]  }
0x89: {  	s3 =	sld [smem:$0x3FFE];
	_ =	sdelay $0x1  }
0x8a: {  	s1 =	srdreg.scid  }
0x8b: {  	s0 =	sand.u32 $0x1, s1  }
0x8c: {  	s17 =	sshll.u32 s0, $0xA;
	s2 =	sadd.s32 s3, s2  }
0x8d: {  	s2 =	sadd.s32 s2, s17  }
0x8e: {  	[smem:$0x3FC5] =	sst s2  }
0x8f: {  	_ = 	snop  }
0x90: {  	s2 =	sld [smem:$0x3FD0];
	(tm) =	ssettm $0x1  }
0x91: {  	s18 =	sld [smem:$0x3FFB];
	_ =	sdelay $0x3  }
0x92: {  	_ =	strace s18  }
0x93: {  	s3 =	sld [smem:$0x3FFC];
	_ =	sdelay $0x3  }
0x94: {  	_ =	strace s3  }
0x95: {  	s3 =	sld [smem:$0x3FFD];
	_ =	sdelay $0x3  }
0x96: {  	_ =	strace s3  }
0x97: {  	_ =	strace $0x8FFFFFFF  }
0x98: {  	s19 =	sld [smem:$0x3FDB];
	_ =	sdelay $0x1  }
0x99: {  	s4 =	simm.s32 $_scs_section_size  }
0x9a: {  	s5 =	simm.s32 $_size__tile_overlayer_lowered;
	s6 =	simm.s32 $_tile_overlayer_lowered  }
0x9b: {  	s22 =	simm.s32 $0x1BFF;
	s21 =	sshll.u32 s6, $0x1;
	s3 =	sadd.s32 s4, s19  }
0x9c: {  	s7 =	simm.s32 $0x0;
	s20 =	sshll.u32 s5, $0x1;
	s5 =	sadd.s32 s21, s3  }
0x9d: {  	[timem:s7], [sflag:s22] =	dma.local [hbm:s5], s20  }
0x9e: {  	_ =	swait.ge [sflag:s22], s20  }
0x9f: {  	s4 =	ssub.s32 $0x0, s20;
	[sflag:s22] =	ssyncset.done $0x0  }
0xa0: {  	[sflag:s22] =	ssyncadd.s32 s4;
	_ =	sdelay $0x1  }
0xa1: {  	s23 =	simm.s32 $0x1B8B  }
0xa2: {  	_ =	swait.ge [sflag:s23], $0x1  }
0xa3: {  	[sflag:s23] =	ssyncset.done $0x0  }
0xa4: {  	s25 =	simm.s32 $0x1B8E;
	s24 =	sld [smem:$0x3FFE];
	[sflag:s23] =	ssyncadd.s32 $0xFFFFFFFF  }
0xa5: {  	s26 =	simm.s32 $execute0_lowered;
	[smem:$0x3FD2] =	sst s25  }
0xa6: {  	s5 =	sshll.u32 s26, $0x1;
	_ =	strace $0x80000046;
	[dreg:$0x1] =	wrdreg $0xFFFFFFFF  }
0xa7: {  	s28 =	simm.s32 $_size_execute0_lowered;
	s3 =	sadd.s32 s3, s5;
	[dreg:$0x0] =	wrdreg $0x0  }
0xa8: {  	s5 =	sshll.u32 s28, $0x1;
	[dreg:$0x2] =	wrdreg s3  }
0xa9: {  	[dreg:$0x3] =	wrdreg s5  }
0xaa: {  	[dreg:$0x4] =	wrdreg $0xC0  }
0xab: {  	_ =	task [dreg:s7], $0x5FFFF  }
0xac: {  	[dreg:$0x1] =	wrdreg $0xFFFFFFFF  }
0xad: {  	[dreg:$0x0] =	wrdreg $0x60  }
0xae: {  	[dreg:$0x2] =	wrdreg s24  }
0xaf: {  	[dreg:$0x3] =	wrdreg s2  }
0xb0: {  	[dreg:$0x4] =	wrdreg $0x9  }
0xb1: {  	_ =	task.clear_ibuf [dreg:s7], $0x5FFFF;
	_ =	strace $0x90000046  }
0xb2: {  	s29 =	simm.s32 $0x9;
	_ =	strace $0x80000048  }
0xb3: {  	_ =	swait.ge [sflag:s29], $0x1  }
0xb4: {  	[sflag:s29] =	ssyncadd.s32 $0xFFFFFFFF  }
0xb5: {  	_ =	strace $0x90000048  }
0xb6: {  	_ =	sfence  }
0xb7: {  	s30 =	sld [smem:$0x0];
	_ =	sdelay $0x2  }
0xb8: {  	s31 =	sshll.u32 s1, $0xD;
	s1 =	sshrl.u32 s1, $0x2  }
0xb9: {  	s3 =	sand.u32 $0x4000, s31;
	s1 =	sadd.s32 s1, s30  }
0xba: {  	s0 =	sor.u32 s3, s0;
	s1 =	sshll.u32 s1, $0x11  }
0xbb: {  	s0 =	sor.u32 s1, s0  }
0xbc: {  	s0 =	sadd.s32 $0x8F2B, s0  }
0xbd: {  	[sflag:s0] =	ssyncadd.remote.s32 $0x1  }
0xbe: {  	_ =	sfence.sel $0xFFFF  }
0xbf: {  	[dreg:$0x0] =	wrdreg $0xFFFFFFFF;
	(pc) =	sbr.abs _section_cstart, $3  }
0xc0: {  	[dreg:$0x1] =	wrdreg $0xFFFFFFFF  }
0xc1: {  	_ =	task.clear_ibuf [dreg:s7], $0x2FFFF;
	_ =	strace $0x9FFFFFFF  }
0xc2: {  	(tm) =	ssettm $0x7FFFFFFF  }
0xc3: {  	_ =	shalt  }
tec
execute0_lowered:
.L_overlay_start_1:
0x0: {  	(tag) =	ssettag $0x1  }
0x1: {  	s0 =	srdreg.scid  }
0x2: {  	s2 =	stileid.u32;
	s1 =	rddreg [dreg:$0x0]  }
0x3: {  	s15 =	simm.s32 $0x1;
	s16 =	simm.s32 $0x80;
	s17 =	simm.s32 $0xC400  }
0x4: {  	s18 =	simm.s32 $0x2;
	s0 =	sand.u32 $0x1, s0;
	s3 =	sshll.u32 s2, $0x1  }
0x5: {  	s19 =	simm.s32 $0x5;
	s20 =	simm.s32 $0x3;
	s4 =	sor.u32 s0, s3  }
0x6: {  	s21 =	simm.s32 $0x6;
	s0 =	ssub.s32 $0x2, s0;
	s4 =	smul.u32 $0x6400, s4  }
0x7: {  	s2 =	rddreg [dreg:$0x1];
	s3 =	simm.s32 $0x0;
	s7 =	sshrl.u32 s0, $0x1  }
0x8: {  	[smem:$0x7FF] =	sst s3;
	s0 =	ssub.s32 s0, s7;
	s5 =	sshrl.u32 s4, $0x3  }
0x9: {  	_ =	strace $0x80000047;
	s0 =	smax.u32 s0, $0x1;
	s6 =	sadd.s32 s5, s1  }
0xa: {  	s5 =	sadd.s32 $0xF43000, s1;
	s1 =	sadd.s32 $0x19C00, s1;
	[dreg:$0x5] =	wrdreg s0  }
0xb: {  	s22 =	simm.s32 $0x4;
	[dreg:$0x3] =	wrdreg s1;
	s31 =	sadd.s32 $0xC00, s6  }
0xc: {  	s23 =	simm.s32 $0x7;
	s6 =	simm.s32 $0x0;
	[dreg:$0x4] =	wrdreg s31  }
.LBB2_1:
0xd: {  	[dreg:$0x6] =	wrdreg s6  }
0xe: {  	s0 =	rddreg [dreg:$0x4];
	s1 =	simm.s32 $0x9  }
0xf: {  	[tilespmem:s3], [sflag:$0x9] =	stream.linear.gather [hbm4b:s0+s3], $0x6400, $0x38;
	[tilespmem:$0x14800] =	vst v63  }
0x10: {  	_ =	swait.ge [sflag:s1], $0x6400  }
0x11: {  	[sflag:s1] =	ssyncset.done $0x0  }
0x12: {  	s12 =	simm.s32 $0xE400;
	s11 =	rddreg [dreg:$0x3];
	[sflag:s1] =	ssyncadd.s32 $0xFFFF9C00  }
0x13: {  	[tilespmem:s12], [sflag:$0x9] =	stream.linear.gather [hbm4b:s11+s3], $0x3200, $0x38;
	[tilespmem:$0x14800] =	vst v63  }
0x14: {  	_ =	swait.ge [sflag:s1], $0x3200  }
0x15: {  	[sflag:s1] =	ssyncset.done $0x0  }
0x16: {  	s13 =	simm.s32 $0x11600;
	[sflag:s1] =	ssyncadd.s32 $0xFFFFCE00  }
0x17: {  	[tilespmem:s13], [sflag:$0x9] =	stream.linear.gather [hbm4b:s11+s3], $0x3200, $0x38;
	[tilespmem:$0x14800] =	vst v63  }
0x18: {  	s14 =	simm.s32 $0x6400;
	s24 =	simm.s32 $0x8400;
	_ =	swait.ge [sflag:s1], $0x3200  }
0x19: {  	s26 =	simm.s32 $0x100;
	s25 =	simm.s32 $0xA400;
	[sflag:s1] =	ssyncset.done $0x0  }
0x1a: {  	s28 =	simm.s32 $0xE600;
	s29 =	simm.s32 $0x10400;
	[sflag:s1] =	ssyncadd.s32 $0xFFFFCE00  }
0x1b: {  	[tilespmem:s14], [sflag:$0x1] =	stream.indirect.gather [hbm4b:s5+s16], $0x40, s3, s16, $0xb8;
	[tilespmem:$0x14800] =	vst v63  }
0x1c: {  	s30 =	simm.s32 $0x12400;
	s31 =	simm.s32 $0x14400;
	s10 =	simm.s32 $0x0  }
0x1d: {  	[tilespmem:s24], [sflag:$0x2] =	stream.indirect.gather [hbm4b:s5+s16], $0x40, s16, s16, $0xb8;
	[tilespmem:$0x14800] =	vst v63  }
0x1e: {  	s0 =	simm.s32 $0x80;
	s11 =	simm.s32 $0x0;
	s1 =	simm.s32 $0x180  }
0x1f: {  	[tilespmem:s25], [sflag:$0x3] =	stream.indirect.gather [hbm4b:s5+s16], $0x40, s26, s16, $0xb8;
	[tilespmem:$0x14800] =	vst v63  }
.LBB2_2:
0x20: {  	s6 =	smulhi.u32 $0x51EB851F, s10;
	_ =	sdelay $0x1  }
0x21: {  	s6 =	sshrl.u32 s6, $0x6  }
0x22: {  	s6 =	smul.u32 $0xFFFF3800, s6;
	_ =	sdelay $0x1  }
0x23: {  	s6 =	sshra.s32 s6, $0x2  }
0x24: {  	s6 =	sadd.s32 s6, s28  }
0x25: {  	v0 =	vmov s6;
	_ =	sdelay $0x1  }
0x26: {  	_ =	swait.ge [sflag:s15], $0x2000  }
0x27: {  	[sflag:s15] =	ssyncset.done $0x0  }
0x28: {  	[sflag:s15] =	ssyncadd.s32 $0xFFFFE000;
	s6 =	simm.s32 $0x0  }
0x29: {  	v1 =	vld.idx.msk [tilespmem:v0+s6+$0xFFFFFE00 ss:$0x1], $0xffff;
	_ =	sdelay $0x4  }
0x2a: {  	[tilespmem:s6+$0x6400] =	vst.add.f32.msk $0xffff, v1  }
0x2b: {  	v1 =	vld.idx.msk [tilespmem:v0+s6+$0xFFFFFE10 ss:$0x1], $0xffff;
	_ =	sdelay $0x4  }
0x2c: {  	[tilespmem:s6+$0x6410] =	vst.add.f32.msk $0xffff, v1  }
0x2d: {  	v1 =	vld.idx.msk [tilespmem:v0+s6+$0xFFFFFE20 ss:$0x1], $0xffff;
	_ =	sdelay $0x4  }
0x2e: {  	[tilespmem:s6+$0x6420] =	vst.add.f32.msk $0xffff, v1  }
0x2f: {  	v1 =	vld.idx.msk [tilespmem:v0+s6+$0xFFFFFE30 ss:$0x1], $0xffff;
	_ =	sdelay $0x4  }
0x30: {  	[tilespmem:s6+$0x6430] =	vst.add.f32.msk $0xffff, v1  }
0x31: {  	v1 =	vld.idx.msk [tilespmem:v0+s6+$0xFFFFFE40 ss:$0x1], $0xffff;
	_ =	sdelay $0x4  }
0x32: {  	[tilespmem:s6+$0x6440] =	vst.add.f32.msk $0xffff, v1  }
0x33: {  	v1 =	vld.idx.msk [tilespmem:v0+s6+$0xFFFFFE50 ss:$0x1], $0xffff;
	_ =	sdelay $0x4  }
0x34: {  	[tilespmem:s6+$0x6450] =	vst.add.f32.msk $0xffff, v1  }
0x35: {  	v1 =	vld.idx.msk [tilespmem:v0+s6+$0xFFFFFE60 ss:$0x1], $0xffff;
	_ =	sdelay $0x4  }
0x36: {  	[tilespmem:s6+$0x6460] =	vst.add.f32.msk $0xffff, v1  }
0x37: {  	v1 =	vld.idx.msk [tilespmem:v0+s6+$0xFFFFFE70 ss:$0x1], $0xffff;
	_ =	sdelay $0x4  }
0x38: {  	[tilespmem:s6+$0x6470] =	vst.add.f32.msk $0xffff, v1  }
0x39: {  	v1 =	vld.idx.msk [tilespmem:v0+s6+$0xFFFFFE80 ss:$0x1], $0xffff;
	_ =	sdelay $0x4  }
0x3a: {  	[tilespmem:s6+$0x6480] =	vst.add.f32.msk $0xffff, v1  }
0x3b: {  	v1 =	vld.idx.msk [tilespmem:v0+s6+$0xFFFFFE90 ss:$0x1], $0xffff;
	_ =	sdelay $0x4  }
0x3c: {  	[tilespmem:s6+$0x6490] =	vst.add.f32.msk $0xffff, v1  }
0x3d: {  	v1 =	vld.idx.msk [tilespmem:v0+s6+$0xFFFFFEA0 ss:$0x1], $0xffff;
	_ =	sdelay $0x4  }
0x3e: {  	[tilespmem:s6+$0x64A0] =	vst.add.f32.msk $0xffff, v1  }
0x3f: {  	v1 =	vld.idx.msk [tilespmem:v0+s6+$0xFFFFFEB0 ss:$0x1], $0xffff;
	_ =	sdelay $0x4  }
0x40: {  	[tilespmem:s6+$0x64B0] =	vst.add.f32.msk $0xffff, v1  }
0x41: {  	v1 =	vld.idx.msk [tilespmem:v0+s6+$0xFFFFFEC0 ss:$0x1], $0xffff;
	_ =	sdelay $0x4  }
0x42: {  	[tilespmem:s6+$0x64C0] =	vst.add.f32.msk $0xffff, v1  }
0x43: {  	v1 =	vld.idx.msk [tilespmem:v0+s6+$0xFFFFFED0 ss:$0x1], $0xffff;
	_ =	sdelay $0x4  }
0x44: {  	[tilespmem:s6+$0x64D0] =	vst.add.f32.msk $0xffff, v1  }
0x45: {  	v1 =	vld.idx.msk [tilespmem:v0+s6+$0xFFFFFEE0 ss:$0x1], $0xffff;
	_ =	sdelay $0x4  }
0x46: {  	[tilespmem:s6+$0x64E0] =	vst.add.f32.msk $0xffff, v1  }
0x47: {  	v1 =	vld.idx.msk [tilespmem:v0+s6+$0xFFFFFEF0 ss:$0x1], $0xffff;
	_ =	sdelay $0x4  }
0x48: {  	[tilespmem:s6+$0x64F0] =	vst.add.f32.msk $0xffff, v1  }
0x49: {  	v1 =	vld.idx.msk [tilespmem:v0+s6+$0xFFFFFF00 ss:$0x1], $0xffff;
	_ =	sdelay $0x4  }
0x4a: {  	[tilespmem:s6+$0x6500] =	vst.add.f32.msk $0xffff, v1  }
0x4b: {  	v1 =	vld.idx.msk [tilespmem:v0+s6+$0xFFFFFF10 ss:$0x1], $0xffff;
	_ =	sdelay $0x4  }
0x4c: {  	[tilespmem:s6+$0x6510] =	vst.add.f32.msk $0xffff, v1  }
0x4d: {  	v1 =	vld.idx.msk [tilespmem:v0+s6+$0xFFFFFF20 ss:$0x1], $0xffff;
	_ =	sdelay $0x4  }
0x4e: {  	[tilespmem:s6+$0x6520] =	vst.add.f32.msk $0xffff, v1  }
0x4f: {  	v1 =	vld.idx.msk [tilespmem:v0+s6+$0xFFFFFF30 ss:$0x1], $0xffff;
	_ =	sdelay $0x4  }
0x50: {  	[tilespmem:s6+$0x6530] =	vst.add.f32.msk $0xffff, v1  }
0x51: {  	v1 =	vld.idx.msk [tilespmem:v0+s6+$0xFFFFFF40 ss:$0x1], $0xffff;
	_ =	sdelay $0x4  }
0x52: {  	[tilespmem:s6+$0x6540] =	vst.add.f32.msk $0xffff, v1  }
0x53: {  	v1 =	vld.idx.msk [tilespmem:v0+s6+$0xFFFFFF50 ss:$0x1], $0xffff;
	_ =	sdelay $0x4  }
0x54: {  	[tilespmem:s6+$0x6550] =	vst.add.f32.msk $0xffff, v1  }
0x55: {  	v1 =	vld.idx.msk [tilespmem:v0+s6+$0xFFFFFF60 ss:$0x1], $0xffff;
	_ =	sdelay $0x4  }
0x56: {  	[tilespmem:s6+$0x6560] =	vst.add.f32.msk $0xffff, v1  }
0x57: {  	v1 =	vld.idx.msk [tilespmem:v0+s6+$0xFFFFFF70 ss:$0x1], $0xffff;
	_ =	sdelay $0x4  }
0x58: {  	[tilespmem:s6+$0x6570] =	vst.add.f32.msk $0xffff, v1  }
0x59: {  	v1 =	vld.idx.msk [tilespmem:v0+s6+$0xFFFFFF80 ss:$0x1], $0xffff;
	_ =	sdelay $0x4  }
0x5a: {  	[tilespmem:s6+$0x6580] =	vst.add.f32.msk $0xffff, v1  }
0x5b: {  	v1 =	vld.idx.msk [tilespmem:v0+s6+$0xFFFFFF90 ss:$0x1], $0xffff;
	_ =	sdelay $0x4  }
0x5c: {  	[tilespmem:s6+$0x6590] =	vst.add.f32.msk $0xffff, v1  }
0x5d: {  	v1 =	vld.idx.msk [tilespmem:v0+s6+$0xFFFFFFA0 ss:$0x1], $0xffff;
	_ =	sdelay $0x4  }
0x5e: {  	[tilespmem:s6+$0x65A0] =	vst.add.f32.msk $0xffff, v1  }
0x5f: {  	v1 =	vld.idx.msk [tilespmem:v0+s6+$0xFFFFFFB0 ss:$0x1], $0xffff;
	_ =	sdelay $0x4  }
0x60: {  	[tilespmem:s6+$0x65B0] =	vst.add.f32.msk $0xffff, v1  }
0x61: {  	v1 =	vld.idx.msk [tilespmem:v0+s6+$0xFFFFFFC0 ss:$0x1], $0xffff;
	_ =	sdelay $0x4  }
0x62: {  	[tilespmem:s6+$0x65C0] =	vst.add.f32.msk $0xffff, v1  }
0x63: {  	v1 =	vld.idx.msk [tilespmem:v0+s6+$0xFFFFFFD0 ss:$0x1], $0xffff;
	_ =	sdelay $0x4  }
0x64: {  	[tilespmem:s6+$0x65D0] =	vst.add.f32.msk $0xffff, v1  }
0x65: {  	v1 =	vld.idx.msk [tilespmem:v0+s6+$0xFFFFFFE0 ss:$0x1], $0xffff;
	_ =	sdelay $0x4  }
0x66: {  	[tilespmem:s6+$0x65E0] =	vst.add.f32.msk $0xffff, v1  }
0x67: {  	v1 =	vld.idx.msk [tilespmem:v0+s6+$0xFFFFFFF0 ss:$0x1], $0xffff;
	_ =	sdelay $0x4  }
0x68: {  	[tilespmem:s6+$0x65F0] =	vst.add.f32.msk $0xffff, v1  }
0x69: {  	v1 =	vld.idx.msk [tilespmem:v0+s6+$0x0 ss:$0x1], $0xffff;
	_ =	sdelay $0x4  }
0x6a: {  	[tilespmem:s6+$0x6600] =	vst.add.f32.msk $0xffff, v1  }
0x6b: {  	v1 =	vld.idx.msk [tilespmem:v0+s6+$0x10 ss:$0x1], $0xffff;
	_ =	sdelay $0x4  }
0x6c: {  	[tilespmem:s6+$0x6610] =	vst.add.f32.msk $0xffff, v1  }
0x6d: {  	v1 =	vld.idx.msk [tilespmem:v0+s6+$0x20 ss:$0x1], $0xffff;
	_ =	sdelay $0x4  }
0x6e: {  	[tilespmem:s6+$0x6620] =	vst.add.f32.msk $0xffff, v1  }
0x6f: {  	v1 =	vld.idx.msk [tilespmem:v0+s6+$0x30 ss:$0x1], $0xffff;
	_ =	sdelay $0x4  }
0x70: {  	[tilespmem:s6+$0x6630] =	vst.add.f32.msk $0xffff, v1  }
0x71: {  	v1 =	vld.idx.msk [tilespmem:v0+s6+$0x40 ss:$0x1], $0xffff;
	_ =	sdelay $0x4  }
0x72: {  	[tilespmem:s6+$0x6640] =	vst.add.f32.msk $0xffff, v1  }
0x73: {  	v1 =	vld.idx.msk [tilespmem:v0+s6+$0x50 ss:$0x1], $0xffff;
	_ =	sdelay $0x4  }
0x74: {  	[tilespmem:s6+$0x6650] =	vst.add.f32.msk $0xffff, v1  }
0x75: {  	v1 =	vld.idx.msk [tilespmem:v0+s6+$0x60 ss:$0x1], $0xffff;
	_ =	sdelay $0x4  }
0x76: {  	[tilespmem:s6+$0x6660] =	vst.add.f32.msk $0xffff, v1  }
0x77: {  	v1 =	vld.idx.msk [tilespmem:v0+s6+$0x70 ss:$0x1], $0xffff;
	_ =	sdelay $0x4  }
0x78: {  	[tilespmem:s6+$0x6670] =	vst.add.f32.msk $0xffff, v1  }
0x79: {  	v1 =	vld.idx.msk [tilespmem:v0+s6+$0x80 ss:$0x1], $0xffff;
	_ =	sdelay $0x4  }
0x7a: {  	[tilespmem:s6+$0x6680] =	vst.add.f32.msk $0xffff, v1  }
0x7b: {  	v1 =	vld.idx.msk [tilespmem:v0+s6+$0x90 ss:$0x1], $0xffff;
	_ =	sdelay $0x4  }
0x7c: {  	[tilespmem:s6+$0x6690] =	vst.add.f32.msk $0xffff, v1  }
0x7d: {  	v1 =	vld.idx.msk [tilespmem:v0+s6+$0xA0 ss:$0x1], $0xffff;
	_ =	sdelay $0x4  }
0x7e: {  	[tilespmem:s6+$0x66A0] =	vst.add.f32.msk $0xffff, v1  }
0x7f: {  	v1 =	vld.idx.msk [tilespmem:v0+s6+$0xB0 ss:$0x1], $0xffff;
	_ =	sdelay $0x4  }
0x80: {  	[tilespmem:s6+$0x66B0] =	vst.add.f32.msk $0xffff, v1  }
0x81: {  	v1 =	vld.idx.msk [tilespmem:v0+s6+$0xC0 ss:$0x1], $0xffff;
	_ =	sdelay $0x4  }
0x82: {  	[tilespmem:s6+$0x66C0] =	vst.add.f32.msk $0xffff, v1  }
0x83: {  	v1 =	vld.idx.msk [tilespmem:v0+s6+$0xD0 ss:$0x1], $0xffff;
	_ =	sdelay $0x4  }
0x84: {  	[tilespmem:s6+$0x66D0] =	vst.add.f32.msk $0xffff, v1  }
0x85: {  	v1 =	vld.idx.msk [tilespmem:v0+s6+$0xE0 ss:$0x1], $0xffff;
	_ =	sdelay $0x4  }
0x86: {  	[tilespmem:s6+$0x66E0] =	vst.add.f32.msk $0xffff, v1  }
0x87: {  	v1 =	vld.idx.msk [tilespmem:v0+s6+$0xF0 ss:$0x1], $0xffff;
	_ =	sdelay $0x4  }
0x88: {  	[tilespmem:s6+$0x66F0] =	vst.add.f32.msk $0xffff, v1  }
0x89: {  	v1 =	vld.idx.msk [tilespmem:v0+s6+$0x100 ss:$0x1], $0xffff;
	_ =	sdelay $0x4  }
0x8a: {  	[tilespmem:s6+$0x6700] =	vst.add.f32.msk $0xffff, v1  }
0x8b: {  	v1 =	vld.idx.msk [tilespmem:v0+s6+$0x110 ss:$0x1], $0xffff;
	_ =	sdelay $0x4  }
0x8c: {  	[tilespmem:s6+$0x6710] =	vst.add.f32.msk $0xffff, v1  }
0x8d: {  	v1 =	vld.idx.msk [tilespmem:v0+s6+$0x120 ss:$0x1], $0xffff;
	_ =	sdelay $0x4  }
0x8e: {  	[tilespmem:s6+$0x6720] =	vst.add.f32.msk $0xffff, v1  }
0x8f: {  	v1 =	vld.idx.msk [tilespmem:v0+s6+$0x130 ss:$0x1], $0xffff;
	_ =	sdelay $0x4  }
0x90: {  	[tilespmem:s6+$0x6730] =	vst.add.f32.msk $0xffff, v1  }
0x91: {  	v1 =	vld.idx.msk [tilespmem:v0+s6+$0x140 ss:$0x1], $0xffff;
	_ =	sdelay $0x4  }
0x92: {  	[tilespmem:s6+$0x6740] =	vst.add.f32.msk $0xffff, v1  }
0x93: {  	v1 =	vld.idx.msk [tilespmem:v0+s6+$0x150 ss:$0x1], $0xffff;
	_ =	sdelay $0x4  }
0x94: {  	[tilespmem:s6+$0x6750] =	vst.add.f32.msk $0xffff, v1  }
0x95: {  	v1 =	vld.idx.msk [tilespmem:v0+s6+$0x160 ss:$0x1], $0xffff;
	_ =	sdelay $0x4  }
0x96: {  	[tilespmem:s6+$0x6760] =	vst.add.f32.msk $0xffff, v1  }
0x97: {  	v1 =	vld.idx.msk [tilespmem:v0+s6+$0x170 ss:$0x1], $0xffff;
	_ =	sdelay $0x4  }
0x98: {  	[tilespmem:s6+$0x6770] =	vst.add.f32.msk $0xffff, v1  }
0x99: {  	v1 =	vld.idx.msk [tilespmem:v0+s6+$0x180 ss:$0x1], $0xffff;
	_ =	sdelay $0x4  }
0x9a: {  	[tilespmem:s6+$0x6780] =	vst.add.f32.msk $0xffff, v1  }
0x9b: {  	v1 =	vld.idx.msk [tilespmem:v0+s6+$0x190 ss:$0x1], $0xffff;
	_ =	sdelay $0x4  }
0x9c: {  	[tilespmem:s6+$0x6790] =	vst.add.f32.msk $0xffff, v1  }
0x9d: {  	v1 =	vld.idx.msk [tilespmem:v0+s6+$0x1A0 ss:$0x1], $0xffff;
	_ =	sdelay $0x4  }
0x9e: {  	[tilespmem:s6+$0x67A0] =	vst.add.f32.msk $0xffff, v1  }
0x9f: {  	v1 =	vld.idx.msk [tilespmem:v0+s6+$0x1B0 ss:$0x1], $0xffff;
	_ =	sdelay $0x4  }
0xa0: {  	[tilespmem:s6+$0x67B0] =	vst.add.f32.msk $0xffff, v1  }
0xa1: {  	v1 =	vld.idx.msk [tilespmem:v0+s6+$0x1C0 ss:$0x1], $0xffff;
	_ =	sdelay $0x4  }
0xa2: {  	[tilespmem:s6+$0x67C0] =	vst.add.f32.msk $0xffff, v1  }
0xa3: {  	v1 =	vld.idx.msk [tilespmem:v0+s6+$0x1D0 ss:$0x1], $0xffff;
	_ =	sdelay $0x4  }
0xa4: {  	[tilespmem:s6+$0x67D0] =	vst.add.f32.msk $0xffff, v1  }
0xa5: {  	v1 =	vld.idx.msk [tilespmem:v0+s6+$0x1E0 ss:$0x1], $0xffff;
	_ =	sdelay $0x1  }
0xa6: {  	s7 =	smulhi.u32 $0x51EB851F, s1  }
0xa7: {  	s8 =	smulhi.u32 $0x51EB851F, s26  }
0xa8: {  	s9 =	smulhi.u32 $0x51EB851F, s0;
	s7 =	sshrl.u32 s7, $0x6  }
0xa9: {  	s8 =	sshrl.u32 s8, $0x6;
	s7 =	smul.u32 $0xFFFF3800, s7;
	[tilespmem:s6+$0x67E0] =	vst.add.f32.msk $0xffff, v1  }
0xaa: {  	s9 =	sshrl.u32 s9, $0x6;
	s8 =	smul.u32 $0xFFFF3800, s8;
	v1 =	vld.idx.msk [tilespmem:v0+s6+$0x1F0 ss:$0x1], $0xffff  }
0xab: {  	s9 =	smul.u32 $0xFFFF3800, s9  }
0xac: {  	s24 =	sshll.u32 s11, $0x9;
	s7 =	sshra.s32 s7, $0x2;
	s12 =	sshra.s32 s8, $0x2  }
0xad: {  	s13 =	sshra.s32 s9, $0x2;
	s8 =	sadd.s32 s7, s31;
	s9 =	sadd.s32 s12, s30  }
0xae: {  	s25 =	sadd.s32 s13, s29;
	s7 =	simm.s32 $0x0;
	s12 =	simm.s32 $0x1000  }
.LBB2_3:
0xaf: {  	s7 =	sadd.s32 $0x10, s7;
	[tilespmem:s6+$0x67F0] =	vst.add.f32.msk $0xffff, v1;
	s6 =	sshra.s32 s12, $0x2  }
0xb0: {  	v1 =	vld.idx.msk [tilespmem:v0+s6+$0xFFFFFE00 ss:$0x1], $0xffff;
	p0 =	slt.u32 s7, $0x70;
	_ =	sdelay $0x5  }
0xb1: {  	[tilespmem:s6+$0x6400] =	vst.add.f32.msk $0xffff, v1  }
0xb2: {  	v1 =	vld.idx.msk [tilespmem:v0+s6+$0xFFFFFE10 ss:$0x1], $0xffff;
	_ =	sdelay $0x5  }
0xb3: {  	[tilespmem:s6+$0x6410] =	vst.add.f32.msk $0xffff, v1  }
0xb4: {  	v1 =	vld.idx.msk [tilespmem:v0+s6+$0xFFFFFE20 ss:$0x1], $0xffff;
	_ =	sdelay $0x5  }
0xb5: {  	[tilespmem:s6+$0x6420] =	vst.add.f32.msk $0xffff, v1  }
0xb6: {  	v1 =	vld.idx.msk [tilespmem:v0+s6+$0xFFFFFE30 ss:$0x1], $0xffff;
	_ =	sdelay $0x5  }
0xb7: {  	[tilespmem:s6+$0x6430] =	vst.add.f32.msk $0xffff, v1  }
0xb8: {  	v1 =	vld.idx.msk [tilespmem:v0+s6+$0xFFFFFE40 ss:$0x1], $0xffff;
	_ =	sdelay $0x5  }
0xb9: {  	[tilespmem:s6+$0x6440] =	vst.add.f32.msk $0xffff, v1  }
0xba: {  	v1 =	vld.idx.msk [tilespmem:v0+s6+$0xFFFFFE50 ss:$0x1], $0xffff;
	_ =	sdelay $0x5  }
0xbb: {  	[tilespmem:s6+$0x6450] =	vst.add.f32.msk $0xffff, v1  }
0xbc: {  	v1 =	vld.idx.msk [tilespmem:v0+s6+$0xFFFFFE60 ss:$0x1], $0xffff;
	_ =	sdelay $0x5  }
0xbd: {  	[tilespmem:s6+$0x6460] =	vst.add.f32.msk $0xffff, v1  }
0xbe: {  	v1 =	vld.idx.msk [tilespmem:v0+s6+$0xFFFFFE70 ss:$0x1], $0xffff;
	_ =	sdelay $0x5  }
0xbf: {  	[tilespmem:s6+$0x6470] =	vst.add.f32.msk $0xffff, v1  }
0xc0: {  	v1 =	vld.idx.msk [tilespmem:v0+s6+$0xFFFFFE80 ss:$0x1], $0xffff;
	_ =	sdelay $0x5  }
0xc1: {  	[tilespmem:s6+$0x6480] =	vst.add.f32.msk $0xffff, v1  }
0xc2: {  	v1 =	vld.idx.msk [tilespmem:v0+s6+$0xFFFFFE90 ss:$0x1], $0xffff;
	_ =	sdelay $0x5  }
0xc3: {  	[tilespmem:s6+$0x6490] =	vst.add.f32.msk $0xffff, v1  }
0xc4: {  	v1 =	vld.idx.msk [tilespmem:v0+s6+$0xFFFFFEA0 ss:$0x1], $0xffff;
	_ =	sdelay $0x5  }
0xc5: {  	[tilespmem:s6+$0x64A0] =	vst.add.f32.msk $0xffff, v1  }
0xc6: {  	v1 =	vld.idx.msk [tilespmem:v0+s6+$0xFFFFFEB0 ss:$0x1], $0xffff;
	_ =	sdelay $0x5  }
0xc7: {  	[tilespmem:s6+$0x64B0] =	vst.add.f32.msk $0xffff, v1  }
0xc8: {  	v1 =	vld.idx.msk [tilespmem:v0+s6+$0xFFFFFEC0 ss:$0x1], $0xffff;
	_ =	sdelay $0x5  }
0xc9: {  	[tilespmem:s6+$0x64C0] =	vst.add.f32.msk $0xffff, v1  }
0xca: {  	v1 =	vld.idx.msk [tilespmem:v0+s6+$0xFFFFFED0 ss:$0x1], $0xffff;
	_ =	sdelay $0x5  }
0xcb: {  	[tilespmem:s6+$0x64D0] =	vst.add.f32.msk $0xffff, v1  }
0xcc: {  	v1 =	vld.idx.msk [tilespmem:v0+s6+$0xFFFFFEE0 ss:$0x1], $0xffff;
	_ =	sdelay $0x5  }
0xcd: {  	[tilespmem:s6+$0x64E0] =	vst.add.f32.msk $0xffff, v1  }
0xce: {  	v1 =	vld.idx.msk [tilespmem:v0+s6+$0xFFFFFEF0 ss:$0x1], $0xffff;
	_ =	sdelay $0x5  }
0xcf: {  	[tilespmem:s6+$0x64F0] =	vst.add.f32.msk $0xffff, v1  }
0xd0: {  	v1 =	vld.idx.msk [tilespmem:v0+s6+$0xFFFFFF00 ss:$0x1], $0xffff;
	_ =	sdelay $0x5  }
0xd1: {  	[tilespmem:s6+$0x6500] =	vst.add.f32.msk $0xffff, v1  }
0xd2: {  	v1 =	vld.idx.msk [tilespmem:v0+s6+$0xFFFFFF10 ss:$0x1], $0xffff;
	_ =	sdelay $0x5  }
0xd3: {  	[tilespmem:s6+$0x6510] =	vst.add.f32.msk $0xffff, v1  }
0xd4: {  	v1 =	vld.idx.msk [tilespmem:v0+s6+$0xFFFFFF20 ss:$0x1], $0xffff;
	_ =	sdelay $0x5  }
0xd5: {  	[tilespmem:s6+$0x6520] =	vst.add.f32.msk $0xffff, v1  }
0xd6: {  	v1 =	vld.idx.msk [tilespmem:v0+s6+$0xFFFFFF30 ss:$0x1], $0xffff;
	_ =	sdelay $0x5  }
0xd7: {  	[tilespmem:s6+$0x6530] =	vst.add.f32.msk $0xffff, v1  }
0xd8: {  	v1 =	vld.idx.msk [tilespmem:v0+s6+$0xFFFFFF40 ss:$0x1], $0xffff;
	_ =	sdelay $0x5  }
0xd9: {  	[tilespmem:s6+$0x6540] =	vst.add.f32.msk $0xffff, v1  }
0xda: {  	v1 =	vld.idx.msk [tilespmem:v0+s6+$0xFFFFFF50 ss:$0x1], $0xffff;
	_ =	sdelay $0x5  }
0xdb: {  	[tilespmem:s6+$0x6550] =	vst.add.f32.msk $0xffff, v1  }
0xdc: {  	v1 =	vld.idx.msk [tilespmem:v0+s6+$0xFFFFFF60 ss:$0x1], $0xffff;
	_ =	sdelay $0x5  }
0xdd: {  	[tilespmem:s6+$0x6560] =	vst.add.f32.msk $0xffff, v1  }
0xde: {  	v1 =	vld.idx.msk [tilespmem:v0+s6+$0xFFFFFF70 ss:$0x1], $0xffff;
	_ =	sdelay $0x5  }
0xdf: {  	[tilespmem:s6+$0x6570] =	vst.add.f32.msk $0xffff, v1  }
0xe0: {  	v1 =	vld.idx.msk [tilespmem:v0+s6+$0xFFFFFF80 ss:$0x1], $0xffff;
	_ =	sdelay $0x5  }
0xe1: {  	[tilespmem:s6+$0x6580] =	vst.add.f32.msk $0xffff, v1  }
0xe2: {  	v1 =	vld.idx.msk [tilespmem:v0+s6+$0xFFFFFF90 ss:$0x1], $0xffff;
	_ =	sdelay $0x5  }
0xe3: {  	[tilespmem:s6+$0x6590] =	vst.add.f32.msk $0xffff, v1  }
0xe4: {  	v1 =	vld.idx.msk [tilespmem:v0+s6+$0xFFFFFFA0 ss:$0x1], $0xffff;
	_ =	sdelay $0x5  }
0xe5: {  	[tilespmem:s6+$0x65A0] =	vst.add.f32.msk $0xffff, v1  }
0xe6: {  	v1 =	vld.idx.msk [tilespmem:v0+s6+$0xFFFFFFB0 ss:$0x1], $0xffff;
	_ =	sdelay $0x5  }
0xe7: {  	[tilespmem:s6+$0x65B0] =	vst.add.f32.msk $0xffff, v1  }
0xe8: {  	v1 =	vld.idx.msk [tilespmem:v0+s6+$0xFFFFFFC0 ss:$0x1], $0xffff;
	_ =	sdelay $0x5  }
0xe9: {  	[tilespmem:s6+$0x65C0] =	vst.add.f32.msk $0xffff, v1  }
0xea: {  	v1 =	vld.idx.msk [tilespmem:v0+s6+$0xFFFFFFD0 ss:$0x1], $0xffff;
	_ =	sdelay $0x5  }
0xeb: {  	[tilespmem:s6+$0x65D0] =	vst.add.f32.msk $0xffff, v1  }
0xec: {  	v1 =	vld.idx.msk [tilespmem:v0+s6+$0xFFFFFFE0 ss:$0x1], $0xffff;
	_ =	sdelay $0x5  }
0xed: {  	[tilespmem:s6+$0x65E0] =	vst.add.f32.msk $0xffff, v1  }
0xee: {  	v1 =	vld.idx.msk [tilespmem:v0+s6+$0xFFFFFFF0 ss:$0x1], $0xffff;
	_ =	sdelay $0x5  }
0xef: {  	[tilespmem:s6+$0x65F0] =	vst.add.f32.msk $0xffff, v1  }
0xf0: {  	v1 =	vld.idx.msk [tilespmem:v0+s6+$0x0 ss:$0x1], $0xffff;
	_ =	sdelay $0x5  }
0xf1: {  	[tilespmem:s6+$0x6600] =	vst.add.f32.msk $0xffff, v1  }
0xf2: {  	v1 =	vld.idx.msk [tilespmem:v0+s6+$0x10 ss:$0x1], $0xffff;
	_ =	sdelay $0x5  }
0xf3: {  	[tilespmem:s6+$0x6610] =	vst.add.f32.msk $0xffff, v1  }
0xf4: {  	v1 =	vld.idx.msk [tilespmem:v0+s6+$0x20 ss:$0x1], $0xffff;
	_ =	sdelay $0x5  }
0xf5: {  	[tilespmem:s6+$0x6620] =	vst.add.f32.msk $0xffff, v1  }
0xf6: {  	v1 =	vld.idx.msk [tilespmem:v0+s6+$0x30 ss:$0x1], $0xffff;
	_ =	sdelay $0x5  }
0xf7: {  	[tilespmem:s6+$0x6630] =	vst.add.f32.msk $0xffff, v1  }
0xf8: {  	v1 =	vld.idx.msk [tilespmem:v0+s6+$0x40 ss:$0x1], $0xffff;
	_ =	sdelay $0x5  }
0xf9: {  	[tilespmem:s6+$0x6640] =	vst.add.f32.msk $0xffff, v1  }
0xfa: {  	v1 =	vld.idx.msk [tilespmem:v0+s6+$0x50 ss:$0x1], $0xffff;
	_ =	sdelay $0x5  }
0xfb: {  	[tilespmem:s6+$0x6650] =	vst.add.f32.msk $0xffff, v1  }
0xfc: {  	v1 =	vld.idx.msk [tilespmem:v0+s6+$0x60 ss:$0x1], $0xffff;
	_ =	sdelay $0x5  }
0xfd: {  	[tilespmem:s6+$0x6660] =	vst.add.f32.msk $0xffff, v1  }
0xfe: {  	v1 =	vld.idx.msk [tilespmem:v0+s6+$0x70 ss:$0x1], $0xffff;
	_ =	sdelay $0x5  }
0xff: {  	[tilespmem:s6+$0x6670] =	vst.add.f32.msk $0xffff, v1  }
0x100: {  	v1 =	vld.idx.msk [tilespmem:v0+s6+$0x80 ss:$0x1], $0xffff;
	_ =	sdelay $0x5  }
0x101: {  	[tilespmem:s6+$0x6680] =	vst.add.f32.msk $0xffff, v1  }
0x102: {  	v1 =	vld.idx.msk [tilespmem:v0+s6+$0x90 ss:$0x1], $0xffff;
	_ =	sdelay $0x5  }
0x103: {  	[tilespmem:s6+$0x6690] =	vst.add.f32.msk $0xffff, v1  }
0x104: {  	v1 =	vld.idx.msk [tilespmem:v0+s6+$0xA0 ss:$0x1], $0xffff;
	_ =	sdelay $0x5  }
0x105: {  	[tilespmem:s6+$0x66A0] =	vst.add.f32.msk $0xffff, v1  }
0x106: {  	v1 =	vld.idx.msk [tilespmem:v0+s6+$0xB0 ss:$0x1], $0xffff;
	_ =	sdelay $0x5  }
0x107: {  	[tilespmem:s6+$0x66B0] =	vst.add.f32.msk $0xffff, v1  }
0x108: {  	v1 =	vld.idx.msk [tilespmem:v0+s6+$0xC0 ss:$0x1], $0xffff;
	_ =	sdelay $0x5  }
0x109: {  	[tilespmem:s6+$0x66C0] =	vst.add.f32.msk $0xffff, v1  }
0x10a: {  	v1 =	vld.idx.msk [tilespmem:v0+s6+$0xD0 ss:$0x1], $0xffff;
	_ =	sdelay $0x5  }
0x10b: {  	[tilespmem:s6+$0x66D0] =	vst.add.f32.msk $0xffff, v1  }
0x10c: {  	v1 =	vld.idx.msk [tilespmem:v0+s6+$0xE0 ss:$0x1], $0xffff;
	_ =	sdelay $0x5  }
0x10d: {  	[tilespmem:s6+$0x66E0] =	vst.add.f32.msk $0xffff, v1  }
0x10e: {  	v1 =	vld.idx.msk [tilespmem:v0+s6+$0xF0 ss:$0x1], $0xffff;
	_ =	sdelay $0x5  }
0x10f: {  	[tilespmem:s6+$0x66F0] =	vst.add.f32.msk $0xffff, v1  }
0x110: {  	v1 =	vld.idx.msk [tilespmem:v0+s6+$0x100 ss:$0x1], $0xffff;
	_ =	sdelay $0x5  }
0x111: {  	[tilespmem:s6+$0x6700] =	vst.add.f32.msk $0xffff, v1  }
0x112: {  	v1 =	vld.idx.msk [tilespmem:v0+s6+$0x110 ss:$0x1], $0xffff;
	_ =	sdelay $0x5  }
0x113: {  	[tilespmem:s6+$0x6710] =	vst.add.f32.msk $0xffff, v1  }
0x114: {  	v1 =	vld.idx.msk [tilespmem:v0+s6+$0x120 ss:$0x1], $0xffff;
	_ =	sdelay $0x5  }
0x115: {  	[tilespmem:s6+$0x6720] =	vst.add.f32.msk $0xffff, v1  }
0x116: {  	v1 =	vld.idx.msk [tilespmem:v0+s6+$0x130 ss:$0x1], $0xffff;
	_ =	sdelay $0x5  }
0x117: {  	[tilespmem:s6+$0x6730] =	vst.add.f32.msk $0xffff, v1  }
0x118: {  	v1 =	vld.idx.msk [tilespmem:v0+s6+$0x140 ss:$0x1], $0xffff;
	_ =	sdelay $0x5  }
0x119: {  	[tilespmem:s6+$0x6740] =	vst.add.f32.msk $0xffff, v1  }
0x11a: {  	v1 =	vld.idx.msk [tilespmem:v0+s6+$0x150 ss:$0x1], $0xffff;
	_ =	sdelay $0x5  }
0x11b: {  	[tilespmem:s6+$0x6750] =	vst.add.f32.msk $0xffff, v1  }
0x11c: {  	v1 =	vld.idx.msk [tilespmem:v0+s6+$0x160 ss:$0x1], $0xffff;
	_ =	sdelay $0x5  }
0x11d: {  	[tilespmem:s6+$0x6760] =	vst.add.f32.msk $0xffff, v1  }
0x11e: {  	v1 =	vld.idx.msk [tilespmem:v0+s6+$0x170 ss:$0x1], $0xffff;
	_ =	sdelay $0x5  }
0x11f: {  	[tilespmem:s6+$0x6770] =	vst.add.f32.msk $0xffff, v1  }
0x120: {  	v1 =	vld.idx.msk [tilespmem:v0+s6+$0x180 ss:$0x1], $0xffff;
	_ =	sdelay $0x5  }
0x121: {  	[tilespmem:s6+$0x6780] =	vst.add.f32.msk $0xffff, v1  }
0x122: {  	v1 =	vld.idx.msk [tilespmem:v0+s6+$0x190 ss:$0x1], $0xffff;
	_ =	sdelay $0x5  }
0x123: {  	[tilespmem:s6+$0x6790] =	vst.add.f32.msk $0xffff, v1  }
0x124: {  	v1 =	vld.idx.msk [tilespmem:v0+s6+$0x1A0 ss:$0x1], $0xffff;
	_ =	sdelay $0x5  }
0x125: {  	[tilespmem:s6+$0x67A0] =	vst.add.f32.msk $0xffff, v1  }
0x126: {  	v1 =	vld.idx.msk [tilespmem:v0+s6+$0x1B0 ss:$0x1], $0xffff;
	_ =	sdelay $0x5  }
0x127: {  	[tilespmem:s6+$0x67B0] =	vst.add.f32.msk $0xffff, v1  }
0x128: {  	v1 =	vld.idx.msk [tilespmem:v0+s6+$0x1C0 ss:$0x1], $0xffff;
	_ =	sdelay $0x5  }
0x129: {  	[tilespmem:s6+$0x67C0] =	vst.add.f32.msk $0xffff, v1  }
0x12a: {  	v1 =	vld.idx.msk [tilespmem:v0+s6+$0x1D0 ss:$0x1], $0xffff;
	_ =	sdelay $0x5  }
0x12b: {  	[tilespmem:s6+$0x67D0] =	vst.add.f32.msk $0xffff, v1  }
0x12c: {  	v1 =	vld.idx.msk [tilespmem:v0+s6+$0x1E0 ss:$0x1], $0xffff;
	_ =	sdelay $0x5  }
0x12d: {  	[tilespmem:s6+$0x67E0] =	vst.add.f32.msk $0xffff, v1  }
0x12e: {  	v1 =	vld.idx.msk [tilespmem:v0+s6+$0x1F0 ss:$0x1], $0xffff  }
.Ltmp0:
0x12f: {  	(pc) =	sbr.rel @p0 .LBB2_3-.Ltmp0, $2  }
0x130: {  	_ =	sdelay $0x2  }
0x131: {  	s12 =	sadd.s32 $0x1000, s12  }
0x132: {  	p0 =	seq.s32 s11, $0x0  }
0x133: {  	[tilespmem:s6+$0x67F0] =	vst.add.f32.msk $0xffff, v1;
	s6 =	simm.s32 @!p0 $0x8  }
0x134: {  	_ =	swait.ge @!p0 [sflag:s6], $0x2000  }
0x135: {  	s14 =	sadd.s32 s4, s24;
	[sflag:s6] =	ssyncset.done @!p0 $0x0  }
0x136: {  	s7 =	sor.u32 $0x180, s24;
	[sflag:s6] =	ssyncadd.s32 @!p0 $0xFFFFE000;
	s6 =	sshll.u32 s14, $0x3  }
0x137: {  	[tilespmem:s17], [sflag:$0x4] =	stream.indirect.gather [hbm4b:s5+s16], $0x40, s7, s16, $0xb8;
	[tilespmem:$0x14800] =	vst v63  }
0x138: {  	s12 =	simm.s32 $0x0;
	v0 =	vmov s25;
	s13 =	simm.s32 $0x6400;
	s6 =	sadd.s32 s2, s6  }
0x139: {  	[hbm4b:s6+s12] =	stream.linear.scatter [tilespmem:s13], [sflag:$0x5], $0x2000, $0x38;
	[tilespmem:$0x14800] =	vst v63  }
0x13a: {  	_ =	swait.ge [sflag:s18], $0x2000  }
0x13b: {  	[sflag:s18] =	ssyncset.done $0x0  }
0x13c: {  	s6 =	simm.s32 $0x0;
	[sflag:s18] =	ssyncadd.s32 $0xFFFFE000  }
0x13d: {  	v1 =	vld.idx.msk [tilespmem:v0+s6+$0x0 ss:$0x1], $0xffff;
	_ =	sdelay $0x4  }
0x13e: {  	[tilespmem:s6+$0x8400] =	vst.add.f32.msk $0xffff, v1  }
0x13f: {  	v1 =	vld.idx.msk [tilespmem:v0+s6+$0x10 ss:$0x1], $0xffff;
	_ =	sdelay $0x4  }
0x140: {  	[tilespmem:s6+$0x8410] =	vst.add.f32.msk $0xffff, v1  }
0x141: {  	v1 =	vld.idx.msk [tilespmem:v0+s6+$0x20 ss:$0x1], $0xffff;
	_ =	sdelay $0x4  }
0x142: {  	[tilespmem:s6+$0x8420] =	vst.add.f32.msk $0xffff, v1  }
0x143: {  	v1 =	vld.idx.msk [tilespmem:v0+s6+$0x30 ss:$0x1], $0xffff;
	_ =	sdelay $0x4  }
0x144: {  	[tilespmem:s6+$0x8430] =	vst.add.f32.msk $0xffff, v1  }
0x145: {  	v1 =	vld.idx.msk [tilespmem:v0+s6+$0x40 ss:$0x1], $0xffff;
	_ =	sdelay $0x4  }
0x146: {  	[tilespmem:s6+$0x8440] =	vst.add.f32.msk $0xffff, v1  }
0x147: {  	v1 =	vld.idx.msk [tilespmem:v0+s6+$0x50 ss:$0x1], $0xffff;
	_ =	sdelay $0x4  }
0x148: {  	[tilespmem:s6+$0x8450] =	vst.add.f32.msk $0xffff, v1  }
0x149: {  	v1 =	vld.idx.msk [tilespmem:v0+s6+$0x60 ss:$0x1], $0xffff;
	_ =	sdelay $0x4  }
0x14a: {  	[tilespmem:s6+$0x8460] =	vst.add.f32.msk $0xffff, v1  }
0x14b: {  	v1 =	vld.idx.msk [tilespmem:v0+s6+$0x70 ss:$0x1], $0xffff;
	_ =	sdelay $0x4  }
0x14c: {  	[tilespmem:s6+$0x8470] =	vst.add.f32.msk $0xffff, v1  }
0x14d: {  	v1 =	vld.idx.msk [tilespmem:v0+s6+$0x80 ss:$0x1], $0xffff;
	_ =	sdelay $0x4  }
0x14e: {  	[tilespmem:s6+$0x8480] =	vst.add.f32.msk $0xffff, v1  }
0x14f: {  	v1 =	vld.idx.msk [tilespmem:v0+s6+$0x90 ss:$0x1], $0xffff;
	_ =	sdelay $0x4  }
0x150: {  	[tilespmem:s6+$0x8490] =	vst.add.f32.msk $0xffff, v1  }
0x151: {  	v1 =	vld.idx.msk [tilespmem:v0+s6+$0xA0 ss:$0x1], $0xffff;
	_ =	sdelay $0x4  }
0x152: {  	[tilespmem:s6+$0x84A0] =	vst.add.f32.msk $0xffff, v1  }
0x153: {  	v1 =	vld.idx.msk [tilespmem:v0+s6+$0xB0 ss:$0x1], $0xffff;
	_ =	sdelay $0x4  }
0x154: {  	[tilespmem:s6+$0x84B0] =	vst.add.f32.msk $0xffff, v1  }
0x155: {  	v1 =	vld.idx.msk [tilespmem:v0+s6+$0xC0 ss:$0x1], $0xffff;
	_ =	sdelay $0x4  }
0x156: {  	[tilespmem:s6+$0x84C0] =	vst.add.f32.msk $0xffff, v1  }
0x157: {  	v1 =	vld.idx.msk [tilespmem:v0+s6+$0xD0 ss:$0x1], $0xffff;
	_ =	sdelay $0x4  }
0x158: {  	[tilespmem:s6+$0x84D0] =	vst.add.f32.msk $0xffff, v1  }
0x159: {  	v1 =	vld.idx.msk [tilespmem:v0+s6+$0xE0 ss:$0x1], $0xffff;
	_ =	sdelay $0x4  }
0x15a: {  	[tilespmem:s6+$0x84E0] =	vst.add.f32.msk $0xffff, v1  }
0x15b: {  	v1 =	vld.idx.msk [tilespmem:v0+s6+$0xF0 ss:$0x1], $0xffff;
	_ =	sdelay $0x4  }
0x15c: {  	[tilespmem:s6+$0x84F0] =	vst.add.f32.msk $0xffff, v1  }
0x15d: {  	v1 =	vld.idx.msk [tilespmem:v0+s6+$0x100 ss:$0x1], $0xffff;
	_ =	sdelay $0x4  }
0x15e: {  	[tilespmem:s6+$0x8500] =	vst.add.f32.msk $0xffff, v1  }
0x15f: {  	v1 =	vld.idx.msk [tilespmem:v0+s6+$0x110 ss:$0x1], $0xffff;
	_ =	sdelay $0x4  }
0x160: {  	[tilespmem:s6+$0x8510] =	vst.add.f32.msk $0xffff, v1  }
0x161: {  	v1 =	vld.idx.msk [tilespmem:v0+s6+$0x120 ss:$0x1], $0xffff;
	_ =	sdelay $0x4  }
0x162: {  	[tilespmem:s6+$0x8520] =	vst.add.f32.msk $0xffff, v1  }
0x163: {  	v1 =	vld.idx.msk [tilespmem:v0+s6+$0x130 ss:$0x1], $0xffff;
	_ =	sdelay $0x4  }
0x164: {  	[tilespmem:s6+$0x8530] =	vst.add.f32.msk $0xffff, v1  }
0x165: {  	v1 =	vld.idx.msk [tilespmem:v0+s6+$0x140 ss:$0x1], $0xffff;
	_ =	sdelay $0x4  }
0x166: {  	[tilespmem:s6+$0x8540] =	vst.add.f32.msk $0xffff, v1  }
0x167: {  	v1 =	vld.idx.msk [tilespmem:v0+s6+$0x150 ss:$0x1], $0xffff;
	_ =	sdelay $0x4  }
0x168: {  	[tilespmem:s6+$0x8550] =	vst.add.f32.msk $0xffff, v1  }
0x169: {  	v1 =	vld.idx.msk [tilespmem:v0+s6+$0x160 ss:$0x1], $0xffff;
	_ =	sdelay $0x4  }
0x16a: {  	[tilespmem:s6+$0x8560] =	vst.add.f32.msk $0xffff, v1  }
0x16b: {  	v1 =	vld.idx.msk [tilespmem:v0+s6+$0x170 ss:$0x1], $0xffff;
	_ =	sdelay $0x4  }
0x16c: {  	[tilespmem:s6+$0x8570] =	vst.add.f32.msk $0xffff, v1  }
0x16d: {  	v1 =	vld.idx.msk [tilespmem:v0+s6+$0x180 ss:$0x1], $0xffff;
	_ =	sdelay $0x4  }
0x16e: {  	[tilespmem:s6+$0x8580] =	vst.add.f32.msk $0xffff, v1  }
0x16f: {  	v1 =	vld.idx.msk [tilespmem:v0+s6+$0x190 ss:$0x1], $0xffff;
	_ =	sdelay $0x4  }
0x170: {  	[tilespmem:s6+$0x8590] =	vst.add.f32.msk $0xffff, v1  }
0x171: {  	v1 =	vld.idx.msk [tilespmem:v0+s6+$0x1A0 ss:$0x1], $0xffff;
	_ =	sdelay $0x4  }
0x172: {  	[tilespmem:s6+$0x85A0] =	vst.add.f32.msk $0xffff, v1  }
0x173: {  	v1 =	vld.idx.msk [tilespmem:v0+s6+$0x1B0 ss:$0x1], $0xffff;
	_ =	sdelay $0x4  }
0x174: {  	[tilespmem:s6+$0x85B0] =	vst.add.f32.msk $0xffff, v1  }
0x175: {  	v1 =	vld.idx.msk [tilespmem:v0+s6+$0x1C0 ss:$0x1], $0xffff;
	_ =	sdelay $0x4  }
0x176: {  	[tilespmem:s6+$0x85C0] =	vst.add.f32.msk $0xffff, v1  }
0x177: {  	v1 =	vld.idx.msk [tilespmem:v0+s6+$0x1D0 ss:$0x1], $0xffff;
	_ =	sdelay $0x4  }
0x178: {  	[tilespmem:s6+$0x85D0] =	vst.add.f32.msk $0xffff, v1  }
0x179: {  	v1 =	vld.idx.msk [tilespmem:v0+s6+$0x1E0 ss:$0x1], $0xffff;
	_ =	sdelay $0x4  }
0x17a: {  	[tilespmem:s6+$0x85E0] =	vst.add.f32.msk $0xffff, v1  }
0x17b: {  	v1 =	vld.idx.msk [tilespmem:v0+s6+$0x1F0 ss:$0x1], $0xffff;
	_ =	sdelay $0x4  }
0x17c: {  	[tilespmem:s6+$0x85F0] =	vst.add.f32.msk $0xffff, v1  }
0x17d: {  	v1 =	vld.idx.msk [tilespmem:v0+s6+$0x200 ss:$0x1], $0xffff;
	_ =	sdelay $0x4  }
0x17e: {  	[tilespmem:s6+$0x8600] =	vst.add.f32.msk $0xffff, v1  }
0x17f: {  	v1 =	vld.idx.msk [tilespmem:v0+s6+$0x210 ss:$0x1], $0xffff;
	_ =	sdelay $0x4  }
0x180: {  	[tilespmem:s6+$0x8610] =	vst.add.f32.msk $0xffff, v1  }
0x181: {  	v1 =	vld.idx.msk [tilespmem:v0+s6+$0x220 ss:$0x1], $0xffff;
	_ =	sdelay $0x4  }
0x182: {  	[tilespmem:s6+$0x8620] =	vst.add.f32.msk $0xffff, v1  }
0x183: {  	v1 =	vld.idx.msk [tilespmem:v0+s6+$0x230 ss:$0x1], $0xffff;
	_ =	sdelay $0x4  }
0x184: {  	[tilespmem:s6+$0x8630] =	vst.add.f32.msk $0xffff, v1  }
0x185: {  	v1 =	vld.idx.msk [tilespmem:v0+s6+$0x240 ss:$0x1], $0xffff;
	_ =	sdelay $0x4  }
0x186: {  	[tilespmem:s6+$0x8640] =	vst.add.f32.msk $0xffff, v1  }
0x187: {  	v1 =	vld.idx.msk [tilespmem:v0+s6+$0x250 ss:$0x1], $0xffff;
	_ =	sdelay $0x4  }
0x188: {  	[tilespmem:s6+$0x8650] =	vst.add.f32.msk $0xffff, v1  }
0x189: {  	v1 =	vld.idx.msk [tilespmem:v0+s6+$0x260 ss:$0x1], $0xffff;
	_ =	sdelay $0x4  }
0x18a: {  	[tilespmem:s6+$0x8660] =	vst.add.f32.msk $0xffff, v1  }
0x18b: {  	v1 =	vld.idx.msk [tilespmem:v0+s6+$0x270 ss:$0x1], $0xffff;
	_ =	sdelay $0x4  }
0x18c: {  	[tilespmem:s6+$0x8670] =	vst.add.f32.msk $0xffff, v1  }
0x18d: {  	v1 =	vld.idx.msk [tilespmem:v0+s6+$0x280 ss:$0x1], $0xffff;
	_ =	sdelay $0x4  }
0x18e: {  	[tilespmem:s6+$0x8680] =	vst.add.f32.msk $0xffff, v1  }
0x18f: {  	v1 =	vld.idx.msk [tilespmem:v0+s6+$0x290 ss:$0x1], $0xffff;
	_ =	sdelay $0x4  }
0x190: {  	[tilespmem:s6+$0x8690] =	vst.add.f32.msk $0xffff, v1  }
0x191: {  	v1 =	vld.idx.msk [tilespmem:v0+s6+$0x2A0 ss:$0x1], $0xffff;
	_ =	sdelay $0x4  }
0x192: {  	[tilespmem:s6+$0x86A0] =	vst.add.f32.msk $0xffff, v1  }
0x193: {  	v1 =	vld.idx.msk [tilespmem:v0+s6+$0x2B0 ss:$0x1], $0xffff;
	_ =	sdelay $0x4  }
0x194: {  	[tilespmem:s6+$0x86B0] =	vst.add.f32.msk $0xffff, v1  }
0x195: {  	v1 =	vld.idx.msk [tilespmem:v0+s6+$0x2C0 ss:$0x1], $0xffff;
	_ =	sdelay $0x4  }
0x196: {  	[tilespmem:s6+$0x86C0] =	vst.add.f32.msk $0xffff, v1  }
0x197: {  	v1 =	vld.idx.msk [tilespmem:v0+s6+$0x2D0 ss:$0x1], $0xffff;
	_ =	sdelay $0x4  }
0x198: {  	[tilespmem:s6+$0x86D0] =	vst.add.f32.msk $0xffff, v1  }
0x199: {  	v1 =	vld.idx.msk [tilespmem:v0+s6+$0x2E0 ss:$0x1], $0xffff;
	_ =	sdelay $0x4  }
0x19a: {  	[tilespmem:s6+$0x86E0] =	vst.add.f32.msk $0xffff, v1  }
0x19b: {  	v1 =	vld.idx.msk [tilespmem:v0+s6+$0x2F0 ss:$0x1], $0xffff;
	_ =	sdelay $0x4  }
0x19c: {  	[tilespmem:s6+$0x86F0] =	vst.add.f32.msk $0xffff, v1  }
0x19d: {  	v1 =	vld.idx.msk [tilespmem:v0+s6+$0x300 ss:$0x1], $0xffff;
	_ =	sdelay $0x4  }
0x19e: {  	[tilespmem:s6+$0x8700] =	vst.add.f32.msk $0xffff, v1  }
0x19f: {  	v1 =	vld.idx.msk [tilespmem:v0+s6+$0x310 ss:$0x1], $0xffff;
	_ =	sdelay $0x4  }
0x1a0: {  	[tilespmem:s6+$0x8710] =	vst.add.f32.msk $0xffff, v1  }
0x1a1: {  	v1 =	vld.idx.msk [tilespmem:v0+s6+$0x320 ss:$0x1], $0xffff;
	_ =	sdelay $0x4  }
0x1a2: {  	[tilespmem:s6+$0x8720] =	vst.add.f32.msk $0xffff, v1  }
0x1a3: {  	v1 =	vld.idx.msk [tilespmem:v0+s6+$0x330 ss:$0x1], $0xffff;
	_ =	sdelay $0x4  }
0x1a4: {  	[tilespmem:s6+$0x8730] =	vst.add.f32.msk $0xffff, v1  }
0x1a5: {  	v1 =	vld.idx.msk [tilespmem:v0+s6+$0x340 ss:$0x1], $0xffff;
	_ =	sdelay $0x4  }
0x1a6: {  	[tilespmem:s6+$0x8740] =	vst.add.f32.msk $0xffff, v1  }
0x1a7: {  	v1 =	vld.idx.msk [tilespmem:v0+s6+$0x350 ss:$0x1], $0xffff;
	_ =	sdelay $0x4  }
0x1a8: {  	[tilespmem:s6+$0x8750] =	vst.add.f32.msk $0xffff, v1  }
0x1a9: {  	v1 =	vld.idx.msk [tilespmem:v0+s6+$0x360 ss:$0x1], $0xffff;
	_ =	sdelay $0x4  }
0x1aa: {  	[tilespmem:s6+$0x8760] =	vst.add.f32.msk $0xffff, v1  }
0x1ab: {  	v1 =	vld.idx.msk [tilespmem:v0+s6+$0x370 ss:$0x1], $0xffff;
	_ =	sdelay $0x4  }
0x1ac: {  	[tilespmem:s6+$0x8770] =	vst.add.f32.msk $0xffff, v1  }
0x1ad: {  	v1 =	vld.idx.msk [tilespmem:v0+s6+$0x380 ss:$0x1], $0xffff;
	_ =	sdelay $0x4  }
0x1ae: {  	[tilespmem:s6+$0x8780] =	vst.add.f32.msk $0xffff, v1  }
0x1af: {  	v1 =	vld.idx.msk [tilespmem:v0+s6+$0x390 ss:$0x1], $0xffff;
	_ =	sdelay $0x4  }
0x1b0: {  	[tilespmem:s6+$0x8790] =	vst.add.f32.msk $0xffff, v1  }
0x1b1: {  	v1 =	vld.idx.msk [tilespmem:v0+s6+$0x3A0 ss:$0x1], $0xffff;
	_ =	sdelay $0x4  }
0x1b2: {  	[tilespmem:s6+$0x87A0] =	vst.add.f32.msk $0xffff, v1  }
0x1b3: {  	v1 =	vld.idx.msk [tilespmem:v0+s6+$0x3B0 ss:$0x1], $0xffff;
	_ =	sdelay $0x4  }
0x1b4: {  	[tilespmem:s6+$0x87B0] =	vst.add.f32.msk $0xffff, v1  }
0x1b5: {  	v1 =	vld.idx.msk [tilespmem:v0+s6+$0x3C0 ss:$0x1], $0xffff;
	_ =	sdelay $0x4  }
0x1b6: {  	[tilespmem:s6+$0x87C0] =	vst.add.f32.msk $0xffff, v1  }
0x1b7: {  	v1 =	vld.idx.msk [tilespmem:v0+s6+$0x3D0 ss:$0x1], $0xffff;
	_ =	sdelay $0x4  }
0x1b8: {  	[tilespmem:s6+$0x87D0] =	vst.add.f32.msk $0xffff, v1  }
0x1b9: {  	v1 =	vld.idx.msk [tilespmem:v0+s6+$0x3E0 ss:$0x1], $0xffff;
	_ =	sdelay $0x4  }
0x1ba: {  	[tilespmem:s6+$0x87E0] =	vst.add.f32.msk $0xffff, v1  }
0x1bb: {  	v1 =	vld.idx.msk [tilespmem:v0+s6+$0x3F0 ss:$0x1], $0xffff;
	_ =	sdelay $0x3  }
0x1bc: {  	s25 =	sor.u32 $0x80, s24;
	s12 =	simm.s32 $0x0;
	s13 =	simm.s32 $0x1000  }
.LBB2_5:
0x1bd: {  	s12 =	sadd.s32 $0x10, s12;
	[tilespmem:s6+$0x87F0] =	vst.add.f32.msk $0xffff, v1;
	s6 =	sshra.s32 s13, $0x2  }
0x1be: {  	v1 =	vld.idx.msk [tilespmem:v0+s6+$0x0 ss:$0x1], $0xffff;
	p0 =	slt.u32 s12, $0x70;
	_ =	sdelay $0x5  }
0x1bf: {  	[tilespmem:s6+$0x8400] =	vst.add.f32.msk $0xffff, v1  }
0x1c0: {  	v1 =	vld.idx.msk [tilespmem:v0+s6+$0x10 ss:$0x1], $0xffff;
	_ =	sdelay $0x5  }
0x1c1: {  	[tilespmem:s6+$0x8410] =	vst.add.f32.msk $0xffff, v1  }
0x1c2: {  	v1 =	vld.idx.msk [tilespmem:v0+s6+$0x20 ss:$0x1], $0xffff;
	_ =	sdelay $0x5  }
0x1c3: {  	[tilespmem:s6+$0x8420] =	vst.add.f32.msk $0xffff, v1  }
0x1c4: {  	v1 =	vld.idx.msk [tilespmem:v0+s6+$0x30 ss:$0x1], $0xffff;
	_ =	sdelay $0x5  }
0x1c5: {  	[tilespmem:s6+$0x8430] =	vst.add.f32.msk $0xffff, v1  }
0x1c6: {  	v1 =	vld.idx.msk [tilespmem:v0+s6+$0x40 ss:$0x1], $0xffff;
	_ =	sdelay $0x5  }
0x1c7: {  	[tilespmem:s6+$0x8440] =	vst.add.f32.msk $0xffff, v1  }
0x1c8: {  	v1 =	vld.idx.msk [tilespmem:v0+s6+$0x50 ss:$0x1], $0xffff;
	_ =	sdelay $0x5  }
0x1c9: {  	[tilespmem:s6+$0x8450] =	vst.add.f32.msk $0xffff, v1  }
0x1ca: {  	v1 =	vld.idx.msk [tilespmem:v0+s6+$0x60 ss:$0x1], $0xffff;
	_ =	sdelay $0x5  }
0x1cb: {  	[tilespmem:s6+$0x8460] =	vst.add.f32.msk $0xffff, v1  }
0x1cc: {  	v1 =	vld.idx.msk [tilespmem:v0+s6+$0x70 ss:$0x1], $0xffff;
	_ =	sdelay $0x5  }
0x1cd: {  	[tilespmem:s6+$0x8470] =	vst.add.f32.msk $0xffff, v1  }
0x1ce: {  	v1 =	vld.idx.msk [tilespmem:v0+s6+$0x80 ss:$0x1], $0xffff;
	_ =	sdelay $0x5  }
0x1cf: {  	[tilespmem:s6+$0x8480] =	vst.add.f32.msk $0xffff, v1  }
0x1d0: {  	v1 =	vld.idx.msk [tilespmem:v0+s6+$0x90 ss:$0x1], $0xffff;
	_ =	sdelay $0x5  }
0x1d1: {  	[tilespmem:s6+$0x8490] =	vst.add.f32.msk $0xffff, v1  }
0x1d2: {  	v1 =	vld.idx.msk [tilespmem:v0+s6+$0xA0 ss:$0x1], $0xffff;
	_ =	sdelay $0x5  }
0x1d3: {  	[tilespmem:s6+$0x84A0] =	vst.add.f32.msk $0xffff, v1  }
0x1d4: {  	v1 =	vld.idx.msk [tilespmem:v0+s6+$0xB0 ss:$0x1], $0xffff;
	_ =	sdelay $0x5  }
0x1d5: {  	[tilespmem:s6+$0x84B0] =	vst.add.f32.msk $0xffff, v1  }
0x1d6: {  	v1 =	vld.idx.msk [tilespmem:v0+s6+$0xC0 ss:$0x1], $0xffff;
	_ =	sdelay $0x5  }
0x1d7: {  	[tilespmem:s6+$0x84C0] =	vst.add.f32.msk $0xffff, v1  }
0x1d8: {  	v1 =	vld.idx.msk [tilespmem:v0+s6+$0xD0 ss:$0x1], $0xffff;
	_ =	sdelay $0x5  }
0x1d9: {  	[tilespmem:s6+$0x84D0] =	vst.add.f32.msk $0xffff, v1  }
0x1da: {  	v1 =	vld.idx.msk [tilespmem:v0+s6+$0xE0 ss:$0x1], $0xffff;
	_ =	sdelay $0x5  }
0x1db: {  	[tilespmem:s6+$0x84E0] =	vst.add.f32.msk $0xffff, v1  }
0x1dc: {  	v1 =	vld.idx.msk [tilespmem:v0+s6+$0xF0 ss:$0x1], $0xffff;
	_ =	sdelay $0x5  }
0x1dd: {  	[tilespmem:s6+$0x84F0] =	vst.add.f32.msk $0xffff, v1  }
0x1de: {  	v1 =	vld.idx.msk [tilespmem:v0+s6+$0x100 ss:$0x1], $0xffff;
	_ =	sdelay $0x5  }
0x1df: {  	[tilespmem:s6+$0x8500] =	vst.add.f32.msk $0xffff, v1  }
0x1e0: {  	v1 =	vld.idx.msk [tilespmem:v0+s6+$0x110 ss:$0x1], $0xffff;
	_ =	sdelay $0x5  }
0x1e1: {  	[tilespmem:s6+$0x8510] =	vst.add.f32.msk $0xffff, v1  }
0x1e2: {  	v1 =	vld.idx.msk [tilespmem:v0+s6+$0x120 ss:$0x1], $0xffff;
	_ =	sdelay $0x5  }
0x1e3: {  	[tilespmem:s6+$0x8520] =	vst.add.f32.msk $0xffff, v1  }
0x1e4: {  	v1 =	vld.idx.msk [tilespmem:v0+s6+$0x130 ss:$0x1], $0xffff;
	_ =	sdelay $0x5  }
0x1e5: {  	[tilespmem:s6+$0x8530] =	vst.add.f32.msk $0xffff, v1  }
0x1e6: {  	v1 =	vld.idx.msk [tilespmem:v0+s6+$0x140 ss:$0x1], $0xffff;
	_ =	sdelay $0x5  }
0x1e7: {  	[tilespmem:s6+$0x8540] =	vst.add.f32.msk $0xffff, v1  }
0x1e8: {  	v1 =	vld.idx.msk [tilespmem:v0+s6+$0x150 ss:$0x1], $0xffff;
	_ =	sdelay $0x5  }
0x1e9: {  	[tilespmem:s6+$0x8550] =	vst.add.f32.msk $0xffff, v1  }
0x1ea: {  	v1 =	vld.idx.msk [tilespmem:v0+s6+$0x160 ss:$0x1], $0xffff;
	_ =	sdelay $0x5  }
0x1eb: {  	[tilespmem:s6+$0x8560] =	vst.add.f32.msk $0xffff, v1  }
0x1ec: {  	v1 =	vld.idx.msk [tilespmem:v0+s6+$0x170 ss:$0x1], $0xffff;
	_ =	sdelay $0x5  }
0x1ed: {  	[tilespmem:s6+$0x8570] =	vst.add.f32.msk $0xffff, v1  }
0x1ee: {  	v1 =	vld.idx.msk [tilespmem:v0+s6+$0x180 ss:$0x1], $0xffff;
	_ =	sdelay $0x5  }
0x1ef: {  	[tilespmem:s6+$0x8580] =	vst.add.f32.msk $0xffff, v1  }
0x1f0: {  	v1 =	vld.idx.msk [tilespmem:v0+s6+$0x190 ss:$0x1], $0xffff;
	_ =	sdelay $0x5  }
0x1f1: {  	[tilespmem:s6+$0x8590] =	vst.add.f32.msk $0xffff, v1  }
0x1f2: {  	v1 =	vld.idx.msk [tilespmem:v0+s6+$0x1A0 ss:$0x1], $0xffff;
	_ =	sdelay $0x5  }
0x1f3: {  	[tilespmem:s6+$0x85A0] =	vst.add.f32.msk $0xffff, v1  }
0x1f4: {  	v1 =	vld.idx.msk [tilespmem:v0+s6+$0x1B0 ss:$0x1], $0xffff;
	_ =	sdelay $0x5  }
0x1f5: {  	[tilespmem:s6+$0x85B0] =	vst.add.f32.msk $0xffff, v1  }
0x1f6: {  	v1 =	vld.idx.msk [tilespmem:v0+s6+$0x1C0 ss:$0x1], $0xffff;
	_ =	sdelay $0x5  }
0x1f7: {  	[tilespmem:s6+$0x85C0] =	vst.add.f32.msk $0xffff, v1  }
0x1f8: {  	v1 =	vld.idx.msk [tilespmem:v0+s6+$0x1D0 ss:$0x1], $0xffff;
	_ =	sdelay $0x5  }
0x1f9: {  	[tilespmem:s6+$0x85D0] =	vst.add.f32.msk $0xffff, v1  }
0x1fa: {  	v1 =	vld.idx.msk [tilespmem:v0+s6+$0x1E0 ss:$0x1], $0xffff;
	_ =	sdelay $0x5  }
0x1fb: {  	[tilespmem:s6+$0x85E0] =	vst.add.f32.msk $0xffff, v1  }
0x1fc: {  	v1 =	vld.idx.msk [tilespmem:v0+s6+$0x1F0 ss:$0x1], $0xffff;
	_ =	sdelay $0x5  }
0x1fd: {  	[tilespmem:s6+$0x85F0] =	vst.add.f32.msk $0xffff, v1  }
0x1fe: {  	v1 =	vld.idx.msk [tilespmem:v0+s6+$0x200 ss:$0x1], $0xffff;
	_ =	sdelay $0x5  }
0x1ff: {  	[tilespmem:s6+$0x8600] =	vst.add.f32.msk $0xffff, v1  }
0x200: {  	v1 =	vld.idx.msk [tilespmem:v0+s6+$0x210 ss:$0x1], $0xffff;
	_ =	sdelay $0x5  }
0x201: {  	[tilespmem:s6+$0x8610] =	vst.add.f32.msk $0xffff, v1  }
0x202: {  	v1 =	vld.idx.msk [tilespmem:v0+s6+$0x220 ss:$0x1], $0xffff;
	_ =	sdelay $0x5  }
0x203: {  	[tilespmem:s6+$0x8620] =	vst.add.f32.msk $0xffff, v1  }
0x204: {  	v1 =	vld.idx.msk [tilespmem:v0+s6+$0x230 ss:$0x1], $0xffff;
	_ =	sdelay $0x5  }
0x205: {  	[tilespmem:s6+$0x8630] =	vst.add.f32.msk $0xffff, v1  }
0x206: {  	v1 =	vld.idx.msk [tilespmem:v0+s6+$0x240 ss:$0x1], $0xffff;
	_ =	sdelay $0x5  }
0x207: {  	[tilespmem:s6+$0x8640] =	vst.add.f32.msk $0xffff, v1  }
0x208: {  	v1 =	vld.idx.msk [tilespmem:v0+s6+$0x250 ss:$0x1], $0xffff;
	_ =	sdelay $0x5  }
0x209: {  	[tilespmem:s6+$0x8650] =	vst.add.f32.msk $0xffff, v1  }
0x20a: {  	v1 =	vld.idx.msk [tilespmem:v0+s6+$0x260 ss:$0x1], $0xffff;
	_ =	sdelay $0x5  }
0x20b: {  	[tilespmem:s6+$0x8660] =	vst.add.f32.msk $0xffff, v1  }
0x20c: {  	v1 =	vld.idx.msk [tilespmem:v0+s6+$0x270 ss:$0x1], $0xffff;
	_ =	sdelay $0x5  }
0x20d: {  	[tilespmem:s6+$0x8670] =	vst.add.f32.msk $0xffff, v1  }
0x20e: {  	v1 =	vld.idx.msk [tilespmem:v0+s6+$0x280 ss:$0x1], $0xffff;
	_ =	sdelay $0x5  }
0x20f: {  	[tilespmem:s6+$0x8680] =	vst.add.f32.msk $0xffff, v1  }
0x210: {  	v1 =	vld.idx.msk [tilespmem:v0+s6+$0x290 ss:$0x1], $0xffff;
	_ =	sdelay $0x5  }
0x211: {  	[tilespmem:s6+$0x8690] =	vst.add.f32.msk $0xffff, v1  }
0x212: {  	v1 =	vld.idx.msk [tilespmem:v0+s6+$0x2A0 ss:$0x1], $0xffff;
	_ =	sdelay $0x5  }
0x213: {  	[tilespmem:s6+$0x86A0] =	vst.add.f32.msk $0xffff, v1  }
0x214: {  	v1 =	vld.idx.msk [tilespmem:v0+s6+$0x2B0 ss:$0x1], $0xffff;
	_ =	sdelay $0x5  }
0x215: {  	[tilespmem:s6+$0x86B0] =	vst.add.f32.msk $0xffff, v1  }
0x216: {  	v1 =	vld.idx.msk [tilespmem:v0+s6+$0x2C0 ss:$0x1], $0xffff;
	_ =	sdelay $0x5  }
0x217: {  	[tilespmem:s6+$0x86C0] =	vst.add.f32.msk $0xffff, v1  }
0x218: {  	v1 =	vld.idx.msk [tilespmem:v0+s6+$0x2D0 ss:$0x1], $0xffff;
	_ =	sdelay $0x5  }
0x219: {  	[tilespmem:s6+$0x86D0] =	vst.add.f32.msk $0xffff, v1  }
0x21a: {  	v1 =	vld.idx.msk [tilespmem:v0+s6+$0x2E0 ss:$0x1], $0xffff;
	_ =	sdelay $0x5  }
0x21b: {  	[tilespmem:s6+$0x86E0] =	vst.add.f32.msk $0xffff, v1  }
0x21c: {  	v1 =	vld.idx.msk [tilespmem:v0+s6+$0x2F0 ss:$0x1], $0xffff;
	_ =	sdelay $0x5  }
0x21d: {  	[tilespmem:s6+$0x86F0] =	vst.add.f32.msk $0xffff, v1  }
0x21e: {  	v1 =	vld.idx.msk [tilespmem:v0+s6+$0x300 ss:$0x1], $0xffff;
	_ =	sdelay $0x5  }
0x21f: {  	[tilespmem:s6+$0x8700] =	vst.add.f32.msk $0xffff, v1  }
0x220: {  	v1 =	vld.idx.msk [tilespmem:v0+s6+$0x310 ss:$0x1], $0xffff;
	_ =	sdelay $0x5  }
0x221: {  	[tilespmem:s6+$0x8710] =	vst.add.f32.msk $0xffff, v1  }
0x222: {  	v1 =	vld.idx.msk [tilespmem:v0+s6+$0x320 ss:$0x1], $0xffff;
	_ =	sdelay $0x5  }
0x223: {  	[tilespmem:s6+$0x8720] =	vst.add.f32.msk $0xffff, v1  }
0x224: {  	v1 =	vld.idx.msk [tilespmem:v0+s6+$0x330 ss:$0x1], $0xffff;
	_ =	sdelay $0x5  }
0x225: {  	[tilespmem:s6+$0x8730] =	vst.add.f32.msk $0xffff, v1  }
0x226: {  	v1 =	vld.idx.msk [tilespmem:v0+s6+$0x340 ss:$0x1], $0xffff;
	_ =	sdelay $0x5  }
0x227: {  	[tilespmem:s6+$0x8740] =	vst.add.f32.msk $0xffff, v1  }
0x228: {  	v1 =	vld.idx.msk [tilespmem:v0+s6+$0x350 ss:$0x1], $0xffff;
	_ =	sdelay $0x5  }
0x229: {  	[tilespmem:s6+$0x8750] =	vst.add.f32.msk $0xffff, v1  }
0x22a: {  	v1 =	vld.idx.msk [tilespmem:v0+s6+$0x360 ss:$0x1], $0xffff;
	_ =	sdelay $0x5  }
0x22b: {  	[tilespmem:s6+$0x8760] =	vst.add.f32.msk $0xffff, v1  }
0x22c: {  	v1 =	vld.idx.msk [tilespmem:v0+s6+$0x370 ss:$0x1], $0xffff;
	_ =	sdelay $0x5  }
0x22d: {  	[tilespmem:s6+$0x8770] =	vst.add.f32.msk $0xffff, v1  }
0x22e: {  	v1 =	vld.idx.msk [tilespmem:v0+s6+$0x380 ss:$0x1], $0xffff;
	_ =	sdelay $0x5  }
0x22f: {  	[tilespmem:s6+$0x8780] =	vst.add.f32.msk $0xffff, v1  }
0x230: {  	v1 =	vld.idx.msk [tilespmem:v0+s6+$0x390 ss:$0x1], $0xffff;
	_ =	sdelay $0x5  }
0x231: {  	[tilespmem:s6+$0x8790] =	vst.add.f32.msk $0xffff, v1  }
0x232: {  	v1 =	vld.idx.msk [tilespmem:v0+s6+$0x3A0 ss:$0x1], $0xffff;
	_ =	sdelay $0x5  }
0x233: {  	[tilespmem:s6+$0x87A0] =	vst.add.f32.msk $0xffff, v1  }
0x234: {  	v1 =	vld.idx.msk [tilespmem:v0+s6+$0x3B0 ss:$0x1], $0xffff;
	_ =	sdelay $0x5  }
0x235: {  	[tilespmem:s6+$0x87B0] =	vst.add.f32.msk $0xffff, v1  }
0x236: {  	v1 =	vld.idx.msk [tilespmem:v0+s6+$0x3C0 ss:$0x1], $0xffff;
	_ =	sdelay $0x5  }
0x237: {  	[tilespmem:s6+$0x87C0] =	vst.add.f32.msk $0xffff, v1  }
0x238: {  	v1 =	vld.idx.msk [tilespmem:v0+s6+$0x3D0 ss:$0x1], $0xffff;
	_ =	sdelay $0x5  }
0x239: {  	[tilespmem:s6+$0x87D0] =	vst.add.f32.msk $0xffff, v1  }
0x23a: {  	v1 =	vld.idx.msk [tilespmem:v0+s6+$0x3E0 ss:$0x1], $0xffff;
	_ =	sdelay $0x5  }
0x23b: {  	[tilespmem:s6+$0x87E0] =	vst.add.f32.msk $0xffff, v1  }
0x23c: {  	v1 =	vld.idx.msk [tilespmem:v0+s6+$0x3F0 ss:$0x1], $0xffff  }
.Ltmp1:
0x23d: {  	(pc) =	sbr.rel @p0 .LBB2_5-.Ltmp1, $2  }
0x23e: {  	_ =	sdelay $0x2  }
0x23f: {  	s13 =	sadd.s32 $0x1000, s13  }
0x240: {  	[tilespmem:s6+$0x87F0] =	vst.add.f32.msk $0xffff, v1;
	p0 =	seq.s32 s11, $0x31  }
0x241: {  	_ =	swait.ge [sflag:s19], $0x2000;
	s6 =	sshll.u32 @!p0 s11, $0x9  }
0x242: {  	s13 =	simm.s32 @!p0 $0x80;
	[sflag:s19] =	ssyncset.done $0x0;
	s6 =	sand.u32 @!p0 $0x3FFFFE00, s6  }
0x243: {  	s14 =	simm.s32 @!p0 $0x6400;
	[sflag:s19] =	ssyncadd.s32 $0xFFFFE000;
	s12 =	sadd.s32 @!p0 $0x200, s6  }
0x244: {  	[tilespmem:s14], [sflag:$0x1] =	stream.indirect.gather @!p0 [hbm4b:s5+s13], $0x40, s12, s13, $0xb8;
	[tilespmem:$0x14800] =	vst v63  }
0x245: {  	s13 =	sadd.s32 s4, s25  }
0x246: {  	s12 =	sshll.u32 s13, $0x3  }
0x247: {  	s12 =	sand.u32 $0x1FFFF400, s12  }
0x248: {  	v0 =	vmov s9;
	s14 =	simm.s32 $0x0;
	s25 =	simm.s32 $0x8400;
	s12 =	sadd.s32 s2, s12  }
0x249: {  	[hbm4b:s12+s14] =	stream.linear.scatter [tilespmem:s25], [sflag:$0x6], $0x2000, $0x38;
	[tilespmem:$0x14800] =	vst v63  }
0x24a: {  	_ =	swait.ge [sflag:s20], $0x2000  }
0x24b: {  	[sflag:s20] =	ssyncset.done $0x0  }
0x24c: {  	s9 =	simm.s32 $0x0;
	[sflag:s20] =	ssyncadd.s32 $0xFFFFE000  }
0x24d: {  	v1 =	vld.idx.msk [tilespmem:v0+s9+$0x0 ss:$0x1], $0xffff;
	_ =	sdelay $0x4  }
0x24e: {  	[tilespmem:s9+$0xA400] =	vst.add.f32.msk $0xffff, v1  }
0x24f: {  	v1 =	vld.idx.msk [tilespmem:v0+s9+$0x10 ss:$0x1], $0xffff;
	_ =	sdelay $0x4  }
0x250: {  	[tilespmem:s9+$0xA410] =	vst.add.f32.msk $0xffff, v1  }
0x251: {  	v1 =	vld.idx.msk [tilespmem:v0+s9+$0x20 ss:$0x1], $0xffff;
	_ =	sdelay $0x4  }
0x252: {  	[tilespmem:s9+$0xA420] =	vst.add.f32.msk $0xffff, v1  }
0x253: {  	v1 =	vld.idx.msk [tilespmem:v0+s9+$0x30 ss:$0x1], $0xffff;
	_ =	sdelay $0x4  }
0x254: {  	[tilespmem:s9+$0xA430] =	vst.add.f32.msk $0xffff, v1  }
0x255: {  	v1 =	vld.idx.msk [tilespmem:v0+s9+$0x40 ss:$0x1], $0xffff;
	_ =	sdelay $0x4  }
0x256: {  	[tilespmem:s9+$0xA440] =	vst.add.f32.msk $0xffff, v1  }
0x257: {  	v1 =	vld.idx.msk [tilespmem:v0+s9+$0x50 ss:$0x1], $0xffff;
	_ =	sdelay $0x4  }
0x258: {  	[tilespmem:s9+$0xA450] =	vst.add.f32.msk $0xffff, v1  }
0x259: {  	v1 =	vld.idx.msk [tilespmem:v0+s9+$0x60 ss:$0x1], $0xffff;
	_ =	sdelay $0x4  }
0x25a: {  	[tilespmem:s9+$0xA460] =	vst.add.f32.msk $0xffff, v1  }
0x25b: {  	v1 =	vld.idx.msk [tilespmem:v0+s9+$0x70 ss:$0x1], $0xffff;
	_ =	sdelay $0x4  }
0x25c: {  	[tilespmem:s9+$0xA470] =	vst.add.f32.msk $0xffff, v1  }
0x25d: {  	v1 =	vld.idx.msk [tilespmem:v0+s9+$0x80 ss:$0x1], $0xffff;
	_ =	sdelay $0x4  }
0x25e: {  	[tilespmem:s9+$0xA480] =	vst.add.f32.msk $0xffff, v1  }
0x25f: {  	v1 =	vld.idx.msk [tilespmem:v0+s9+$0x90 ss:$0x1], $0xffff;
	_ =	sdelay $0x4  }
0x260: {  	[tilespmem:s9+$0xA490] =	vst.add.f32.msk $0xffff, v1  }
0x261: {  	v1 =	vld.idx.msk [tilespmem:v0+s9+$0xA0 ss:$0x1], $0xffff;
	_ =	sdelay $0x4  }
0x262: {  	[tilespmem:s9+$0xA4A0] =	vst.add.f32.msk $0xffff, v1  }
0x263: {  	v1 =	vld.idx.msk [tilespmem:v0+s9+$0xB0 ss:$0x1], $0xffff;
	_ =	sdelay $0x4  }
0x264: {  	[tilespmem:s9+$0xA4B0] =	vst.add.f32.msk $0xffff, v1  }
0x265: {  	v1 =	vld.idx.msk [tilespmem:v0+s9+$0xC0 ss:$0x1], $0xffff;
	_ =	sdelay $0x4  }
0x266: {  	[tilespmem:s9+$0xA4C0] =	vst.add.f32.msk $0xffff, v1  }
0x267: {  	v1 =	vld.idx.msk [tilespmem:v0+s9+$0xD0 ss:$0x1], $0xffff;
	_ =	sdelay $0x4  }
0x268: {  	[tilespmem:s9+$0xA4D0] =	vst.add.f32.msk $0xffff, v1  }
0x269: {  	v1 =	vld.idx.msk [tilespmem:v0+s9+$0xE0 ss:$0x1], $0xffff;
	_ =	sdelay $0x4  }
0x26a: {  	[tilespmem:s9+$0xA4E0] =	vst.add.f32.msk $0xffff, v1  }
0x26b: {  	v1 =	vld.idx.msk [tilespmem:v0+s9+$0xF0 ss:$0x1], $0xffff;
	_ =	sdelay $0x4  }
0x26c: {  	[tilespmem:s9+$0xA4F0] =	vst.add.f32.msk $0xffff, v1  }
0x26d: {  	v1 =	vld.idx.msk [tilespmem:v0+s9+$0x100 ss:$0x1], $0xffff;
	_ =	sdelay $0x4  }
0x26e: {  	[tilespmem:s9+$0xA500] =	vst.add.f32.msk $0xffff, v1  }
0x26f: {  	v1 =	vld.idx.msk [tilespmem:v0+s9+$0x110 ss:$0x1], $0xffff;
	_ =	sdelay $0x4  }
0x270: {  	[tilespmem:s9+$0xA510] =	vst.add.f32.msk $0xffff, v1  }
0x271: {  	v1 =	vld.idx.msk [tilespmem:v0+s9+$0x120 ss:$0x1], $0xffff;
	_ =	sdelay $0x4  }
0x272: {  	[tilespmem:s9+$0xA520] =	vst.add.f32.msk $0xffff, v1  }
0x273: {  	v1 =	vld.idx.msk [tilespmem:v0+s9+$0x130 ss:$0x1], $0xffff;
	_ =	sdelay $0x4  }
0x274: {  	[tilespmem:s9+$0xA530] =	vst.add.f32.msk $0xffff, v1  }
0x275: {  	v1 =	vld.idx.msk [tilespmem:v0+s9+$0x140 ss:$0x1], $0xffff;
	_ =	sdelay $0x4  }
0x276: {  	[tilespmem:s9+$0xA540] =	vst.add.f32.msk $0xffff, v1  }
0x277: {  	v1 =	vld.idx.msk [tilespmem:v0+s9+$0x150 ss:$0x1], $0xffff;
	_ =	sdelay $0x4  }
0x278: {  	[tilespmem:s9+$0xA550] =	vst.add.f32.msk $0xffff, v1  }
0x279: {  	v1 =	vld.idx.msk [tilespmem:v0+s9+$0x160 ss:$0x1], $0xffff;
	_ =	sdelay $0x4  }
0x27a: {  	[tilespmem:s9+$0xA560] =	vst.add.f32.msk $0xffff, v1  }
0x27b: {  	v1 =	vld.idx.msk [tilespmem:v0+s9+$0x170 ss:$0x1], $0xffff;
	_ =	sdelay $0x4  }
0x27c: {  	[tilespmem:s9+$0xA570] =	vst.add.f32.msk $0xffff, v1  }
0x27d: {  	v1 =	vld.idx.msk [tilespmem:v0+s9+$0x180 ss:$0x1], $0xffff;
	_ =	sdelay $0x4  }
0x27e: {  	[tilespmem:s9+$0xA580] =	vst.add.f32.msk $0xffff, v1  }
0x27f: {  	v1 =	vld.idx.msk [tilespmem:v0+s9+$0x190 ss:$0x1], $0xffff;
	_ =	sdelay $0x4  }
0x280: {  	[tilespmem:s9+$0xA590] =	vst.add.f32.msk $0xffff, v1  }
0x281: {  	v1 =	vld.idx.msk [tilespmem:v0+s9+$0x1A0 ss:$0x1], $0xffff;
	_ =	sdelay $0x4  }
0x282: {  	[tilespmem:s9+$0xA5A0] =	vst.add.f32.msk $0xffff, v1  }
0x283: {  	v1 =	vld.idx.msk [tilespmem:v0+s9+$0x1B0 ss:$0x1], $0xffff;
	_ =	sdelay $0x4  }
0x284: {  	[tilespmem:s9+$0xA5B0] =	vst.add.f32.msk $0xffff, v1  }
0x285: {  	v1 =	vld.idx.msk [tilespmem:v0+s9+$0x1C0 ss:$0x1], $0xffff;
	_ =	sdelay $0x4  }
0x286: {  	[tilespmem:s9+$0xA5C0] =	vst.add.f32.msk $0xffff, v1  }
0x287: {  	v1 =	vld.idx.msk [tilespmem:v0+s9+$0x1D0 ss:$0x1], $0xffff;
	_ =	sdelay $0x4  }
0x288: {  	[tilespmem:s9+$0xA5D0] =	vst.add.f32.msk $0xffff, v1  }
0x289: {  	v1 =	vld.idx.msk [tilespmem:v0+s9+$0x1E0 ss:$0x1], $0xffff;
	_ =	sdelay $0x4  }
0x28a: {  	[tilespmem:s9+$0xA5E0] =	vst.add.f32.msk $0xffff, v1  }
0x28b: {  	v1 =	vld.idx.msk [tilespmem:v0+s9+$0x1F0 ss:$0x1], $0xffff;
	_ =	sdelay $0x4  }
0x28c: {  	[tilespmem:s9+$0xA5F0] =	vst.add.f32.msk $0xffff, v1  }
0x28d: {  	v1 =	vld.idx.msk [tilespmem:v0+s9+$0x200 ss:$0x1], $0xffff;
	_ =	sdelay $0x4  }
0x28e: {  	[tilespmem:s9+$0xA600] =	vst.add.f32.msk $0xffff, v1  }
0x28f: {  	v1 =	vld.idx.msk [tilespmem:v0+s9+$0x210 ss:$0x1], $0xffff;
	_ =	sdelay $0x4  }
0x290: {  	[tilespmem:s9+$0xA610] =	vst.add.f32.msk $0xffff, v1  }
0x291: {  	v1 =	vld.idx.msk [tilespmem:v0+s9+$0x220 ss:$0x1], $0xffff;
	_ =	sdelay $0x4  }
0x292: {  	[tilespmem:s9+$0xA620] =	vst.add.f32.msk $0xffff, v1  }
0x293: {  	v1 =	vld.idx.msk [tilespmem:v0+s9+$0x230 ss:$0x1], $0xffff;
	_ =	sdelay $0x4  }
0x294: {  	[tilespmem:s9+$0xA630] =	vst.add.f32.msk $0xffff, v1  }
0x295: {  	v1 =	vld.idx.msk [tilespmem:v0+s9+$0x240 ss:$0x1], $0xffff;
	_ =	sdelay $0x4  }
0x296: {  	[tilespmem:s9+$0xA640] =	vst.add.f32.msk $0xffff, v1  }
0x297: {  	v1 =	vld.idx.msk [tilespmem:v0+s9+$0x250 ss:$0x1], $0xffff;
	_ =	sdelay $0x4  }
0x298: {  	[tilespmem:s9+$0xA650] =	vst.add.f32.msk $0xffff, v1  }
0x299: {  	v1 =	vld.idx.msk [tilespmem:v0+s9+$0x260 ss:$0x1], $0xffff;
	_ =	sdelay $0x4  }
0x29a: {  	[tilespmem:s9+$0xA660] =	vst.add.f32.msk $0xffff, v1  }
0x29b: {  	v1 =	vld.idx.msk [tilespmem:v0+s9+$0x270 ss:$0x1], $0xffff;
	_ =	sdelay $0x4  }
0x29c: {  	[tilespmem:s9+$0xA670] =	vst.add.f32.msk $0xffff, v1  }
0x29d: {  	v1 =	vld.idx.msk [tilespmem:v0+s9+$0x280 ss:$0x1], $0xffff;
	_ =	sdelay $0x4  }
0x29e: {  	[tilespmem:s9+$0xA680] =	vst.add.f32.msk $0xffff, v1  }
0x29f: {  	v1 =	vld.idx.msk [tilespmem:v0+s9+$0x290 ss:$0x1], $0xffff;
	_ =	sdelay $0x4  }
0x2a0: {  	[tilespmem:s9+$0xA690] =	vst.add.f32.msk $0xffff, v1  }
0x2a1: {  	v1 =	vld.idx.msk [tilespmem:v0+s9+$0x2A0 ss:$0x1], $0xffff;
	_ =	sdelay $0x4  }
0x2a2: {  	[tilespmem:s9+$0xA6A0] =	vst.add.f32.msk $0xffff, v1  }
0x2a3: {  	v1 =	vld.idx.msk [tilespmem:v0+s9+$0x2B0 ss:$0x1], $0xffff;
	_ =	sdelay $0x4  }
0x2a4: {  	[tilespmem:s9+$0xA6B0] =	vst.add.f32.msk $0xffff, v1  }
0x2a5: {  	v1 =	vld.idx.msk [tilespmem:v0+s9+$0x2C0 ss:$0x1], $0xffff;
	_ =	sdelay $0x4  }
0x2a6: {  	[tilespmem:s9+$0xA6C0] =	vst.add.f32.msk $0xffff, v1  }
0x2a7: {  	v1 =	vld.idx.msk [tilespmem:v0+s9+$0x2D0 ss:$0x1], $0xffff;
	_ =	sdelay $0x4  }
0x2a8: {  	[tilespmem:s9+$0xA6D0] =	vst.add.f32.msk $0xffff, v1  }
0x2a9: {  	v1 =	vld.idx.msk [tilespmem:v0+s9+$0x2E0 ss:$0x1], $0xffff;
	_ =	sdelay $0x4  }
0x2aa: {  	[tilespmem:s9+$0xA6E0] =	vst.add.f32.msk $0xffff, v1  }
0x2ab: {  	v1 =	vld.idx.msk [tilespmem:v0+s9+$0x2F0 ss:$0x1], $0xffff;
	_ =	sdelay $0x4  }
0x2ac: {  	[tilespmem:s9+$0xA6F0] =	vst.add.f32.msk $0xffff, v1  }
0x2ad: {  	v1 =	vld.idx.msk [tilespmem:v0+s9+$0x300 ss:$0x1], $0xffff;
	_ =	sdelay $0x4  }
0x2ae: {  	[tilespmem:s9+$0xA700] =	vst.add.f32.msk $0xffff, v1  }
0x2af: {  	v1 =	vld.idx.msk [tilespmem:v0+s9+$0x310 ss:$0x1], $0xffff;
	_ =	sdelay $0x4  }
0x2b0: {  	[tilespmem:s9+$0xA710] =	vst.add.f32.msk $0xffff, v1  }
0x2b1: {  	v1 =	vld.idx.msk [tilespmem:v0+s9+$0x320 ss:$0x1], $0xffff;
	_ =	sdelay $0x4  }
0x2b2: {  	[tilespmem:s9+$0xA720] =	vst.add.f32.msk $0xffff, v1  }
0x2b3: {  	v1 =	vld.idx.msk [tilespmem:v0+s9+$0x330 ss:$0x1], $0xffff;
	_ =	sdelay $0x4  }
0x2b4: {  	[tilespmem:s9+$0xA730] =	vst.add.f32.msk $0xffff, v1  }
0x2b5: {  	v1 =	vld.idx.msk [tilespmem:v0+s9+$0x340 ss:$0x1], $0xffff;
	_ =	sdelay $0x4  }
0x2b6: {  	[tilespmem:s9+$0xA740] =	vst.add.f32.msk $0xffff, v1  }
0x2b7: {  	v1 =	vld.idx.msk [tilespmem:v0+s9+$0x350 ss:$0x1], $0xffff;
	_ =	sdelay $0x4  }
0x2b8: {  	[tilespmem:s9+$0xA750] =	vst.add.f32.msk $0xffff, v1  }
0x2b9: {  	v1 =	vld.idx.msk [tilespmem:v0+s9+$0x360 ss:$0x1], $0xffff;
	_ =	sdelay $0x4  }
0x2ba: {  	[tilespmem:s9+$0xA760] =	vst.add.f32.msk $0xffff, v1  }
0x2bb: {  	v1 =	vld.idx.msk [tilespmem:v0+s9+$0x370 ss:$0x1], $0xffff;
	_ =	sdelay $0x4  }
0x2bc: {  	[tilespmem:s9+$0xA770] =	vst.add.f32.msk $0xffff, v1  }
0x2bd: {  	v1 =	vld.idx.msk [tilespmem:v0+s9+$0x380 ss:$0x1], $0xffff;
	_ =	sdelay $0x4  }
0x2be: {  	[tilespmem:s9+$0xA780] =	vst.add.f32.msk $0xffff, v1  }
0x2bf: {  	v1 =	vld.idx.msk [tilespmem:v0+s9+$0x390 ss:$0x1], $0xffff;
	_ =	sdelay $0x4  }
0x2c0: {  	[tilespmem:s9+$0xA790] =	vst.add.f32.msk $0xffff, v1  }
0x2c1: {  	v1 =	vld.idx.msk [tilespmem:v0+s9+$0x3A0 ss:$0x1], $0xffff;
	_ =	sdelay $0x4  }
0x2c2: {  	[tilespmem:s9+$0xA7A0] =	vst.add.f32.msk $0xffff, v1  }
0x2c3: {  	v1 =	vld.idx.msk [tilespmem:v0+s9+$0x3B0 ss:$0x1], $0xffff;
	_ =	sdelay $0x4  }
0x2c4: {  	[tilespmem:s9+$0xA7B0] =	vst.add.f32.msk $0xffff, v1  }
0x2c5: {  	v1 =	vld.idx.msk [tilespmem:v0+s9+$0x3C0 ss:$0x1], $0xffff;
	_ =	sdelay $0x4  }
0x2c6: {  	[tilespmem:s9+$0xA7C0] =	vst.add.f32.msk $0xffff, v1  }
0x2c7: {  	v1 =	vld.idx.msk [tilespmem:v0+s9+$0x3D0 ss:$0x1], $0xffff;
	_ =	sdelay $0x4  }
0x2c8: {  	[tilespmem:s9+$0xA7D0] =	vst.add.f32.msk $0xffff, v1  }
0x2c9: {  	v1 =	vld.idx.msk [tilespmem:v0+s9+$0x3E0 ss:$0x1], $0xffff;
	_ =	sdelay $0x4  }
0x2ca: {  	[tilespmem:s9+$0xA7E0] =	vst.add.f32.msk $0xffff, v1  }
0x2cb: {  	v1 =	vld.idx.msk [tilespmem:v0+s9+$0x3F0 ss:$0x1], $0xffff;
	_ =	sdelay $0x3  }
0x2cc: {  	s24 =	sor.u32 $0x100, s24;
	s13 =	simm.s32 $0x1000;
	s12 =	simm.s32 $0x0  }
.LBB2_7:
0x2cd: {  	s12 =	sadd.s32 $0x10, s12;
	[tilespmem:s9+$0xA7F0] =	vst.add.f32.msk $0xffff, v1;
	s9 =	sshra.s32 s13, $0x2  }
0x2ce: {  	v1 =	vld.idx.msk [tilespmem:v0+s9+$0x0 ss:$0x1], $0xffff;
	p1 =	slt.u32 s12, $0x70;
	_ =	sdelay $0x5  }
0x2cf: {  	[tilespmem:s9+$0xA400] =	vst.add.f32.msk $0xffff, v1  }
0x2d0: {  	v1 =	vld.idx.msk [tilespmem:v0+s9+$0x10 ss:$0x1], $0xffff;
	_ =	sdelay $0x5  }
0x2d1: {  	[tilespmem:s9+$0xA410] =	vst.add.f32.msk $0xffff, v1  }
0x2d2: {  	v1 =	vld.idx.msk [tilespmem:v0+s9+$0x20 ss:$0x1], $0xffff;
	_ =	sdelay $0x5  }
0x2d3: {  	[tilespmem:s9+$0xA420] =	vst.add.f32.msk $0xffff, v1  }
0x2d4: {  	v1 =	vld.idx.msk [tilespmem:v0+s9+$0x30 ss:$0x1], $0xffff;
	_ =	sdelay $0x5  }
0x2d5: {  	[tilespmem:s9+$0xA430] =	vst.add.f32.msk $0xffff, v1  }
0x2d6: {  	v1 =	vld.idx.msk [tilespmem:v0+s9+$0x40 ss:$0x1], $0xffff;
	_ =	sdelay $0x5  }
0x2d7: {  	[tilespmem:s9+$0xA440] =	vst.add.f32.msk $0xffff, v1  }
0x2d8: {  	v1 =	vld.idx.msk [tilespmem:v0+s9+$0x50 ss:$0x1], $0xffff;
	_ =	sdelay $0x5  }
0x2d9: {  	[tilespmem:s9+$0xA450] =	vst.add.f32.msk $0xffff, v1  }
0x2da: {  	v1 =	vld.idx.msk [tilespmem:v0+s9+$0x60 ss:$0x1], $0xffff;
	_ =	sdelay $0x5  }
0x2db: {  	[tilespmem:s9+$0xA460] =	vst.add.f32.msk $0xffff, v1  }
0x2dc: {  	v1 =	vld.idx.msk [tilespmem:v0+s9+$0x70 ss:$0x1], $0xffff;
	_ =	sdelay $0x5  }
0x2dd: {  	[tilespmem:s9+$0xA470] =	vst.add.f32.msk $0xffff, v1  }
0x2de: {  	v1 =	vld.idx.msk [tilespmem:v0+s9+$0x80 ss:$0x1], $0xffff;
	_ =	sdelay $0x5  }
0x2df: {  	[tilespmem:s9+$0xA480] =	vst.add.f32.msk $0xffff, v1  }
0x2e0: {  	v1 =	vld.idx.msk [tilespmem:v0+s9+$0x90 ss:$0x1], $0xffff;
	_ =	sdelay $0x5  }
0x2e1: {  	[tilespmem:s9+$0xA490] =	vst.add.f32.msk $0xffff, v1  }
0x2e2: {  	v1 =	vld.idx.msk [tilespmem:v0+s9+$0xA0 ss:$0x1], $0xffff;
	_ =	sdelay $0x5  }
0x2e3: {  	[tilespmem:s9+$0xA4A0] =	vst.add.f32.msk $0xffff, v1  }
0x2e4: {  	v1 =	vld.idx.msk [tilespmem:v0+s9+$0xB0 ss:$0x1], $0xffff;
	_ =	sdelay $0x5  }
0x2e5: {  	[tilespmem:s9+$0xA4B0] =	vst.add.f32.msk $0xffff, v1  }
0x2e6: {  	v1 =	vld.idx.msk [tilespmem:v0+s9+$0xC0 ss:$0x1], $0xffff;
	_ =	sdelay $0x5  }
0x2e7: {  	[tilespmem:s9+$0xA4C0] =	vst.add.f32.msk $0xffff, v1  }
0x2e8: {  	v1 =	vld.idx.msk [tilespmem:v0+s9+$0xD0 ss:$0x1], $0xffff;
	_ =	sdelay $0x5  }
0x2e9: {  	[tilespmem:s9+$0xA4D0] =	vst.add.f32.msk $0xffff, v1  }
0x2ea: {  	v1 =	vld.idx.msk [tilespmem:v0+s9+$0xE0 ss:$0x1], $0xffff;
	_ =	sdelay $0x5  }
0x2eb: {  	[tilespmem:s9+$0xA4E0] =	vst.add.f32.msk $0xffff, v1  }
0x2ec: {  	v1 =	vld.idx.msk [tilespmem:v0+s9+$0xF0 ss:$0x1], $0xffff;
	_ =	sdelay $0x5  }
0x2ed: {  	[tilespmem:s9+$0xA4F0] =	vst.add.f32.msk $0xffff, v1  }
0x2ee: {  	v1 =	vld.idx.msk [tilespmem:v0+s9+$0x100 ss:$0x1], $0xffff;
	_ =	sdelay $0x5  }
0x2ef: {  	[tilespmem:s9+$0xA500] =	vst.add.f32.msk $0xffff, v1  }
0x2f0: {  	v1 =	vld.idx.msk [tilespmem:v0+s9+$0x110 ss:$0x1], $0xffff;
	_ =	sdelay $0x5  }
0x2f1: {  	[tilespmem:s9+$0xA510] =	vst.add.f32.msk $0xffff, v1  }
0x2f2: {  	v1 =	vld.idx.msk [tilespmem:v0+s9+$0x120 ss:$0x1], $0xffff;
	_ =	sdelay $0x5  }
0x2f3: {  	[tilespmem:s9+$0xA520] =	vst.add.f32.msk $0xffff, v1  }
0x2f4: {  	v1 =	vld.idx.msk [tilespmem:v0+s9+$0x130 ss:$0x1], $0xffff;
	_ =	sdelay $0x5  }
0x2f5: {  	[tilespmem:s9+$0xA530] =	vst.add.f32.msk $0xffff, v1  }
0x2f6: {  	v1 =	vld.idx.msk [tilespmem:v0+s9+$0x140 ss:$0x1], $0xffff;
	_ =	sdelay $0x5  }
0x2f7: {  	[tilespmem:s9+$0xA540] =	vst.add.f32.msk $0xffff, v1  }
0x2f8: {  	v1 =	vld.idx.msk [tilespmem:v0+s9+$0x150 ss:$0x1], $0xffff;
	_ =	sdelay $0x5  }
0x2f9: {  	[tilespmem:s9+$0xA550] =	vst.add.f32.msk $0xffff, v1  }
0x2fa: {  	v1 =	vld.idx.msk [tilespmem:v0+s9+$0x160 ss:$0x1], $0xffff;
	_ =	sdelay $0x5  }
0x2fb: {  	[tilespmem:s9+$0xA560] =	vst.add.f32.msk $0xffff, v1  }
0x2fc: {  	v1 =	vld.idx.msk [tilespmem:v0+s9+$0x170 ss:$0x1], $0xffff;
	_ =	sdelay $0x5  }
0x2fd: {  	[tilespmem:s9+$0xA570] =	vst.add.f32.msk $0xffff, v1  }
0x2fe: {  	v1 =	vld.idx.msk [tilespmem:v0+s9+$0x180 ss:$0x1], $0xffff;
	_ =	sdelay $0x5  }
0x2ff: {  	[tilespmem:s9+$0xA580] =	vst.add.f32.msk $0xffff, v1  }
0x300: {  	v1 =	vld.idx.msk [tilespmem:v0+s9+$0x190 ss:$0x1], $0xffff;
	_ =	sdelay $0x5  }
0x301: {  	[tilespmem:s9+$0xA590] =	vst.add.f32.msk $0xffff, v1  }
0x302: {  	v1 =	vld.idx.msk [tilespmem:v0+s9+$0x1A0 ss:$0x1], $0xffff;
	_ =	sdelay $0x5  }
0x303: {  	[tilespmem:s9+$0xA5A0] =	vst.add.f32.msk $0xffff, v1  }
0x304: {  	v1 =	vld.idx.msk [tilespmem:v0+s9+$0x1B0 ss:$0x1], $0xffff;
	_ =	sdelay $0x5  }
0x305: {  	[tilespmem:s9+$0xA5B0] =	vst.add.f32.msk $0xffff, v1  }
0x306: {  	v1 =	vld.idx.msk [tilespmem:v0+s9+$0x1C0 ss:$0x1], $0xffff;
	_ =	sdelay $0x5  }
0x307: {  	[tilespmem:s9+$0xA5C0] =	vst.add.f32.msk $0xffff, v1  }
0x308: {  	v1 =	vld.idx.msk [tilespmem:v0+s9+$0x1D0 ss:$0x1], $0xffff;
	_ =	sdelay $0x5  }
0x309: {  	[tilespmem:s9+$0xA5D0] =	vst.add.f32.msk $0xffff, v1  }
0x30a: {  	v1 =	vld.idx.msk [tilespmem:v0+s9+$0x1E0 ss:$0x1], $0xffff;
	_ =	sdelay $0x5  }
0x30b: {  	[tilespmem:s9+$0xA5E0] =	vst.add.f32.msk $0xffff, v1  }
0x30c: {  	v1 =	vld.idx.msk [tilespmem:v0+s9+$0x1F0 ss:$0x1], $0xffff;
	_ =	sdelay $0x5  }
0x30d: {  	[tilespmem:s9+$0xA5F0] =	vst.add.f32.msk $0xffff, v1  }
0x30e: {  	v1 =	vld.idx.msk [tilespmem:v0+s9+$0x200 ss:$0x1], $0xffff;
	_ =	sdelay $0x5  }
0x30f: {  	[tilespmem:s9+$0xA600] =	vst.add.f32.msk $0xffff, v1  }
0x310: {  	v1 =	vld.idx.msk [tilespmem:v0+s9+$0x210 ss:$0x1], $0xffff;
	_ =	sdelay $0x5  }
0x311: {  	[tilespmem:s9+$0xA610] =	vst.add.f32.msk $0xffff, v1  }
0x312: {  	v1 =	vld.idx.msk [tilespmem:v0+s9+$0x220 ss:$0x1], $0xffff;
	_ =	sdelay $0x5  }
0x313: {  	[tilespmem:s9+$0xA620] =	vst.add.f32.msk $0xffff, v1  }
0x314: {  	v1 =	vld.idx.msk [tilespmem:v0+s9+$0x230 ss:$0x1], $0xffff;
	_ =	sdelay $0x5  }
0x315: {  	[tilespmem:s9+$0xA630] =	vst.add.f32.msk $0xffff, v1  }
0x316: {  	v1 =	vld.idx.msk [tilespmem:v0+s9+$0x240 ss:$0x1], $0xffff;
	_ =	sdelay $0x5  }
0x317: {  	[tilespmem:s9+$0xA640] =	vst.add.f32.msk $0xffff, v1  }
0x318: {  	v1 =	vld.idx.msk [tilespmem:v0+s9+$0x250 ss:$0x1], $0xffff;
	_ =	sdelay $0x5  }
0x319: {  	[tilespmem:s9+$0xA650] =	vst.add.f32.msk $0xffff, v1  }
0x31a: {  	v1 =	vld.idx.msk [tilespmem:v0+s9+$0x260 ss:$0x1], $0xffff;
	_ =	sdelay $0x5  }
0x31b: {  	[tilespmem:s9+$0xA660] =	vst.add.f32.msk $0xffff, v1  }
0x31c: {  	v1 =	vld.idx.msk [tilespmem:v0+s9+$0x270 ss:$0x1], $0xffff;
	_ =	sdelay $0x5  }
0x31d: {  	[tilespmem:s9+$0xA670] =	vst.add.f32.msk $0xffff, v1  }
0x31e: {  	v1 =	vld.idx.msk [tilespmem:v0+s9+$0x280 ss:$0x1], $0xffff;
	_ =	sdelay $0x5  }
0x31f: {  	[tilespmem:s9+$0xA680] =	vst.add.f32.msk $0xffff, v1  }
0x320: {  	v1 =	vld.idx.msk [tilespmem:v0+s9+$0x290 ss:$0x1], $0xffff;
	_ =	sdelay $0x5  }
0x321: {  	[tilespmem:s9+$0xA690] =	vst.add.f32.msk $0xffff, v1  }
0x322: {  	v1 =	vld.idx.msk [tilespmem:v0+s9+$0x2A0 ss:$0x1], $0xffff;
	_ =	sdelay $0x5  }
0x323: {  	[tilespmem:s9+$0xA6A0] =	vst.add.f32.msk $0xffff, v1  }
0x324: {  	v1 =	vld.idx.msk [tilespmem:v0+s9+$0x2B0 ss:$0x1], $0xffff;
	_ =	sdelay $0x5  }
0x325: {  	[tilespmem:s9+$0xA6B0] =	vst.add.f32.msk $0xffff, v1  }
0x326: {  	v1 =	vld.idx.msk [tilespmem:v0+s9+$0x2C0 ss:$0x1], $0xffff;
	_ =	sdelay $0x5  }
0x327: {  	[tilespmem:s9+$0xA6C0] =	vst.add.f32.msk $0xffff, v1  }
0x328: {  	v1 =	vld.idx.msk [tilespmem:v0+s9+$0x2D0 ss:$0x1], $0xffff;
	_ =	sdelay $0x5  }
0x329: {  	[tilespmem:s9+$0xA6D0] =	vst.add.f32.msk $0xffff, v1  }
0x32a: {  	v1 =	vld.idx.msk [tilespmem:v0+s9+$0x2E0 ss:$0x1], $0xffff;
	_ =	sdelay $0x5  }
0x32b: {  	[tilespmem:s9+$0xA6E0] =	vst.add.f32.msk $0xffff, v1  }
0x32c: {  	v1 =	vld.idx.msk [tilespmem:v0+s9+$0x2F0 ss:$0x1], $0xffff;
	_ =	sdelay $0x5  }
0x32d: {  	[tilespmem:s9+$0xA6F0] =	vst.add.f32.msk $0xffff, v1  }
0x32e: {  	v1 =	vld.idx.msk [tilespmem:v0+s9+$0x300 ss:$0x1], $0xffff;
	_ =	sdelay $0x5  }
0x32f: {  	[tilespmem:s9+$0xA700] =	vst.add.f32.msk $0xffff, v1  }
0x330: {  	v1 =	vld.idx.msk [tilespmem:v0+s9+$0x310 ss:$0x1], $0xffff;
	_ =	sdelay $0x5  }
0x331: {  	[tilespmem:s9+$0xA710] =	vst.add.f32.msk $0xffff, v1  }
0x332: {  	v1 =	vld.idx.msk [tilespmem:v0+s9+$0x320 ss:$0x1], $0xffff;
	_ =	sdelay $0x5  }
0x333: {  	[tilespmem:s9+$0xA720] =	vst.add.f32.msk $0xffff, v1  }
0x334: {  	v1 =	vld.idx.msk [tilespmem:v0+s9+$0x330 ss:$0x1], $0xffff;
	_ =	sdelay $0x5  }
0x335: {  	[tilespmem:s9+$0xA730] =	vst.add.f32.msk $0xffff, v1  }
0x336: {  	v1 =	vld.idx.msk [tilespmem:v0+s9+$0x340 ss:$0x1], $0xffff;
	_ =	sdelay $0x5  }
0x337: {  	[tilespmem:s9+$0xA740] =	vst.add.f32.msk $0xffff, v1  }
0x338: {  	v1 =	vld.idx.msk [tilespmem:v0+s9+$0x350 ss:$0x1], $0xffff;
	_ =	sdelay $0x5  }
0x339: {  	[tilespmem:s9+$0xA750] =	vst.add.f32.msk $0xffff, v1  }
0x33a: {  	v1 =	vld.idx.msk [tilespmem:v0+s9+$0x360 ss:$0x1], $0xffff;
	_ =	sdelay $0x5  }
0x33b: {  	[tilespmem:s9+$0xA760] =	vst.add.f32.msk $0xffff, v1  }
0x33c: {  	v1 =	vld.idx.msk [tilespmem:v0+s9+$0x370 ss:$0x1], $0xffff;
	_ =	sdelay $0x5  }
0x33d: {  	[tilespmem:s9+$0xA770] =	vst.add.f32.msk $0xffff, v1  }
0x33e: {  	v1 =	vld.idx.msk [tilespmem:v0+s9+$0x380 ss:$0x1], $0xffff;
	_ =	sdelay $0x5  }
0x33f: {  	[tilespmem:s9+$0xA780] =	vst.add.f32.msk $0xffff, v1  }
0x340: {  	v1 =	vld.idx.msk [tilespmem:v0+s9+$0x390 ss:$0x1], $0xffff;
	_ =	sdelay $0x5  }
0x341: {  	[tilespmem:s9+$0xA790] =	vst.add.f32.msk $0xffff, v1  }
0x342: {  	v1 =	vld.idx.msk [tilespmem:v0+s9+$0x3A0 ss:$0x1], $0xffff;
	_ =	sdelay $0x5  }
0x343: {  	[tilespmem:s9+$0xA7A0] =	vst.add.f32.msk $0xffff, v1  }
0x344: {  	v1 =	vld.idx.msk [tilespmem:v0+s9+$0x3B0 ss:$0x1], $0xffff;
	_ =	sdelay $0x5  }
0x345: {  	[tilespmem:s9+$0xA7B0] =	vst.add.f32.msk $0xffff, v1  }
0x346: {  	v1 =	vld.idx.msk [tilespmem:v0+s9+$0x3C0 ss:$0x1], $0xffff;
	_ =	sdelay $0x5  }
0x347: {  	[tilespmem:s9+$0xA7C0] =	vst.add.f32.msk $0xffff, v1  }
0x348: {  	v1 =	vld.idx.msk [tilespmem:v0+s9+$0x3D0 ss:$0x1], $0xffff;
	_ =	sdelay $0x5  }
0x349: {  	[tilespmem:s9+$0xA7D0] =	vst.add.f32.msk $0xffff, v1  }
0x34a: {  	v1 =	vld.idx.msk [tilespmem:v0+s9+$0x3E0 ss:$0x1], $0xffff;
	_ =	sdelay $0x5  }
0x34b: {  	[tilespmem:s9+$0xA7E0] =	vst.add.f32.msk $0xffff, v1  }
0x34c: {  	v1 =	vld.idx.msk [tilespmem:v0+s9+$0x3F0 ss:$0x1], $0xffff  }
.Ltmp2:
0x34d: {  	(pc) =	sbr.rel @p1 .LBB2_7-.Ltmp2, $2  }
0x34e: {  	_ =	sdelay $0x2  }
0x34f: {  	s13 =	sadd.s32 $0x1000, s13  }
0x350: {  	[tilespmem:s9+$0xA7F0] =	vst.add.f32.msk $0xffff, v1  }
0x351: {  	_ =	swait.ge [sflag:s21], $0x2000  }
0x352: {  	s9 =	sadd.s32 @!p0 $0x280, s6;
	s12 =	simm.s32 @!p0 $0x80;
	[sflag:s21] =	ssyncset.done $0x0  }
0x353: {  	s13 =	simm.s32 @!p0 $0x8400;
	s14 =	sadd.s32 s4, s24;
	[sflag:s21] =	ssyncadd.s32 $0xFFFFE000  }
0x354: {  	[tilespmem:s13], [sflag:$0x2] =	stream.indirect.gather @!p0 [hbm4b:s5+s12], $0x40, s9, s12, $0xb8;
	[tilespmem:$0x14800] =	vst v63  }
0x355: {  	s9 =	sshll.u32 s14, $0x3  }
0x356: {  	s9 =	sand.u32 $0x1FFFF800, s9  }
0x357: {  	s24 =	simm.s32 $0x0;
	v0 =	vmov s8;
	s25 =	simm.s32 $0xA400;
	s9 =	sadd.s32 s2, s9  }
0x358: {  	[hbm4b:s9+s24] =	stream.linear.scatter [tilespmem:s25], [sflag:$0x7], $0x2000, $0x38;
	[tilespmem:$0x14800] =	vst v63  }
0x359: {  	_ =	swait.ge [sflag:s22], $0x2000  }
0x35a: {  	[sflag:s22] =	ssyncset.done $0x0  }
0x35b: {  	s8 =	simm.s32 $0x0;
	[sflag:s22] =	ssyncadd.s32 $0xFFFFE000  }
0x35c: {  	v1 =	vld.idx.msk [tilespmem:v0+s8+$0x0 ss:$0x1], $0xffff;
	_ =	sdelay $0x4  }
0x35d: {  	[tilespmem:s8+$0xC400] =	vst.add.f32.msk $0xffff, v1  }
0x35e: {  	v1 =	vld.idx.msk [tilespmem:v0+s8+$0x10 ss:$0x1], $0xffff;
	_ =	sdelay $0x4  }
0x35f: {  	[tilespmem:s8+$0xC410] =	vst.add.f32.msk $0xffff, v1  }
0x360: {  	v1 =	vld.idx.msk [tilespmem:v0+s8+$0x20 ss:$0x1], $0xffff;
	_ =	sdelay $0x4  }
0x361: {  	[tilespmem:s8+$0xC420] =	vst.add.f32.msk $0xffff, v1  }
0x362: {  	v1 =	vld.idx.msk [tilespmem:v0+s8+$0x30 ss:$0x1], $0xffff;
	_ =	sdelay $0x4  }
0x363: {  	[tilespmem:s8+$0xC430] =	vst.add.f32.msk $0xffff, v1  }
0x364: {  	v1 =	vld.idx.msk [tilespmem:v0+s8+$0x40 ss:$0x1], $0xffff;
	_ =	sdelay $0x4  }
0x365: {  	[tilespmem:s8+$0xC440] =	vst.add.f32.msk $0xffff, v1  }
0x366: {  	v1 =	vld.idx.msk [tilespmem:v0+s8+$0x50 ss:$0x1], $0xffff;
	_ =	sdelay $0x4  }
0x367: {  	[tilespmem:s8+$0xC450] =	vst.add.f32.msk $0xffff, v1  }
0x368: {  	v1 =	vld.idx.msk [tilespmem:v0+s8+$0x60 ss:$0x1], $0xffff;
	_ =	sdelay $0x4  }
0x369: {  	[tilespmem:s8+$0xC460] =	vst.add.f32.msk $0xffff, v1  }
0x36a: {  	v1 =	vld.idx.msk [tilespmem:v0+s8+$0x70 ss:$0x1], $0xffff;
	_ =	sdelay $0x4  }
0x36b: {  	[tilespmem:s8+$0xC470] =	vst.add.f32.msk $0xffff, v1  }
0x36c: {  	v1 =	vld.idx.msk [tilespmem:v0+s8+$0x80 ss:$0x1], $0xffff;
	_ =	sdelay $0x4  }
0x36d: {  	[tilespmem:s8+$0xC480] =	vst.add.f32.msk $0xffff, v1  }
0x36e: {  	v1 =	vld.idx.msk [tilespmem:v0+s8+$0x90 ss:$0x1], $0xffff;
	_ =	sdelay $0x4  }
0x36f: {  	[tilespmem:s8+$0xC490] =	vst.add.f32.msk $0xffff, v1  }
0x370: {  	v1 =	vld.idx.msk [tilespmem:v0+s8+$0xA0 ss:$0x1], $0xffff;
	_ =	sdelay $0x4  }
0x371: {  	[tilespmem:s8+$0xC4A0] =	vst.add.f32.msk $0xffff, v1  }
0x372: {  	v1 =	vld.idx.msk [tilespmem:v0+s8+$0xB0 ss:$0x1], $0xffff;
	_ =	sdelay $0x4  }
0x373: {  	[tilespmem:s8+$0xC4B0] =	vst.add.f32.msk $0xffff, v1  }
0x374: {  	v1 =	vld.idx.msk [tilespmem:v0+s8+$0xC0 ss:$0x1], $0xffff;
	_ =	sdelay $0x4  }
0x375: {  	[tilespmem:s8+$0xC4C0] =	vst.add.f32.msk $0xffff, v1  }
0x376: {  	v1 =	vld.idx.msk [tilespmem:v0+s8+$0xD0 ss:$0x1], $0xffff;
	_ =	sdelay $0x4  }
0x377: {  	[tilespmem:s8+$0xC4D0] =	vst.add.f32.msk $0xffff, v1  }
0x378: {  	v1 =	vld.idx.msk [tilespmem:v0+s8+$0xE0 ss:$0x1], $0xffff;
	_ =	sdelay $0x4  }
0x379: {  	[tilespmem:s8+$0xC4E0] =	vst.add.f32.msk $0xffff, v1  }
0x37a: {  	v1 =	vld.idx.msk [tilespmem:v0+s8+$0xF0 ss:$0x1], $0xffff;
	_ =	sdelay $0x4  }
0x37b: {  	[tilespmem:s8+$0xC4F0] =	vst.add.f32.msk $0xffff, v1  }
0x37c: {  	v1 =	vld.idx.msk [tilespmem:v0+s8+$0x100 ss:$0x1], $0xffff;
	_ =	sdelay $0x4  }
0x37d: {  	[tilespmem:s8+$0xC500] =	vst.add.f32.msk $0xffff, v1  }
0x37e: {  	v1 =	vld.idx.msk [tilespmem:v0+s8+$0x110 ss:$0x1], $0xffff;
	_ =	sdelay $0x4  }
0x37f: {  	[tilespmem:s8+$0xC510] =	vst.add.f32.msk $0xffff, v1  }
0x380: {  	v1 =	vld.idx.msk [tilespmem:v0+s8+$0x120 ss:$0x1], $0xffff;
	_ =	sdelay $0x4  }
0x381: {  	[tilespmem:s8+$0xC520] =	vst.add.f32.msk $0xffff, v1  }
0x382: {  	v1 =	vld.idx.msk [tilespmem:v0+s8+$0x130 ss:$0x1], $0xffff;
	_ =	sdelay $0x4  }
0x383: {  	[tilespmem:s8+$0xC530] =	vst.add.f32.msk $0xffff, v1  }
0x384: {  	v1 =	vld.idx.msk [tilespmem:v0+s8+$0x140 ss:$0x1], $0xffff;
	_ =	sdelay $0x4  }
0x385: {  	[tilespmem:s8+$0xC540] =	vst.add.f32.msk $0xffff, v1  }
0x386: {  	v1 =	vld.idx.msk [tilespmem:v0+s8+$0x150 ss:$0x1], $0xffff;
	_ =	sdelay $0x4  }
0x387: {  	[tilespmem:s8+$0xC550] =	vst.add.f32.msk $0xffff, v1  }
0x388: {  	v1 =	vld.idx.msk [tilespmem:v0+s8+$0x160 ss:$0x1], $0xffff;
	_ =	sdelay $0x4  }
0x389: {  	[tilespmem:s8+$0xC560] =	vst.add.f32.msk $0xffff, v1  }
0x38a: {  	v1 =	vld.idx.msk [tilespmem:v0+s8+$0x170 ss:$0x1], $0xffff;
	_ =	sdelay $0x4  }
0x38b: {  	[tilespmem:s8+$0xC570] =	vst.add.f32.msk $0xffff, v1  }
0x38c: {  	v1 =	vld.idx.msk [tilespmem:v0+s8+$0x180 ss:$0x1], $0xffff;
	_ =	sdelay $0x4  }
0x38d: {  	[tilespmem:s8+$0xC580] =	vst.add.f32.msk $0xffff, v1  }
0x38e: {  	v1 =	vld.idx.msk [tilespmem:v0+s8+$0x190 ss:$0x1], $0xffff;
	_ =	sdelay $0x4  }
0x38f: {  	[tilespmem:s8+$0xC590] =	vst.add.f32.msk $0xffff, v1  }
0x390: {  	v1 =	vld.idx.msk [tilespmem:v0+s8+$0x1A0 ss:$0x1], $0xffff;
	_ =	sdelay $0x4  }
0x391: {  	[tilespmem:s8+$0xC5A0] =	vst.add.f32.msk $0xffff, v1  }
0x392: {  	v1 =	vld.idx.msk [tilespmem:v0+s8+$0x1B0 ss:$0x1], $0xffff;
	_ =	sdelay $0x4  }
0x393: {  	[tilespmem:s8+$0xC5B0] =	vst.add.f32.msk $0xffff, v1  }
0x394: {  	v1 =	vld.idx.msk [tilespmem:v0+s8+$0x1C0 ss:$0x1], $0xffff;
	_ =	sdelay $0x4  }
0x395: {  	[tilespmem:s8+$0xC5C0] =	vst.add.f32.msk $0xffff, v1  }
0x396: {  	v1 =	vld.idx.msk [tilespmem:v0+s8+$0x1D0 ss:$0x1], $0xffff;
	_ =	sdelay $0x4  }
0x397: {  	[tilespmem:s8+$0xC5D0] =	vst.add.f32.msk $0xffff, v1  }
0x398: {  	v1 =	vld.idx.msk [tilespmem:v0+s8+$0x1E0 ss:$0x1], $0xffff;
	_ =	sdelay $0x4  }
0x399: {  	[tilespmem:s8+$0xC5E0] =	vst.add.f32.msk $0xffff, v1  }
0x39a: {  	v1 =	vld.idx.msk [tilespmem:v0+s8+$0x1F0 ss:$0x1], $0xffff;
	_ =	sdelay $0x4  }
0x39b: {  	[tilespmem:s8+$0xC5F0] =	vst.add.f32.msk $0xffff, v1  }
0x39c: {  	v1 =	vld.idx.msk [tilespmem:v0+s8+$0x200 ss:$0x1], $0xffff;
	_ =	sdelay $0x4  }
0x39d: {  	[tilespmem:s8+$0xC600] =	vst.add.f32.msk $0xffff, v1  }
0x39e: {  	v1 =	vld.idx.msk [tilespmem:v0+s8+$0x210 ss:$0x1], $0xffff;
	_ =	sdelay $0x4  }
0x39f: {  	[tilespmem:s8+$0xC610] =	vst.add.f32.msk $0xffff, v1  }
0x3a0: {  	v1 =	vld.idx.msk [tilespmem:v0+s8+$0x220 ss:$0x1], $0xffff;
	_ =	sdelay $0x4  }
0x3a1: {  	[tilespmem:s8+$0xC620] =	vst.add.f32.msk $0xffff, v1  }
0x3a2: {  	v1 =	vld.idx.msk [tilespmem:v0+s8+$0x230 ss:$0x1], $0xffff;
	_ =	sdelay $0x4  }
0x3a3: {  	[tilespmem:s8+$0xC630] =	vst.add.f32.msk $0xffff, v1  }
0x3a4: {  	v1 =	vld.idx.msk [tilespmem:v0+s8+$0x240 ss:$0x1], $0xffff;
	_ =	sdelay $0x4  }
0x3a5: {  	[tilespmem:s8+$0xC640] =	vst.add.f32.msk $0xffff, v1  }
0x3a6: {  	v1 =	vld.idx.msk [tilespmem:v0+s8+$0x250 ss:$0x1], $0xffff;
	_ =	sdelay $0x4  }
0x3a7: {  	[tilespmem:s8+$0xC650] =	vst.add.f32.msk $0xffff, v1  }
0x3a8: {  	v1 =	vld.idx.msk [tilespmem:v0+s8+$0x260 ss:$0x1], $0xffff;
	_ =	sdelay $0x4  }
0x3a9: {  	[tilespmem:s8+$0xC660] =	vst.add.f32.msk $0xffff, v1  }
0x3aa: {  	v1 =	vld.idx.msk [tilespmem:v0+s8+$0x270 ss:$0x1], $0xffff;
	_ =	sdelay $0x4  }
0x3ab: {  	[tilespmem:s8+$0xC670] =	vst.add.f32.msk $0xffff, v1  }
0x3ac: {  	v1 =	vld.idx.msk [tilespmem:v0+s8+$0x280 ss:$0x1], $0xffff;
	_ =	sdelay $0x4  }
0x3ad: {  	[tilespmem:s8+$0xC680] =	vst.add.f32.msk $0xffff, v1  }
0x3ae: {  	v1 =	vld.idx.msk [tilespmem:v0+s8+$0x290 ss:$0x1], $0xffff;
	_ =	sdelay $0x4  }
0x3af: {  	[tilespmem:s8+$0xC690] =	vst.add.f32.msk $0xffff, v1  }
0x3b0: {  	v1 =	vld.idx.msk [tilespmem:v0+s8+$0x2A0 ss:$0x1], $0xffff;
	_ =	sdelay $0x4  }
0x3b1: {  	[tilespmem:s8+$0xC6A0] =	vst.add.f32.msk $0xffff, v1  }
0x3b2: {  	v1 =	vld.idx.msk [tilespmem:v0+s8+$0x2B0 ss:$0x1], $0xffff;
	_ =	sdelay $0x4  }
0x3b3: {  	[tilespmem:s8+$0xC6B0] =	vst.add.f32.msk $0xffff, v1  }
0x3b4: {  	v1 =	vld.idx.msk [tilespmem:v0+s8+$0x2C0 ss:$0x1], $0xffff;
	_ =	sdelay $0x4  }
0x3b5: {  	[tilespmem:s8+$0xC6C0] =	vst.add.f32.msk $0xffff, v1  }
0x3b6: {  	v1 =	vld.idx.msk [tilespmem:v0+s8+$0x2D0 ss:$0x1], $0xffff;
	_ =	sdelay $0x4  }
0x3b7: {  	[tilespmem:s8+$0xC6D0] =	vst.add.f32.msk $0xffff, v1  }
0x3b8: {  	v1 =	vld.idx.msk [tilespmem:v0+s8+$0x2E0 ss:$0x1], $0xffff;
	_ =	sdelay $0x4  }
0x3b9: {  	[tilespmem:s8+$0xC6E0] =	vst.add.f32.msk $0xffff, v1  }
0x3ba: {  	v1 =	vld.idx.msk [tilespmem:v0+s8+$0x2F0 ss:$0x1], $0xffff;
	_ =	sdelay $0x4  }
0x3bb: {  	[tilespmem:s8+$0xC6F0] =	vst.add.f32.msk $0xffff, v1  }
0x3bc: {  	v1 =	vld.idx.msk [tilespmem:v0+s8+$0x300 ss:$0x1], $0xffff;
	_ =	sdelay $0x4  }
0x3bd: {  	[tilespmem:s8+$0xC700] =	vst.add.f32.msk $0xffff, v1  }
0x3be: {  	v1 =	vld.idx.msk [tilespmem:v0+s8+$0x310 ss:$0x1], $0xffff;
	_ =	sdelay $0x4  }
0x3bf: {  	[tilespmem:s8+$0xC710] =	vst.add.f32.msk $0xffff, v1  }
0x3c0: {  	v1 =	vld.idx.msk [tilespmem:v0+s8+$0x320 ss:$0x1], $0xffff;
	_ =	sdelay $0x4  }
0x3c1: {  	[tilespmem:s8+$0xC720] =	vst.add.f32.msk $0xffff, v1  }
0x3c2: {  	v1 =	vld.idx.msk [tilespmem:v0+s8+$0x330 ss:$0x1], $0xffff;
	_ =	sdelay $0x4  }
0x3c3: {  	[tilespmem:s8+$0xC730] =	vst.add.f32.msk $0xffff, v1  }
0x3c4: {  	v1 =	vld.idx.msk [tilespmem:v0+s8+$0x340 ss:$0x1], $0xffff;
	_ =	sdelay $0x4  }
0x3c5: {  	[tilespmem:s8+$0xC740] =	vst.add.f32.msk $0xffff, v1  }
0x3c6: {  	v1 =	vld.idx.msk [tilespmem:v0+s8+$0x350 ss:$0x1], $0xffff;
	_ =	sdelay $0x4  }
0x3c7: {  	[tilespmem:s8+$0xC750] =	vst.add.f32.msk $0xffff, v1  }
0x3c8: {  	v1 =	vld.idx.msk [tilespmem:v0+s8+$0x360 ss:$0x1], $0xffff;
	_ =	sdelay $0x4  }
0x3c9: {  	[tilespmem:s8+$0xC760] =	vst.add.f32.msk $0xffff, v1  }
0x3ca: {  	v1 =	vld.idx.msk [tilespmem:v0+s8+$0x370 ss:$0x1], $0xffff;
	_ =	sdelay $0x4  }
0x3cb: {  	[tilespmem:s8+$0xC770] =	vst.add.f32.msk $0xffff, v1  }
0x3cc: {  	v1 =	vld.idx.msk [tilespmem:v0+s8+$0x380 ss:$0x1], $0xffff;
	_ =	sdelay $0x4  }
0x3cd: {  	[tilespmem:s8+$0xC780] =	vst.add.f32.msk $0xffff, v1  }
0x3ce: {  	v1 =	vld.idx.msk [tilespmem:v0+s8+$0x390 ss:$0x1], $0xffff;
	_ =	sdelay $0x4  }
0x3cf: {  	[tilespmem:s8+$0xC790] =	vst.add.f32.msk $0xffff, v1  }
0x3d0: {  	v1 =	vld.idx.msk [tilespmem:v0+s8+$0x3A0 ss:$0x1], $0xffff;
	_ =	sdelay $0x4  }
0x3d1: {  	[tilespmem:s8+$0xC7A0] =	vst.add.f32.msk $0xffff, v1  }
0x3d2: {  	v1 =	vld.idx.msk [tilespmem:v0+s8+$0x3B0 ss:$0x1], $0xffff;
	_ =	sdelay $0x4  }
0x3d3: {  	[tilespmem:s8+$0xC7B0] =	vst.add.f32.msk $0xffff, v1  }
0x3d4: {  	v1 =	vld.idx.msk [tilespmem:v0+s8+$0x3C0 ss:$0x1], $0xffff;
	_ =	sdelay $0x4  }
0x3d5: {  	[tilespmem:s8+$0xC7C0] =	vst.add.f32.msk $0xffff, v1  }
0x3d6: {  	v1 =	vld.idx.msk [tilespmem:v0+s8+$0x3D0 ss:$0x1], $0xffff;
	_ =	sdelay $0x4  }
0x3d7: {  	[tilespmem:s8+$0xC7D0] =	vst.add.f32.msk $0xffff, v1  }
0x3d8: {  	v1 =	vld.idx.msk [tilespmem:v0+s8+$0x3E0 ss:$0x1], $0xffff;
	_ =	sdelay $0x4  }
0x3d9: {  	[tilespmem:s8+$0xC7E0] =	vst.add.f32.msk $0xffff, v1  }
0x3da: {  	v1 =	vld.idx.msk [tilespmem:v0+s8+$0x3F0 ss:$0x1], $0xffff;
	_ =	sdelay $0x3  }
0x3db: {  	s12 =	simm.s32 $0x1000;
	s9 =	simm.s32 $0x0  }
.LBB2_9:
0x3dc: {  	s9 =	sadd.s32 $0x10, s9;
	[tilespmem:s8+$0xC7F0] =	vst.add.f32.msk $0xffff, v1;
	s8 =	sshra.s32 s12, $0x2  }
0x3dd: {  	v1 =	vld.idx.msk [tilespmem:v0+s8+$0x0 ss:$0x1], $0xffff;
	p1 =	slt.u32 s9, $0x70;
	_ =	sdelay $0x5  }
0x3de: {  	[tilespmem:s8+$0xC400] =	vst.add.f32.msk $0xffff, v1  }
0x3df: {  	v1 =	vld.idx.msk [tilespmem:v0+s8+$0x10 ss:$0x1], $0xffff;
	_ =	sdelay $0x5  }
0x3e0: {  	[tilespmem:s8+$0xC410] =	vst.add.f32.msk $0xffff, v1  }
0x3e1: {  	v1 =	vld.idx.msk [tilespmem:v0+s8+$0x20 ss:$0x1], $0xffff;
	_ =	sdelay $0x5  }
0x3e2: {  	[tilespmem:s8+$0xC420] =	vst.add.f32.msk $0xffff, v1  }
0x3e3: {  	v1 =	vld.idx.msk [tilespmem:v0+s8+$0x30 ss:$0x1], $0xffff;
	_ =	sdelay $0x5  }
0x3e4: {  	[tilespmem:s8+$0xC430] =	vst.add.f32.msk $0xffff, v1  }
0x3e5: {  	v1 =	vld.idx.msk [tilespmem:v0+s8+$0x40 ss:$0x1], $0xffff;
	_ =	sdelay $0x5  }
0x3e6: {  	[tilespmem:s8+$0xC440] =	vst.add.f32.msk $0xffff, v1  }
0x3e7: {  	v1 =	vld.idx.msk [tilespmem:v0+s8+$0x50 ss:$0x1], $0xffff;
	_ =	sdelay $0x5  }
0x3e8: {  	[tilespmem:s8+$0xC450] =	vst.add.f32.msk $0xffff, v1  }
0x3e9: {  	v1 =	vld.idx.msk [tilespmem:v0+s8+$0x60 ss:$0x1], $0xffff;
	_ =	sdelay $0x5  }
0x3ea: {  	[tilespmem:s8+$0xC460] =	vst.add.f32.msk $0xffff, v1  }
0x3eb: {  	v1 =	vld.idx.msk [tilespmem:v0+s8+$0x70 ss:$0x1], $0xffff;
	_ =	sdelay $0x5  }
0x3ec: {  	[tilespmem:s8+$0xC470] =	vst.add.f32.msk $0xffff, v1  }
0x3ed: {  	v1 =	vld.idx.msk [tilespmem:v0+s8+$0x80 ss:$0x1], $0xffff;
	_ =	sdelay $0x5  }
0x3ee: {  	[tilespmem:s8+$0xC480] =	vst.add.f32.msk $0xffff, v1  }
0x3ef: {  	v1 =	vld.idx.msk [tilespmem:v0+s8+$0x90 ss:$0x1], $0xffff;
	_ =	sdelay $0x5  }
0x3f0: {  	[tilespmem:s8+$0xC490] =	vst.add.f32.msk $0xffff, v1  }
0x3f1: {  	v1 =	vld.idx.msk [tilespmem:v0+s8+$0xA0 ss:$0x1], $0xffff;
	_ =	sdelay $0x5  }
0x3f2: {  	[tilespmem:s8+$0xC4A0] =	vst.add.f32.msk $0xffff, v1  }
0x3f3: {  	v1 =	vld.idx.msk [tilespmem:v0+s8+$0xB0 ss:$0x1], $0xffff;
	_ =	sdelay $0x5  }
0x3f4: {  	[tilespmem:s8+$0xC4B0] =	vst.add.f32.msk $0xffff, v1  }
0x3f5: {  	v1 =	vld.idx.msk [tilespmem:v0+s8+$0xC0 ss:$0x1], $0xffff;
	_ =	sdelay $0x5  }
0x3f6: {  	[tilespmem:s8+$0xC4C0] =	vst.add.f32.msk $0xffff, v1  }
0x3f7: {  	v1 =	vld.idx.msk [tilespmem:v0+s8+$0xD0 ss:$0x1], $0xffff;
	_ =	sdelay $0x5  }
0x3f8: {  	[tilespmem:s8+$0xC4D0] =	vst.add.f32.msk $0xffff, v1  }
0x3f9: {  	v1 =	vld.idx.msk [tilespmem:v0+s8+$0xE0 ss:$0x1], $0xffff;
	_ =	sdelay $0x5  }
0x3fa: {  	[tilespmem:s8+$0xC4E0] =	vst.add.f32.msk $0xffff, v1  }
0x3fb: {  	v1 =	vld.idx.msk [tilespmem:v0+s8+$0xF0 ss:$0x1], $0xffff;
	_ =	sdelay $0x5  }
0x3fc: {  	[tilespmem:s8+$0xC4F0] =	vst.add.f32.msk $0xffff, v1  }
0x3fd: {  	v1 =	vld.idx.msk [tilespmem:v0+s8+$0x100 ss:$0x1], $0xffff;
	_ =	sdelay $0x5  }
0x3fe: {  	[tilespmem:s8+$0xC500] =	vst.add.f32.msk $0xffff, v1  }
0x3ff: {  	v1 =	vld.idx.msk [tilespmem:v0+s8+$0x110 ss:$0x1], $0xffff;
	_ =	sdelay $0x5  }
0x400: {  	[tilespmem:s8+$0xC510] =	vst.add.f32.msk $0xffff, v1  }
0x401: {  	v1 =	vld.idx.msk [tilespmem:v0+s8+$0x120 ss:$0x1], $0xffff;
	_ =	sdelay $0x5  }
0x402: {  	[tilespmem:s8+$0xC520] =	vst.add.f32.msk $0xffff, v1  }
0x403: {  	v1 =	vld.idx.msk [tilespmem:v0+s8+$0x130 ss:$0x1], $0xffff;
	_ =	sdelay $0x5  }
0x404: {  	[tilespmem:s8+$0xC530] =	vst.add.f32.msk $0xffff, v1  }
0x405: {  	v1 =	vld.idx.msk [tilespmem:v0+s8+$0x140 ss:$0x1], $0xffff;
	_ =	sdelay $0x5  }
0x406: {  	[tilespmem:s8+$0xC540] =	vst.add.f32.msk $0xffff, v1  }
0x407: {  	v1 =	vld.idx.msk [tilespmem:v0+s8+$0x150 ss:$0x1], $0xffff;
	_ =	sdelay $0x5  }
0x408: {  	[tilespmem:s8+$0xC550] =	vst.add.f32.msk $0xffff, v1  }
0x409: {  	v1 =	vld.idx.msk [tilespmem:v0+s8+$0x160 ss:$0x1], $0xffff;
	_ =	sdelay $0x5  }
0x40a: {  	[tilespmem:s8+$0xC560] =	vst.add.f32.msk $0xffff, v1  }
0x40b: {  	v1 =	vld.idx.msk [tilespmem:v0+s8+$0x170 ss:$0x1], $0xffff;
	_ =	sdelay $0x5  }
0x40c: {  	[tilespmem:s8+$0xC570] =	vst.add.f32.msk $0xffff, v1  }
0x40d: {  	v1 =	vld.idx.msk [tilespmem:v0+s8+$0x180 ss:$0x1], $0xffff;
	_ =	sdelay $0x5  }
0x40e: {  	[tilespmem:s8+$0xC580] =	vst.add.f32.msk $0xffff, v1  }
0x40f: {  	v1 =	vld.idx.msk [tilespmem:v0+s8+$0x190 ss:$0x1], $0xffff;
	_ =	sdelay $0x5  }
0x410: {  	[tilespmem:s8+$0xC590] =	vst.add.f32.msk $0xffff, v1  }
0x411: {  	v1 =	vld.idx.msk [tilespmem:v0+s8+$0x1A0 ss:$0x1], $0xffff;
	_ =	sdelay $0x5  }
0x412: {  	[tilespmem:s8+$0xC5A0] =	vst.add.f32.msk $0xffff, v1  }
0x413: {  	v1 =	vld.idx.msk [tilespmem:v0+s8+$0x1B0 ss:$0x1], $0xffff;
	_ =	sdelay $0x5  }
0x414: {  	[tilespmem:s8+$0xC5B0] =	vst.add.f32.msk $0xffff, v1  }
0x415: {  	v1 =	vld.idx.msk [tilespmem:v0+s8+$0x1C0 ss:$0x1], $0xffff;
	_ =	sdelay $0x5  }
0x416: {  	[tilespmem:s8+$0xC5C0] =	vst.add.f32.msk $0xffff, v1  }
0x417: {  	v1 =	vld.idx.msk [tilespmem:v0+s8+$0x1D0 ss:$0x1], $0xffff;
	_ =	sdelay $0x5  }
0x418: {  	[tilespmem:s8+$0xC5D0] =	vst.add.f32.msk $0xffff, v1  }
0x419: {  	v1 =	vld.idx.msk [tilespmem:v0+s8+$0x1E0 ss:$0x1], $0xffff;
	_ =	sdelay $0x5  }
0x41a: {  	[tilespmem:s8+$0xC5E0] =	vst.add.f32.msk $0xffff, v1  }
0x41b: {  	v1 =	vld.idx.msk [tilespmem:v0+s8+$0x1F0 ss:$0x1], $0xffff;
	_ =	sdelay $0x5  }
0x41c: {  	[tilespmem:s8+$0xC5F0] =	vst.add.f32.msk $0xffff, v1  }
0x41d: {  	v1 =	vld.idx.msk [tilespmem:v0+s8+$0x200 ss:$0x1], $0xffff;
	_ =	sdelay $0x5  }
0x41e: {  	[tilespmem:s8+$0xC600] =	vst.add.f32.msk $0xffff, v1  }
0x41f: {  	v1 =	vld.idx.msk [tilespmem:v0+s8+$0x210 ss:$0x1], $0xffff;
	_ =	sdelay $0x5  }
0x420: {  	[tilespmem:s8+$0xC610] =	vst.add.f32.msk $0xffff, v1  }
0x421: {  	v1 =	vld.idx.msk [tilespmem:v0+s8+$0x220 ss:$0x1], $0xffff;
	_ =	sdelay $0x5  }
0x422: {  	[tilespmem:s8+$0xC620] =	vst.add.f32.msk $0xffff, v1  }
0x423: {  	v1 =	vld.idx.msk [tilespmem:v0+s8+$0x230 ss:$0x1], $0xffff;
	_ =	sdelay $0x5  }
0x424: {  	[tilespmem:s8+$0xC630] =	vst.add.f32.msk $0xffff, v1  }
0x425: {  	v1 =	vld.idx.msk [tilespmem:v0+s8+$0x240 ss:$0x1], $0xffff;
	_ =	sdelay $0x5  }
0x426: {  	[tilespmem:s8+$0xC640] =	vst.add.f32.msk $0xffff, v1  }
0x427: {  	v1 =	vld.idx.msk [tilespmem:v0+s8+$0x250 ss:$0x1], $0xffff;
	_ =	sdelay $0x5  }
0x428: {  	[tilespmem:s8+$0xC650] =	vst.add.f32.msk $0xffff, v1  }
0x429: {  	v1 =	vld.idx.msk [tilespmem:v0+s8+$0x260 ss:$0x1], $0xffff;
	_ =	sdelay $0x5  }
0x42a: {  	[tilespmem:s8+$0xC660] =	vst.add.f32.msk $0xffff, v1  }
0x42b: {  	v1 =	vld.idx.msk [tilespmem:v0+s8+$0x270 ss:$0x1], $0xffff;
	_ =	sdelay $0x5  }
0x42c: {  	[tilespmem:s8+$0xC670] =	vst.add.f32.msk $0xffff, v1  }
0x42d: {  	v1 =	vld.idx.msk [tilespmem:v0+s8+$0x280 ss:$0x1], $0xffff;
	_ =	sdelay $0x5  }
0x42e: {  	[tilespmem:s8+$0xC680] =	vst.add.f32.msk $0xffff, v1  }
0x42f: {  	v1 =	vld.idx.msk [tilespmem:v0+s8+$0x290 ss:$0x1], $0xffff;
	_ =	sdelay $0x5  }
0x430: {  	[tilespmem:s8+$0xC690] =	vst.add.f32.msk $0xffff, v1  }
0x431: {  	v1 =	vld.idx.msk [tilespmem:v0+s8+$0x2A0 ss:$0x1], $0xffff;
	_ =	sdelay $0x5  }
0x432: {  	[tilespmem:s8+$0xC6A0] =	vst.add.f32.msk $0xffff, v1  }
0x433: {  	v1 =	vld.idx.msk [tilespmem:v0+s8+$0x2B0 ss:$0x1], $0xffff;
	_ =	sdelay $0x5  }
0x434: {  	[tilespmem:s8+$0xC6B0] =	vst.add.f32.msk $0xffff, v1  }
0x435: {  	v1 =	vld.idx.msk [tilespmem:v0+s8+$0x2C0 ss:$0x1], $0xffff;
	_ =	sdelay $0x5  }
0x436: {  	[tilespmem:s8+$0xC6C0] =	vst.add.f32.msk $0xffff, v1  }
0x437: {  	v1 =	vld.idx.msk [tilespmem:v0+s8+$0x2D0 ss:$0x1], $0xffff;
	_ =	sdelay $0x5  }
0x438: {  	[tilespmem:s8+$0xC6D0] =	vst.add.f32.msk $0xffff, v1  }
0x439: {  	v1 =	vld.idx.msk [tilespmem:v0+s8+$0x2E0 ss:$0x1], $0xffff;
	_ =	sdelay $0x5  }
0x43a: {  	[tilespmem:s8+$0xC6E0] =	vst.add.f32.msk $0xffff, v1  }
0x43b: {  	v1 =	vld.idx.msk [tilespmem:v0+s8+$0x2F0 ss:$0x1], $0xffff;
	_ =	sdelay $0x5  }
0x43c: {  	[tilespmem:s8+$0xC6F0] =	vst.add.f32.msk $0xffff, v1  }
0x43d: {  	v1 =	vld.idx.msk [tilespmem:v0+s8+$0x300 ss:$0x1], $0xffff;
	_ =	sdelay $0x5  }
0x43e: {  	[tilespmem:s8+$0xC700] =	vst.add.f32.msk $0xffff, v1  }
0x43f: {  	v1 =	vld.idx.msk [tilespmem:v0+s8+$0x310 ss:$0x1], $0xffff;
	_ =	sdelay $0x5  }
0x440: {  	[tilespmem:s8+$0xC710] =	vst.add.f32.msk $0xffff, v1  }
0x441: {  	v1 =	vld.idx.msk [tilespmem:v0+s8+$0x320 ss:$0x1], $0xffff;
	_ =	sdelay $0x5  }
0x442: {  	[tilespmem:s8+$0xC720] =	vst.add.f32.msk $0xffff, v1  }
0x443: {  	v1 =	vld.idx.msk [tilespmem:v0+s8+$0x330 ss:$0x1], $0xffff;
	_ =	sdelay $0x5  }
0x444: {  	[tilespmem:s8+$0xC730] =	vst.add.f32.msk $0xffff, v1  }
0x445: {  	v1 =	vld.idx.msk [tilespmem:v0+s8+$0x340 ss:$0x1], $0xffff;
	_ =	sdelay $0x5  }
0x446: {  	[tilespmem:s8+$0xC740] =	vst.add.f32.msk $0xffff, v1  }
0x447: {  	v1 =	vld.idx.msk [tilespmem:v0+s8+$0x350 ss:$0x1], $0xffff;
	_ =	sdelay $0x5  }
0x448: {  	[tilespmem:s8+$0xC750] =	vst.add.f32.msk $0xffff, v1  }
0x449: {  	v1 =	vld.idx.msk [tilespmem:v0+s8+$0x360 ss:$0x1], $0xffff;
	_ =	sdelay $0x5  }
0x44a: {  	[tilespmem:s8+$0xC760] =	vst.add.f32.msk $0xffff, v1  }
0x44b: {  	v1 =	vld.idx.msk [tilespmem:v0+s8+$0x370 ss:$0x1], $0xffff;
	_ =	sdelay $0x5  }
0x44c: {  	[tilespmem:s8+$0xC770] =	vst.add.f32.msk $0xffff, v1  }
0x44d: {  	v1 =	vld.idx.msk [tilespmem:v0+s8+$0x380 ss:$0x1], $0xffff;
	_ =	sdelay $0x5  }
0x44e: {  	[tilespmem:s8+$0xC780] =	vst.add.f32.msk $0xffff, v1  }
0x44f: {  	v1 =	vld.idx.msk [tilespmem:v0+s8+$0x390 ss:$0x1], $0xffff;
	_ =	sdelay $0x5  }
0x450: {  	[tilespmem:s8+$0xC790] =	vst.add.f32.msk $0xffff, v1  }
0x451: {  	v1 =	vld.idx.msk [tilespmem:v0+s8+$0x3A0 ss:$0x1], $0xffff;
	_ =	sdelay $0x5  }
0x452: {  	[tilespmem:s8+$0xC7A0] =	vst.add.f32.msk $0xffff, v1  }
0x453: {  	v1 =	vld.idx.msk [tilespmem:v0+s8+$0x3B0 ss:$0x1], $0xffff;
	_ =	sdelay $0x5  }
0x454: {  	[tilespmem:s8+$0xC7B0] =	vst.add.f32.msk $0xffff, v1  }
0x455: {  	v1 =	vld.idx.msk [tilespmem:v0+s8+$0x3C0 ss:$0x1], $0xffff;
	_ =	sdelay $0x5  }
0x456: {  	[tilespmem:s8+$0xC7C0] =	vst.add.f32.msk $0xffff, v1  }
0x457: {  	v1 =	vld.idx.msk [tilespmem:v0+s8+$0x3D0 ss:$0x1], $0xffff;
	_ =	sdelay $0x5  }
0x458: {  	[tilespmem:s8+$0xC7D0] =	vst.add.f32.msk $0xffff, v1  }
0x459: {  	v1 =	vld.idx.msk [tilespmem:v0+s8+$0x3E0 ss:$0x1], $0xffff;
	_ =	sdelay $0x5  }
0x45a: {  	[tilespmem:s8+$0xC7E0] =	vst.add.f32.msk $0xffff, v1  }
0x45b: {  	v1 =	vld.idx.msk [tilespmem:v0+s8+$0x3F0 ss:$0x1], $0xffff  }
.Ltmp3:
0x45c: {  	(pc) =	sbr.rel @p1 .LBB2_9-.Ltmp3, $2  }
0x45d: {  	_ =	sdelay $0x2  }
0x45e: {  	s12 =	sadd.s32 $0x1000, s12  }
0x45f: {  	[tilespmem:s8+$0xC7F0] =	vst.add.f32.msk $0xffff, v1  }
0x460: {  	_ =	swait.ge [sflag:s23], $0x2000  }
0x461: {  	s6 =	sadd.s32 @!p0 $0x300, s6;
	s8 =	simm.s32 @!p0 $0x80;
	[sflag:s23] =	ssyncset.done $0x0  }
0x462: {  	s9 =	simm.s32 @!p0 $0xA400;
	s11 =	sadd.s32 $0x1, s11;
	[sflag:s23] =	ssyncadd.s32 $0xFFFFE000  }
0x463: {  	[tilespmem:s9], [sflag:$0x3] =	stream.indirect.gather @!p0 [hbm4b:s5+s8], $0x40, s6, s8, $0xb8;
	[tilespmem:$0x14800] =	vst v63  }
0x464: {  	s25 =	sadd.s32 s4, s7;
	p0 =	sne.s32 s11, $0x32  }
.Ltmp4:
0x465: {  	s28 =	sadd.s32 $0x8000, s28;
	s10 =	sadd.s32 $0x200, s10;
	(pc) =	sbr.rel @p0 .LBB2_2-.Ltmp4, $4  }
0x466: {  	s29 =	sadd.s32 $0x8000, s29;
	s0 =	sadd.s32 $0x200, s0;
	s6 =	sshll.u32 s25, $0x3  }
0x467: {  	s30 =	sadd.s32 $0x8000, s30;
	s26 =	sadd.s32 $0x200, s26;
	s6 =	sand.u32 $0x1FFFFC00, s6  }
0x468: {  	s31 =	sadd.s32 $0x8000, s31;
	s1 =	sadd.s32 $0x200, s1;
	s6 =	sadd.s32 s2, s6  }
0x469: {  	[hbm4b:s6+s3] =	stream.linear.scatter [tilespmem:s17], [sflag:$0x8], $0x2000, $0x38;
	[tilespmem:$0x14800] =	vst v63  }
0x46a: {  	s1 =	simm.s32 $0x8  }
0x46b: {  	_ =	swait.ge [sflag:s1], $0x2000  }
0x46c: {  	s6 =	rddreg [dreg:$0x6]  }
0x46d: {  	s0 =	rddreg [dreg:$0x5];
	s6 =	sadd.s32 $0x1, s6  }
0x46e: {  	p0 =	sne.s32 s6, s0  }
.Ltmp5:
0x46f: {  	_ = 	snop;
	(pc) =	sbr.rel @p0 .LBB2_1-.Ltmp5, $3  }
0x470: {  	_ =	sdelay $0x1  }
0x471: {  	[sflag:s1] =	ssyncset.done $0x0  }
0x472: {  	[sflag:s1] =	ssyncadd.s32 $0xFFFFE000  }
0x473: {  	_ =	sfence.sel $0x180000  }
0x474: {  	[bflag:$0x0] =	sbarrier.arrive $0xFFFF  }
0x475: {  	_ =	strace $0x90000047  }
0x476: {  	s0 =	stileid.u32;
	[bflag:$0x2] =	sbarrier.arrive $0xFFFF  }
0x477: {  	p0 =	sne.s32 s0, $0x0;
	s0 =	rddreg [dreg:$0x2]  }
0x478: {  	s0 =	sadd.s32 @!p0 $0x100000, s0  }
0x479: {  	[sflag:s0] =	ssyncadd.tile.s32 @!p0 $0x1;
	_ =	shalt  }
.Lfunc_end2:
_tile_overlayer_lowered:
.L_overlay_start_2:
0x47a: {  	(tag) =	ssettag $0x2  }
0x47b: {  	s0 =	rddreg [dreg:$0x0];
	s2 =	stileid.u32  }
0x47c: {  	s1 =	rddreg [dreg:$0x1];
	p0 =	sne.s32 s2, $0x0  }
0x47d: {  	s3 =	rddreg [dreg:$0x2];
	[bflag:$0x3] =	sbarrier.arrive $0xFFFF;
	s2 =	simm.s32 @!p0 $0x1C09  }
0x47e: {  	[timem:s3], [sflag:s2] =	dma.local @!p0 [hbm:s0], s1  }
0x47f: {  	s0 =	simm.s32 @!p0 $0x9  }
0x480: {  	_ =	swait.ge @!p0 [sflag:s0], s1  }
0x481: {  	s1 =	ssub.s32 @!p0 $0x0, s1;
	[sflag:s0] =	ssyncset.done @!p0 $0x0  }
0x482: {  	[sflag:s0] =	ssyncadd.s32 @!p0 s1  }
0x483: {  	[bflag:$0x3] =	sbarrier.arrive $0xFFFF  }
0x484: {  	_ =	shalt  }

// kernel: sparse-core-data-format-call.cloned.1.call-start
scs
called_computation_lowered:
.L_overlay_start_0:
0x0: {  	s2 =	sld [smem:$0x3FD9]  }
0x1: {  	s3 =	sld [smem:$0x3FFE];
	_ =	sdelay $0x1  }
0x2: {  	s1 =	srdreg.scid  }
0x3: {  	s0 =	sand.u32 $0x1, s1  }
0x4: {  	s18 =	sshll.u32 s0, $0xA;
	s2 =	sadd.s32 s3, s2  }
0x5: {  	s2 =	sadd.s32 s2, s18  }
0x6: {  	[smem:$0x3FC5] =	sst s2  }
0x7: {  	_ = 	snop  }
0x8: {  	s2 =	sld [smem:$0x3FD0];
	(tm) =	ssettm $0x1  }
0x9: {  	s19 =	sld [smem:$0x3FFB];
	_ =	sdelay $0x3  }
0xa: {  	_ =	strace s19  }
0xb: {  	s3 =	sld [smem:$0x3FFC];
	_ =	sdelay $0x3  }
0xc: {  	_ =	strace s3  }
0xd: {  	s3 =	sld [smem:$0x3FFD];
	_ =	sdelay $0x3  }
0xe: {  	_ =	strace s3  }
0xf: {  	_ =	strace $0x8FFFFFFF  }
0x10: {  	s20 =	sld [smem:$0x3FDB];
	_ =	sdelay $0x1  }
0x11: {  	s4 =	simm.s32 $_scs_section_size  }
0x12: {  	s5 =	simm.s32 $_size__tile_overlayer_lowered;
	s6 =	simm.s32 $_tile_overlayer_lowered  }
0x13: {  	s23 =	simm.s32 $0x1BFF;
	s22 =	sshll.u32 s6, $0x1;
	s3 =	sadd.s32 s4, s20  }
0x14: {  	s7 =	simm.s32 $0x0;
	s21 =	sshll.u32 s5, $0x1;
	s5 =	sadd.s32 s22, s3  }
0x15: {  	[timem:s7], [sflag:s23] =	dma.local [hbm:s5], s21  }
0x16: {  	_ =	swait.ge [sflag:s23], s21  }
0x17: {  	s4 =	ssub.s32 $0x0, s21;
	[sflag:s23] =	ssyncset.done $0x0  }
0x18: {  	[sflag:s23] =	ssyncadd.s32 s4;
	_ =	sdelay $0x1  }
0x19: {  	s24 =	simm.s32 $0x1B8B  }
0x1a: {  	_ =	swait.ge [sflag:s24], $0x1  }
0x1b: {  	[sflag:s24] =	ssyncset.done $0x0  }
0x1c: {  	s26 =	simm.s32 $0x1B8E;
	s25 =	sld [smem:$0x3FFE];
	[sflag:s24] =	ssyncadd.s32 $0xFFFFFFFF  }
0x1d: {  	s27 =	simm.s32 $execute0_lowered;
	[smem:$0x3FD2] =	sst s26  }
0x1e: {  	s5 =	sshll.u32 s27, $0x1;
	_ =	strace $0x80000049;
	[dreg:$0x1] =	wrdreg $0xFFFFFFFF  }
0x1f: {  	s28 =	simm.s32 $_size_execute0_lowered;
	s3 =	sadd.s32 s3, s5;
	[dreg:$0x0] =	wrdreg $0x0  }
0x20: {  	s5 =	sshll.u32 s28, $0x1;
	[dreg:$0x2] =	wrdreg s3  }
0x21: {  	[dreg:$0x3] =	wrdreg s5  }
0x22: {  	[dreg:$0x4] =	wrdreg $0xC0  }
0x23: {  	_ =	task [dreg:s7], $0x5FFFF  }
0x24: {  	[dreg:$0x1] =	wrdreg $0xFFFFFFFF  }
0x25: {  	[dreg:$0x0] =	wrdreg $0x60  }
0x26: {  	[dreg:$0x2] =	wrdreg s25  }
0x27: {  	[dreg:$0x3] =	wrdreg s2  }
0x28: {  	[dreg:$0x4] =	wrdreg $0x9  }
0x29: {  	_ =	task.clear_ibuf [dreg:s7], $0x5FFFF;
	_ =	strace $0x90000049  }
0x2a: {  	s29 =	simm.s32 $0x9;
	_ =	strace $0x8000004B  }
0x2b: {  	_ =	swait.ge [sflag:s29], $0x1  }
0x2c: {  	[sflag:s29] =	ssyncadd.s32 $0xFFFFFFFF  }
0x2d: {  	_ =	strace $0x9000004B  }
0x2e: {  	_ =	sfence  }
0x2f: {  	s30 =	sld [smem:$0x0];
	_ =	sdelay $0x2  }
0x30: {  	s31 =	sshll.u32 s1, $0xD;
	s1 =	sshrl.u32 s1, $0x2  }
0x31: {  	s3 =	sand.u32 $0x4000, s31;
	s1 =	sadd.s32 s1, s30  }
0x32: {  	s0 =	sor.u32 s3, s0;
	s1 =	sshll.u32 s1, $0x11  }
0x33: {  	s0 =	sor.u32 s1, s0  }
0x34: {  	s0 =	sadd.s32 $0x8F2B, s0  }
0x35: {  	[sflag:s0] =	ssyncadd.remote.s32 $0x1  }
0x36: {  	_ =	sfence.sel $0xFFFF  }
0x37: {  	[dreg:$0x0] =	wrdreg $0xFFFFFFFF;
	(pc) =	sbr.abs _section_cstart, $3  }
0x38: {  	[dreg:$0x1] =	wrdreg $0xFFFFFFFF  }
0x39: {  	_ =	task.clear_ibuf [dreg:s7], $0x2FFFF;
	_ =	strace $0x9FFFFFFF  }
0x3a: {  	(tm) =	ssettm $0x7FFFFFFF  }
0x3b: {  	_ =	shalt  }
tec
execute0_lowered:
.L_overlay_start_1:
0x0: {  	(tag) =	ssettag $0x1  }
0x1: {  	s0 =	srdreg.scid  }
0x2: {  	s1 =	sshll.u32 s0, $0x4  }
0x3: {  	s0 =	stileid.u32;
	s1 =	sand.u32 $0x10, s1  }
0x4: {  	s1 =	sor.u32 s0, s1  }
0x5: {  	s6 =	rddreg [dreg:$0x0];
	s4 =	simm.s32 $0x1;
	s2 =	sshll.u32 s1, $0x7  }
0x6: {  	s7 =	simm.s32 $0x2;
	s12 =	simm.s32 $0x0;
	s1 =	ssub.s32 $0x1000, s2  }
0x7: {  	s8 =	simm.s32 $0x8000;
	s13 =	simm.s32 $0x0;
	s3 =	sand.u32 $0xF80, s1  }
0x8: {  	s9 =	simm.s32 $0x0;
	s5 =	sshrl.u32 s1, $0xC;
	p0 =	sne.s32 s3, $0x0  }
.Ltmp0:
0x9: {  	s1 =	rddreg [dreg:$0x2];
	s4 =	simm.s32 @!p0 $0x0;
	(pc) =	sbr.rel .LBB1_1-.Ltmp0, $4  }
0xa: {  	s11 =	simm.s32 $0x0;
	s3 =	rddreg [dreg:$0x1];
	s5 =	sadd.s32 s4, s5  }
0xb: {  	_ =	strace $0x8000004A;
	s4 =	simm.s32 $0x1;
	s5 =	smul.u32 $0xC8, s5  }
0xc: {  	s6 =	sadd.s32 $0xC00, s6;
	s10 =	smov.u32 s2;
	[sflag:s4] =	ssyncpa.u1 $0x0  }
0xd: {  	p0 =	por $0x0, $0x0;
	[sflag:s7] =	ssyncpa.u1 $0x0;
	s7 =	sor.u32 $0x1, s5  }
.LBB1_4:
0xe: {  	s16 =	sshll.u32 s13, $0x3;
	s17 =	sand.u32 $0x78, s13  }
0xf: {  	s30 =	sand.u32 $0x7E00, s13;
	s12 =	sshll.u32 s12, $0xF;
	s16 =	sand.u32 $0xC00, s16  }
0x10: {  	[tilespmem:s15+$0x810 ss:$0x81] =	vst.msk $0xffff, v2;
	s31 =	sand.u32 $0x7, s13;
	s16 =	sor.u32 s17, s16;
	s17 =	sadd.s32 s3, s30  }
0x11: {  	[tilespmem:s15+$0x1020 ss:$0x81] =	vst.msk $0xffff, v0;
	s13 =	sshll.u32 s31, $0x12;
	s12 =	sadd.s32 s12, s17;
	s16 =	sshrl.u32 s16, $0x3  }
0x12: {  	[tilespmem:s15+$0x0 ss:$0x81] =	vst.msk $0xffff, v1;
	s13 =	sor.u32 $0x400, s13;
	s12 =	sadd.s32 s16, s12  }
0x13: {  	[hbm4b:s12+s13] =	stream.strided.scatter [tilespmem:s14], [sflag:$0x2], $0x2000, s8, s13, $0x20;
	[tilespmem:$0x8080] =	vst v63  }
.LBB1_5:
0x14: {  	s14 =	sadd.s32 $0x1, s9  }
0x15: {  	s12 =	sadd.s32 $0x1000, s10;
	s16 =	smov.u32 s10;
	p2 =	sgt.s32 s14, $0xC7  }
0x16: {  	s16 =	smov.u32 @p2 s12  }
0x17: {  	s14 =	simm.s32 @p2 $0x0;
	p2 =	sgt.s32 s16, $0xFFF  }
0x18: {  	s16 =	smov.u32 @p2 s2;
	p2 =	sne.s32 s11, s7  }
.Ltmp1:
0x19: {  	p1 =	slt.u32 s11, $0x2;
	(pc) =	sbr.rel @!p2 .LBB1_6-.Ltmp1, $4  }
0x1a: {  	s15 =	simm.s32 @!p1 $0x2  }
0x1b: {  	s13 =	smov.u32 s10;
	p0 =	por !p0, !p0;
	_ =	swait.ge @!p1 [sflag:s15], $0x2000  }
0x1c: {  	s12 =	smov.u32 s9;
	[sflag:s15] =	ssyncset.done @!p1 $0x0;
	s9 =	smov.u32 s14  }
0x1d: {  	s11 =	sadd.s32 $0x1, s11;
	[sflag:s15] =	ssyncadd.s32 @!p1 $0xFFFFE000;
	s10 =	smov.u32 s16  }
.LBB1_1:
0x1e: {  	p1 =	sge.u32 s11, s5  }
0x1f: {  	s14 =	sand.u32 @!p1 $0x1FFFFFF, s9  }
0x20: {  	s15 =	smulhi.u32 @!p1 $0x147AE15, s14;
	_ =	sdelay $0x1  }
0x21: {  	s15 =	smul.u32 @!p1 $0xC8, s15  }
0x22: {  	s16 =	sxor.u32 @!p1 $0xFFFFFFFF, s11;
	s17 =	smul.u32 @!p1 $0xC80, s10  }
0x23: {  	s31 =	sadd.s32 $0xFFFFFFFF, s11;
	s16 =	sshll.u32 @!p1 s16, $0xD;
	s14 =	ssub.s32 @!p1 s14, s15  }
0x24: {  	s15 =	sand.u32 @!p1 $0x2000, s16;
	s16 =	sadd.s32 @!p1 s6, s17;
	s14 =	sshll.u32 @!p1 s14, $0x4  }
0x25: {  	s17 =	simm.s32 @!p1 $0x6400;
	s14 =	sadd.s32 @!p1 s14, s16;
	s16 =	simm.s32 @!p1 $0x40  }
0x26: {  	[tilespmem:s15], [sflag:$0x1] =	stream.strided.gather @!p1 [hbm4b:s14+s16], $0x2000, s17, s16, $0x38;
	[tilespmem:$0x8080] =	vst v63  }
0x27: {  	p1 =	sge.u32 s31, s5  }
.Ltmp2:
0x28: {  	_ = 	snop;
	(pc) =	sbr.rel @p1 .LBB1_5-.Ltmp2, $1  }
0x29: {  	_ =	sdelay $0x3  }
0x2a: {  	s14 =	simm.s32 $0x1  }
0x2b: {  	_ =	swait.ge [sflag:s4], $0x2000;
	s14 =	simm.s32 @!p0 $0x0  }
0x2c: {  	[sflag:s4] =	ssyncset.done $0x0;
	s15 =	sshll.u32 s14, $0xD  }
0x2d: {  	[sflag:s4] =	ssyncadd.s32 $0xFFFFE000;
	s18 =	sor.u32 $0x20, s15  }
0x2e: {  	s14 =	smul.u32 $0x8100, s14;
	v3 =	vld [tilespmem:s18+$0x10]  }
0x2f: {  	s30 =	sand.u32 $0x1, s11;
	v2 =	vld [tilespmem:s18+$0xFFFFFFF0]  }
0x30: {  	s15 =	smul.u32 $0x8100, s30;
	s14 =	sshrl.u32 s14, $0x2;
	v0 =	vld [tilespmem:s18+$0x0]  }
0x31: {  	v1 =	vld [tilespmem:s18+$0xFFFFFFE0];
	s16 =	sor.u32 $0x4000, s14  }
0x32: {  	s31 =	sshrl.u32 s15, $0x2;
	s15 =	sadd.s32 $0x0, s16  }
0x33: {  	s17 =	simm.s32 $0x4;
	s18 =	sadd.s32 $0x40, s18;
	s14 =	sor.u32 $0x4000, s31;
	[tilespmem:s15+$0x1830 ss:$0x81] =	vst.msk $0xffff, v3  }
.LBB1_3:
0x34: {  	v3 =	vld [tilespmem:s18+$0x10];
	p1 =	sne.s32 s17, $0x1FC;
	[tilespmem:s15+$0x810 ss:$0x81] =	vst.msk $0xffff, v2;
	s19 =	smov.u32 s17;
	s17 =	sadd.s32 $0x4, s17  }
.Ltmp3:
0x35: {  	v2 =	vld [tilespmem:s18+$0xFFFFFFF0];
	[tilespmem:s15+$0x1020 ss:$0x81] =	vst.msk $0xffff, v0;
	(pc) =	sbr.rel @p1 .LBB1_3-.Ltmp3, $4  }
0x36: {  	v0 =	vld [tilespmem:s18+$0x0];
	[tilespmem:s15+$0x0 ss:$0x81] =	vst.msk $0xffff, v1  }
0x37: {  	s15 =	sshra.s32 s19, $0x2;
	v1 =	vld [tilespmem:s18+$0xFFFFFFE0]  }
0x38: {  	s15 =	sadd.s32 s15, s16  }
0x39: {  	s18 =	sadd.s32 $0x40, s18;
	[tilespmem:s15+$0x1830 ss:$0x81] =	vst.msk $0xffff, v3  }
.Ltmp4:
0x3a: {  	_ = 	snop;
	(pc) =	sbr.rel .LBB1_4-.Ltmp4, $1  }
0x3b: {  	_ =	sdelay $0x3  }
.LBB1_6:
0x3c: {  	_ =	sfence.sel $0x180000  }
0x3d: {  	s2 =	simm.s32 $0x1;
	[bflag:$0x0] =	sbarrier.arrive $0xFFFF  }
0x3e: {  	s31 =	simm.s32 $0x2;
	[sflag:s2] =	ssyncpa.u1 $0x1  }
0x3f: {  	[sflag:s31] =	ssyncpa.u1 $0x1  }
0x40: {  	p0 =	sne.s32 s0, $0x0;
	_ =	strace $0x9000004A  }
0x41: {  	s0 =	sadd.s32 @!p0 $0x100000, s1;
	[bflag:$0x2] =	sbarrier.arrive $0xFFFF  }
0x42: {  	[sflag:s0] =	ssyncadd.tile.s32 @!p0 $0x1;
	_ =	shalt  }
.Lfunc_end1:
_tile_overlayer_lowered:
.L_overlay_start_2:
0x43: {  	(tag) =	ssettag $0x2  }
0x44: {  	s0 =	rddreg [dreg:$0x0];
	s2 =	stileid.u32  }
0x45: {  	s1 =	rddreg [dreg:$0x1];
	p0 =	sne.s32 s2, $0x0  }
0x46: {  	s3 =	rddreg [dreg:$0x2];
	[bflag:$0x3] =	sbarrier.arrive $0xFFFF;
	s2 =	simm.s32 @!p0 $0x1C01  }
0x47: {  	[timem:s3], [sflag:s2] =	dma.local @!p0 [hbm:s0], s1  }
0x48: {  	s0 =	simm.s32 @!p0 $0x1  }
0x49: {  	_ =	swait.ge @!p0 [sflag:s0], s1  }
0x4a: {  	s1 =	ssub.s32 @!p0 $0x0, s1;
	[sflag:s0] =	ssyncset.done @!p0 $0x0  }
0x4b: {  	[sflag:s0] =	ssyncadd.s32 @!p0 s1  }
0x4c: {  	[bflag:$0x3] =	sbarrier.arrive $0xFFFF  }
0x4d: {  	_ =	shalt  }

</sc_bundles>
